<compile_context>
chip_gen: v7x
topology: tpu7x:2x2x1
jax: 0.10.2.dev20260603
libtpu: 0.0.44.dev20260713+nightly
codegen_flags: <defaults>
</compile_context>

<pallas_src>
import jax
import jax.numpy as jnp
from jax import lax
from jax.experimental import pallas as pl
from jax.experimental.pallas import tpu as pltpu
from jax.experimental.pallas import tpu_sc as plsc

UNITS = 128
BLK = 128
SCK = 256
NW = 32


def _sc_body(table_hbm, idx_hbm, out_hbm, table_sp,
             src0, src1, src2, cidx, offbuf, pbuf, powbuf, biglist,
             idxb0, idxb1, si0, si1, ss0, ss1, ss2):
    srcs = (src0, src1, src2)
    ssem = (ss0, ss1, ss2)

    info = plsc.get_sparse_core_info()
    nc, ns = info.num_cores, info.num_subcores
    nw = nc * ns
    cid = lax.axis_index("c")
    sid = lax.axis_index("s")
    wid = sid * nc + cid

    @pl.when(sid == 0)
    def _():
        pltpu.sync_copy(table_hbm, table_sp)

    plsc.subcore_barrier()

    n_rows = out_hbm.shape[0]
    rows_per_w = n_rows // nw
    n_sck = rows_per_w // SCK
    n_pairs = n_sck // 2
    nl = rows_per_w // BLK
    base = wid * rows_per_w

    iota = lax.iota(jnp.int32, 16)
    shift_src = [jnp.maximum(iota - k, 0) for k in (1, 2, 4, 8)]
    shift_msk = [iota >= k for k in (1, 2, 4, 8)]
    lane15 = jnp.full((16,), 15, jnp.int32)
    zvec = jnp.zeros((16,), jnp.int32)
    ones = jnp.full((16,), 1, jnp.int32)
    f31 = jnp.full((16,), 31, jnp.int32)
    iota5 = jnp.minimum(iota * 5, f31 - 1)

    def prefix_incl(x):
        for st, (s, mk) in enumerate(zip(shift_src, shift_msk)):
            sub = pbuf.at[pl.ds(16 * st, 16)]
            sub[pl.ds(0, 16)] = x
            x = x + jnp.where(mk, plsc.load_gather(sub, [s]), zvec)
        return x

    def lane15_bcast(x):
        sub = pbuf.at[pl.ds(64, 16)]
        sub[pl.ds(0, 16)] = x
        return plsc.load_gather(sub, [lane15])

    for v in range(3):
        for k in range(8):
            cidx[pl.ds(16 * k, 16)] = jnp.full((16,), v, jnp.int32)
        pltpu.async_copy(table_sp.at[cidx], srcs[v], ssem[v]).wait()

    powbuf[pl.ds(0, 16)] = jnp.where(iota5 < f31, ones << iota5, ones)
    offbuf[pl.ds(0, 16)] = iota * rows_per_w

    def prefetch(sc, buf, sem):
        return pltpu.async_copy(idx_hbm.at[pl.ds(base + sc * SCK, SCK)], buf, sem)

    def wait_prefetch(buf, sem):
        pltpu.make_async_copy(idx_hbm.at[pl.ds(base, SCK)], buf, sem).wait()

    def scatter_block(v, j):
        return pltpu.async_copy(srcs[v], out_hbm.at[biglist.at[v * nl + j]],
                                ssem[v])

    def wait_scatter(v):
        pltpu.make_async_copy(srcs[v], out_hbm.at[biglist.at[0]], ssem[v]).wait()

    prefetch(0, idxb0, si0)
    prefetch(1, idxb1, si1)

    def do_superchunk(sc, buf):
        off_all = offbuf[pl.ds(0, 16)]
        for k in range(SCK // 16):
            idx16 = buf[pl.ds(16 * k, 16)]
            pos16 = (base + sc * SCK + 16 * k) + iota
            enc = plsc.load_gather(powbuf, [idx16])
            pf = prefix_incl(enc)
            rank = ((pf >> (idx16 * 5)) & f31) - ones
            offsel = plsc.load_gather(offbuf, [idx16])
            slot = offsel + rank
            plsc.store_scatter(biglist, [slot >> 7, slot & 127], pos16)
            tot = lane15_bcast(pf)
            off_all = off_all + ((tot >> iota5) & f31)
            offbuf[pl.ds(0, 16)] = off_all

    def flush(v, done):
        nb = (offbuf[pl.ds(0, 16)][v] - v * rows_per_w) >> 7

        def issue(j, c):
            scatter_block(v, j)
            return c

        lax.fori_loop(done, nb, issue, 0)
        return nb

    def pair(g, carry):
        dones = list(carry)
        for half in range(2):
            sc = 2 * g + half
            buf = (idxb0, idxb1)[half]
            sem = (si0, si1)[half]
            wait_prefetch(buf, sem)
            do_superchunk(sc, buf)

            @pl.when(sc + 2 < n_sck)
            def _():
                prefetch(sc + 2, buf, sem)

            for v in range(3):
                dones[v] = flush(v, dones[v])
        return tuple(dones)

    zs = jnp.zeros((), jnp.int32)
    d0, d1, d2 = lax.fori_loop(0, n_pairs, pair, (zs, zs, zs))

    for v, dv in ((0, d0), (1, d1), (2, d2)):
        cnt = offbuf[pl.ds(0, 16)][v] - v * rows_per_w
        rem = cnt & 127
        nb = cnt >> 7
        gr = v * nl + nb

        @pl.when(rem != 0)
        def _():
            padvec = plsc.load_gather(biglist,
                                      [jnp.full((16,), v * nl, jnp.int32), zvec])
            for k in range(8):
                cur = biglist[gr, pl.ds(16 * k, 16)]
                keep = (iota + 16 * k) < rem
                biglist[gr, pl.ds(16 * k, 16)] = jnp.where(keep, cur, padvec)
            scatter_block(v, nb)

        def drain(j, c):
            wait_scatter(v)
            return c

        n_drain = dv + jnp.where(rem != 0, 1, 0).astype(jnp.int32)
        lax.fori_loop(0, n_drain, drain, 0)


def kernel(inputs, w1, w2):
    B, T = inputs.shape
    U = w1.shape[1]
    n = B * T
    idx = inputs.reshape(-1).astype(jnp.int32)
    table = jnp.concatenate([jnp.zeros_like(w1), w1, w2], axis=0)
    mesh = plsc.VectorSubcoreMesh(core_axis_name="c", subcore_axis_name="s")
    rows_per_w = n // NW
    nl = rows_per_w // BLK
    k = pl.kernel(
        _sc_body,
        out_type=jax.ShapeDtypeStruct((n, U), jnp.float32),
        mesh=mesh,
        compiler_params=pltpu.CompilerParams(needs_layout_passes=False),
        scratch_types=(
            [pltpu.VMEM_SHARED((3, U), jnp.float32)]
            + [pltpu.VMEM((BLK, U), jnp.float32)] * 3
            + [pltpu.VMEM((BLK,), jnp.int32)]
            + [pltpu.VMEM((16,), jnp.int32)]
            + [pltpu.VMEM((80,), jnp.int32)]
            + [pltpu.VMEM((16,), jnp.int32)]
            + [pltpu.VMEM((3 * nl, BLK), jnp.int32)]
            + [pltpu.VMEM((SCK,), jnp.int32)] * 2
            + [pltpu.SemaphoreType.DMA] * 5
        ),
    )
    out = k(table, idx)
    return out.reshape(B, T, U)

# --- scband reference (transcript-rebuilt; emitter-appended) ---
"""Pipeline reference for scband-binary-indicator-layer-35811437314777 (READ-ONLY COPY).

The authoritative reference and input builder live on the scoring server;
editing this copy changes nothing except your own understanding.
"""

import jax, jax.numpy as jnp
import numpy as np

UNITS = 128

def setup_inputs(seed: int = 0) -> dict:
    key = jax.random.key(seed)
    k1, k2, k3 = jax.random.split(key, 3)
    inputs = jax.random.randint(k1, (4096, 200), 0, 3, dtype=jnp.int64)
    w1 = jax.random.normal(k2, (1, UNITS), dtype=jnp.float32)
    w2 = jax.random.normal(k3, (1, UNITS), dtype=jnp.float32)
    return {"inputs": inputs, "w1": w1, "w2": w2}

def reference(inputs, w1, w2):
    # weight table: row 0 = zeros, row 1 = w1, row 2 = w2
    zeros = jnp.zeros((1, w1.shape[1]), dtype=w1.dtype)
    weight = jnp.concatenate([zeros, w1], axis=0)
    weight = jnp.concatenate([weight, w2], axis=0)
    idx = inputs.astype(jnp.int32)
    tar_embed = jnp.take(weight, idx, axis=0)
    return tar_embed

if __name__ == "__main__":
    import jax
    _d = setup_inputs()
    print(jax.jit(kernel)(*tuple(_d.values())))

</pallas_src>

<mosaic_0001>
#map = affine_map<(d0, d1) -> (0, 0)>
#map1 = affine_map<(d0, d1) -> (0)>
module attributes {stable_mosaic.version = 14 : i64} {
  func.func @_sc_body(%arg0: i32, %arg1: i32, %arg2: memref<3x128xf32, #tpu.memory_space<hbm>>, %arg3: memref<819200xi32, #tpu.memory_space<hbm>>, %arg4: memref<819200x128xf32, #tpu.memory_space<hbm>>, %arg5: memref<3x128xf32, #tpu.memory_space<vmem_shared>>, %arg6: memref<128x128xf32, #tpu.memory_space<vmem>>, %arg7: memref<128x128xf32, #tpu.memory_space<vmem>>, %arg8: memref<128x128xf32, #tpu.memory_space<vmem>>, %arg9: memref<128xi32, #tpu.memory_space<vmem>>, %arg10: memref<16xi32, #tpu.memory_space<vmem>>, %arg11: memref<80xi32, #tpu.memory_space<vmem>>, %arg12: memref<16xi32, #tpu.memory_space<vmem>>, %arg13: memref<600x128xi32, #tpu.memory_space<vmem>>, %arg14: memref<256xi32, #tpu.memory_space<vmem>>, %arg15: memref<256xi32, #tpu.memory_space<vmem>>, %arg16: memref<!tpu.dma_semaphore, #tpu.memory_space<semaphore_mem>>, %arg17: memref<!tpu.dma_semaphore, #tpu.memory_space<semaphore_mem>>, %arg18: memref<!tpu.dma_semaphore, #tpu.memory_space<semaphore_mem>>, %arg19: memref<!tpu.dma_semaphore, #tpu.memory_space<semaphore_mem>>, %arg20: memref<!tpu.dma_semaphore, #tpu.memory_space<semaphore_mem>>) attributes {dimension_semantics = [#tpu.dimension_semantics<core_parallel>, #tpu.dimension_semantics<subcore_parallel>], iteration_bounds = array<i64: 2, 16>, scalar_prefetch = 0 : i64, scratch_operands = 16 : i64, tpu.core_type = #tpu.core_type<sc_vector_subcore>, window_params = [{transform_indices = #map}, {transform_indices = #map1}, {transform_indices = #map}]} {
    %mul3A = arith.constant 2 : i32
    %mul3A_0 = arith.muli %arg1, %mul3A : i32
    %add3A = arith.addi %mul3A_0, %arg0 : i32
    %eq3A = arith.constant 0 : i32
    %eq3A_1 = arith.cmpi eq, %arg1, %eq3A : i32
    %convert_element_type3A = arith.extui %eq3A_1 : i1 to i32
    %cond3A = arith.constant 0 : i32
    %cond3A_2 = arith.cmpi ne, %convert_element_type3A, %cond3A : i32
    scf.if %cond3A_2 {
      "tpu.region"() ({
        %run_scoped3A = tpu.sem_alloc : memref<!tpu.dma_semaphore, #tpu.memory_space<semaphore_mem>>
        tpu.enqueue_dma source(%arg2 : memref<3x128xf32, #tpu.memory_space<hbm>>) target(%arg5 : memref<3x128xf32, #tpu.memory_space<vmem_shared>>) target_semaphore(%run_scoped3A : memref<!tpu.dma_semaphore, #tpu.memory_space<semaphore_mem>>)
        tpu.wait_dma2 semaphore(%run_scoped3A : memref<!tpu.dma_semaphore, #tpu.memory_space<semaphore_mem>>) src(%arg2 : memref<3x128xf32, #tpu.memory_space<hbm>>) dst(%arg5 : memref<3x128xf32, #tpu.memory_space<vmem_shared>>)
        tpu.yield
      }) : () -> ()
    } else {
    }
    %barrier3A = arith.constant 0 : index
    tpu.barrier barrier_id(%barrier3A)
    %mul3A_3 = arith.constant 25600 : i32
    %mul3A_4 = arith.muli %add3A, %mul3A_3 : i32
    %iota3A = tpu.iota {dimensions = array<i32: 0>} : vector<16xi32>
    %sub3A = arith.constant 1 : i32
    %sub3A_5 = vector.broadcast %sub3A : i32 to vector<16xi32>
    %sub3A_6 = arith.subi %iota3A, %sub3A_5 : vector<16xi32>
    %max3A = arith.constant 0 : i32
    %max3A_7 = vector.broadcast %max3A : i32 to vector<16xi32>
    %max3A_8 = arith.maxsi %sub3A_6, %max3A_7 : vector<16xi32>
    %sub3A_9 = arith.constant 2 : i32
    %sub3A_10 = vector.broadcast %sub3A_9 : i32 to vector<16xi32>
    %sub3A_11 = arith.subi %iota3A, %sub3A_10 : vector<16xi32>
    %max3A_12 = arith.constant 0 : i32
    %max3A_13 = vector.broadcast %max3A_12 : i32 to vector<16xi32>
    %max3A_14 = arith.maxsi %sub3A_11, %max3A_13 : vector<16xi32>
    %sub3A_15 = arith.constant 4 : i32
    %sub3A_16 = vector.broadcast %sub3A_15 : i32 to vector<16xi32>
    %sub3A_17 = arith.subi %iota3A, %sub3A_16 : vector<16xi32>
    %max3A_18 = arith.constant 0 : i32
    %max3A_19 = vector.broadcast %max3A_18 : i32 to vector<16xi32>
    %max3A_20 = arith.maxsi %sub3A_17, %max3A_19 : vector<16xi32>
    %sub3A_21 = arith.constant 8 : i32
    %sub3A_22 = vector.broadcast %sub3A_21 : i32 to vector<16xi32>
    %sub3A_23 = arith.subi %iota3A, %sub3A_22 : vector<16xi32>
    %max3A_24 = arith.constant 0 : i32
    %max3A_25 = vector.broadcast %max3A_24 : i32 to vector<16xi32>
    %max3A_26 = arith.maxsi %sub3A_23, %max3A_25 : vector<16xi32>
    %ge3A = arith.constant 1 : i32
    %ge3A_27 = vector.broadcast %ge3A : i32 to vector<16xi32>
    %ge3A_28 = arith.cmpi sge, %iota3A, %ge3A_27 : vector<16xi32>
    %ge3A_29 = arith.constant 2 : i32
    %ge3A_30 = vector.broadcast %ge3A_29 : i32 to vector<16xi32>
    %ge3A_31 = arith.cmpi sge, %iota3A, %ge3A_30 : vector<16xi32>
    %ge3A_32 = arith.constant 4 : i32
    %ge3A_33 = vector.broadcast %ge3A_32 : i32 to vector<16xi32>
    %ge3A_34 = arith.cmpi sge, %iota3A, %ge3A_33 : vector<16xi32>
    %ge3A_35 = arith.constant 8 : i32
    %ge3A_36 = vector.broadcast %ge3A_35 : i32 to vector<16xi32>
    %ge3A_37 = arith.cmpi sge, %iota3A, %ge3A_36 : vector<16xi32>
    %broadcast_in_dim3A = arith.constant 15 : i32
    %broadcast_in_dim3A_38 = vector.broadcast %broadcast_in_dim3A : i32 to vector<16xi32>
    %broadcast_in_dim3A_39 = arith.constant 0 : i32
    %broadcast_in_dim3A_40 = vector.broadcast %broadcast_in_dim3A_39 : i32 to vector<16xi32>
    %broadcast_in_dim3A_41 = arith.constant 1 : i32
    %broadcast_in_dim3A_42 = vector.broadcast %broadcast_in_dim3A_41 : i32 to vector<16xi32>
    %broadcast_in_dim3A_43 = arith.constant 31 : i32
    %broadcast_in_dim3A_44 = vector.broadcast %broadcast_in_dim3A_43 : i32 to vector<16xi32>
    %mul3A_45 = arith.constant 5 : i32
    %mul3A_46 = vector.broadcast %mul3A_45 : i32 to vector<16xi32>
    %mul3A_47 = arith.muli %iota3A, %mul3A_46 : vector<16xi32>
    %sub3A_48 = arith.constant 1 : i32
    %sub3A_49 = vector.broadcast %sub3A_48 : i32 to vector<16xi32>
    %sub3A_50 = arith.subi %broadcast_in_dim3A_44, %sub3A_49 : vector<16xi32>
    %min3A = arith.minsi %mul3A_47, %sub3A_50 : vector<16xi32>
    %broadcast_in_dim3A_51 = arith.constant 0 : i32
    %broadcast_in_dim3A_52 = vector.broadcast %broadcast_in_dim3A_51 : i32 to vector<16xi32>
    %swap3A = arith.constant 0 : index
    %swap3A_53 = tpu.vector_load %arg9[%swap3A] {strides = array<i32>} : memref<128xi32, #tpu.memory_space<vmem>>, vector<16xi32>,
    tpu.vector_store %arg9[%swap3A], %broadcast_in_dim3A_52 {strides = array<i32>} : memref<128xi32, #tpu.memory_space<vmem>>, vector<16xi32>,
    %broadcast_in_dim3A_54 = arith.constant 0 : i32
    %broadcast_in_dim3A_55 = vector.broadcast %broadcast_in_dim3A_54 : i32 to vector<16xi32>
    %swap3A_56 = arith.constant 16 : index
    %swap3A_57 = tpu.vector_load %arg9[%swap3A_56] {strides = array<i32>} : memref<128xi32, #tpu.memory_space<vmem>>, vector<16xi32>,
    tpu.vector_store %arg9[%swap3A_56], %broadcast_in_dim3A_55 {strides = array<i32>} : memref<128xi32, #tpu.memory_space<vmem>>, vector<16xi32>,
    %broadcast_in_dim3A_58 = arith.constant 0 : i32
    %broadcast_in_dim3A_59 = vector.broadcast %broadcast_in_dim3A_58 : i32 to vector<16xi32>
    %swap3A_60 = arith.constant 32 : index
    %swap3A_61 = tpu.vector_load %arg9[%swap3A_60] {strides = array<i32>} : memref<128xi32, #tpu.memory_space<vmem>>, vector<16xi32>,
    tpu.vector_store %arg9[%swap3A_60], %broadcast_in_dim3A_59 {strides = array<i32>} : memref<128xi32, #tpu.memory_space<vmem>>, vector<16xi32>,
    %broadcast_in_dim3A_62 = arith.constant 0 : i32
    %broadcast_in_dim3A_63 = vector.broadcast %broadcast_in_dim3A_62 : i32 to vector<16xi32>
    %swap3A_64 = arith.constant 48 : index
    %swap3A_65 = tpu.vector_load %arg9[%swap3A_64] {strides = array<i32>} : memref<128xi32, #tpu.memory_space<vmem>>, vector<16xi32>,
    tpu.vector_store %arg9[%swap3A_64], %broadcast_in_dim3A_63 {strides = array<i32>} : memref<128xi32, #tpu.memory_space<vmem>>, vector<16xi32>,
    %broadcast_in_dim3A_66 = arith.constant 0 : i32
    %broadcast_in_dim3A_67 = vector.broadcast %broadcast_in_dim3A_66 : i32 to vector<16xi32>
    %swap3A_68 = arith.constant 64 : index
    %swap3A_69 = tpu.vector_load %arg9[%swap3A_68] {strides = array<i32>} : memref<128xi32, #tpu.memory_space<vmem>>, vector<16xi32>,
    tpu.vector_store %arg9[%swap3A_68], %broadcast_in_dim3A_67 {strides = array<i32>} : memref<128xi32, #tpu.memory_space<vmem>>, vector<16xi32>,
    %broadcast_in_dim3A_70 = arith.constant 0 : i32
    %broadcast_in_dim3A_71 = vector.broadcast %broadcast_in_dim3A_70 : i32 to vector<16xi32>
    %swap3A_72 = arith.constant 80 : index
    %swap3A_73 = tpu.vector_load %arg9[%swap3A_72] {strides = array<i32>} : memref<128xi32, #tpu.memory_space<vmem>>, vector<16xi32>,
    tpu.vector_store %arg9[%swap3A_72], %broadcast_in_dim3A_71 {strides = array<i32>} : memref<128xi32, #tpu.memory_space<vmem>>, vector<16xi32>,
    %broadcast_in_dim3A_74 = arith.constant 0 : i32
    %broadcast_in_dim3A_75 = vector.broadcast %broadcast_in_dim3A_74 : i32 to vector<16xi32>
    %swap3A_76 = arith.constant 96 : index
    %swap3A_77 = tpu.vector_load %arg9[%swap3A_76] {strides = array<i32>} : memref<128xi32, #tpu.memory_space<vmem>>, vector<16xi32>,
    tpu.vector_store %arg9[%swap3A_76], %broadcast_in_dim3A_75 {strides = array<i32>} : memref<128xi32, #tpu.memory_space<vmem>>, vector<16xi32>,
    %broadcast_in_dim3A_78 = arith.constant 0 : i32
    %broadcast_in_dim3A_79 = vector.broadcast %broadcast_in_dim3A_78 : i32 to vector<16xi32>
    %swap3A_80 = arith.constant 112 : index
    %swap3A_81 = tpu.vector_load %arg9[%swap3A_80] {strides = array<i32>} : memref<128xi32, #tpu.memory_space<vmem>>, vector<16xi32>,
    tpu.vector_store %arg9[%swap3A_80], %broadcast_in_dim3A_79 {strides = array<i32>} : memref<128xi32, #tpu.memory_space<vmem>>, vector<16xi32>,
    %dma_start3A = arith.constant 0 : i32
    %dma_start3A_82 = arith.constant 0 : i32
    %dma_start3A_83 = tpu.memref_slice %arg5[%dma_start3A, %dma_start3A_82] : memref<3x128xf32, #tpu.memory_space<vmem_shared>> -> memref<3x128xf32, #tpu.memory_space<vmem_shared>>
    tpu.enqueue_indirect_dma source(%dma_start3A_83 : memref<3x128xf32, #tpu.memory_space<vmem_shared>>) target(%arg6 : memref<128x128xf32, #tpu.memory_space<vmem>>) offsets(%arg9 : memref<128xi32, #tpu.memory_space<vmem>>) semaphore(%arg18 : memref<!tpu.dma_semaphore, #tpu.memory_space<semaphore_mem>>)
    %dma_wait3A = arith.constant 0 : i32
    %dma_wait3A_84 = arith.constant 0 : i32
    %dma_wait3A_85 = tpu.memref_slice %arg5[%dma_wait3A, %dma_wait3A_84] : memref<3x128xf32, #tpu.memory_space<vmem_shared>> -> memref<3x128xf32, #tpu.memory_space<vmem_shared>>
    tpu.wait_indirect_dma semaphore(%arg18 : memref<!tpu.dma_semaphore, #tpu.memory_space<semaphore_mem>>) src(%dma_wait3A_85 : memref<3x128xf32, #tpu.memory_space<vmem_shared>>) dst(%arg6 : memref<128x128xf32, #tpu.memory_space<vmem>>)
    %broadcast_in_dim3A_86 = arith.constant 1 : i32
    %broadcast_in_dim3A_87 = vector.broadcast %broadcast_in_dim3A_86 : i32 to vector<16xi32>
    %swap3A_88 = arith.constant 0 : index
    %swap3A_89 = tpu.vector_load %arg9[%swap3A_88] {strides = array<i32>} : memref<128xi32, #tpu.memory_space<vmem>>, vector<16xi32>,
    tpu.vector_store %arg9[%swap3A_88], %broadcast_in_dim3A_87 {strides = array<i32>} : memref<128xi32, #tpu.memory_space<vmem>>, vector<16xi32>,
    %broadcast_in_dim3A_90 = arith.constant 1 : i32
    %broadcast_in_dim3A_91 = vector.broadcast %broadcast_in_dim3A_90 : i32 to vector<16xi32>
    %swap3A_92 = arith.constant 16 : index
    %swap3A_93 = tpu.vector_load %arg9[%swap3A_92] {strides = array<i32>} : memref<128xi32, #tpu.memory_space<vmem>>, vector<16xi32>,
    tpu.vector_store %arg9[%swap3A_92], %broadcast_in_dim3A_91 {strides = array<i32>} : memref<128xi32, #tpu.memory_space<vmem>>, vector<16xi32>,
    %broadcast_in_dim3A_94 = arith.constant 1 : i32
    %broadcast_in_dim3A_95 = vector.broadcast %broadcast_in_dim3A_94 : i32 to vector<16xi32>
    %swap3A_96 = arith.constant 32 : index
    %swap3A_97 = tpu.vector_load %arg9[%swap3A_96] {strides = array<i32>} : memref<128xi32, #tpu.memory_space<vmem>>, vector<16xi32>,
    tpu.vector_store %arg9[%swap3A_96], %broadcast_in_dim3A_95 {strides = array<i32>} : memref<128xi32, #tpu.memory_space<vmem>>, vector<16xi32>,
    %broadcast_in_dim3A_98 = arith.constant 1 : i32
    %broadcast_in_dim3A_99 = vector.broadcast %broadcast_in_dim3A_98 : i32 to vector<16xi32>
    %swap3A_100 = arith.constant 48 : index
    %swap3A_101 = tpu.vector_load %arg9[%swap3A_100] {strides = array<i32>} : memref<128xi32, #tpu.memory_space<vmem>>, vector<16xi32>,
    tpu.vector_store %arg9[%swap3A_100], %broadcast_in_dim3A_99 {strides = array<i32>} : memref<128xi32, #tpu.memory_space<vmem>>, vector<16xi32>,
    %broadcast_in_dim3A_102 = arith.constant 1 : i32
    %broadcast_in_dim3A_103 = vector.broadcast %broadcast_in_dim3A_102 : i32 to vector<16xi32>
    %swap3A_104 = arith.constant 64 : index
    %swap3A_105 = tpu.vector_load %arg9[%swap3A_104] {strides = array<i32>} : memref<128xi32, #tpu.memory_space<vmem>>, vector<16xi32>,
    tpu.vector_store %arg9[%swap3A_104], %broadcast_in_dim3A_103 {strides = array<i32>} : memref<128xi32, #tpu.memory_space<vmem>>, vector<16xi32>,
    %broadcast_in_dim3A_106 = arith.constant 1 : i32
    %broadcast_in_dim3A_107 = vector.broadcast %broadcast_in_dim3A_106 : i32 to vector<16xi32>
    %swap3A_108 = arith.constant 80 : index
    %swap3A_109 = tpu.vector_load %arg9[%swap3A_108] {strides = array<i32>} : memref<128xi32, #tpu.memory_space<vmem>>, vector<16xi32>,
    tpu.vector_store %arg9[%swap3A_108], %broadcast_in_dim3A_107 {strides = array<i32>} : memref<128xi32, #tpu.memory_space<vmem>>, vector<16xi32>,
    %broadcast_in_dim3A_110 = arith.constant 1 : i32
    %broadcast_in_dim3A_111 = vector.broadcast %broadcast_in_dim3A_110 : i32 to vector<16xi32>
    %swap3A_112 = arith.constant 96 : index
    %swap3A_113 = tpu.vector_load %arg9[%swap3A_112] {strides = array<i32>} : memref<128xi32, #tpu.memory_space<vmem>>, vector<16xi32>,
    tpu.vector_store %arg9[%swap3A_112], %broadcast_in_dim3A_111 {strides = array<i32>} : memref<128xi32, #tpu.memory_space<vmem>>, vector<16xi32>,
    %broadcast_in_dim3A_114 = arith.constant 1 : i32
    %broadcast_in_dim3A_115 = vector.broadcast %broadcast_in_dim3A_114 : i32 to vector<16xi32>
    %swap3A_116 = arith.constant 112 : index
    %swap3A_117 = tpu.vector_load %arg9[%swap3A_116] {strides = array<i32>} : memref<128xi32, #tpu.memory_space<vmem>>, vector<16xi32>,
    tpu.vector_store %arg9[%swap3A_116], %broadcast_in_dim3A_115 {strides = array<i32>} : memref<128xi32, #tpu.memory_space<vmem>>, vector<16xi32>,
    %dma_start3A_118 = arith.constant 0 : i32
    %dma_start3A_119 = arith.constant 0 : i32
    %dma_start3A_120 = tpu.memref_slice %arg5[%dma_start3A_118, %dma_start3A_119] : memref<3x128xf32, #tpu.memory_space<vmem_shared>> -> memref<3x128xf32, #tpu.memory_space<vmem_shared>>
    tpu.enqueue_indirect_dma source(%dma_start3A_120 : memref<3x128xf32, #tpu.memory_space<vmem_shared>>) target(%arg7 : memref<128x128xf32, #tpu.memory_space<vmem>>) offsets(%arg9 : memref<128xi32, #tpu.memory_space<vmem>>) semaphore(%arg19 : memref<!tpu.dma_semaphore, #tpu.memory_space<semaphore_mem>>)
    %dma_wait3A_121 = arith.constant 0 : i32
    %dma_wait3A_122 = arith.constant 0 : i32
    %dma_wait3A_123 = tpu.memref_slice %arg5[%dma_wait3A_121, %dma_wait3A_122] : memref<3x128xf32, #tpu.memory_space<vmem_shared>> -> memref<3x128xf32, #tpu.memory_space<vmem_shared>>
    tpu.wait_indirect_dma semaphore(%arg19 : memref<!tpu.dma_semaphore, #tpu.memory_space<semaphore_mem>>) src(%dma_wait3A_123 : memref<3x128xf32, #tpu.memory_space<vmem_shared>>) dst(%arg7 : memref<128x128xf32, #tpu.memory_space<vmem>>)
    %broadcast_in_dim3A_124 = arith.constant 2 : i32
    %broadcast_in_dim3A_125 = vector.broadcast %broadcast_in_dim3A_124 : i32 to vector<16xi32>
    %swap3A_126 = arith.constant 0 : index
    %swap3A_127 = tpu.vector_load %arg9[%swap3A_126] {strides = array<i32>} : memref<128xi32, #tpu.memory_space<vmem>>, vector<16xi32>,
    tpu.vector_store %arg9[%swap3A_126], %broadcast_in_dim3A_125 {strides = array<i32>} : memref<128xi32, #tpu.memory_space<vmem>>, vector<16xi32>,
    %broadcast_in_dim3A_128 = arith.constant 2 : i32
    %broadcast_in_dim3A_129 = vector.broadcast %broadcast_in_dim3A_128 : i32 to vector<16xi32>
    %swap3A_130 = arith.constant 16 : index
    %swap3A_131 = tpu.vector_load %arg9[%swap3A_130] {strides = array<i32>} : memref<128xi32, #tpu.memory_space<vmem>>, vector<16xi32>,
    tpu.vector_store %arg9[%swap3A_130], %broadcast_in_dim3A_129 {strides = array<i32>} : memref<128xi32, #tpu.memory_space<vmem>>, vector<16xi32>,
    %broadcast_in_dim3A_132 = arith.constant 2 : i32
    %broadcast_in_dim3A_133 = vector.broadcast %broadcast_in_dim3A_132 : i32 to vector<16xi32>
    %swap3A_134 = arith.constant 32 : index
    %swap3A_135 = tpu.vector_load %arg9[%swap3A_134] {strides = array<i32>} : memref<128xi32, #tpu.memory_space<vmem>>, vector<16xi32>,
    tpu.vector_store %arg9[%swap3A_134], %broadcast_in_dim3A_133 {strides = array<i32>} : memref<128xi32, #tpu.memory_space<vmem>>, vector<16xi32>,
    %broadcast_in_dim3A_136 = arith.constant 2 : i32
    %broadcast_in_dim3A_137 = vector.broadcast %broadcast_in_dim3A_136 : i32 to vector<16xi32>
    %swap3A_138 = arith.constant 48 : index
    %swap3A_139 = tpu.vector_load %arg9[%swap3A_138] {strides = array<i32>} : memref<128xi32, #tpu.memory_space<vmem>>, vector<16xi32>,
    tpu.vector_store %arg9[%swap3A_138], %broadcast_in_dim3A_137 {strides = array<i32>} : memref<128xi32, #tpu.memory_space<vmem>>, vector<16xi32>,
    %broadcast_in_dim3A_140 = arith.constant 2 : i32
    %broadcast_in_dim3A_141 = vector.broadcast %broadcast_in_dim3A_140 : i32 to vector<16xi32>
    %swap3A_142 = arith.constant 64 : index
    %swap3A_143 = tpu.vector_load %arg9[%swap3A_142] {strides = array<i32>} : memref<128xi32, #tpu.memory_space<vmem>>, vector<16xi32>,
    tpu.vector_store %arg9[%swap3A_142], %broadcast_in_dim3A_141 {strides = array<i32>} : memref<128xi32, #tpu.memory_space<vmem>>, vector<16xi32>,
    %broadcast_in_dim3A_144 = arith.constant 2 : i32
    %broadcast_in_dim3A_145 = vector.broadcast %broadcast_in_dim3A_144 : i32 to vector<16xi32>
    %swap3A_146 = arith.constant 80 : index
    %swap3A_147 = tpu.vector_load %arg9[%swap3A_146] {strides = array<i32>} : memref<128xi32, #tpu.memory_space<vmem>>, vector<16xi32>,
    tpu.vector_store %arg9[%swap3A_146], %broadcast_in_dim3A_145 {strides = array<i32>} : memref<128xi32, #tpu.memory_space<vmem>>, vector<16xi32>,
    %broadcast_in_dim3A_148 = arith.constant 2 : i32
    %broadcast_in_dim3A_149 = vector.broadcast %broadcast_in_dim3A_148 : i32 to vector<16xi32>
    %swap3A_150 = arith.constant 96 : index
    %swap3A_151 = tpu.vector_load %arg9[%swap3A_150] {strides = array<i32>} : memref<128xi32, #tpu.memory_space<vmem>>, vector<16xi32>,
    tpu.vector_store %arg9[%swap3A_150], %broadcast_in_dim3A_149 {strides = array<i32>} : memref<128xi32, #tpu.memory_space<vmem>>, vector<16xi32>,
    %broadcast_in_dim3A_152 = arith.constant 2 : i32
    %broadcast_in_dim3A_153 = vector.broadcast %broadcast_in_dim3A_152 : i32 to vector<16xi32>
    %swap3A_154 = arith.constant 112 : index
    %swap3A_155 = tpu.vector_load %arg9[%swap3A_154] {strides = array<i32>} : memref<128xi32, #tpu.memory_space<vmem>>, vector<16xi32>,
    tpu.vector_store %arg9[%swap3A_154], %broadcast_in_dim3A_153 {strides = array<i32>} : memref<128xi32, #tpu.memory_space<vmem>>, vector<16xi32>,
    %dma_start3A_156 = arith.constant 0 : i32
    %dma_start3A_157 = arith.constant 0 : i32
    %dma_start3A_158 = tpu.memref_slice %arg5[%dma_start3A_156, %dma_start3A_157] : memref<3x128xf32, #tpu.memory_space<vmem_shared>> -> memref<3x128xf32, #tpu.memory_space<vmem_shared>>
    tpu.enqueue_indirect_dma source(%dma_start3A_158 : memref<3x128xf32, #tpu.memory_space<vmem_shared>>) target(%arg8 : memref<128x128xf32, #tpu.memory_space<vmem>>) offsets(%arg9 : memref<128xi32, #tpu.memory_space<vmem>>) semaphore(%arg20 : memref<!tpu.dma_semaphore, #tpu.memory_space<semaphore_mem>>)
    %dma_wait3A_159 = arith.constant 0 : i32
    %dma_wait3A_160 = arith.constant 0 : i32
    %dma_wait3A_161 = tpu.memref_slice %arg5[%dma_wait3A_159, %dma_wait3A_160] : memref<3x128xf32, #tpu.memory_space<vmem_shared>> -> memref<3x128xf32, #tpu.memory_space<vmem_shared>>
    tpu.wait_indirect_dma semaphore(%arg20 : memref<!tpu.dma_semaphore, #tpu.memory_space<semaphore_mem>>) src(%dma_wait3A_161 : memref<3x128xf32, #tpu.memory_space<vmem_shared>>) dst(%arg8 : memref<128x128xf32, #tpu.memory_space<vmem>>)
    %lt3A = arith.cmpi slt, %min3A, %broadcast_in_dim3A_44 : vector<16xi32>
    %shift_left3A = arith.shli %broadcast_in_dim3A_42, %min3A : vector<16xi32>
    %select_n3A = arith.select %lt3A, %shift_left3A, %broadcast_in_dim3A_42 : vector<16xi1>, vector<16xi32>
    %swap3A_162 = arith.constant 0 : index
    %swap3A_163 = tpu.vector_load %arg12[%swap3A_162] {strides = array<i32>} : memref<16xi32, #tpu.memory_space<vmem>>, vector<16xi32>,
    tpu.vector_store %arg12[%swap3A_162], %select_n3A {strides = array<i32>} : memref<16xi32, #tpu.memory_space<vmem>>, vector<16xi32>,
    %mul3A_164 = arith.constant 25600 : i32
    %mul3A_165 = vector.broadcast %mul3A_164 : i32 to vector<16xi32>
    %mul3A_166 = arith.muli %iota3A, %mul3A_165 : vector<16xi32>
    %swap3A_167 = arith.constant 0 : index
    %swap3A_168 = tpu.vector_load %arg10[%swap3A_167] {strides = array<i32>} : memref<16xi32, #tpu.memory_space<vmem>>, vector<16xi32>,
    tpu.vector_store %arg10[%swap3A_167], %mul3A_166 {strides = array<i32>} : memref<16xi32, #tpu.memory_space<vmem>>, vector<16xi32>,
    %add3A_169 = arith.constant 0 : i32
    %add3A_170 = arith.addi %mul3A_4, %add3A_169 : i32
    %dma_start3A_171 = tpu.memref_slice %arg3[%add3A_170] : memref<819200xi32, #tpu.memory_space<hbm>> -> memref<256xi32, #tpu.memory_space<hbm>>
    %dma_start3A_172 = tpu.memref_slice %arg3[%add3A_170] : memref<819200xi32, #tpu.memory_space<hbm>> -> memref<256xi32, #tpu.memory_space<hbm>>
    tpu.enqueue_dma source(%dma_start3A_172 : memref<256xi32, #tpu.memory_space<hbm>>) target(%arg14 : memref<256xi32, #tpu.memory_space<vmem>>) target_semaphore(%arg16 : memref<!tpu.dma_semaphore, #tpu.memory_space<semaphore_mem>>)
    %add3A_173 = arith.constant 256 : i32
    %add3A_174 = arith.addi %mul3A_4, %add3A_173 : i32
    %dma_start3A_175 = tpu.memref_slice %arg3[%add3A_174] : memref<819200xi32, #tpu.memory_space<hbm>> -> memref<256xi32, #tpu.memory_space<hbm>>
    %dma_start3A_176 = tpu.memref_slice %arg3[%add3A_174] : memref<819200xi32, #tpu.memory_space<hbm>> -> memref<256xi32, #tpu.memory_space<hbm>>
    tpu.enqueue_dma source(%dma_start3A_176 : memref<256xi32, #tpu.memory_space<hbm>>) target(%arg15 : memref<256xi32, #tpu.memory_space<vmem>>) target_semaphore(%arg17 : memref<!tpu.dma_semaphore, #tpu.memory_space<semaphore_mem>>)
    %scan3A = arith.constant 0 : i32
    %scan3A_177 = arith.constant 0 : i32
    %scan3A_178 = arith.constant 0 : i32
    %scan3A_179 = arith.constant 0 : i32
    %scan3A_180 = arith.constant 50 : i32
    %scan3A_181 = arith.addi %scan3A_179, %scan3A_180 : i32
    %scan3A_182 = arith.constant 1 : i32
    %scan3A_183:3 = scf.for %scan3A_276 = %scan3A_179 to %scan3A_181 step %scan3A_182 iter_args(%scan3A_277 = %scan3A, %scan3A_278 = %scan3A_177, %scan3A_279 = %scan3A_178) -> (i32, i32, i32)  : i32 {
      %mul3A_280 = arith.constant 2 : i32
      %mul3A_281 = arith.muli %mul3A_280, %scan3A_276 : i32
      %add3A_282 = arith.constant 0 : i32
      %add3A_283 = arith.addi %mul3A_281, %add3A_282 : i32
      %dma_wait3A_284 = tpu.memref_slice %arg3[%mul3A_4] : memref<819200xi32, #tpu.memory_space<hbm>> -> memref<256xi32, #tpu.memory_space<hbm>>
      %dma_wait3A_285 = tpu.memref_slice %arg3[%mul3A_4] : memref<819200xi32, #tpu.memory_space<hbm>> -> memref<256xi32, #tpu.memory_space<hbm>>
      tpu.wait_dma2 semaphore(%arg16 : memref<!tpu.dma_semaphore, #tpu.memory_space<semaphore_mem>>) src(%dma_wait3A_285 : memref<256xi32, #tpu.memory_space<hbm>>) dst(%arg14 : memref<256xi32, #tpu.memory_space<vmem>>)
      %get3A_286 = arith.constant 0 : index
      %get3A_287 = tpu.vector_load %arg10[%get3A_286] {strides = array<i32>} : memref<16xi32, #tpu.memory_space<vmem>>, vector<16xi32>,
      %get3A_288 = arith.constant 0 : index
      %get3A_289 = tpu.vector_load %arg14[%get3A_288] {strides = array<i32>} : memref<256xi32, #tpu.memory_space<vmem>>, vector<16xi32>,
      %mul3A_290 = arith.constant 256 : i32
      %mul3A_291 = arith.muli %add3A_283, %mul3A_290 : i32
      %add3A_292 = arith.addi %mul3A_4, %mul3A_291 : i32
      %add3A_293 = arith.constant 0 : i32
      %add3A_294 = arith.addi %add3A_292, %add3A_293 : i32
      %add3A_295 = vector.broadcast %add3A_294 : i32 to vector<16xi32>
      %add3A_296 = arith.addi %add3A_295, %iota3A : vector<16xi32>
      %gather3A = tpu.vector_load_idx %arg12[%get3A_289] : memref<16xi32, #tpu.memory_space<vmem>>[vector<16xi32>], vector<16xi32>,
      %swap3A_297 = arith.constant 0 : i32
      %swap3A_298 = tpu.memref_slice %arg11[%swap3A_297] : memref<80xi32, #tpu.memory_space<vmem>> -> memref<16xi32, #tpu.memory_space<vmem>>
      %swap3A_299 = arith.constant 0 : index
      %swap3A_300 = tpu.vector_load %swap3A_298[%swap3A_299] {strides = array<i32>} : memref<16xi32, #tpu.memory_space<vmem>>, vector<16xi32>,
      tpu.vector_store %swap3A_298[%swap3A_299], %gather3A {strides = array<i32>} : memref<16xi32, #tpu.memory_space<vmem>>, vector<16xi32>,
      %gather3A_301 = arith.constant 0 : i32
      %gather3A_302 = tpu.memref_slice %arg11[%gather3A_301] : memref<80xi32, #tpu.memory_space<vmem>> -> memref<16xi32, #tpu.memory_space<vmem>>
      %gather3A_303 = tpu.vector_load_idx %gather3A_302[%max3A_8] : memref<16xi32, #tpu.memory_space<vmem>>[vector<16xi32>], vector<16xi32>,
      %select_n3A_304 = arith.select %ge3A_28, %gather3A_303, %broadcast_in_dim3A_40 : vector<16xi1>, vector<16xi32>
      %add3A_305 = arith.addi %gather3A, %select_n3A_304 : vector<16xi32>
      %swap3A_306 = arith.constant 16 : i32
      %swap3A_307 = tpu.memref_slice %arg11[%swap3A_306] : memref<80xi32, #tpu.memory_space<vmem>> -> memref<16xi32, #tpu.memory_space<vmem>>
      %swap3A_308 = arith.constant 0 : index
      %swap3A_309 = tpu.vector_load %swap3A_307[%swap3A_308] {strides = array<i32>} : memref<16xi32, #tpu.memory_space<vmem>>, vector<16xi32>,
      tpu.vector_store %swap3A_307[%swap3A_308], %add3A_305 {strides = array<i32>} : memref<16xi32, #tpu.memory_space<vmem>>, vector<16xi32>,
      %gather3A_310 = arith.constant 16 : i32
      %gather3A_311 = tpu.memref_slice %arg11[%gather3A_310] : memref<80xi32, #tpu.memory_space<vmem>> -> memref<16xi32, #tpu.memory_space<vmem>>
      %gather3A_312 = tpu.vector_load_idx %gather3A_311[%max3A_14] : memref<16xi32, #tpu.memory_space<vmem>>[vector<16xi32>], vector<16xi32>,
      %select_n3A_313 = arith.select %ge3A_31, %gather3A_312, %broadcast_in_dim3A_40 : vector<16xi1>, vector<16xi32>
      %add3A_314 = arith.addi %add3A_305, %select_n3A_313 : vector<16xi32>
      %swap3A_315 = arith.constant 32 : i32
      %swap3A_316 = tpu.memref_slice %arg11[%swap3A_315] : memref<80xi32, #tpu.memory_space<vmem>> -> memref<16xi32, #tpu.memory_space<vmem>>
      %swap3A_317 = arith.constant 0 : index
      %swap3A_318 = tpu.vector_load %swap3A_316[%swap3A_317] {strides = array<i32>} : memref<16xi32, #tpu.memory_space<vmem>>, vector<16xi32>,
      tpu.vector_store %swap3A_316[%swap3A_317], %add3A_314 {strides = array<i32>} : memref<16xi32, #tpu.memory_space<vmem>>, vector<16xi32>,
      %gather3A_319 = arith.constant 32 : i32
      %gather3A_320 = tpu.memref_slice %arg11[%gather3A_319] : memref<80xi32, #tpu.memory_space<vmem>> -> memref<16xi32, #tpu.memory_space<vmem>>
      %gather3A_321 = tpu.vector_load_idx %gather3A_320[%max3A_20] : memref<16xi32, #tpu.memory_space<vmem>>[vector<16xi32>], vector<16xi32>,
      %select_n3A_322 = arith.select %ge3A_34, %gather3A_321, %broadcast_in_dim3A_40 : vector<16xi1>, vector<16xi32>
      %add3A_323 = arith.addi %add3A_314, %select_n3A_322 : vector<16xi32>
      %swap3A_324 = arith.constant 48 : i32
      %swap3A_325 = tpu.memref_slice %arg11[%swap3A_324] : memref<80xi32, #tpu.memory_space<vmem>> -> memref<16xi32, #tpu.memory_space<vmem>>
      %swap3A_326 = arith.constant 0 : index
      %swap3A_327 = tpu.vector_load %swap3A_325[%swap3A_326] {strides = array<i32>} : memref<16xi32, #tpu.memory_space<vmem>>, vector<16xi32>,
      tpu.vector_store %swap3A_325[%swap3A_326], %add3A_323 {strides = array<i32>} : memref<16xi32, #tpu.memory_space<vmem>>, vector<16xi32>,
      %gather3A_328 = arith.constant 48 : i32
      %gather3A_329 = tpu.memref_slice %arg11[%gather3A_328] : memref<80xi32, #tpu.memory_space<vmem>> -> memref<16xi32, #tpu.memory_space<vmem>>
      %gather3A_330 = tpu.vector_load_idx %gather3A_329[%max3A_26] : memref<16xi32, #tpu.memory_space<vmem>>[vector<16xi32>], vector<16xi32>,
      %select_n3A_331 = arith.select %ge3A_37, %gather3A_330, %broadcast_in_dim3A_40 : vector<16xi1>, vector<16xi32>
      %add3A_332 = arith.addi %add3A_323, %select_n3A_331 : vector<16xi32>
      %mul3A_333 = arith.constant 5 : i32
      %mul3A_334 = vector.broadcast %mul3A_333 : i32 to vector<16xi32>
      %mul3A_335 = arith.muli %get3A_289, %mul3A_334 : vector<16xi32>
      %shift_right_arithmetic3A_336 = arith.shrsi %add3A_332, %mul3A_335 : vector<16xi32>
      %and3A_337 = arith.andi %shift_right_arithmetic3A_336, %broadcast_in_dim3A_44 : vector<16xi32>
      %sub3A_338 = arith.subi %and3A_337, %broadcast_in_dim3A_42 : vector<16xi32>
      %gather3A_339 = tpu.vector_load_idx %arg10[%get3A_289] : memref<16xi32, #tpu.memory_space<vmem>>[vector<16xi32>], vector<16xi32>,
      %add3A_340 = arith.addi %gather3A_339, %sub3A_338 : vector<16xi32>
      %shift_right_arithmetic3A_341 = arith.constant 7 : i32
      %shift_right_arithmetic3A_342 = vector.broadcast %shift_right_arithmetic3A_341 : i32 to vector<16xi32>
      %shift_right_arithmetic3A_343 = arith.shrsi %add3A_340, %shift_right_arithmetic3A_342 : vector<16xi32>
      %and3A_344 = arith.constant 127 : i32
      %and3A_345 = vector.broadcast %and3A_344 : i32 to vector<16xi32>
      %and3A_346 = arith.andi %add3A_340, %and3A_345 : vector<16xi32>
      tpu.vector_store_idx %arg13[%shift_right_arithmetic3A_343, %and3A_346], %add3A_296 : memref<600x128xi32, #tpu.memory_space<vmem>>[vector<16xi32>, vector<16xi32>], vector<16xi32>,
      %swap3A_347 = arith.constant 64 : i32
      %swap3A_348 = tpu.memref_slice %arg11[%swap3A_347] : memref<80xi32, #tpu.memory_space<vmem>> -> memref<16xi32, #tpu.memory_space<vmem>>
      %swap3A_349 = arith.constant 0 : index
      %swap3A_350 = tpu.vector_load %swap3A_348[%swap3A_349] {strides = array<i32>} : memref<16xi32, #tpu.memory_space<vmem>>, vector<16xi32>,
      tpu.vector_store %swap3A_348[%swap3A_349], %add3A_332 {strides = array<i32>} : memref<16xi32, #tpu.memory_space<vmem>>, vector<16xi32>,
      %gather3A_351 = arith.constant 64 : i32
      %gather3A_352 = tpu.memref_slice %arg11[%gather3A_351] : memref<80xi32, #tpu.memory_space<vmem>> -> memref<16xi32, #tpu.memory_space<vmem>>
      %gather3A_353 = tpu.vector_load_idx %gather3A_352[%broadcast_in_dim3A_38] : memref<16xi32, #tpu.memory_space<vmem>>[vector<16xi32>], vector<16xi32>,
      %shift_right_arithmetic3A_354 = arith.shrsi %gather3A_353, %min3A : vector<16xi32>
      %and3A_355 = arith.andi %shift_right_arithmetic3A_354, %broadcast_in_dim3A_44 : vector<16xi32>
      %add3A_356 = arith.addi %get3A_287, %and3A_355 : vector<16xi32>
      %swap3A_357 = arith.constant 0 : index
      %swap3A_358 = tpu.vector_load %arg10[%swap3A_357] {strides = array<i32>} : memref<16xi32, #tpu.memory_space<vmem>>, vector<16xi32>,
      tpu.vector_store %arg10[%swap3A_357], %add3A_356 {strides = array<i32>} : memref<16xi32, #tpu.memory_space<vmem>>, vector<16xi32>,
      %get3A_359 = arith.constant 16 : index
      %get3A_360 = tpu.vector_load %arg14[%get3A_359] {strides = array<i32>} : memref<256xi32, #tpu.memory_space<vmem>>, vector<16xi32>,
      %mul3A_361 = arith.constant 256 : i32
      %mul3A_362 = arith.muli %add3A_283, %mul3A_361 : i32
      %add3A_363 = arith.addi %mul3A_4, %mul3A_362 : i32
      %add3A_364 = arith.constant 16 : i32
      %add3A_365 = arith.addi %add3A_363, %add3A_364 : i32
      %add3A_366 = vector.broadcast %add3A_365 : i32 to vector<16xi32>
      %add3A_367 = arith.addi %add3A_366, %iota3A : vector<16xi32>
      %gather3A_368 = tpu.vector_load_idx %arg12[%get3A_360] : memref<16xi32, #tpu.memory_space<vmem>>[vector<16xi32>], vector<16xi32>,
      %swap3A_369 = arith.constant 0 : i32
      %swap3A_370 = tpu.memref_slice %arg11[%swap3A_369] : memref<80xi32, #tpu.memory_space<vmem>> -> memref<16xi32, #tpu.memory_space<vmem>>
      %swap3A_371 = arith.constant 0 : index
      %swap3A_372 = tpu.vector_load %swap3A_370[%swap3A_371] {strides = array<i32>} : memref<16xi32, #tpu.memory_space<vmem>>, vector<16xi32>,
      tpu.vector_store %swap3A_370[%swap3A_371], %gather3A_368 {strides = array<i32>} : memref<16xi32, #tpu.memory_space<vmem>>, vector<16xi32>,
      %gather3A_373 = arith.constant 0 : i32
      %gather3A_374 = tpu.memref_slice %arg11[%gather3A_373] : memref<80xi32, #tpu.memory_space<vmem>> -> memref<16xi32, #tpu.memory_space<vmem>>
      %gather3A_375 = tpu.vector_load_idx %gather3A_374[%max3A_8] : memref<16xi32, #tpu.memory_space<vmem>>[vector<16xi32>], vector<16xi32>,
      %select_n3A_376 = arith.select %ge3A_28, %gather3A_375, %broadcast_in_dim3A_40 : vector<16xi1>, vector<16xi32>
      %add3A_377 = arith.addi %gather3A_368, %select_n3A_376 : vector<16xi32>
      %swap3A_378 = arith.constant 16 : i32
      %swap3A_379 = tpu.memref_slice %arg11[%swap3A_378] : memref<80xi32, #tpu.memory_space<vmem>> -> memref<16xi32, #tpu.memory_space<vmem>>
      %swap3A_380 = arith.constant 0 : index
      %swap3A_381 = tpu.vector_load %swap3A_379[%swap3A_380] {strides = array<i32>} : memref<16xi32, #tpu.memory_space<vmem>>, vector<16xi32>,
      tpu.vector_store %swap3A_379[%swap3A_380], %add3A_377 {strides = array<i32>} : memref<16xi32, #tpu.memory_space<vmem>>, vector<16xi32>,
      %gather3A_382 = arith.constant 16 : i32
      %gather3A_383 = tpu.memref_slice %arg11[%gather3A_382] : memref<80xi32, #tpu.memory_space<vmem>> -> memref<16xi32, #tpu.memory_space<vmem>>
      %gather3A_384 = tpu.vector_load_idx %gather3A_383[%max3A_14] : memref<16xi32, #tpu.memory_space<vmem>>[vector<16xi32>], vector<16xi32>,
      %select_n3A_385 = arith.select %ge3A_31, %gather3A_384, %broadcast_in_dim3A_40 : vector<16xi1>, vector<16xi32>
      %add3A_386 = arith.addi %add3A_377, %select_n3A_385 : vector<16xi32>
      %swap3A_387 = arith.constant 32 : i32
      %swap3A_388 = tpu.memref_slice %arg11[%swap3A_387] : memref<80xi32, #tpu.memory_space<vmem>> -> memref<16xi32, #tpu.memory_space<vmem>>
      %swap3A_389 = arith.constant 0 : index
      %swap3A_390 = tpu.vector_load %swap3A_388[%swap3A_389] {strides = array<i32>} : memref<16xi32, #tpu.memory_space<vmem>>, vector<16xi32>,
      tpu.vector_store %swap3A_388[%swap3A_389], %add3A_386 {strides = array<i32>} : memref<16xi32, #tpu.memory_space<vmem>>, vector<16xi32>,
      %gather3A_391 = arith.constant 32 : i32
      %gather3A_392 = tpu.memref_slice %arg11[%gather3A_391] : memref<80xi32, #tpu.memory_space<vmem>> -> memref<16xi32, #tpu.memory_space<vmem>>
      %gather3A_393 = tpu.vector_load_idx %gather3A_392[%max3A_20] : memref<16xi32, #tpu.memory_space<vmem>>[vector<16xi32>], vector<16xi32>,
      %select_n3A_394 = arith.select %ge3A_34, %gather3A_393, %broadcast_in_dim3A_40 : vector<16xi1>, vector<16xi32>
      %add3A_395 = arith.addi %add3A_386, %select_n3A_394 : vector<16xi32>
      %swap3A_396 = arith.constant 48 : i32
      %swap3A_397 = tpu.memref_slice %arg11[%swap3A_396] : memref<80xi32, #tpu.memory_space<vmem>> -> memref<16xi32, #tpu.memory_space<vmem>>
      %swap3A_398 = arith.constant 0 : index
      %swap3A_399 = tpu.vector_load %swap3A_397[%swap3A_398] {strides = array<i32>} : memref<16xi32, #tpu.memory_space<vmem>>, vector<16xi32>,
      tpu.vector_store %swap3A_397[%swap3A_398], %add3A_395 {strides = array<i32>} : memref<16xi32, #tpu.memory_space<vmem>>, vector<16xi32>,
      %gather3A_400 = arith.constant 48 : i32
      %gather3A_401 = tpu.memref_slice %arg11[%gather3A_400] : memref<80xi32, #tpu.memory_space<vmem>> -> memref<16xi32, #tpu.memory_space<vmem>>
      %gather3A_402 = tpu.vector_load_idx %gather3A_401[%max3A_26] : memref<16xi32, #tpu.memory_space<vmem>>[vector<16xi32>], vector<16xi32>,
      %select_n3A_403 = arith.select %ge3A_37, %gather3A_402, %broadcast_in_dim3A_40 : vector<16xi1>, vector<16xi32>
      %add3A_404 = arith.addi %add3A_395, %select_n3A_403 : vector<16xi32>
      %mul3A_405 = arith.constant 5 : i32
      %mul3A_406 = vector.broadcast %mul3A_405 : i32 to vector<16xi32>
      %mul3A_407 = arith.muli %get3A_360, %mul3A_406 : vector<16xi32>
      %shift_right_arithmetic3A_408 = arith.shrsi %add3A_404, %mul3A_407 : vector<16xi32>
      %and3A_409 = arith.andi %shift_right_arithmetic3A_408, %broadcast_in_dim3A_44 : vector<16xi32>
      %sub3A_410 = arith.subi %and3A_409, %broadcast_in_dim3A_42 : vector<16xi32>
      %gather3A_411 = tpu.vector_load_idx %arg10[%get3A_360] : memref<16xi32, #tpu.memory_space<vmem>>[vector<16xi32>], vector<16xi32>,
      %add3A_412 = arith.addi %gather3A_411, %sub3A_410 : vector<16xi32>
      %shift_right_arithmetic3A_413 = arith.constant 7 : i32
      %shift_right_arithmetic3A_414 = vector.broadcast %shift_right_arithmetic3A_413 : i32 to vector<16xi32>
      %shift_right_arithmetic3A_415 = arith.shrsi %add3A_412, %shift_right_arithmetic3A_414 : vector<16xi32>
      %and3A_416 = arith.constant 127 : i32
      %and3A_417 = vector.broadcast %and3A_416 : i32 to vector<16xi32>
      %and3A_418 = arith.andi %add3A_412, %and3A_417 : vector<16xi32>
      tpu.vector_store_idx %arg13[%shift_right_arithmetic3A_415, %and3A_418], %add3A_367 : memref<600x128xi32, #tpu.memory_space<vmem>>[vector<16xi32>, vector<16xi32>], vector<16xi32>,
      %swap3A_419 = arith.constant 64 : i32
      %swap3A_420 = tpu.memref_slice %arg11[%swap3A_419] : memref<80xi32, #tpu.memory_space<vmem>> -> memref<16xi32, #tpu.memory_space<vmem>>
      %swap3A_421 = arith.constant 0 : index
      %swap3A_422 = tpu.vector_load %swap3A_420[%swap3A_421] {strides = array<i32>} : memref<16xi32, #tpu.memory_space<vmem>>, vector<16xi32>,
      tpu.vector_store %swap3A_420[%swap3A_421], %add3A_404 {strides = array<i32>} : memref<16xi32, #tpu.memory_space<vmem>>, vector<16xi32>,
      %gather3A_423 = arith.constant 64 : i32
      %gather3A_424 = tpu.memref_slice %arg11[%gather3A_423] : memref<80xi32, #tpu.memory_space<vmem>> -> memref<16xi32, #tpu.memory_space<vmem>>
      %gather3A_425 = tpu.vector_load_idx %gather3A_424[%broadcast_in_dim3A_38] : memref<16xi32, #tpu.memory_space<vmem>>[vector<16xi32>], vector<16xi32>,
      %shift_right_arithmetic3A_426 = arith.shrsi %gather3A_425, %min3A : vector<16xi32>
      %and3A_427 = arith.andi %shift_right_arithmetic3A_426, %broadcast_in_dim3A_44 : vector<16xi32>
      %add3A_428 = arith.addi %add3A_356, %and3A_427 : vector<16xi32>
      %swap3A_429 = arith.constant 0 : index
      %swap3A_430 = tpu.vector_load %arg10[%swap3A_429] {strides = array<i32>} : memref<16xi32, #tpu.memory_space<vmem>>, vector<16xi32>,
      tpu.vector_store %arg10[%swap3A_429], %add3A_428 {strides = array<i32>} : memref<16xi32, #tpu.memory_space<vmem>>, vector<16xi32>,
      %get3A_431 = arith.constant 32 : index
      %get3A_432 = tpu.vector_load %arg14[%get3A_431] {strides = array<i32>} : memref<256xi32, #tpu.memory_space<vmem>>, vector<16xi32>,
      %mul3A_433 = arith.constant 256 : i32
      %mul3A_434 = arith.muli %add3A_283, %mul3A_433 : i32
      %add3A_435 = arith.addi %mul3A_4, %mul3A_434 : i32
      %add3A_436 = arith.constant 32 : i32
      %add3A_437 = arith.addi %add3A_435, %add3A_436 : i32
      %add3A_438 = vector.broadcast %add3A_437 : i32 to vector<16xi32>
      %add3A_439 = arith.addi %add3A_438, %iota3A : vector<16xi32>
      %gather3A_440 = tpu.vector_load_idx %arg12[%get3A_432] : memref<16xi32, #tpu.memory_space<vmem>>[vector<16xi32>], vector<16xi32>,
      %swap3A_441 = arith.constant 0 : i32
      %swap3A_442 = tpu.memref_slice %arg11[%swap3A_441] : memref<80xi32, #tpu.memory_space<vmem>> -> memref<16xi32, #tpu.memory_space<vmem>>
      %swap3A_443 = arith.constant 0 : index
      %swap3A_444 = tpu.vector_load %swap3A_442[%swap3A_443] {strides = array<i32>} : memref<16xi32, #tpu.memory_space<vmem>>, vector<16xi32>,
      tpu.vector_store %swap3A_442[%swap3A_443], %gather3A_440 {strides = array<i32>} : memref<16xi32, #tpu.memory_space<vmem>>, vector<16xi32>,
      %gather3A_445 = arith.constant 0 : i32
      %gather3A_446 = tpu.memref_slice %arg11[%gather3A_445] : memref<80xi32, #tpu.memory_space<vmem>> -> memref<16xi32, #tpu.memory_space<vmem>>
      %gather3A_447 = tpu.vector_load_idx %gather3A_446[%max3A_8] : memref<16xi32, #tpu.memory_space<vmem>>[vector<16xi32>], vector<16xi32>,
      %select_n3A_448 = arith.select %ge3A_28, %gather3A_447, %broadcast_in_dim3A_40 : vector<16xi1>, vector<16xi32>
      %add3A_449 = arith.addi %gather3A_440, %select_n3A_448 : vector<16xi32>
      %swap3A_450 = arith.constant 16 : i32
      %swap3A_451 = tpu.memref_slice %arg11[%swap3A_450] : memref<80xi32, #tpu.memory_space<vmem>> -> memref<16xi32, #tpu.memory_space<vmem>>
      %swap3A_452 = arith.constant 0 : index
      %swap3A_453 = tpu.vector_load %swap3A_451[%swap3A_452] {strides = array<i32>} : memref<16xi32, #tpu.memory_space<vmem>>, vector<16xi32>,
      tpu.vector_store %swap3A_451[%swap3A_452], %add3A_449 {strides = array<i32>} : memref<16xi32, #tpu.memory_space<vmem>>, vector<16xi32>,
      %gather3A_454 = arith.constant 16 : i32
      %gather3A_455 = tpu.memref_slice %arg11[%gather3A_454] : memref<80xi32, #tpu.memory_space<vmem>> -> memref<16xi32, #tpu.memory_space<vmem>>
      %gather3A_456 = tpu.vector_load_idx %gather3A_455[%max3A_14] : memref<16xi32, #tpu.memory_space<vmem>>[vector<16xi32>], vector<16xi32>,
      %select_n3A_457 = arith.select %ge3A_31, %gather3A_456, %broadcast_in_dim3A_40 : vector<16xi1>, vector<16xi32>
      %add3A_458 = arith.addi %add3A_449, %select_n3A_457 : vector<16xi32>
      %swap3A_459 = arith.constant 32 : i32
      %swap3A_460 = tpu.memref_slice %arg11[%swap3A_459] : memref<80xi32, #tpu.memory_space<vmem>> -> memref<16xi32, #tpu.memory_space<vmem>>
      %swap3A_461 = arith.constant 0 : index
      %swap3A_462 = tpu.vector_load %swap3A_460[%swap3A_461] {strides = array<i32>} : memref<16xi32, #tpu.memory_space<vmem>>, vector<16xi32>,
      tpu.vector_store %swap3A_460[%swap3A_461], %add3A_458 {strides = array<i32>} : memref<16xi32, #tpu.memory_space<vmem>>, vector<16xi32>,
      %gather3A_463 = arith.constant 32 : i32
      %gather3A_464 = tpu.memref_slice %arg11[%gather3A_463] : memref<80xi32, #tpu.memory_space<vmem>> -> memref<16xi32, #tpu.memory_space<vmem>>
      %gather3A_465 = tpu.vector_load_idx %gather3A_464[%max3A_20] : memref<16xi32, #tpu.memory_space<vmem>>[vector<16xi32>], vector<16xi32>,
      %select_n3A_466 = arith.select %ge3A_34, %gather3A_465, %broadcast_in_dim3A_40 : vector<16xi1>, vector<16xi32>
      %add3A_467 = arith.addi %add3A_458, %select_n3A_466 : vector<16xi32>
      %swap3A_468 = arith.constant 48 : i32
      %swap3A_469 = tpu.memref_slice %arg11[%swap3A_468] : memref<80xi32, #tpu.memory_space<vmem>> -> memref<16xi32, #tpu.memory_space<vmem>>
      %swap3A_470 = arith.constant 0 : index
      %swap3A_471 = tpu.vector_load %swap3A_469[%swap3A_470] {strides = array<i32>} : memref<16xi32, #tpu.memory_space<vmem>>, vector<16xi32>,
      tpu.vector_store %swap3A_469[%swap3A_470], %add3A_467 {strides = array<i32>} : memref<16xi32, #tpu.memory_space<vmem>>, vector<16xi32>,
      %gather3A_472 = arith.constant 48 : i32
      %gather3A_473 = tpu.memref_slice %arg11[%gather3A_472] : memref<80xi32, #tpu.memory_space<vmem>> -> memref<16xi32, #tpu.memory_space<vmem>>
      %gather3A_474 = tpu.vector_load_idx %gather3A_473[%max3A_26] : memref<16xi32, #tpu.memory_space<vmem>>[vector<16xi32>], vector<16xi32>,
      %select_n3A_475 = arith.select %ge3A_37, %gather3A_474, %broadcast_in_dim3A_40 : vector<16xi1>, vector<16xi32>
      %add3A_476 = arith.addi %add3A_467, %select_n3A_475 : vector<16xi32>
      %mul3A_477 = arith.constant 5 : i32
      %mul3A_478 = vector.broadcast %mul3A_477 : i32 to vector<16xi32>
      %mul3A_479 = arith.muli %get3A_432, %mul3A_478 : vector<16xi32>
      %shift_right_arithmetic3A_480 = arith.shrsi %add3A_476, %mul3A_479 : vector<16xi32>
      %and3A_481 = arith.andi %shift_right_arithmetic3A_480, %broadcast_in_dim3A_44 : vector<16xi32>
      %sub3A_482 = arith.subi %and3A_481, %broadcast_in_dim3A_42 : vector<16xi32>
      %gather3A_483 = tpu.vector_load_idx %arg10[%get3A_432] : memref<16xi32, #tpu.memory_space<vmem>>[vector<16xi32>], vector<16xi32>,
      %add3A_484 = arith.addi %gather3A_483, %sub3A_482 : vector<16xi32>
      %shift_right_arithmetic3A_485 = arith.constant 7 : i32
      %shift_right_arithmetic3A_486 = vector.broadcast %shift_right_arithmetic3A_485 : i32 to vector<16xi32>
      %shift_right_arithmetic3A_487 = arith.shrsi %add3A_484, %shift_right_arithmetic3A_486 : vector<16xi32>
      %and3A_488 = arith.constant 127 : i32
      %and3A_489 = vector.broadcast %and3A_488 : i32 to vector<16xi32>
      %and3A_490 = arith.andi %add3A_484, %and3A_489 : vector<16xi32>
      tpu.vector_store_idx %arg13[%shift_right_arithmetic3A_487, %and3A_490], %add3A_439 : memref<600x128xi32, #tpu.memory_space<vmem>>[vector<16xi32>, vector<16xi32>], vector<16xi32>,
      %swap3A_491 = arith.constant 64 : i32
      %swap3A_492 = tpu.memref_slice %arg11[%swap3A_491] : memref<80xi32, #tpu.memory_space<vmem>> -> memref<16xi32, #tpu.memory_space<vmem>>
      %swap3A_493 = arith.constant 0 : index
      %swap3A_494 = tpu.vector_load %swap3A_492[%swap3A_493] {strides = array<i32>} : memref<16xi32, #tpu.memory_space<vmem>>, vector<16xi32>,
      tpu.vector_store %swap3A_492[%swap3A_493], %add3A_476 {strides = array<i32>} : memref<16xi32, #tpu.memory_space<vmem>>, vector<16xi32>,
      %gather3A_495 = arith.constant 64 : i32
      %gather3A_496 = tpu.memref_slice %arg11[%gather3A_495] : memref<80xi32, #tpu.memory_space<vmem>> -> memref<16xi32, #tpu.memory_space<vmem>>
      %gather3A_497 = tpu.vector_load_idx %gather3A_496[%broadcast_in_dim3A_38] : memref<16xi32, #tpu.memory_space<vmem>>[vector<16xi32>], vector<16xi32>,
      %shift_right_arithmetic3A_498 = arith.shrsi %gather3A_497, %min3A : vector<16xi32>
      %and3A_499 = arith.andi %shift_right_arithmetic3A_498, %broadcast_in_dim3A_44 : vector<16xi32>
      %add3A_500 = arith.addi %add3A_428, %and3A_499 : vector<16xi32>
      %swap3A_501 = arith.constant 0 : index
      %swap3A_502 = tpu.vector_load %arg10[%swap3A_501] {strides = array<i32>} : memref<16xi32, #tpu.memory_space<vmem>>, vector<16xi32>,
      tpu.vector_store %arg10[%swap3A_501], %add3A_500 {strides = array<i32>} : memref<16xi32, #tpu.memory_space<vmem>>, vector<16xi32>,
      %get3A_503 = arith.constant 48 : index
      %get3A_504 = tpu.vector_load %arg14[%get3A_503] {strides = array<i32>} : memref<256xi32, #tpu.memory_space<vmem>>, vector<16xi32>,
      %mul3A_505 = arith.constant 256 : i32
      %mul3A_506 = arith.muli %add3A_283, %mul3A_505 : i32
      %add3A_507 = arith.addi %mul3A_4, %mul3A_506 : i32
      %add3A_508 = arith.constant 48 : i32
      %add3A_509 = arith.addi %add3A_507, %add3A_508 : i32
      %add3A_510 = vector.broadcast %add3A_509 : i32 to vector<16xi32>
      %add3A_511 = arith.addi %add3A_510, %iota3A : vector<16xi32>
      %gather3A_512 = tpu.vector_load_idx %arg12[%get3A_504] : memref<16xi32, #tpu.memory_space<vmem>>[vector<16xi32>], vector<16xi32>,
      %swap3A_513 = arith.constant 0 : i32
      %swap3A_514 = tpu.memref_slice %arg11[%swap3A_513] : memref<80xi32, #tpu.memory_space<vmem>> -> memref<16xi32, #tpu.memory_space<vmem>>
      %swap3A_515 = arith.constant 0 : index
      %swap3A_516 = tpu.vector_load %swap3A_514[%swap3A_515] {strides = array<i32>} : memref<16xi32, #tpu.memory_space<vmem>>, vector<16xi32>,
      tpu.vector_store %swap3A_514[%swap3A_515], %gather3A_512 {strides = array<i32>} : memref<16xi32, #tpu.memory_space<vmem>>, vector<16xi32>,
      %gather3A_517 = arith.constant 0 : i32
      %gather3A_518 = tpu.memref_slice %arg11[%gather3A_517] : memref<80xi32, #tpu.memory_space<vmem>> -> memref<16xi32, #tpu.memory_space<vmem>>
      %gather3A_519 = tpu.vector_load_idx %gather3A_518[%max3A_8] : memref<16xi32, #tpu.memory_space<vmem>>[vector<16xi32>], vector<16xi32>,
      %select_n3A_520 = arith.select %ge3A_28, %gather3A_519, %broadcast_in_dim3A_40 : vector<16xi1>, vector<16xi32>
      %add3A_521 = arith.addi %gather3A_512, %select_n3A_520 : vector<16xi32>
      %swap3A_522 = arith.constant 16 : i32
      %swap3A_523 = tpu.memref_slice %arg11[%swap3A_522] : memref<80xi32, #tpu.memory_space<vmem>> -> memref<16xi32, #tpu.memory_space<vmem>>
      %swap3A_524 = arith.constant 0 : index
      %swap3A_525 = tpu.vector_load %swap3A_523[%swap3A_524] {strides = array<i32>} : memref<16xi32, #tpu.memory_space<vmem>>, vector<16xi32>,
      tpu.vector_store %swap3A_523[%swap3A_524], %add3A_521 {strides = array<i32>} : memref<16xi32, #tpu.memory_space<vmem>>, vector<16xi32>,
      %gather3A_526 = arith.constant 16 : i32
      %gather3A_527 = tpu.memref_slice %arg11[%gather3A_526] : memref<80xi32, #tpu.memory_space<vmem>> -> memref<16xi32, #tpu.memory_space<vmem>>
      %gather3A_528 = tpu.vector_load_idx %gather3A_527[%max3A_14] : memref<16xi32, #tpu.memory_space<vmem>>[vector<16xi32>], vector<16xi32>,
      %select_n3A_529 = arith.select %ge3A_31, %gather3A_528, %broadcast_in_dim3A_40 : vector<16xi1>, vector<16xi32>
      %add3A_530 = arith.addi %add3A_521, %select_n3A_529 : vector<16xi32>
      %swap3A_531 = arith.constant 32 : i32
      %swap3A_532 = tpu.memref_slice %arg11[%swap3A_531] : memref<80xi32, #tpu.memory_space<vmem>> -> memref<16xi32, #tpu.memory_space<vmem>>
      %swap3A_533 = arith.constant 0 : index
      %swap3A_534 = tpu.vector_load %swap3A_532[%swap3A_533] {strides = array<i32>} : memref<16xi32, #tpu.memory_space<vmem>>, vector<16xi32>,
      tpu.vector_store %swap3A_532[%swap3A_533], %add3A_530 {strides = array<i32>} : memref<16xi32, #tpu.memory_space<vmem>>, vector<16xi32>,
      %gather3A_535 = arith.constant 32 : i32
      %gather3A_536 = tpu.memref_slice %arg11[%gather3A_535] : memref<80xi32, #tpu.memory_space<vmem>> -> memref<16xi32, #tpu.memory_space<vmem>>
      %gather3A_537 = tpu.vector_load_idx %gather3A_536[%max3A_20] : memref<16xi32, #tpu.memory_space<vmem>>[vector<16xi32>], vector<16xi32>,
      %select_n3A_538 = arith.select %ge3A_34, %gather3A_537, %broadcast_in_dim3A_40 : vector<16xi1>, vector<16xi32>
      %add3A_539 = arith.addi %add3A_530, %select_n3A_538 : vector<16xi32>
      %swap3A_540 = arith.constant 48 : i32
      %swap3A_541 = tpu.memref_slice %arg11[%swap3A_540] : memref<80xi32, #tpu.memory_space<vmem>> -> memref<16xi32, #tpu.memory_space<vmem>>
      %swap3A_542 = arith.constant 0 : index
      %swap3A_543 = tpu.vector_load %swap3A_541[%swap3A_542] {strides = array<i32>} : memref<16xi32, #tpu.memory_space<vmem>>, vector<16xi32>,
      tpu.vector_store %swap3A_541[%swap3A_542], %add3A_539 {strides = array<i32>} : memref<16xi32, #tpu.memory_space<vmem>>, vector<16xi32>,
      %gather3A_544 = arith.constant 48 : i32
      %gather3A_545 = tpu.memref_slice %arg11[%gather3A_544] : memref<80xi32, #tpu.memory_space<vmem>> -> memref<16xi32, #tpu.memory_space<vmem>>
      %gather3A_546 = tpu.vector_load_idx %gather3A_545[%max3A_26] : memref<16xi32, #tpu.memory_space<vmem>>[vector<16xi32>], vector<16xi32>,
      %select_n3A_547 = arith.select %ge3A_37, %gather3A_546, %broadcast_in_dim3A_40 : vector<16xi1>, vector<16xi32>
      %add3A_548 = arith.addi %add3A_539, %select_n3A_547 : vector<16xi32>
      %mul3A_549 = arith.constant 5 : i32
      %mul3A_550 = vector.broadcast %mul3A_549 : i32 to vector<16xi32>
      %mul3A_551 = arith.muli %get3A_504, %mul3A_550 : vector<16xi32>
      %shift_right_arithmetic3A_552 = arith.shrsi %add3A_548, %mul3A_551 : vector<16xi32>
      %and3A_553 = arith.andi %shift_right_arithmetic3A_552, %broadcast_in_dim3A_44 : vector<16xi32>
      %sub3A_554 = arith.subi %and3A_553, %broadcast_in_dim3A_42 : vector<16xi32>
      %gather3A_555 = tpu.vector_load_idx %arg10[%get3A_504] : memref<16xi32, #tpu.memory_space<vmem>>[vector<16xi32>], vector<16xi32>,
      %add3A_556 = arith.addi %gather3A_555, %sub3A_554 : vector<16xi32>
      %shift_right_arithmetic3A_557 = arith.constant 7 : i32
      %shift_right_arithmetic3A_558 = vector.broadcast %shift_right_arithmetic3A_557 : i32 to vector<16xi32>
      %shift_right_arithmetic3A_559 = arith.shrsi %add3A_556, %shift_right_arithmetic3A_558 : vector<16xi32>
      %and3A_560 = arith.constant 127 : i32
      %and3A_561 = vector.broadcast %and3A_560 : i32 to vector<16xi32>
      %and3A_562 = arith.andi %add3A_556, %and3A_561 : vector<16xi32>
      tpu.vector_store_idx %arg13[%shift_right_arithmetic3A_559, %and3A_562], %add3A_511 : memref<600x128xi32, #tpu.memory_space<vmem>>[vector<16xi32>, vector<16xi32>], vector<16xi32>,
      %swap3A_563 = arith.constant 64 : i32
      %swap3A_564 = tpu.memref_slice %arg11[%swap3A_563] : memref<80xi32, #tpu.memory_space<vmem>> -> memref<16xi32, #tpu.memory_space<vmem>>
      %swap3A_565 = arith.constant 0 : index
      %swap3A_566 = tpu.vector_load %swap3A_564[%swap3A_565] {strides = array<i32>} : memref<16xi32, #tpu.memory_space<vmem>>, vector<16xi32>,
      tpu.vector_store %swap3A_564[%swap3A_565], %add3A_548 {strides = array<i32>} : memref<16xi32, #tpu.memory_space<vmem>>, vector<16xi32>,
      %gather3A_567 = arith.constant 64 : i32
      %gather3A_568 = tpu.memref_slice %arg11[%gather3A_567] : memref<80xi32, #tpu.memory_space<vmem>> -> memref<16xi32, #tpu.memory_space<vmem>>
      %gather3A_569 = tpu.vector_load_idx %gather3A_568[%broadcast_in_dim3A_38] : memref<16xi32, #tpu.memory_space<vmem>>[vector<16xi32>], vector<16xi32>,
      %shift_right_arithmetic3A_570 = arith.shrsi %gather3A_569, %min3A : vector<16xi32>
      %and3A_571 = arith.andi %shift_right_arithmetic3A_570, %broadcast_in_dim3A_44 : vector<16xi32>
      %add3A_572 = arith.addi %add3A_500, %and3A_571 : vector<16xi32>
      %swap3A_573 = arith.constant 0 : index
      %swap3A_574 = tpu.vector_load %arg10[%swap3A_573] {strides = array<i32>} : memref<16xi32, #tpu.memory_space<vmem>>, vector<16xi32>,
      tpu.vector_store %arg10[%swap3A_573], %add3A_572 {strides = array<i32>} : memref<16xi32, #tpu.memory_space<vmem>>, vector<16xi32>,
      %get3A_575 = arith.constant 64 : index
      %get3A_576 = tpu.vector_load %arg14[%get3A_575] {strides = array<i32>} : memref<256xi32, #tpu.memory_space<vmem>>, vector<16xi32>,
      %mul3A_577 = arith.constant 256 : i32
      %mul3A_578 = arith.muli %add3A_283, %mul3A_577 : i32
      %add3A_579 = arith.addi %mul3A_4, %mul3A_578 : i32
      %add3A_580 = arith.constant 64 : i32
      %add3A_581 = arith.addi %add3A_579, %add3A_580 : i32
      %add3A_582 = vector.broadcast %add3A_581 : i32 to vector<16xi32>
      %add3A_583 = arith.addi %add3A_582, %iota3A : vector<16xi32>
      %gather3A_584 = tpu.vector_load_idx %arg12[%get3A_576] : memref<16xi32, #tpu.memory_space<vmem>>[vector<16xi32>], vector<16xi32>,
      %swap3A_585 = arith.constant 0 : i32
      %swap3A_586 = tpu.memref_slice %arg11[%swap3A_585] : memref<80xi32, #tpu.memory_space<vmem>> -> memref<16xi32, #tpu.memory_space<vmem>>
      %swap3A_587 = arith.constant 0 : index
      %swap3A_588 = tpu.vector_load %swap3A_586[%swap3A_587] {strides = array<i32>} : memref<16xi32, #tpu.memory_space<vmem>>, vector<16xi32>,
      tpu.vector_store %swap3A_586[%swap3A_587], %gather3A_584 {strides = array<i32>} : memref<16xi32, #tpu.memory_space<vmem>>, vector<16xi32>,
      %gather3A_589 = arith.constant 0 : i32
      %gather3A_590 = tpu.memref_slice %arg11[%gather3A_589] : memref<80xi32, #tpu.memory_space<vmem>> -> memref<16xi32, #tpu.memory_space<vmem>>
      %gather3A_591 = tpu.vector_load_idx %gather3A_590[%max3A_8] : memref<16xi32, #tpu.memory_space<vmem>>[vector<16xi32>], vector<16xi32>,
      %select_n3A_592 = arith.select %ge3A_28, %gather3A_591, %broadcast_in_dim3A_40 : vector<16xi1>, vector<16xi32>
      %add3A_593 = arith.addi %gather3A_584, %select_n3A_592 : vector<16xi32>
      %swap3A_594 = arith.constant 16 : i32
      %swap3A_595 = tpu.memref_slice %arg11[%swap3A_594] : memref<80xi32, #tpu.memory_space<vmem>> -> memref<16xi32, #tpu.memory_space<vmem>>
      %swap3A_596 = arith.constant 0 : index
      %swap3A_597 = tpu.vector_load %swap3A_595[%swap3A_596] {strides = array<i32>} : memref<16xi32, #tpu.memory_space<vmem>>, vector<16xi32>,
      tpu.vector_store %swap3A_595[%swap3A_596], %add3A_593 {strides = array<i32>} : memref<16xi32, #tpu.memory_space<vmem>>, vector<16xi32>,
      %gather3A_598 = arith.constant 16 : i32
      %gather3A_599 = tpu.memref_slice %arg11[%gather3A_598] : memref<80xi32, #tpu.memory_space<vmem>> -> memref<16xi32, #tpu.memory_space<vmem>>
      %gather3A_600 = tpu.vector_load_idx %gather3A_599[%max3A_14] : memref<16xi32, #tpu.memory_space<vmem>>[vector<16xi32>], vector<16xi32>,
      %select_n3A_601 = arith.select %ge3A_31, %gather3A_600, %broadcast_in_dim3A_40 : vector<16xi1>, vector<16xi32>
      %add3A_602 = arith.addi %add3A_593, %select_n3A_601 : vector<16xi32>
      %swap3A_603 = arith.constant 32 : i32
      %swap3A_604 = tpu.memref_slice %arg11[%swap3A_603] : memref<80xi32, #tpu.memory_space<vmem>> -> memref<16xi32, #tpu.memory_space<vmem>>
      %swap3A_605 = arith.constant 0 : index
      %swap3A_606 = tpu.vector_load %swap3A_604[%swap3A_605] {strides = array<i32>} : memref<16xi32, #tpu.memory_space<vmem>>, vector<16xi32>,
      tpu.vector_store %swap3A_604[%swap3A_605], %add3A_602 {strides = array<i32>} : memref<16xi32, #tpu.memory_space<vmem>>, vector<16xi32>,
      %gather3A_607 = arith.constant 32 : i32
      %gather3A_608 = tpu.memref_slice %arg11[%gather3A_607] : memref<80xi32, #tpu.memory_space<vmem>> -> memref<16xi32, #tpu.memory_space<vmem>>
      %gather3A_609 = tpu.vector_load_idx %gather3A_608[%max3A_20] : memref<16xi32, #tpu.memory_space<vmem>>[vector<16xi32>], vector<16xi32>,
      %select_n3A_610 = arith.select %ge3A_34, %gather3A_609, %broadcast_in_dim3A_40 : vector<16xi1>, vector<16xi32>
      %add3A_611 = arith.addi %add3A_602, %select_n3A_610 : vector<16xi32>
      %swap3A_612 = arith.constant 48 : i32
      %swap3A_613 = tpu.memref_slice %arg11[%swap3A_612] : memref<80xi32, #tpu.memory_space<vmem>> -> memref<16xi32, #tpu.memory_space<vmem>>
      %swap3A_614 = arith.constant 0 : index
      %swap3A_615 = tpu.vector_load %swap3A_613[%swap3A_614] {strides = array<i32>} : memref<16xi32, #tpu.memory_space<vmem>>, vector<16xi32>,
      tpu.vector_store %swap3A_613[%swap3A_614], %add3A_611 {strides = array<i32>} : memref<16xi32, #tpu.memory_space<vmem>>, vector<16xi32>,
      %gather3A_616 = arith.constant 48 : i32
      %gather3A_617 = tpu.memref_slice %arg11[%gather3A_616] : memref<80xi32, #tpu.memory_space<vmem>> -> memref<16xi32, #tpu.memory_space<vmem>>
      %gather3A_618 = tpu.vector_load_idx %gather3A_617[%max3A_26] : memref<16xi32, #tpu.memory_space<vmem>>[vector<16xi32>], vector<16xi32>,
      %select_n3A_619 = arith.select %ge3A_37, %gather3A_618, %broadcast_in_dim3A_40 : vector<16xi1>, vector<16xi32>
      %add3A_620 = arith.addi %add3A_611, %select_n3A_619 : vector<16xi32>
      %mul3A_621 = arith.constant 5 : i32
      %mul3A_622 = vector.broadcast %mul3A_621 : i32 to vector<16xi32>
      %mul3A_623 = arith.muli %get3A_576, %mul3A_622 : vector<16xi32>
      %shift_right_arithmetic3A_624 = arith.shrsi %add3A_620, %mul3A_623 : vector<16xi32>
      %and3A_625 = arith.andi %shift_right_arithmetic3A_624, %broadcast_in_dim3A_44 : vector<16xi32>
      %sub3A_626 = arith.subi %and3A_625, %broadcast_in_dim3A_42 : vector<16xi32>
      %gather3A_627 = tpu.vector_load_idx %arg10[%get3A_576] : memref<16xi32, #tpu.memory_space<vmem>>[vector<16xi32>], vector<16xi32>,
      %add3A_628 = arith.addi %gather3A_627, %sub3A_626 : vector<16xi32>
      %shift_right_arithmetic3A_629 = arith.constant 7 : i32
      %shift_right_arithmetic3A_630 = vector.broadcast %shift_right_arithmetic3A_629 : i32 to vector<16xi32>
      %shift_right_arithmetic3A_631 = arith.shrsi %add3A_628, %shift_right_arithmetic3A_630 : vector<16xi32>
      %and3A_632 = arith.constant 127 : i32
      %and3A_633 = vector.broadcast %and3A_632 : i32 to vector<16xi32>
      %and3A_634 = arith.andi %add3A_628, %and3A_633 : vector<16xi32>
      tpu.vector_store_idx %arg13[%shift_right_arithmetic3A_631, %and3A_634], %add3A_583 : memref<600x128xi32, #tpu.memory_space<vmem>>[vector<16xi32>, vector<16xi32>], vector<16xi32>,
      %swap3A_635 = arith.constant 64 : i32
      %swap3A_636 = tpu.memref_slice %arg11[%swap3A_635] : memref<80xi32, #tpu.memory_space<vmem>> -> memref<16xi32, #tpu.memory_space<vmem>>
      %swap3A_637 = arith.constant 0 : index
      %swap3A_638 = tpu.vector_load %swap3A_636[%swap3A_637] {strides = array<i32>} : memref<16xi32, #tpu.memory_space<vmem>>, vector<16xi32>,
      tpu.vector_store %swap3A_636[%swap3A_637], %add3A_620 {strides = array<i32>} : memref<16xi32, #tpu.memory_space<vmem>>, vector<16xi32>,
      %gather3A_639 = arith.constant 64 : i32
      %gather3A_640 = tpu.memref_slice %arg11[%gather3A_639] : memref<80xi32, #tpu.memory_space<vmem>> -> memref<16xi32, #tpu.memory_space<vmem>>
      %gather3A_641 = tpu.vector_load_idx %gather3A_640[%broadcast_in_dim3A_38] : memref<16xi32, #tpu.memory_space<vmem>>[vector<16xi32>], vector<16xi32>,
      %shift_right_arithmetic3A_642 = arith.shrsi %gather3A_641, %min3A : vector<16xi32>
      %and3A_643 = arith.andi %shift_right_arithmetic3A_642, %broadcast_in_dim3A_44 : vector<16xi32>
      %add3A_644 = arith.addi %add3A_572, %and3A_643 : vector<16xi32>
      %swap3A_645 = arith.constant 0 : index
      %swap3A_646 = tpu.vector_load %arg10[%swap3A_645] {strides = array<i32>} : memref<16xi32, #tpu.memory_space<vmem>>, vector<16xi32>,
      tpu.vector_store %arg10[%swap3A_645], %add3A_644 {strides = array<i32>} : memref<16xi32, #tpu.memory_space<vmem>>, vector<16xi32>,
      %get3A_647 = arith.constant 80 : index
      %get3A_648 = tpu.vector_load %arg14[%get3A_647] {strides = array<i32>} : memref<256xi32, #tpu.memory_space<vmem>>, vector<16xi32>,
      %mul3A_649 = arith.constant 256 : i32
      %mul3A_650 = arith.muli %add3A_283, %mul3A_649 : i32
      %add3A_651 = arith.addi %mul3A_4, %mul3A_650 : i32
      %add3A_652 = arith.constant 80 : i32
      %add3A_653 = arith.addi %add3A_651, %add3A_652 : i32
      %add3A_654 = vector.broadcast %add3A_653 : i32 to vector<16xi32>
      %add3A_655 = arith.addi %add3A_654, %iota3A : vector<16xi32>
      %gather3A_656 = tpu.vector_load_idx %arg12[%get3A_648] : memref<16xi32, #tpu.memory_space<vmem>>[vector<16xi32>], vector<16xi32>,
      %swap3A_657 = arith.constant 0 : i32
      %swap3A_658 = tpu.memref_slice %arg11[%swap3A_657] : memref<80xi32, #tpu.memory_space<vmem>> -> memref<16xi32, #tpu.memory_space<vmem>>
      %swap3A_659 = arith.constant 0 : index
      %swap3A_660 = tpu.vector_load %swap3A_658[%swap3A_659] {strides = array<i32>} : memref<16xi32, #tpu.memory_space<vmem>>, vector<16xi32>,
      tpu.vector_store %swap3A_658[%swap3A_659], %gather3A_656 {strides = array<i32>} : memref<16xi32, #tpu.memory_space<vmem>>, vector<16xi32>,
      %gather3A_661 = arith.constant 0 : i32
      %gather3A_662 = tpu.memref_slice %arg11[%gather3A_661] : memref<80xi32, #tpu.memory_space<vmem>> -> memref<16xi32, #tpu.memory_space<vmem>>
      %gather3A_663 = tpu.vector_load_idx %gather3A_662[%max3A_8] : memref<16xi32, #tpu.memory_space<vmem>>[vector<16xi32>], vector<16xi32>,
      %select_n3A_664 = arith.select %ge3A_28, %gather3A_663, %broadcast_in_dim3A_40 : vector<16xi1>, vector<16xi32>
      %add3A_665 = arith.addi %gather3A_656, %select_n3A_664 : vector<16xi32>
      %swap3A_666 = arith.constant 16 : i32
      %swap3A_667 = tpu.memref_slice %arg11[%swap3A_666] : memref<80xi32, #tpu.memory_space<vmem>> -> memref<16xi32, #tpu.memory_space<vmem>>
      %swap3A_668 = arith.constant 0 : index
      %swap3A_669 = tpu.vector_load %swap3A_667[%swap3A_668] {strides = array<i32>} : memref<16xi32, #tpu.memory_space<vmem>>, vector<16xi32>,
      tpu.vector_store %swap3A_667[%swap3A_668], %add3A_665 {strides = array<i32>} : memref<16xi32, #tpu.memory_space<vmem>>, vector<16xi32>,
      %gather3A_670 = arith.constant 16 : i32
      %gather3A_671 = tpu.memref_slice %arg11[%gather3A_670] : memref<80xi32, #tpu.memory_space<vmem>> -> memref<16xi32, #tpu.memory_space<vmem>>
      %gather3A_672 = tpu.vector_load_idx %gather3A_671[%max3A_14] : memref<16xi32, #tpu.memory_space<vmem>>[vector<16xi32>], vector<16xi32>,
      %select_n3A_673 = arith.select %ge3A_31, %gather3A_672, %broadcast_in_dim3A_40 : vector<16xi1>, vector<16xi32>
      %add3A_674 = arith.addi %add3A_665, %select_n3A_673 : vector<16xi32>
      %swap3A_675 = arith.constant 32 : i32
      %swap3A_676 = tpu.memref_slice %arg11[%swap3A_675] : memref<80xi32, #tpu.memory_space<vmem>> -> memref<16xi32, #tpu.memory_space<vmem>>
      %swap3A_677 = arith.constant 0 : index
      %swap3A_678 = tpu.vector_load %swap3A_676[%swap3A_677] {strides = array<i32>} : memref<16xi32, #tpu.memory_space<vmem>>, vector<16xi32>,
      tpu.vector_store %swap3A_676[%swap3A_677], %add3A_674 {strides = array<i32>} : memref<16xi32, #tpu.memory_space<vmem>>, vector<16xi32>,
      %gather3A_679 = arith.constant 32 : i32
      %gather3A_680 = tpu.memref_slice %arg11[%gather3A_679] : memref<80xi32, #tpu.memory_space<vmem>> -> memref<16xi32, #tpu.memory_space<vmem>>
      %gather3A_681 = tpu.vector_load_idx %gather3A_680[%max3A_20] : memref<16xi32, #tpu.memory_space<vmem>>[vector<16xi32>], vector<16xi32>,
      %select_n3A_682 = arith.select %ge3A_34, %gather3A_681, %broadcast_in_dim3A_40 : vector<16xi1>, vector<16xi32>
      %add3A_683 = arith.addi %add3A_674, %select_n3A_682 : vector<16xi32>
      %swap3A_684 = arith.constant 48 : i32
      %swap3A_685 = tpu.memref_slice %arg11[%swap3A_684] : memref<80xi32, #tpu.memory_space<vmem>> -> memref<16xi32, #tpu.memory_space<vmem>>
      %swap3A_686 = arith.constant 0 : index
      %swap3A_687 = tpu.vector_load %swap3A_685[%swap3A_686] {strides = array<i32>} : memref<16xi32, #tpu.memory_space<vmem>>, vector<16xi32>,
      tpu.vector_store %swap3A_685[%swap3A_686], %add3A_683 {strides = array<i32>} : memref<16xi32, #tpu.memory_space<vmem>>, vector<16xi32>,
      %gather3A_688 = arith.constant 48 : i32
      %gather3A_689 = tpu.memref_slice %arg11[%gather3A_688] : memref<80xi32, #tpu.memory_space<vmem>> -> memref<16xi32, #tpu.memory_space<vmem>>
      %gather3A_690 = tpu.vector_load_idx %gather3A_689[%max3A_26] : memref<16xi32, #tpu.memory_space<vmem>>[vector<16xi32>], vector<16xi32>,
      %select_n3A_691 = arith.select %ge3A_37, %gather3A_690, %broadcast_in_dim3A_40 : vector<16xi1>, vector<16xi32>
      %add3A_692 = arith.addi %add3A_683, %select_n3A_691 : vector<16xi32>
      %mul3A_693 = arith.constant 5 : i32
      %mul3A_694 = vector.broadcast %mul3A_693 : i32 to vector<16xi32>
      %mul3A_695 = arith.muli %get3A_648, %mul3A_694 : vector<16xi32>
      %shift_right_arithmetic3A_696 = arith.shrsi %add3A_692, %mul3A_695 : vector<16xi32>
      %and3A_697 = arith.andi %shift_right_arithmetic3A_696, %broadcast_in_dim3A_44 : vector<16xi32>
      %sub3A_698 = arith.subi %and3A_697, %broadcast_in_dim3A_42 : vector<16xi32>
      %gather3A_699 = tpu.vector_load_idx %arg10[%get3A_648] : memref<16xi32, #tpu.memory_space<vmem>>[vector<16xi32>], vector<16xi32>,
      %add3A_700 = arith.addi %gather3A_699, %sub3A_698 : vector<16xi32>
      %shift_right_arithmetic3A_701 = arith.constant 7 : i32
      %shift_right_arithmetic3A_702 = vector.broadcast %shift_right_arithmetic3A_701 : i32 to vector<16xi32>
      %shift_right_arithmetic3A_703 = arith.shrsi %add3A_700, %shift_right_arithmetic3A_702 : vector<16xi32>
      %and3A_704 = arith.constant 127 : i32
      %and3A_705 = vector.broadcast %and3A_704 : i32 to vector<16xi32>
      %and3A_706 = arith.andi %add3A_700, %and3A_705 : vector<16xi32>
      tpu.vector_store_idx %arg13[%shift_right_arithmetic3A_703, %and3A_706], %add3A_655 : memref<600x128xi32, #tpu.memory_space<vmem>>[vector<16xi32>, vector<16xi32>], vector<16xi32>,
      %swap3A_707 = arith.constant 64 : i32
      %swap3A_708 = tpu.memref_slice %arg11[%swap3A_707] : memref<80xi32, #tpu.memory_space<vmem>> -> memref<16xi32, #tpu.memory_space<vmem>>
      %swap3A_709 = arith.constant 0 : index
      %swap3A_710 = tpu.vector_load %swap3A_708[%swap3A_709] {strides = array<i32>} : memref<16xi32, #tpu.memory_space<vmem>>, vector<16xi32>,
      tpu.vector_store %swap3A_708[%swap3A_709], %add3A_692 {strides = array<i32>} : memref<16xi32, #tpu.memory_space<vmem>>, vector<16xi32>,
      %gather3A_711 = arith.constant 64 : i32
      %gather3A_712 = tpu.memref_slice %arg11[%gather3A_711] : memref<80xi32, #tpu.memory_space<vmem>> -> memref<16xi32, #tpu.memory_space<vmem>>
      %gather3A_713 = tpu.vector_load_idx %gather3A_712[%broadcast_in_dim3A_38] : memref<16xi32, #tpu.memory_space<vmem>>[vector<16xi32>], vector<16xi32>,
      %shift_right_arithmetic3A_714 = arith.shrsi %gather3A_713, %min3A : vector<16xi32>
      %and3A_715 = arith.andi %shift_right_arithmetic3A_714, %broadcast_in_dim3A_44 : vector<16xi32>
      %add3A_716 = arith.addi %add3A_644, %and3A_715 : vector<16xi32>
      %swap3A_717 = arith.constant 0 : index
      %swap3A_718 = tpu.vector_load %arg10[%swap3A_717] {strides = array<i32>} : memref<16xi32, #tpu.memory_space<vmem>>, vector<16xi32>,
      tpu.vector_store %arg10[%swap3A_717], %add3A_716 {strides = array<i32>} : memref<16xi32, #tpu.memory_space<vmem>>, vector<16xi32>,
      %get3A_719 = arith.constant 96 : index
      %get3A_720 = tpu.vector_load %arg14[%get3A_719] {strides = array<i32>} : memref<256xi32, #tpu.memory_space<vmem>>, vector<16xi32>,
      %mul3A_721 = arith.constant 256 : i32
      %mul3A_722 = arith.muli %add3A_283, %mul3A_721 : i32
      %add3A_723 = arith.addi %mul3A_4, %mul3A_722 : i32
      %add3A_724 = arith.constant 96 : i32
      %add3A_725 = arith.addi %add3A_723, %add3A_724 : i32
      %add3A_726 = vector.broadcast %add3A_725 : i32 to vector<16xi32>
      %add3A_727 = arith.addi %add3A_726, %iota3A : vector<16xi32>
      %gather3A_728 = tpu.vector_load_idx %arg12[%get3A_720] : memref<16xi32, #tpu.memory_space<vmem>>[vector<16xi32>], vector<16xi32>,
      %swap3A_729 = arith.constant 0 : i32
      %swap3A_730 = tpu.memref_slice %arg11[%swap3A_729] : memref<80xi32, #tpu.memory_space<vmem>> -> memref<16xi32, #tpu.memory_space<vmem>>
      %swap3A_731 = arith.constant 0 : index
      %swap3A_732 = tpu.vector_load %swap3A_730[%swap3A_731] {strides = array<i32>} : memref<16xi32, #tpu.memory_space<vmem>>, vector<16xi32>,
      tpu.vector_store %swap3A_730[%swap3A_731], %gather3A_728 {strides = array<i32>} : memref<16xi32, #tpu.memory_space<vmem>>, vector<16xi32>,
      %gather3A_733 = arith.constant 0 : i32
      %gather3A_734 = tpu.memref_slice %arg11[%gather3A_733] : memref<80xi32, #tpu.memory_space<vmem>> -> memref<16xi32, #tpu.memory_space<vmem>>
      %gather3A_735 = tpu.vector_load_idx %gather3A_734[%max3A_8] : memref<16xi32, #tpu.memory_space<vmem>>[vector<16xi32>], vector<16xi32>,
      %select_n3A_736 = arith.select %ge3A_28, %gather3A_735, %broadcast_in_dim3A_40 : vector<16xi1>, vector<16xi32>
      %add3A_737 = arith.addi %gather3A_728, %select_n3A_736 : vector<16xi32>
      %swap3A_738 = arith.constant 16 : i32
      %swap3A_739 = tpu.memref_slice %arg11[%swap3A_738] : memref<80xi32, #tpu.memory_space<vmem>> -> memref<16xi32, #tpu.memory_space<vmem>>
      %swap3A_740 = arith.constant 0 : index
      %swap3A_741 = tpu.vector_load %swap3A_739[%swap3A_740] {strides = array<i32>} : memref<16xi32, #tpu.memory_space<vmem>>, vector<16xi32>,
      tpu.vector_store %swap3A_739[%swap3A_740], %add3A_737 {strides = array<i32>} : memref<16xi32, #tpu.memory_space<vmem>>, vector<16xi32>,
      %gather3A_742 = arith.constant 16 : i32
      %gather3A_743 = tpu.memref_slice %arg11[%gather3A_742] : memref<80xi32, #tpu.memory_space<vmem>> -> memref<16xi32, #tpu.memory_space<vmem>>
      %gather3A_744 = tpu.vector_load_idx %gather3A_743[%max3A_14] : memref<16xi32, #tpu.memory_space<vmem>>[vector<16xi32>], vector<16xi32>,
      %select_n3A_745 = arith.select %ge3A_31, %gather3A_744, %broadcast_in_dim3A_40 : vector<16xi1>, vector<16xi32>
      %add3A_746 = arith.addi %add3A_737, %select_n3A_745 : vector<16xi32>
      %swap3A_747 = arith.constant 32 : i32
      %swap3A_748 = tpu.memref_slice %arg11[%swap3A_747] : memref<80xi32, #tpu.memory_space<vmem>> -> memref<16xi32, #tpu.memory_space<vmem>>
      %swap3A_749 = arith.constant 0 : index
      %swap3A_750 = tpu.vector_load %swap3A_748[%swap3A_749] {strides = array<i32>} : memref<16xi32, #tpu.memory_space<vmem>>, vector<16xi32>,
      tpu.vector_store %swap3A_748[%swap3A_749], %add3A_746 {strides = array<i32>} : memref<16xi32, #tpu.memory_space<vmem>>, vector<16xi32>,
      %gather3A_751 = arith.constant 32 : i32
      %gather3A_752 = tpu.memref_slice %arg11[%gather3A_751] : memref<80xi32, #tpu.memory_space<vmem>> -> memref<16xi32, #tpu.memory_space<vmem>>
      %gather3A_753 = tpu.vector_load_idx %gather3A_752[%max3A_20] : memref<16xi32, #tpu.memory_space<vmem>>[vector<16xi32>], vector<16xi32>,
      %select_n3A_754 = arith.select %ge3A_34, %gather3A_753, %broadcast_in_dim3A_40 : vector<16xi1>, vector<16xi32>
      %add3A_755 = arith.addi %add3A_746, %select_n3A_754 : vector<16xi32>
      %swap3A_756 = arith.constant 48 : i32
      %swap3A_757 = tpu.memref_slice %arg11[%swap3A_756] : memref<80xi32, #tpu.memory_space<vmem>> -> memref<16xi32, #tpu.memory_space<vmem>>
      %swap3A_758 = arith.constant 0 : index
      %swap3A_759 = tpu.vector_load %swap3A_757[%swap3A_758] {strides = array<i32>} : memref<16xi32, #tpu.memory_space<vmem>>, vector<16xi32>,
      tpu.vector_store %swap3A_757[%swap3A_758], %add3A_755 {strides = array<i32>} : memref<16xi32, #tpu.memory_space<vmem>>, vector<16xi32>,
      %gather3A_760 = arith.constant 48 : i32
      %gather3A_761 = tpu.memref_slice %arg11[%gather3A_760] : memref<80xi32, #tpu.memory_space<vmem>> -> memref<16xi32, #tpu.memory_space<vmem>>
      %gather3A_762 = tpu.vector_load_idx %gather3A_761[%max3A_26] : memref<16xi32, #tpu.memory_space<vmem>>[vector<16xi32>], vector<16xi32>,
      %select_n3A_763 = arith.select %ge3A_37, %gather3A_762, %broadcast_in_dim3A_40 : vector<16xi1>, vector<16xi32>
      %add3A_764 = arith.addi %add3A_755, %select_n3A_763 : vector<16xi32>
      %mul3A_765 = arith.constant 5 : i32
      %mul3A_766 = vector.broadcast %mul3A_765 : i32 to vector<16xi32>
      %mul3A_767 = arith.muli %get3A_720, %mul3A_766 : vector<16xi32>
      %shift_right_arithmetic3A_768 = arith.shrsi %add3A_764, %mul3A_767 : vector<16xi32>
      %and3A_769 = arith.andi %shift_right_arithmetic3A_768, %broadcast_in_dim3A_44 : vector<16xi32>
      %sub3A_770 = arith.subi %and3A_769, %broadcast_in_dim3A_42 : vector<16xi32>
      %gather3A_771 = tpu.vector_load_idx %arg10[%get3A_720] : memref<16xi32, #tpu.memory_space<vmem>>[vector<16xi32>], vector<16xi32>,
      %add3A_772 = arith.addi %gather3A_771, %sub3A_770 : vector<16xi32>
      %shift_right_arithmetic3A_773 = arith.constant 7 : i32
      %shift_right_arithmetic3A_774 = vector.broadcast %shift_right_arithmetic3A_773 : i32 to vector<16xi32>
      %shift_right_arithmetic3A_775 = arith.shrsi %add3A_772, %shift_right_arithmetic3A_774 : vector<16xi32>
      %and3A_776 = arith.constant 127 : i32
      %and3A_777 = vector.broadcast %and3A_776 : i32 to vector<16xi32>
      %and3A_778 = arith.andi %add3A_772, %and3A_777 : vector<16xi32>
      tpu.vector_store_idx %arg13[%shift_right_arithmetic3A_775, %and3A_778], %add3A_727 : memref<600x128xi32, #tpu.memory_space<vmem>>[vector<16xi32>, vector<16xi32>], vector<16xi32>,
      %swap3A_779 = arith.constant 64 : i32
      %swap3A_780 = tpu.memref_slice %arg11[%swap3A_779] : memref<80xi32, #tpu.memory_space<vmem>> -> memref<16xi32, #tpu.memory_space<vmem>>
      %swap3A_781 = arith.constant 0 : index
      %swap3A_782 = tpu.vector_load %swap3A_780[%swap3A_781] {strides = array<i32>} : memref<16xi32, #tpu.memory_space<vmem>>, vector<16xi32>,
      tpu.vector_store %swap3A_780[%swap3A_781], %add3A_764 {strides = array<i32>} : memref<16xi32, #tpu.memory_space<vmem>>, vector<16xi32>,
      %gather3A_783 = arith.constant 64 : i32
      %gather3A_784 = tpu.memref_slice %arg11[%gather3A_783] : memref<80xi32, #tpu.memory_space<vmem>> -> memref<16xi32, #tpu.memory_space<vmem>>
      %gather3A_785 = tpu.vector_load_idx %gather3A_784[%broadcast_in_dim3A_38] : memref<16xi32, #tpu.memory_space<vmem>>[vector<16xi32>], vector<16xi32>,
      %shift_right_arithmetic3A_786 = arith.shrsi %gather3A_785, %min3A : vector<16xi32>
      %and3A_787 = arith.andi %shift_right_arithmetic3A_786, %broadcast_in_dim3A_44 : vector<16xi32>
      %add3A_788 = arith.addi %add3A_716, %and3A_787 : vector<16xi32>
      %swap3A_789 = arith.constant 0 : index
      %swap3A_790 = tpu.vector_load %arg10[%swap3A_789] {strides = array<i32>} : memref<16xi32, #tpu.memory_space<vmem>>, vector<16xi32>,
      tpu.vector_store %arg10[%swap3A_789], %add3A_788 {strides = array<i32>} : memref<16xi32, #tpu.memory_space<vmem>>, vector<16xi32>,
      %get3A_791 = arith.constant 112 : index
      %get3A_792 = tpu.vector_load %arg14[%get3A_791] {strides = array<i32>} : memref<256xi32, #tpu.memory_space<vmem>>, vector<16xi32>,
      %mul3A_793 = arith.constant 256 : i32
      %mul3A_794 = arith.muli %add3A_283, %mul3A_793 : i32
      %add3A_795 = arith.addi %mul3A_4, %mul3A_794 : i32
      %add3A_796 = arith.constant 112 : i32
      %add3A_797 = arith.addi %add3A_795, %add3A_796 : i32
      %add3A_798 = vector.broadcast %add3A_797 : i32 to vector<16xi32>
      %add3A_799 = arith.addi %add3A_798, %iota3A : vector<16xi32>
      %gather3A_800 = tpu.vector_load_idx %arg12[%get3A_792] : memref<16xi32, #tpu.memory_space<vmem>>[vector<16xi32>], vector<16xi32>,
      %swap3A_801 = arith.constant 0 : i32
      %swap3A_802 = tpu.memref_slice %arg11[%swap3A_801] : memref<80xi32, #tpu.memory_space<vmem>> -> memref<16xi32, #tpu.memory_space<vmem>>
      %swap3A_803 = arith.constant 0 : index
      %swap3A_804 = tpu.vector_load %swap3A_802[%swap3A_803] {strides = array<i32>} : memref<16xi32, #tpu.memory_space<vmem>>, vector<16xi32>,
      tpu.vector_store %swap3A_802[%swap3A_803], %gather3A_800 {strides = array<i32>} : memref<16xi32, #tpu.memory_space<vmem>>, vector<16xi32>,
      %gather3A_805 = arith.constant 0 : i32
      %gather3A_806 = tpu.memref_slice %arg11[%gather3A_805] : memref<80xi32, #tpu.memory_space<vmem>> -> memref<16xi32, #tpu.memory_space<vmem>>
      %gather3A_807 = tpu.vector_load_idx %gather3A_806[%max3A_8] : memref<16xi32, #tpu.memory_space<vmem>>[vector<16xi32>], vector<16xi32>,
      %select_n3A_808 = arith.select %ge3A_28, %gather3A_807, %broadcast_in_dim3A_40 : vector<16xi1>, vector<16xi32>
      %add3A_809 = arith.addi %gather3A_800, %select_n3A_808 : vector<16xi32>
      %swap3A_810 = arith.constant 16 : i32
      %swap3A_811 = tpu.memref_slice %arg11[%swap3A_810] : memref<80xi32, #tpu.memory_space<vmem>> -> memref<16xi32, #tpu.memory_space<vmem>>
      %swap3A_812 = arith.constant 0 : index
      %swap3A_813 = tpu.vector_load %swap3A_811[%swap3A_812] {strides = array<i32>} : memref<16xi32, #tpu.memory_space<vmem>>, vector<16xi32>,
      tpu.vector_store %swap3A_811[%swap3A_812], %add3A_809 {strides = array<i32>} : memref<16xi32, #tpu.memory_space<vmem>>, vector<16xi32>,
      %gather3A_814 = arith.constant 16 : i32
      %gather3A_815 = tpu.memref_slice %arg11[%gather3A_814] : memref<80xi32, #tpu.memory_space<vmem>> -> memref<16xi32, #tpu.memory_space<vmem>>
      %gather3A_816 = tpu.vector_load_idx %gather3A_815[%max3A_14] : memref<16xi32, #tpu.memory_space<vmem>>[vector<16xi32>], vector<16xi32>,
      %select_n3A_817 = arith.select %ge3A_31, %gather3A_816, %broadcast_in_dim3A_40 : vector<16xi1>, vector<16xi32>
      %add3A_818 = arith.addi %add3A_809, %select_n3A_817 : vector<16xi32>
      %swap3A_819 = arith.constant 32 : i32
      %swap3A_820 = tpu.memref_slice %arg11[%swap3A_819] : memref<80xi32, #tpu.memory_space<vmem>> -> memref<16xi32, #tpu.memory_space<vmem>>
      %swap3A_821 = arith.constant 0 : index
      %swap3A_822 = tpu.vector_load %swap3A_820[%swap3A_821] {strides = array<i32>} : memref<16xi32, #tpu.memory_space<vmem>>, vector<16xi32>,
      tpu.vector_store %swap3A_820[%swap3A_821], %add3A_818 {strides = array<i32>} : memref<16xi32, #tpu.memory_space<vmem>>, vector<16xi32>,
      %gather3A_823 = arith.constant 32 : i32
      %gather3A_824 = tpu.memref_slice %arg11[%gather3A_823] : memref<80xi32, #tpu.memory_space<vmem>> -> memref<16xi32, #tpu.memory_space<vmem>>
      %gather3A_825 = tpu.vector_load_idx %gather3A_824[%max3A_20] : memref<16xi32, #tpu.memory_space<vmem>>[vector<16xi32>], vector<16xi32>,
      %select_n3A_826 = arith.select %ge3A_34, %gather3A_825, %broadcast_in_dim3A_40 : vector<16xi1>, vector<16xi32>
      %add3A_827 = arith.addi %add3A_818, %select_n3A_826 : vector<16xi32>
      %swap3A_828 = arith.constant 48 : i32
      %swap3A_829 = tpu.memref_slice %arg11[%swap3A_828] : memref<80xi32, #tpu.memory_space<vmem>> -> memref<16xi32, #tpu.memory_space<vmem>>
      %swap3A_830 = arith.constant 0 : index
      %swap3A_831 = tpu.vector_load %swap3A_829[%swap3A_830] {strides = array<i32>} : memref<16xi32, #tpu.memory_space<vmem>>, vector<16xi32>,
      tpu.vector_store %swap3A_829[%swap3A_830], %add3A_827 {strides = array<i32>} : memref<16xi32, #tpu.memory_space<vmem>>, vector<16xi32>,
      %gather3A_832 = arith.constant 48 : i32
      %gather3A_833 = tpu.memref_slice %arg11[%gather3A_832] : memref<80xi32, #tpu.memory_space<vmem>> -> memref<16xi32, #tpu.memory_space<vmem>>
      %gather3A_834 = tpu.vector_load_idx %gather3A_833[%max3A_26] : memref<16xi32, #tpu.memory_space<vmem>>[vector<16xi32>], vector<16xi32>,
      %select_n3A_835 = arith.select %ge3A_37, %gather3A_834, %broadcast_in_dim3A_40 : vector<16xi1>, vector<16xi32>
      %add3A_836 = arith.addi %add3A_827, %select_n3A_835 : vector<16xi32>
      %mul3A_837 = arith.constant 5 : i32
      %mul3A_838 = vector.broadcast %mul3A_837 : i32 to vector<16xi32>
      %mul3A_839 = arith.muli %get3A_792, %mul3A_838 : vector<16xi32>
      %shift_right_arithmetic3A_840 = arith.shrsi %add3A_836, %mul3A_839 : vector<16xi32>
      %and3A_841 = arith.andi %shift_right_arithmetic3A_840, %broadcast_in_dim3A_44 : vector<16xi32>
      %sub3A_842 = arith.subi %and3A_841, %broadcast_in_dim3A_42 : vector<16xi32>
      %gather3A_843 = tpu.vector_load_idx %arg10[%get3A_792] : memref<16xi32, #tpu.memory_space<vmem>>[vector<16xi32>], vector<16xi32>,
      %add3A_844 = arith.addi %gather3A_843, %sub3A_842 : vector<16xi32>
      %shift_right_arithmetic3A_845 = arith.constant 7 : i32
      %shift_right_arithmetic3A_846 = vector.broadcast %shift_right_arithmetic3A_845 : i32 to vector<16xi32>
      %shift_right_arithmetic3A_847 = arith.shrsi %add3A_844, %shift_right_arithmetic3A_846 : vector<16xi32>
      %and3A_848 = arith.constant 127 : i32
      %and3A_849 = vector.broadcast %and3A_848 : i32 to vector<16xi32>
      %and3A_850 = arith.andi %add3A_844, %and3A_849 : vector<16xi32>
      tpu.vector_store_idx %arg13[%shift_right_arithmetic3A_847, %and3A_850], %add3A_799 : memref<600x128xi32, #tpu.memory_space<vmem>>[vector<16xi32>, vector<16xi32>], vector<16xi32>,
      %swap3A_851 = arith.constant 64 : i32
      %swap3A_852 = tpu.memref_slice %arg11[%swap3A_851] : memref<80xi32, #tpu.memory_space<vmem>> -> memref<16xi32, #tpu.memory_space<vmem>>
      %swap3A_853 = arith.constant 0 : index
      %swap3A_854 = tpu.vector_load %swap3A_852[%swap3A_853] {strides = array<i32>} : memref<16xi32, #tpu.memory_space<vmem>>, vector<16xi32>,
      tpu.vector_store %swap3A_852[%swap3A_853], %add3A_836 {strides = array<i32>} : memref<16xi32, #tpu.memory_space<vmem>>, vector<16xi32>,
      %gather3A_855 = arith.constant 64 : i32
      %gather3A_856 = tpu.memref_slice %arg11[%gather3A_855] : memref<80xi32, #tpu.memory_space<vmem>> -> memref<16xi32, #tpu.memory_space<vmem>>
      %gather3A_857 = tpu.vector_load_idx %gather3A_856[%broadcast_in_dim3A_38] : memref<16xi32, #tpu.memory_space<vmem>>[vector<16xi32>], vector<16xi32>,
      %shift_right_arithmetic3A_858 = arith.shrsi %gather3A_857, %min3A : vector<16xi32>
      %and3A_859 = arith.andi %shift_right_arithmetic3A_858, %broadcast_in_dim3A_44 : vector<16xi32>
      %add3A_860 = arith.addi %add3A_788, %and3A_859 : vector<16xi32>
      %swap3A_861 = arith.constant 0 : index
      %swap3A_862 = tpu.vector_load %arg10[%swap3A_861] {strides = array<i32>} : memref<16xi32, #tpu.memory_space<vmem>>, vector<16xi32>,
      tpu.vector_store %arg10[%swap3A_861], %add3A_860 {strides = array<i32>} : memref<16xi32, #tpu.memory_space<vmem>>, vector<16xi32>,
      %get3A_863 = arith.constant 128 : index
      %get3A_864 = tpu.vector_load %arg14[%get3A_863] {strides = array<i32>} : memref<256xi32, #tpu.memory_space<vmem>>, vector<16xi32>,
      %mul3A_865 = arith.constant 256 : i32
      %mul3A_866 = arith.muli %add3A_283, %mul3A_865 : i32
      %add3A_867 = arith.addi %mul3A_4, %mul3A_866 : i32
      %add3A_868 = arith.constant 128 : i32
      %add3A_869 = arith.addi %add3A_867, %add3A_868 : i32
      %add3A_870 = vector.broadcast %add3A_869 : i32 to vector<16xi32>
      %add3A_871 = arith.addi %add3A_870, %iota3A : vector<16xi32>
      %gather3A_872 = tpu.vector_load_idx %arg12[%get3A_864] : memref<16xi32, #tpu.memory_space<vmem>>[vector<16xi32>], vector<16xi32>,
      %swap3A_873 = arith.constant 0 : i32
      %swap3A_874 = tpu.memref_slice %arg11[%swap3A_873] : memref<80xi32, #tpu.memory_space<vmem>> -> memref<16xi32, #tpu.memory_space<vmem>>
      %swap3A_875 = arith.constant 0 : index
      %swap3A_876 = tpu.vector_load %swap3A_874[%swap3A_875] {strides = array<i32>} : memref<16xi32, #tpu.memory_space<vmem>>, vector<16xi32>,
      tpu.vector_store %swap3A_874[%swap3A_875], %gather3A_872 {strides = array<i32>} : memref<16xi32, #tpu.memory_space<vmem>>, vector<16xi32>,
      %gather3A_877 = arith.constant 0 : i32
      %gather3A_878 = tpu.memref_slice %arg11[%gather3A_877] : memref<80xi32, #tpu.memory_space<vmem>> -> memref<16xi32, #tpu.memory_space<vmem>>
      %gather3A_879 = tpu.vector_load_idx %gather3A_878[%max3A_8] : memref<16xi32, #tpu.memory_space<vmem>>[vector<16xi32>], vector<16xi32>,
      %select_n3A_880 = arith.select %ge3A_28, %gather3A_879, %broadcast_in_dim3A_40 : vector<16xi1>, vector<16xi32>
      %add3A_881 = arith.addi %gather3A_872, %select_n3A_880 : vector<16xi32>
      %swap3A_882 = arith.constant 16 : i32
      %swap3A_883 = tpu.memref_slice %arg11[%swap3A_882] : memref<80xi32, #tpu.memory_space<vmem>> -> memref<16xi32, #tpu.memory_space<vmem>>
      %swap3A_884 = arith.constant 0 : index
      %swap3A_885 = tpu.vector_load %swap3A_883[%swap3A_884] {strides = array<i32>} : memref<16xi32, #tpu.memory_space<vmem>>, vector<16xi32>,
      tpu.vector_store %swap3A_883[%swap3A_884], %add3A_881 {strides = array<i32>} : memref<16xi32, #tpu.memory_space<vmem>>, vector<16xi32>,
      %gather3A_886 = arith.constant 16 : i32
      %gather3A_887 = tpu.memref_slice %arg11[%gather3A_886] : memref<80xi32, #tpu.memory_space<vmem>> -> memref<16xi32, #tpu.memory_space<vmem>>
      %gather3A_888 = tpu.vector_load_idx %gather3A_887[%max3A_14] : memref<16xi32, #tpu.memory_space<vmem>>[vector<16xi32>], vector<16xi32>,
      %select_n3A_889 = arith.select %ge3A_31, %gather3A_888, %broadcast_in_dim3A_40 : vector<16xi1>, vector<16xi32>
      %add3A_890 = arith.addi %add3A_881, %select_n3A_889 : vector<16xi32>
      %swap3A_891 = arith.constant 32 : i32
      %swap3A_892 = tpu.memref_slice %arg11[%swap3A_891] : memref<80xi32, #tpu.memory_space<vmem>> -> memref<16xi32, #tpu.memory_space<vmem>>
      %swap3A_893 = arith.constant 0 : index
      %swap3A_894 = tpu.vector_load %swap3A_892[%swap3A_893] {strides = array<i32>} : memref<16xi32, #tpu.memory_space<vmem>>, vector<16xi32>,
      tpu.vector_store %swap3A_892[%swap3A_893], %add3A_890 {strides = array<i32>} : memref<16xi32, #tpu.memory_space<vmem>>, vector<16xi32>,
      %gather3A_895 = arith.constant 32 : i32
      %gather3A_896 = tpu.memref_slice %arg11[%gather3A_895] : memref<80xi32, #tpu.memory_space<vmem>> -> memref<16xi32, #tpu.memory_space<vmem>>
      %gather3A_897 = tpu.vector_load_idx %gather3A_896[%max3A_20] : memref<16xi32, #tpu.memory_space<vmem>>[vector<16xi32>], vector<16xi32>,
      %select_n3A_898 = arith.select %ge3A_34, %gather3A_897, %broadcast_in_dim3A_40 : vector<16xi1>, vector<16xi32>
      %add3A_899 = arith.addi %add3A_890, %select_n3A_898 : vector<16xi32>
      %swap3A_900 = arith.constant 48 : i32
      %swap3A_901 = tpu.memref_slice %arg11[%swap3A_900] : memref<80xi32, #tpu.memory_space<vmem>> -> memref<16xi32, #tpu.memory_space<vmem>>
      %swap3A_902 = arith.constant 0 : index
      %swap3A_903 = tpu.vector_load %swap3A_901[%swap3A_902] {strides = array<i32>} : memref<16xi32, #tpu.memory_space<vmem>>, vector<16xi32>,
      tpu.vector_store %swap3A_901[%swap3A_902], %add3A_899 {strides = array<i32>} : memref<16xi32, #tpu.memory_space<vmem>>, vector<16xi32>,
      %gather3A_904 = arith.constant 48 : i32
      %gather3A_905 = tpu.memref_slice %arg11[%gather3A_904] : memref<80xi32, #tpu.memory_space<vmem>> -> memref<16xi32, #tpu.memory_space<vmem>>
      %gather3A_906 = tpu.vector_load_idx %gather3A_905[%max3A_26] : memref<16xi32, #tpu.memory_space<vmem>>[vector<16xi32>], vector<16xi32>,
      %select_n3A_907 = arith.select %ge3A_37, %gather3A_906, %broadcast_in_dim3A_40 : vector<16xi1>, vector<16xi32>
      %add3A_908 = arith.addi %add3A_899, %select_n3A_907 : vector<16xi32>
      %mul3A_909 = arith.constant 5 : i32
      %mul3A_910 = vector.broadcast %mul3A_909 : i32 to vector<16xi32>
      %mul3A_911 = arith.muli %get3A_864, %mul3A_910 : vector<16xi32>
      %shift_right_arithmetic3A_912 = arith.shrsi %add3A_908, %mul3A_911 : vector<16xi32>
      %and3A_913 = arith.andi %shift_right_arithmetic3A_912, %broadcast_in_dim3A_44 : vector<16xi32>
      %sub3A_914 = arith.subi %and3A_913, %broadcast_in_dim3A_42 : vector<16xi32>
      %gather3A_915 = tpu.vector_load_idx %arg10[%get3A_864] : memref<16xi32, #tpu.memory_space<vmem>>[vector<16xi32>], vector<16xi32>,
      %add3A_916 = arith.addi %gather3A_915, %sub3A_914 : vector<16xi32>
      %shift_right_arithmetic3A_917 = arith.constant 7 : i32
      %shift_right_arithmetic3A_918 = vector.broadcast %shift_right_arithmetic3A_917 : i32 to vector<16xi32>
      %shift_right_arithmetic3A_919 = arith.shrsi %add3A_916, %shift_right_arithmetic3A_918 : vector<16xi32>
      %and3A_920 = arith.constant 127 : i32
      %and3A_921 = vector.broadcast %and3A_920 : i32 to vector<16xi32>
      %and3A_922 = arith.andi %add3A_916, %and3A_921 : vector<16xi32>
      tpu.vector_store_idx %arg13[%shift_right_arithmetic3A_919, %and3A_922], %add3A_871 : memref<600x128xi32, #tpu.memory_space<vmem>>[vector<16xi32>, vector<16xi32>], vector<16xi32>,
      %swap3A_923 = arith.constant 64 : i32
      %swap3A_924 = tpu.memref_slice %arg11[%swap3A_923] : memref<80xi32, #tpu.memory_space<vmem>> -> memref<16xi32, #tpu.memory_space<vmem>>
      %swap3A_925 = arith.constant 0 : index
      %swap3A_926 = tpu.vector_load %swap3A_924[%swap3A_925] {strides = array<i32>} : memref<16xi32, #tpu.memory_space<vmem>>, vector<16xi32>,
      tpu.vector_store %swap3A_924[%swap3A_925], %add3A_908 {strides = array<i32>} : memref<16xi32, #tpu.memory_space<vmem>>, vector<16xi32>,
      %gather3A_927 = arith.constant 64 : i32
      %gather3A_928 = tpu.memref_slice %arg11[%gather3A_927] : memref<80xi32, #tpu.memory_space<vmem>> -> memref<16xi32, #tpu.memory_space<vmem>>
      %gather3A_929 = tpu.vector_load_idx %gather3A_928[%broadcast_in_dim3A_38] : memref<16xi32, #tpu.memory_space<vmem>>[vector<16xi32>], vector<16xi32>,
      %shift_right_arithmetic3A_930 = arith.shrsi %gather3A_929, %min3A : vector<16xi32>
      %and3A_931 = arith.andi %shift_right_arithmetic3A_930, %broadcast_in_dim3A_44 : vector<16xi32>
      %add3A_932 = arith.addi %add3A_860, %and3A_931 : vector<16xi32>
      %swap3A_933 = arith.constant 0 : index
      %swap3A_934 = tpu.vector_load %arg10[%swap3A_933] {strides = array<i32>} : memref<16xi32, #tpu.memory_space<vmem>>, vector<16xi32>,
      tpu.vector_store %arg10[%swap3A_933], %add3A_932 {strides = array<i32>} : memref<16xi32, #tpu.memory_space<vmem>>, vector<16xi32>,
      %get3A_935 = arith.constant 144 : index
      %get3A_936 = tpu.vector_load %arg14[%get3A_935] {strides = array<i32>} : memref<256xi32, #tpu.memory_space<vmem>>, vector<16xi32>,
      %mul3A_937 = arith.constant 256 : i32
      %mul3A_938 = arith.muli %add3A_283, %mul3A_937 : i32
      %add3A_939 = arith.addi %mul3A_4, %mul3A_938 : i32
      %add3A_940 = arith.constant 144 : i32
      %add3A_941 = arith.addi %add3A_939, %add3A_940 : i32
      %add3A_942 = vector.broadcast %add3A_941 : i32 to vector<16xi32>
      %add3A_943 = arith.addi %add3A_942, %iota3A : vector<16xi32>
      %gather3A_944 = tpu.vector_load_idx %arg12[%get3A_936] : memref<16xi32, #tpu.memory_space<vmem>>[vector<16xi32>], vector<16xi32>,
      %swap3A_945 = arith.constant 0 : i32
      %swap3A_946 = tpu.memref_slice %arg11[%swap3A_945] : memref<80xi32, #tpu.memory_space<vmem>> -> memref<16xi32, #tpu.memory_space<vmem>>
      %swap3A_947 = arith.constant 0 : index
      %swap3A_948 = tpu.vector_load %swap3A_946[%swap3A_947] {strides = array<i32>} : memref<16xi32, #tpu.memory_space<vmem>>, vector<16xi32>,
      tpu.vector_store %swap3A_946[%swap3A_947], %gather3A_944 {strides = array<i32>} : memref<16xi32, #tpu.memory_space<vmem>>, vector<16xi32>,
      %gather3A_949 = arith.constant 0 : i32
      %gather3A_950 = tpu.memref_slice %arg11[%gather3A_949] : memref<80xi32, #tpu.memory_space<vmem>> -> memref<16xi32, #tpu.memory_space<vmem>>
      %gather3A_951 = tpu.vector_load_idx %gather3A_950[%max3A_8] : memref<16xi32, #tpu.memory_space<vmem>>[vector<16xi32>], vector<16xi32>,
      %select_n3A_952 = arith.select %ge3A_28, %gather3A_951, %broadcast_in_dim3A_40 : vector<16xi1>, vector<16xi32>
      %add3A_953 = arith.addi %gather3A_944, %select_n3A_952 : vector<16xi32>
      %swap3A_954 = arith.constant 16 : i32
      %swap3A_955 = tpu.memref_slice %arg11[%swap3A_954] : memref<80xi32, #tpu.memory_space<vmem>> -> memref<16xi32, #tpu.memory_space<vmem>>
      %swap3A_956 = arith.constant 0 : index
      %swap3A_957 = tpu.vector_load %swap3A_955[%swap3A_956] {strides = array<i32>} : memref<16xi32, #tpu.memory_space<vmem>>, vector<16xi32>,
      tpu.vector_store %swap3A_955[%swap3A_956], %add3A_953 {strides = array<i32>} : memref<16xi32, #tpu.memory_space<vmem>>, vector<16xi32>,
      %gather3A_958 = arith.constant 16 : i32
      %gather3A_959 = tpu.memref_slice %arg11[%gather3A_958] : memref<80xi32, #tpu.memory_space<vmem>> -> memref<16xi32, #tpu.memory_space<vmem>>
      %gather3A_960 = tpu.vector_load_idx %gather3A_959[%max3A_14] : memref<16xi32, #tpu.memory_space<vmem>>[vector<16xi32>], vector<16xi32>,
      %select_n3A_961 = arith.select %ge3A_31, %gather3A_960, %broadcast_in_dim3A_40 : vector<16xi1>, vector<16xi32>
      %add3A_962 = arith.addi %add3A_953, %select_n3A_961 : vector<16xi32>
      %swap3A_963 = arith.constant 32 : i32
      %swap3A_964 = tpu.memref_slice %arg11[%swap3A_963] : memref<80xi32, #tpu.memory_space<vmem>> -> memref<16xi32, #tpu.memory_space<vmem>>
      %swap3A_965 = arith.constant 0 : index
      %swap3A_966 = tpu.vector_load %swap3A_964[%swap3A_965] {strides = array<i32>} : memref<16xi32, #tpu.memory_space<vmem>>, vector<16xi32>,
      tpu.vector_store %swap3A_964[%swap3A_965], %add3A_962 {strides = array<i32>} : memref<16xi32, #tpu.memory_space<vmem>>, vector<16xi32>,
      %gather3A_967 = arith.constant 32 : i32
      %gather3A_968 = tpu.memref_slice %arg11[%gather3A_967] : memref<80xi32, #tpu.memory_space<vmem>> -> memref<16xi32, #tpu.memory_space<vmem>>
      %gather3A_969 = tpu.vector_load_idx %gather3A_968[%max3A_20] : memref<16xi32, #tpu.memory_space<vmem>>[vector<16xi32>], vector<16xi32>,
      %select_n3A_970 = arith.select %ge3A_34, %gather3A_969, %broadcast_in_dim3A_40 : vector<16xi1>, vector<16xi32>
      %add3A_971 = arith.addi %add3A_962, %select_n3A_970 : vector<16xi32>
      %swap3A_972 = arith.constant 48 : i32
      %swap3A_973 = tpu.memref_slice %arg11[%swap3A_972] : memref<80xi32, #tpu.memory_space<vmem>> -> memref<16xi32, #tpu.memory_space<vmem>>
      %swap3A_974 = arith.constant 0 : index
      %swap3A_975 = tpu.vector_load %swap3A_973[%swap3A_974] {strides = array<i32>} : memref<16xi32, #tpu.memory_space<vmem>>, vector<16xi32>,
      tpu.vector_store %swap3A_973[%swap3A_974], %add3A_971 {strides = array<i32>} : memref<16xi32, #tpu.memory_space<vmem>>, vector<16xi32>,
      %gather3A_976 = arith.constant 48 : i32
      %gather3A_977 = tpu.memref_slice %arg11[%gather3A_976] : memref<80xi32, #tpu.memory_space<vmem>> -> memref<16xi32, #tpu.memory_space<vmem>>
      %gather3A_978 = tpu.vector_load_idx %gather3A_977[%max3A_26] : memref<16xi32, #tpu.memory_space<vmem>>[vector<16xi32>], vector<16xi32>,
      %select_n3A_979 = arith.select %ge3A_37, %gather3A_978, %broadcast_in_dim3A_40 : vector<16xi1>, vector<16xi32>
      %add3A_980 = arith.addi %add3A_971, %select_n3A_979 : vector<16xi32>
      %mul3A_981 = arith.constant 5 : i32
      %mul3A_982 = vector.broadcast %mul3A_981 : i32 to vector<16xi32>
      %mul3A_983 = arith.muli %get3A_936, %mul3A_982 : vector<16xi32>
      %shift_right_arithmetic3A_984 = arith.shrsi %add3A_980, %mul3A_983 : vector<16xi32>
      %and3A_985 = arith.andi %shift_right_arithmetic3A_984, %broadcast_in_dim3A_44 : vector<16xi32>
      %sub3A_986 = arith.subi %and3A_985, %broadcast_in_dim3A_42 : vector<16xi32>
      %gather3A_987 = tpu.vector_load_idx %arg10[%get3A_936] : memref<16xi32, #tpu.memory_space<vmem>>[vector<16xi32>], vector<16xi32>,
      %add3A_988 = arith.addi %gather3A_987, %sub3A_986 : vector<16xi32>
      %shift_right_arithmetic3A_989 = arith.constant 7 : i32
      %shift_right_arithmetic3A_990 = vector.broadcast %shift_right_arithmetic3A_989 : i32 to vector<16xi32>
      %shift_right_arithmetic3A_991 = arith.shrsi %add3A_988, %shift_right_arithmetic3A_990 : vector<16xi32>
      %and3A_992 = arith.constant 127 : i32
      %and3A_993 = vector.broadcast %and3A_992 : i32 to vector<16xi32>
      %and3A_994 = arith.andi %add3A_988, %and3A_993 : vector<16xi32>
      tpu.vector_store_idx %arg13[%shift_right_arithmetic3A_991, %and3A_994], %add3A_943 : memref<600x128xi32, #tpu.memory_space<vmem>>[vector<16xi32>, vector<16xi32>], vector<16xi32>,
      %swap3A_995 = arith.constant 64 : i32
      %swap3A_996 = tpu.memref_slice %arg11[%swap3A_995] : memref<80xi32, #tpu.memory_space<vmem>> -> memref<16xi32, #tpu.memory_space<vmem>>
      %swap3A_997 = arith.constant 0 : index
      %swap3A_998 = tpu.vector_load %swap3A_996[%swap3A_997] {strides = array<i32>} : memref<16xi32, #tpu.memory_space<vmem>>, vector<16xi32>,
      tpu.vector_store %swap3A_996[%swap3A_997], %add3A_980 {strides = array<i32>} : memref<16xi32, #tpu.memory_space<vmem>>, vector<16xi32>,
      %gather3A_999 = arith.constant 64 : i32
      %gather3A_1000 = tpu.memref_slice %arg11[%gather3A_999] : memref<80xi32, #tpu.memory_space<vmem>> -> memref<16xi32, #tpu.memory_space<vmem>>
      %gather3A_1001 = tpu.vector_load_idx %gather3A_1000[%broadcast_in_dim3A_38] : memref<16xi32, #tpu.memory_space<vmem>>[vector<16xi32>], vector<16xi32>,
      %shift_right_arithmetic3A_1002 = arith.shrsi %gather3A_1001, %min3A : vector<16xi32>
      %and3A_1003 = arith.andi %shift_right_arithmetic3A_1002, %broadcast_in_dim3A_44 : vector<16xi32>
      %add3A_1004 = arith.addi %add3A_932, %and3A_1003 : vector<16xi32>
      %swap3A_1005 = arith.constant 0 : index
      %swap3A_1006 = tpu.vector_load %arg10[%swap3A_1005] {strides = array<i32>} : memref<16xi32, #tpu.memory_space<vmem>>, vector<16xi32>,
      tpu.vector_store %arg10[%swap3A_1005], %add3A_1004 {strides = array<i32>} : memref<16xi32, #tpu.memory_space<vmem>>, vector<16xi32>,
      %get3A_1007 = arith.constant 160 : index
      %get3A_1008 = tpu.vector_load %arg14[%get3A_1007] {strides = array<i32>} : memref<256xi32, #tpu.memory_space<vmem>>, vector<16xi32>,
      %mul3A_1009 = arith.constant 256 : i32
      %mul3A_1010 = arith.muli %add3A_283, %mul3A_1009 : i32
      %add3A_1011 = arith.addi %mul3A_4, %mul3A_1010 : i32
      %add3A_1012 = arith.constant 160 : i32
      %add3A_1013 = arith.addi %add3A_1011, %add3A_1012 : i32
      %add3A_1014 = vector.broadcast %add3A_1013 : i32 to vector<16xi32>
      %add3A_1015 = arith.addi %add3A_1014, %iota3A : vector<16xi32>
      %gather3A_1016 = tpu.vector_load_idx %arg12[%get3A_1008] : memref<16xi32, #tpu.memory_space<vmem>>[vector<16xi32>], vector<16xi32>,
      %swap3A_1017 = arith.constant 0 : i32
      %swap3A_1018 = tpu.memref_slice %arg11[%swap3A_1017] : memref<80xi32, #tpu.memory_space<vmem>> -> memref<16xi32, #tpu.memory_space<vmem>>
      %swap3A_1019 = arith.constant 0 : index
      %swap3A_1020 = tpu.vector_load %swap3A_1018[%swap3A_1019] {strides = array<i32>} : memref<16xi32, #tpu.memory_space<vmem>>, vector<16xi32>,
      tpu.vector_store %swap3A_1018[%swap3A_1019], %gather3A_1016 {strides = array<i32>} : memref<16xi32, #tpu.memory_space<vmem>>, vector<16xi32>,
      %gather3A_1021 = arith.constant 0 : i32
      %gather3A_1022 = tpu.memref_slice %arg11[%gather3A_1021] : memref<80xi32, #tpu.memory_space<vmem>> -> memref<16xi32, #tpu.memory_space<vmem>>
      %gather3A_1023 = tpu.vector_load_idx %gather3A_1022[%max3A_8] : memref<16xi32, #tpu.memory_space<vmem>>[vector<16xi32>], vector<16xi32>,
      %select_n3A_1024 = arith.select %ge3A_28, %gather3A_1023, %broadcast_in_dim3A_40 : vector<16xi1>, vector<16xi32>
      %add3A_1025 = arith.addi %gather3A_1016, %select_n3A_1024 : vector<16xi32>
      %swap3A_1026 = arith.constant 16 : i32
      %swap3A_1027 = tpu.memref_slice %arg11[%swap3A_1026] : memref<80xi32, #tpu.memory_space<vmem>> -> memref<16xi32, #tpu.memory_space<vmem>>
      %swap3A_1028 = arith.constant 0 : index
      %swap3A_1029 = tpu.vector_load %swap3A_1027[%swap3A_1028] {strides = array<i32>} : memref<16xi32, #tpu.memory_space<vmem>>, vector<16xi32>,
      tpu.vector_store %swap3A_1027[%swap3A_1028], %add3A_1025 {strides = array<i32>} : memref<16xi32, #tpu.memory_space<vmem>>, vector<16xi32>,
      %gather3A_1030 = arith.constant 16 : i32
      %gather3A_1031 = tpu.memref_slice %arg11[%gather3A_1030] : memref<80xi32, #tpu.memory_space<vmem>> -> memref<16xi32, #tpu.memory_space<vmem>>
      %gather3A_1032 = tpu.vector_load_idx %gather3A_1031[%max3A_14] : memref<16xi32, #tpu.memory_space<vmem>>[vector<16xi32>], vector<16xi32>,
      %select_n3A_1033 = arith.select %ge3A_31, %gather3A_1032, %broadcast_in_dim3A_40 : vector<16xi1>, vector<16xi32>
      %add3A_1034 = arith.addi %add3A_1025, %select_n3A_1033 : vector<16xi32>
      %swap3A_1035 = arith.constant 32 : i32
      %swap3A_1036 = tpu.memref_slice %arg11[%swap3A_1035] : memref<80xi32, #tpu.memory_space<vmem>> -> memref<16xi32, #tpu.memory_space<vmem>>
      %swap3A_1037 = arith.constant 0 : index
      %swap3A_1038 = tpu.vector_load %swap3A_1036[%swap3A_1037] {strides = array<i32>} : memref<16xi32, #tpu.memory_space<vmem>>, vector<16xi32>,
      tpu.vector_store %swap3A_1036[%swap3A_1037], %add3A_1034 {strides = array<i32>} : memref<16xi32, #tpu.memory_space<vmem>>, vector<16xi32>,
      %gather3A_1039 = arith.constant 32 : i32
      %gather3A_1040 = tpu.memref_slice %arg11[%gather3A_1039] : memref<80xi32, #tpu.memory_space<vmem>> -> memref<16xi32, #tpu.memory_space<vmem>>
      %gather3A_1041 = tpu.vector_load_idx %gather3A_1040[%max3A_20] : memref<16xi32, #tpu.memory_space<vmem>>[vector<16xi32>], vector<16xi32>,
      %select_n3A_1042 = arith.select %ge3A_34, %gather3A_1041, %broadcast_in_dim3A_40 : vector<16xi1>, vector<16xi32>
      %add3A_1043 = arith.addi %add3A_1034, %select_n3A_1042 : vector<16xi32>
      %swap3A_1044 = arith.constant 48 : i32
      %swap3A_1045 = tpu.memref_slice %arg11[%swap3A_1044] : memref<80xi32, #tpu.memory_space<vmem>> -> memref<16xi32, #tpu.memory_space<vmem>>
      %swap3A_1046 = arith.constant 0 : index
      %swap3A_1047 = tpu.vector_load %swap3A_1045[%swap3A_1046] {strides = array<i32>} : memref<16xi32, #tpu.memory_space<vmem>>, vector<16xi32>,
      tpu.vector_store %swap3A_1045[%swap3A_1046], %add3A_1043 {strides = array<i32>} : memref<16xi32, #tpu.memory_space<vmem>>, vector<16xi32>,
      %gather3A_1048 = arith.constant 48 : i32
      %gather3A_1049 = tpu.memref_slice %arg11[%gather3A_1048] : memref<80xi32, #tpu.memory_space<vmem>> -> memref<16xi32, #tpu.memory_space<vmem>>
      %gather3A_1050 = tpu.vector_load_idx %gather3A_1049[%max3A_26] : memref<16xi32, #tpu.memory_space<vmem>>[vector<16xi32>], vector<16xi32>,
      %select_n3A_1051 = arith.select %ge3A_37, %gather3A_1050, %broadcast_in_dim3A_40 : vector<16xi1>, vector<16xi32>
      %add3A_1052 = arith.addi %add3A_1043, %select_n3A_1051 : vector<16xi32>
      %mul3A_1053 = arith.constant 5 : i32
      %mul3A_1054 = vector.broadcast %mul3A_1053 : i32 to vector<16xi32>
      %mul3A_1055 = arith.muli %get3A_1008, %mul3A_1054 : vector<16xi32>
      %shift_right_arithmetic3A_1056 = arith.shrsi %add3A_1052, %mul3A_1055 : vector<16xi32>
      %and3A_1057 = arith.andi %shift_right_arithmetic3A_1056, %broadcast_in_dim3A_44 : vector<16xi32>
      %sub3A_1058 = arith.subi %and3A_1057, %broadcast_in_dim3A_42 : vector<16xi32>
      %gather3A_1059 = tpu.vector_load_idx %arg10[%get3A_1008] : memref<16xi32, #tpu.memory_space<vmem>>[vector<16xi32>], vector<16xi32>,
      %add3A_1060 = arith.addi %gather3A_1059, %sub3A_1058 : vector<16xi32>
      %shift_right_arithmetic3A_1061 = arith.constant 7 : i32
      %shift_right_arithmetic3A_1062 = vector.broadcast %shift_right_arithmetic3A_1061 : i32 to vector<16xi32>
      %shift_right_arithmetic3A_1063 = arith.shrsi %add3A_1060, %shift_right_arithmetic3A_1062 : vector<16xi32>
      %and3A_1064 = arith.constant 127 : i32
      %and3A_1065 = vector.broadcast %and3A_1064 : i32 to vector<16xi32>
      %and3A_1066 = arith.andi %add3A_1060, %and3A_1065 : vector<16xi32>
      tpu.vector_store_idx %arg13[%shift_right_arithmetic3A_1063, %and3A_1066], %add3A_1015 : memref<600x128xi32, #tpu.memory_space<vmem>>[vector<16xi32>, vector<16xi32>], vector<16xi32>,
      %swap3A_1067 = arith.constant 64 : i32
      %swap3A_1068 = tpu.memref_slice %arg11[%swap3A_1067] : memref<80xi32, #tpu.memory_space<vmem>> -> memref<16xi32, #tpu.memory_space<vmem>>
      %swap3A_1069 = arith.constant 0 : index
      %swap3A_1070 = tpu.vector_load %swap3A_1068[%swap3A_1069] {strides = array<i32>} : memref<16xi32, #tpu.memory_space<vmem>>, vector<16xi32>,
      tpu.vector_store %swap3A_1068[%swap3A_1069], %add3A_1052 {strides = array<i32>} : memref<16xi32, #tpu.memory_space<vmem>>, vector<16xi32>,
      %gather3A_1071 = arith.constant 64 : i32
      %gather3A_1072 = tpu.memref_slice %arg11[%gather3A_1071] : memref<80xi32, #tpu.memory_space<vmem>> -> memref<16xi32, #tpu.memory_space<vmem>>
      %gather3A_1073 = tpu.vector_load_idx %gather3A_1072[%broadcast_in_dim3A_38] : memref<16xi32, #tpu.memory_space<vmem>>[vector<16xi32>], vector<16xi32>,
      %shift_right_arithmetic3A_1074 = arith.shrsi %gather3A_1073, %min3A : vector<16xi32>
      %and3A_1075 = arith.andi %shift_right_arithmetic3A_1074, %broadcast_in_dim3A_44 : vector<16xi32>
      %add3A_1076 = arith.addi %add3A_1004, %and3A_1075 : vector<16xi32>
      %swap3A_1077 = arith.constant 0 : index
      %swap3A_1078 = tpu.vector_load %arg10[%swap3A_1077] {strides = array<i32>} : memref<16xi32, #tpu.memory_space<vmem>>, vector<16xi32>,
      tpu.vector_store %arg10[%swap3A_1077], %add3A_1076 {strides = array<i32>} : memref<16xi32, #tpu.memory_space<vmem>>, vector<16xi32>,
      %get3A_1079 = arith.constant 176 : index
      %get3A_1080 = tpu.vector_load %arg14[%get3A_1079] {strides = array<i32>} : memref<256xi32, #tpu.memory_space<vmem>>, vector<16xi32>,
      %mul3A_1081 = arith.constant 256 : i32
      %mul3A_1082 = arith.muli %add3A_283, %mul3A_1081 : i32
      %add3A_1083 = arith.addi %mul3A_4, %mul3A_1082 : i32
      %add3A_1084 = arith.constant 176 : i32
      %add3A_1085 = arith.addi %add3A_1083, %add3A_1084 : i32
      %add3A_1086 = vector.broadcast %add3A_1085 : i32 to vector<16xi32>
      %add3A_1087 = arith.addi %add3A_1086, %iota3A : vector<16xi32>
      %gather3A_1088 = tpu.vector_load_idx %arg12[%get3A_1080] : memref<16xi32, #tpu.memory_space<vmem>>[vector<16xi32>], vector<16xi32>,
      %swap3A_1089 = arith.constant 0 : i32
      %swap3A_1090 = tpu.memref_slice %arg11[%swap3A_1089] : memref<80xi32, #tpu.memory_space<vmem>> -> memref<16xi32, #tpu.memory_space<vmem>>
      %swap3A_1091 = arith.constant 0 : index
      %swap3A_1092 = tpu.vector_load %swap3A_1090[%swap3A_1091] {strides = array<i32>} : memref<16xi32, #tpu.memory_space<vmem>>, vector<16xi32>,
      tpu.vector_store %swap3A_1090[%swap3A_1091], %gather3A_1088 {strides = array<i32>} : memref<16xi32, #tpu.memory_space<vmem>>, vector<16xi32>,
      %gather3A_1093 = arith.constant 0 : i32
      %gather3A_1094 = tpu.memref_slice %arg11[%gather3A_1093] : memref<80xi32, #tpu.memory_space<vmem>> -> memref<16xi32, #tpu.memory_space<vmem>>
      %gather3A_1095 = tpu.vector_load_idx %gather3A_1094[%max3A_8] : memref<16xi32, #tpu.memory_space<vmem>>[vector<16xi32>], vector<16xi32>,
      %select_n3A_1096 = arith.select %ge3A_28, %gather3A_1095, %broadcast_in_dim3A_40 : vector<16xi1>, vector<16xi32>
      %add3A_1097 = arith.addi %gather3A_1088, %select_n3A_1096 : vector<16xi32>
      %swap3A_1098 = arith.constant 16 : i32
      %swap3A_1099 = tpu.memref_slice %arg11[%swap3A_1098] : memref<80xi32, #tpu.memory_space<vmem>> -> memref<16xi32, #tpu.memory_space<vmem>>
      %swap3A_1100 = arith.constant 0 : index
      %swap3A_1101 = tpu.vector_load %swap3A_1099[%swap3A_1100] {strides = array<i32>} : memref<16xi32, #tpu.memory_space<vmem>>, vector<16xi32>,
      tpu.vector_store %swap3A_1099[%swap3A_1100], %add3A_1097 {strides = array<i32>} : memref<16xi32, #tpu.memory_space<vmem>>, vector<16xi32>,
      %gather3A_1102 = arith.constant 16 : i32
      %gather3A_1103 = tpu.memref_slice %arg11[%gather3A_1102] : memref<80xi32, #tpu.memory_space<vmem>> -> memref<16xi32, #tpu.memory_space<vmem>>
      %gather3A_1104 = tpu.vector_load_idx %gather3A_1103[%max3A_14] : memref<16xi32, #tpu.memory_space<vmem>>[vector<16xi32>], vector<16xi32>,
      %select_n3A_1105 = arith.select %ge3A_31, %gather3A_1104, %broadcast_in_dim3A_40 : vector<16xi1>, vector<16xi32>
      %add3A_1106 = arith.addi %add3A_1097, %select_n3A_1105 : vector<16xi32>
      %swap3A_1107 = arith.constant 32 : i32
      %swap3A_1108 = tpu.memref_slice %arg11[%swap3A_1107] : memref<80xi32, #tpu.memory_space<vmem>> -> memref<16xi32, #tpu.memory_space<vmem>>
      %swap3A_1109 = arith.constant 0 : index
      %swap3A_1110 = tpu.vector_load %swap3A_1108[%swap3A_1109] {strides = array<i32>} : memref<16xi32, #tpu.memory_space<vmem>>, vector<16xi32>,
      tpu.vector_store %swap3A_1108[%swap3A_1109], %add3A_1106 {strides = array<i32>} : memref<16xi32, #tpu.memory_space<vmem>>, vector<16xi32>,
      %gather3A_1111 = arith.constant 32 : i32
      %gather3A_1112 = tpu.memref_slice %arg11[%gather3A_1111] : memref<80xi32, #tpu.memory_space<vmem>> -> memref<16xi32, #tpu.memory_space<vmem>>
      %gather3A_1113 = tpu.vector_load_idx %gather3A_1112[%max3A_20] : memref<16xi32, #tpu.memory_space<vmem>>[vector<16xi32>], vector<16xi32>,
      %select_n3A_1114 = arith.select %ge3A_34, %gather3A_1113, %broadcast_in_dim3A_40 : vector<16xi1>, vector<16xi32>
      %add3A_1115 = arith.addi %add3A_1106, %select_n3A_1114 : vector<16xi32>
      %swap3A_1116 = arith.constant 48 : i32
      %swap3A_1117 = tpu.memref_slice %arg11[%swap3A_1116] : memref<80xi32, #tpu.memory_space<vmem>> -> memref<16xi32, #tpu.memory_space<vmem>>
      %swap3A_1118 = arith.constant 0 : index
      %swap3A_1119 = tpu.vector_load %swap3A_1117[%swap3A_1118] {strides = array<i32>} : memref<16xi32, #tpu.memory_space<vmem>>, vector<16xi32>,
      tpu.vector_store %swap3A_1117[%swap3A_1118], %add3A_1115 {strides = array<i32>} : memref<16xi32, #tpu.memory_space<vmem>>, vector<16xi32>,
      %gather3A_1120 = arith.constant 48 : i32
      %gather3A_1121 = tpu.memref_slice %arg11[%gather3A_1120] : memref<80xi32, #tpu.memory_space<vmem>> -> memref<16xi32, #tpu.memory_space<vmem>>
      %gather3A_1122 = tpu.vector_load_idx %gather3A_1121[%max3A_26] : memref<16xi32, #tpu.memory_space<vmem>>[vector<16xi32>], vector<16xi32>,
      %select_n3A_1123 = arith.select %ge3A_37, %gather3A_1122, %broadcast_in_dim3A_40 : vector<16xi1>, vector<16xi32>
      %add3A_1124 = arith.addi %add3A_1115, %select_n3A_1123 : vector<16xi32>
      %mul3A_1125 = arith.constant 5 : i32
      %mul3A_1126 = vector.broadcast %mul3A_1125 : i32 to vector<16xi32>
      %mul3A_1127 = arith.muli %get3A_1080, %mul3A_1126 : vector<16xi32>
      %shift_right_arithmetic3A_1128 = arith.shrsi %add3A_1124, %mul3A_1127 : vector<16xi32>
      %and3A_1129 = arith.andi %shift_right_arithmetic3A_1128, %broadcast_in_dim3A_44 : vector<16xi32>
      %sub3A_1130 = arith.subi %and3A_1129, %broadcast_in_dim3A_42 : vector<16xi32>
      %gather3A_1131 = tpu.vector_load_idx %arg10[%get3A_1080] : memref<16xi32, #tpu.memory_space<vmem>>[vector<16xi32>], vector<16xi32>,
      %add3A_1132 = arith.addi %gather3A_1131, %sub3A_1130 : vector<16xi32>
      %shift_right_arithmetic3A_1133 = arith.constant 7 : i32
      %shift_right_arithmetic3A_1134 = vector.broadcast %shift_right_arithmetic3A_1133 : i32 to vector<16xi32>
      %shift_right_arithmetic3A_1135 = arith.shrsi %add3A_1132, %shift_right_arithmetic3A_1134 : vector<16xi32>
      %and3A_1136 = arith.constant 127 : i32
      %and3A_1137 = vector.broadcast %and3A_1136 : i32 to vector<16xi32>
      %and3A_1138 = arith.andi %add3A_1132, %and3A_1137 : vector<16xi32>
      tpu.vector_store_idx %arg13[%shift_right_arithmetic3A_1135, %and3A_1138], %add3A_1087 : memref<600x128xi32, #tpu.memory_space<vmem>>[vector<16xi32>, vector<16xi32>], vector<16xi32>,
      %swap3A_1139 = arith.constant 64 : i32
      %swap3A_1140 = tpu.memref_slice %arg11[%swap3A_1139] : memref<80xi32, #tpu.memory_space<vmem>> -> memref<16xi32, #tpu.memory_space<vmem>>
      %swap3A_1141 = arith.constant 0 : index
      %swap3A_1142 = tpu.vector_load %swap3A_1140[%swap3A_1141] {strides = array<i32>} : memref<16xi32, #tpu.memory_space<vmem>>, vector<16xi32>,
      tpu.vector_store %swap3A_1140[%swap3A_1141], %add3A_1124 {strides = array<i32>} : memref<16xi32, #tpu.memory_space<vmem>>, vector<16xi32>,
      %gather3A_1143 = arith.constant 64 : i32
      %gather3A_1144 = tpu.memref_slice %arg11[%gather3A_1143] : memref<80xi32, #tpu.memory_space<vmem>> -> memref<16xi32, #tpu.memory_space<vmem>>
      %gather3A_1145 = tpu.vector_load_idx %gather3A_1144[%broadcast_in_dim3A_38] : memref<16xi32, #tpu.memory_space<vmem>>[vector<16xi32>], vector<16xi32>,
      %shift_right_arithmetic3A_1146 = arith.shrsi %gather3A_1145, %min3A : vector<16xi32>
      %and3A_1147 = arith.andi %shift_right_arithmetic3A_1146, %broadcast_in_dim3A_44 : vector<16xi32>
      %add3A_1148 = arith.addi %add3A_1076, %and3A_1147 : vector<16xi32>
      %swap3A_1149 = arith.constant 0 : index
      %swap3A_1150 = tpu.vector_load %arg10[%swap3A_1149] {strides = array<i32>} : memref<16xi32, #tpu.memory_space<vmem>>, vector<16xi32>,
      tpu.vector_store %arg10[%swap3A_1149], %add3A_1148 {strides = array<i32>} : memref<16xi32, #tpu.memory_space<vmem>>, vector<16xi32>,
      %get3A_1151 = arith.constant 192 : index
      %get3A_1152 = tpu.vector_load %arg14[%get3A_1151] {strides = array<i32>} : memref<256xi32, #tpu.memory_space<vmem>>, vector<16xi32>,
      %mul3A_1153 = arith.constant 256 : i32
      %mul3A_1154 = arith.muli %add3A_283, %mul3A_1153 : i32
      %add3A_1155 = arith.addi %mul3A_4, %mul3A_1154 : i32
      %add3A_1156 = arith.constant 192 : i32
      %add3A_1157 = arith.addi %add3A_1155, %add3A_1156 : i32
      %add3A_1158 = vector.broadcast %add3A_1157 : i32 to vector<16xi32>
      %add3A_1159 = arith.addi %add3A_1158, %iota3A : vector<16xi32>
      %gather3A_1160 = tpu.vector_load_idx %arg12[%get3A_1152] : memref<16xi32, #tpu.memory_space<vmem>>[vector<16xi32>], vector<16xi32>,
      %swap3A_1161 = arith.constant 0 : i32
      %swap3A_1162 = tpu.memref_slice %arg11[%swap3A_1161] : memref<80xi32, #tpu.memory_space<vmem>> -> memref<16xi32, #tpu.memory_space<vmem>>
      %swap3A_1163 = arith.constant 0 : index
      %swap3A_1164 = tpu.vector_load %swap3A_1162[%swap3A_1163] {strides = array<i32>} : memref<16xi32, #tpu.memory_space<vmem>>, vector<16xi32>,
      tpu.vector_store %swap3A_1162[%swap3A_1163], %gather3A_1160 {strides = array<i32>} : memref<16xi32, #tpu.memory_space<vmem>>, vector<16xi32>,
      %gather3A_1165 = arith.constant 0 : i32
      %gather3A_1166 = tpu.memref_slice %arg11[%gather3A_1165] : memref<80xi32, #tpu.memory_space<vmem>> -> memref<16xi32, #tpu.memory_space<vmem>>
      %gather3A_1167 = tpu.vector_load_idx %gather3A_1166[%max3A_8] : memref<16xi32, #tpu.memory_space<vmem>>[vector<16xi32>], vector<16xi32>,
      %select_n3A_1168 = arith.select %ge3A_28, %gather3A_1167, %broadcast_in_dim3A_40 : vector<16xi1>, vector<16xi32>
      %add3A_1169 = arith.addi %gather3A_1160, %select_n3A_1168 : vector<16xi32>
      %swap3A_1170 = arith.constant 16 : i32
      %swap3A_1171 = tpu.memref_slice %arg11[%swap3A_1170] : memref<80xi32, #tpu.memory_space<vmem>> -> memref<16xi32, #tpu.memory_space<vmem>>
      %swap3A_1172 = arith.constant 0 : index
      %swap3A_1173 = tpu.vector_load %swap3A_1171[%swap3A_1172] {strides = array<i32>} : memref<16xi32, #tpu.memory_space<vmem>>, vector<16xi32>,
      tpu.vector_store %swap3A_1171[%swap3A_1172], %add3A_1169 {strides = array<i32>} : memref<16xi32, #tpu.memory_space<vmem>>, vector<16xi32>,
      %gather3A_1174 = arith.constant 16 : i32
      %gather3A_1175 = tpu.memref_slice %arg11[%gather3A_1174] : memref<80xi32, #tpu.memory_space<vmem>> -> memref<16xi32, #tpu.memory_space<vmem>>
      %gather3A_1176 = tpu.vector_load_idx %gather3A_1175[%max3A_14] : memref<16xi32, #tpu.memory_space<vmem>>[vector<16xi32>], vector<16xi32>,
      %select_n3A_1177 = arith.select %ge3A_31, %gather3A_1176, %broadcast_in_dim3A_40 : vector<16xi1>, vector<16xi32>
      %add3A_1178 = arith.addi %add3A_1169, %select_n3A_1177 : vector<16xi32>
      %swap3A_1179 = arith.constant 32 : i32
      %swap3A_1180 = tpu.memref_slice %arg11[%swap3A_1179] : memref<80xi32, #tpu.memory_space<vmem>> -> memref<16xi32, #tpu.memory_space<vmem>>
      %swap3A_1181 = arith.constant 0 : index
      %swap3A_1182 = tpu.vector_load %swap3A_1180[%swap3A_1181] {strides = array<i32>} : memref<16xi32, #tpu.memory_space<vmem>>, vector<16xi32>,
      tpu.vector_store %swap3A_1180[%swap3A_1181], %add3A_1178 {strides = array<i32>} : memref<16xi32, #tpu.memory_space<vmem>>, vector<16xi32>,
      %gather3A_1183 = arith.constant 32 : i32
      %gather3A_1184 = tpu.memref_slice %arg11[%gather3A_1183] : memref<80xi32, #tpu.memory_space<vmem>> -> memref<16xi32, #tpu.memory_space<vmem>>
      %gather3A_1185 = tpu.vector_load_idx %gather3A_1184[%max3A_20] : memref<16xi32, #tpu.memory_space<vmem>>[vector<16xi32>], vector<16xi32>,
      %select_n3A_1186 = arith.select %ge3A_34, %gather3A_1185, %broadcast_in_dim3A_40 : vector<16xi1>, vector<16xi32>
      %add3A_1187 = arith.addi %add3A_1178, %select_n3A_1186 : vector<16xi32>
      %swap3A_1188 = arith.constant 48 : i32
      %swap3A_1189 = tpu.memref_slice %arg11[%swap3A_1188] : memref<80xi32, #tpu.memory_space<vmem>> -> memref<16xi32, #tpu.memory_space<vmem>>
      %swap3A_1190 = arith.constant 0 : index
      %swap3A_1191 = tpu.vector_load %swap3A_1189[%swap3A_1190] {strides = array<i32>} : memref<16xi32, #tpu.memory_space<vmem>>, vector<16xi32>,
      tpu.vector_store %swap3A_1189[%swap3A_1190], %add3A_1187 {strides = array<i32>} : memref<16xi32, #tpu.memory_space<vmem>>, vector<16xi32>,
      %gather3A_1192 = arith.constant 48 : i32
      %gather3A_1193 = tpu.memref_slice %arg11[%gather3A_1192] : memref<80xi32, #tpu.memory_space<vmem>> -> memref<16xi32, #tpu.memory_space<vmem>>
      %gather3A_1194 = tpu.vector_load_idx %gather3A_1193[%max3A_26] : memref<16xi32, #tpu.memory_space<vmem>>[vector<16xi32>], vector<16xi32>,
      %select_n3A_1195 = arith.select %ge3A_37, %gather3A_1194, %broadcast_in_dim3A_40 : vector<16xi1>, vector<16xi32>
      %add3A_1196 = arith.addi %add3A_1187, %select_n3A_1195 : vector<16xi32>
      %mul3A_1197 = arith.constant 5 : i32
      %mul3A_1198 = vector.broadcast %mul3A_1197 : i32 to vector<16xi32>
      %mul3A_1199 = arith.muli %get3A_1152, %mul3A_1198 : vector<16xi32>
      %shift_right_arithmetic3A_1200 = arith.shrsi %add3A_1196, %mul3A_1199 : vector<16xi32>
      %and3A_1201 = arith.andi %shift_right_arithmetic3A_1200, %broadcast_in_dim3A_44 : vector<16xi32>
      %sub3A_1202 = arith.subi %and3A_1201, %broadcast_in_dim3A_42 : vector<16xi32>
      %gather3A_1203 = tpu.vector_load_idx %arg10[%get3A_1152] : memref<16xi32, #tpu.memory_space<vmem>>[vector<16xi32>], vector<16xi32>,
      %add3A_1204 = arith.addi %gather3A_1203, %sub3A_1202 : vector<16xi32>
      %shift_right_arithmetic3A_1205 = arith.constant 7 : i32
      %shift_right_arithmetic3A_1206 = vector.broadcast %shift_right_arithmetic3A_1205 : i32 to vector<16xi32>
      %shift_right_arithmetic3A_1207 = arith.shrsi %add3A_1204, %shift_right_arithmetic3A_1206 : vector<16xi32>
      %and3A_1208 = arith.constant 127 : i32
      %and3A_1209 = vector.broadcast %and3A_1208 : i32 to vector<16xi32>
      %and3A_1210 = arith.andi %add3A_1204, %and3A_1209 : vector<16xi32>
      tpu.vector_store_idx %arg13[%shift_right_arithmetic3A_1207, %and3A_1210], %add3A_1159 : memref<600x128xi32, #tpu.memory_space<vmem>>[vector<16xi32>, vector<16xi32>], vector<16xi32>,
      %swap3A_1211 = arith.constant 64 : i32
      %swap3A_1212 = tpu.memref_slice %arg11[%swap3A_1211] : memref<80xi32, #tpu.memory_space<vmem>> -> memref<16xi32, #tpu.memory_space<vmem>>
      %swap3A_1213 = arith.constant 0 : index
      %swap3A_1214 = tpu.vector_load %swap3A_1212[%swap3A_1213] {strides = array<i32>} : memref<16xi32, #tpu.memory_space<vmem>>, vector<16xi32>,
      tpu.vector_store %swap3A_1212[%swap3A_1213], %add3A_1196 {strides = array<i32>} : memref<16xi32, #tpu.memory_space<vmem>>, vector<16xi32>,
      %gather3A_1215 = arith.constant 64 : i32
      %gather3A_1216 = tpu.memref_slice %arg11[%gather3A_1215] : memref<80xi32, #tpu.memory_space<vmem>> -> memref<16xi32, #tpu.memory_space<vmem>>
      %gather3A_1217 = tpu.vector_load_idx %gather3A_1216[%broadcast_in_dim3A_38] : memref<16xi32, #tpu.memory_space<vmem>>[vector<16xi32>], vector<16xi32>,
      %shift_right_arithmetic3A_1218 = arith.shrsi %gather3A_1217, %min3A : vector<16xi32>
      %and3A_1219 = arith.andi %shift_right_arithmetic3A_1218, %broadcast_in_dim3A_44 : vector<16xi32>
      %add3A_1220 = arith.addi %add3A_1148, %and3A_1219 : vector<16xi32>
      %swap3A_1221 = arith.constant 0 : index
      %swap3A_1222 = tpu.vector_load %arg10[%swap3A_1221] {strides = array<i32>} : memref<16xi32, #tpu.memory_space<vmem>>, vector<16xi32>,
      tpu.vector_store %arg10[%swap3A_1221], %add3A_1220 {strides = array<i32>} : memref<16xi32, #tpu.memory_space<vmem>>, vector<16xi32>,
      %get3A_1223 = arith.constant 208 : index
      %get3A_1224 = tpu.vector_load %arg14[%get3A_1223] {strides = array<i32>} : memref<256xi32, #tpu.memory_space<vmem>>, vector<16xi32>,
      %mul3A_1225 = arith.constant 256 : i32
      %mul3A_1226 = arith.muli %add3A_283, %mul3A_1225 : i32
      %add3A_1227 = arith.addi %mul3A_4, %mul3A_1226 : i32
      %add3A_1228 = arith.constant 208 : i32
      %add3A_1229 = arith.addi %add3A_1227, %add3A_1228 : i32
      %add3A_1230 = vector.broadcast %add3A_1229 : i32 to vector<16xi32>
      %add3A_1231 = arith.addi %add3A_1230, %iota3A : vector<16xi32>
      %gather3A_1232 = tpu.vector_load_idx %arg12[%get3A_1224] : memref<16xi32, #tpu.memory_space<vmem>>[vector<16xi32>], vector<16xi32>,
      %swap3A_1233 = arith.constant 0 : i32
      %swap3A_1234 = tpu.memref_slice %arg11[%swap3A_1233] : memref<80xi32, #tpu.memory_space<vmem>> -> memref<16xi32, #tpu.memory_space<vmem>>
      %swap3A_1235 = arith.constant 0 : index
      %swap3A_1236 = tpu.vector_load %swap3A_1234[%swap3A_1235] {strides = array<i32>} : memref<16xi32, #tpu.memory_space<vmem>>, vector<16xi32>,
      tpu.vector_store %swap3A_1234[%swap3A_1235], %gather3A_1232 {strides = array<i32>} : memref<16xi32, #tpu.memory_space<vmem>>, vector<16xi32>,
      %gather3A_1237 = arith.constant 0 : i32
      %gather3A_1238 = tpu.memref_slice %arg11[%gather3A_1237] : memref<80xi32, #tpu.memory_space<vmem>> -> memref<16xi32, #tpu.memory_space<vmem>>
      %gather3A_1239 = tpu.vector_load_idx %gather3A_1238[%max3A_8] : memref<16xi32, #tpu.memory_space<vmem>>[vector<16xi32>], vector<16xi32>,
      %select_n3A_1240 = arith.select %ge3A_28, %gather3A_1239, %broadcast_in_dim3A_40 : vector<16xi1>, vector<16xi32>
      %add3A_1241 = arith.addi %gather3A_1232, %select_n3A_1240 : vector<16xi32>
      %swap3A_1242 = arith.constant 16 : i32
      %swap3A_1243 = tpu.memref_slice %arg11[%swap3A_1242] : memref<80xi32, #tpu.memory_space<vmem>> -> memref<16xi32, #tpu.memory_space<vmem>>
      %swap3A_1244 = arith.constant 0 : index
      %swap3A_1245 = tpu.vector_load %swap3A_1243[%swap3A_1244] {strides = array<i32>} : memref<16xi32, #tpu.memory_space<vmem>>, vector<16xi32>,
      tpu.vector_store %swap3A_1243[%swap3A_1244], %add3A_1241 {strides = array<i32>} : memref<16xi32, #tpu.memory_space<vmem>>, vector<16xi32>,
      %gather3A_1246 = arith.constant 16 : i32
      %gather3A_1247 = tpu.memref_slice %arg11[%gather3A_1246] : memref<80xi32, #tpu.memory_space<vmem>> -> memref<16xi32, #tpu.memory_space<vmem>>
      %gather3A_1248 = tpu.vector_load_idx %gather3A_1247[%max3A_14] : memref<16xi32, #tpu.memory_space<vmem>>[vector<16xi32>], vector<16xi32>,
      %select_n3A_1249 = arith.select %ge3A_31, %gather3A_1248, %broadcast_in_dim3A_40 : vector<16xi1>, vector<16xi32>
      %add3A_1250 = arith.addi %add3A_1241, %select_n3A_1249 : vector<16xi32>
      %swap3A_1251 = arith.constant 32 : i32
      %swap3A_1252 = tpu.memref_slice %arg11[%swap3A_1251] : memref<80xi32, #tpu.memory_space<vmem>> -> memref<16xi32, #tpu.memory_space<vmem>>
      %swap3A_1253 = arith.constant 0 : index
      %swap3A_1254 = tpu.vector_load %swap3A_1252[%swap3A_1253] {strides = array<i32>} : memref<16xi32, #tpu.memory_space<vmem>>, vector<16xi32>,
      tpu.vector_store %swap3A_1252[%swap3A_1253], %add3A_1250 {strides = array<i32>} : memref<16xi32, #tpu.memory_space<vmem>>, vector<16xi32>,
      %gather3A_1255 = arith.constant 32 : i32
      %gather3A_1256 = tpu.memref_slice %arg11[%gather3A_1255] : memref<80xi32, #tpu.memory_space<vmem>> -> memref<16xi32, #tpu.memory_space<vmem>>
      %gather3A_1257 = tpu.vector_load_idx %gather3A_1256[%max3A_20] : memref<16xi32, #tpu.memory_space<vmem>>[vector<16xi32>], vector<16xi32>,
      %select_n3A_1258 = arith.select %ge3A_34, %gather3A_1257, %broadcast_in_dim3A_40 : vector<16xi1>, vector<16xi32>
      %add3A_1259 = arith.addi %add3A_1250, %select_n3A_1258 : vector<16xi32>
      %swap3A_1260 = arith.constant 48 : i32
      %swap3A_1261 = tpu.memref_slice %arg11[%swap3A_1260] : memref<80xi32, #tpu.memory_space<vmem>> -> memref<16xi32, #tpu.memory_space<vmem>>
      %swap3A_1262 = arith.constant 0 : index
      %swap3A_1263 = tpu.vector_load %swap3A_1261[%swap3A_1262] {strides = array<i32>} : memref<16xi32, #tpu.memory_space<vmem>>, vector<16xi32>,
      tpu.vector_store %swap3A_1261[%swap3A_1262], %add3A_1259 {strides = array<i32>} : memref<16xi32, #tpu.memory_space<vmem>>, vector<16xi32>,
      %gather3A_1264 = arith.constant 48 : i32
      %gather3A_1265 = tpu.memref_slice %arg11[%gather3A_1264] : memref<80xi32, #tpu.memory_space<vmem>> -> memref<16xi32, #tpu.memory_space<vmem>>
      %gather3A_1266 = tpu.vector_load_idx %gather3A_1265[%max3A_26] : memref<16xi32, #tpu.memory_space<vmem>>[vector<16xi32>], vector<16xi32>,
      %select_n3A_1267 = arith.select %ge3A_37, %gather3A_1266, %broadcast_in_dim3A_40 : vector<16xi1>, vector<16xi32>
      %add3A_1268 = arith.addi %add3A_1259, %select_n3A_1267 : vector<16xi32>
      %mul3A_1269 = arith.constant 5 : i32
      %mul3A_1270 = vector.broadcast %mul3A_1269 : i32 to vector<16xi32>
      %mul3A_1271 = arith.muli %get3A_1224, %mul3A_1270 : vector<16xi32>
      %shift_right_arithmetic3A_1272 = arith.shrsi %add3A_1268, %mul3A_1271 : vector<16xi32>
      %and3A_1273 = arith.andi %shift_right_arithmetic3A_1272, %broadcast_in_dim3A_44 : vector<16xi32>
      %sub3A_1274 = arith.subi %and3A_1273, %broadcast_in_dim3A_42 : vector<16xi32>
      %gather3A_1275 = tpu.vector_load_idx %arg10[%get3A_1224] : memref<16xi32, #tpu.memory_space<vmem>>[vector<16xi32>], vector<16xi32>,
      %add3A_1276 = arith.addi %gather3A_1275, %sub3A_1274 : vector<16xi32>
      %shift_right_arithmetic3A_1277 = arith.constant 7 : i32
      %shift_right_arithmetic3A_1278 = vector.broadcast %shift_right_arithmetic3A_1277 : i32 to vector<16xi32>
      %shift_right_arithmetic3A_1279 = arith.shrsi %add3A_1276, %shift_right_arithmetic3A_1278 : vector<16xi32>
      %and3A_1280 = arith.constant 127 : i32
      %and3A_1281 = vector.broadcast %and3A_1280 : i32 to vector<16xi32>
      %and3A_1282 = arith.andi %add3A_1276, %and3A_1281 : vector<16xi32>
      tpu.vector_store_idx %arg13[%shift_right_arithmetic3A_1279, %and3A_1282], %add3A_1231 : memref<600x128xi32, #tpu.memory_space<vmem>>[vector<16xi32>, vector<16xi32>], vector<16xi32>,
      %swap3A_1283 = arith.constant 64 : i32
      %swap3A_1284 = tpu.memref_slice %arg11[%swap3A_1283] : memref<80xi32, #tpu.memory_space<vmem>> -> memref<16xi32, #tpu.memory_space<vmem>>
      %swap3A_1285 = arith.constant 0 : index
      %swap3A_1286 = tpu.vector_load %swap3A_1284[%swap3A_1285] {strides = array<i32>} : memref<16xi32, #tpu.memory_space<vmem>>, vector<16xi32>,
      tpu.vector_store %swap3A_1284[%swap3A_1285], %add3A_1268 {strides = array<i32>} : memref<16xi32, #tpu.memory_space<vmem>>, vector<16xi32>,
      %gather3A_1287 = arith.constant 64 : i32
      %gather3A_1288 = tpu.memref_slice %arg11[%gather3A_1287] : memref<80xi32, #tpu.memory_space<vmem>> -> memref<16xi32, #tpu.memory_space<vmem>>
      %gather3A_1289 = tpu.vector_load_idx %gather3A_1288[%broadcast_in_dim3A_38] : memref<16xi32, #tpu.memory_space<vmem>>[vector<16xi32>], vector<16xi32>,
      %shift_right_arithmetic3A_1290 = arith.shrsi %gather3A_1289, %min3A : vector<16xi32>
      %and3A_1291 = arith.andi %shift_right_arithmetic3A_1290, %broadcast_in_dim3A_44 : vector<16xi32>
      %add3A_1292 = arith.addi %add3A_1220, %and3A_1291 : vector<16xi32>
      %swap3A_1293 = arith.constant 0 : index
      %swap3A_1294 = tpu.vector_load %arg10[%swap3A_1293] {strides = array<i32>} : memref<16xi32, #tpu.memory_space<vmem>>, vector<16xi32>,
      tpu.vector_store %arg10[%swap3A_1293], %add3A_1292 {strides = array<i32>} : memref<16xi32, #tpu.memory_space<vmem>>, vector<16xi32>,
      %get3A_1295 = arith.constant 224 : index
      %get3A_1296 = tpu.vector_load %arg14[%get3A_1295] {strides = array<i32>} : memref<256xi32, #tpu.memory_space<vmem>>, vector<16xi32>,
      %mul3A_1297 = arith.constant 256 : i32
      %mul3A_1298 = arith.muli %add3A_283, %mul3A_1297 : i32
      %add3A_1299 = arith.addi %mul3A_4, %mul3A_1298 : i32
      %add3A_1300 = arith.constant 224 : i32
      %add3A_1301 = arith.addi %add3A_1299, %add3A_1300 : i32
      %add3A_1302 = vector.broadcast %add3A_1301 : i32 to vector<16xi32>
      %add3A_1303 = arith.addi %add3A_1302, %iota3A : vector<16xi32>
      %gather3A_1304 = tpu.vector_load_idx %arg12[%get3A_1296] : memref<16xi32, #tpu.memory_space<vmem>>[vector<16xi32>], vector<16xi32>,
      %swap3A_1305 = arith.constant 0 : i32
      %swap3A_1306 = tpu.memref_slice %arg11[%swap3A_1305] : memref<80xi32, #tpu.memory_space<vmem>> -> memref<16xi32, #tpu.memory_space<vmem>>
      %swap3A_1307 = arith.constant 0 : index
      %swap3A_1308 = tpu.vector_load %swap3A_1306[%swap3A_1307] {strides = array<i32>} : memref<16xi32, #tpu.memory_space<vmem>>, vector<16xi32>,
      tpu.vector_store %swap3A_1306[%swap3A_1307], %gather3A_1304 {strides = array<i32>} : memref<16xi32, #tpu.memory_space<vmem>>, vector<16xi32>,
      %gather3A_1309 = arith.constant 0 : i32
      %gather3A_1310 = tpu.memref_slice %arg11[%gather3A_1309] : memref<80xi32, #tpu.memory_space<vmem>> -> memref<16xi32, #tpu.memory_space<vmem>>
      %gather3A_1311 = tpu.vector_load_idx %gather3A_1310[%max3A_8] : memref<16xi32, #tpu.memory_space<vmem>>[vector<16xi32>], vector<16xi32>,
      %select_n3A_1312 = arith.select %ge3A_28, %gather3A_1311, %broadcast_in_dim3A_40 : vector<16xi1>, vector<16xi32>
      %add3A_1313 = arith.addi %gather3A_1304, %select_n3A_1312 : vector<16xi32>
      %swap3A_1314 = arith.constant 16 : i32
      %swap3A_1315 = tpu.memref_slice %arg11[%swap3A_1314] : memref<80xi32, #tpu.memory_space<vmem>> -> memref<16xi32, #tpu.memory_space<vmem>>
      %swap3A_1316 = arith.constant 0 : index
      %swap3A_1317 = tpu.vector_load %swap3A_1315[%swap3A_1316] {strides = array<i32>} : memref<16xi32, #tpu.memory_space<vmem>>, vector<16xi32>,
      tpu.vector_store %swap3A_1315[%swap3A_1316], %add3A_1313 {strides = array<i32>} : memref<16xi32, #tpu.memory_space<vmem>>, vector<16xi32>,
      %gather3A_1318 = arith.constant 16 : i32
      %gather3A_1319 = tpu.memref_slice %arg11[%gather3A_1318] : memref<80xi32, #tpu.memory_space<vmem>> -> memref<16xi32, #tpu.memory_space<vmem>>
      %gather3A_1320 = tpu.vector_load_idx %gather3A_1319[%max3A_14] : memref<16xi32, #tpu.memory_space<vmem>>[vector<16xi32>], vector<16xi32>,
      %select_n3A_1321 = arith.select %ge3A_31, %gather3A_1320, %broadcast_in_dim3A_40 : vector<16xi1>, vector<16xi32>
      %add3A_1322 = arith.addi %add3A_1313, %select_n3A_1321 : vector<16xi32>
      %swap3A_1323 = arith.constant 32 : i32
      %swap3A_1324 = tpu.memref_slice %arg11[%swap3A_1323] : memref<80xi32, #tpu.memory_space<vmem>> -> memref<16xi32, #tpu.memory_space<vmem>>
      %swap3A_1325 = arith.constant 0 : index
      %swap3A_1326 = tpu.vector_load %swap3A_1324[%swap3A_1325] {strides = array<i32>} : memref<16xi32, #tpu.memory_space<vmem>>, vector<16xi32>,
      tpu.vector_store %swap3A_1324[%swap3A_1325], %add3A_1322 {strides = array<i32>} : memref<16xi32, #tpu.memory_space<vmem>>, vector<16xi32>,
      %gather3A_1327 = arith.constant 32 : i32
      %gather3A_1328 = tpu.memref_slice %arg11[%gather3A_1327] : memref<80xi32, #tpu.memory_space<vmem>> -> memref<16xi32, #tpu.memory_space<vmem>>
      %gather3A_1329 = tpu.vector_load_idx %gather3A_1328[%max3A_20] : memref<16xi32, #tpu.memory_space<vmem>>[vector<16xi32>], vector<16xi32>,
      %select_n3A_1330 = arith.select %ge3A_34, %gather3A_1329, %broadcast_in_dim3A_40 : vector<16xi1>, vector<16xi32>
      %add3A_1331 = arith.addi %add3A_1322, %select_n3A_1330 : vector<16xi32>
      %swap3A_1332 = arith.constant 48 : i32
      %swap3A_1333 = tpu.memref_slice %arg11[%swap3A_1332] : memref<80xi32, #tpu.memory_space<vmem>> -> memref<16xi32, #tpu.memory_space<vmem>>
      %swap3A_1334 = arith.constant 0 : index
      %swap3A_1335 = tpu.vector_load %swap3A_1333[%swap3A_1334] {strides = array<i32>} : memref<16xi32, #tpu.memory_space<vmem>>, vector<16xi32>,
      tpu.vector_store %swap3A_1333[%swap3A_1334], %add3A_1331 {strides = array<i32>} : memref<16xi32, #tpu.memory_space<vmem>>, vector<16xi32>,
      %gather3A_1336 = arith.constant 48 : i32
      %gather3A_1337 = tpu.memref_slice %arg11[%gather3A_1336] : memref<80xi32, #tpu.memory_space<vmem>> -> memref<16xi32, #tpu.memory_space<vmem>>
      %gather3A_1338 = tpu.vector_load_idx %gather3A_1337[%max3A_26] : memref<16xi32, #tpu.memory_space<vmem>>[vector<16xi32>], vector<16xi32>,
      %select_n3A_1339 = arith.select %ge3A_37, %gather3A_1338, %broadcast_in_dim3A_40 : vector<16xi1>, vector<16xi32>
      %add3A_1340 = arith.addi %add3A_1331, %select_n3A_1339 : vector<16xi32>
      %mul3A_1341 = arith.constant 5 : i32
      %mul3A_1342 = vector.broadcast %mul3A_1341 : i32 to vector<16xi32>
      %mul3A_1343 = arith.muli %get3A_1296, %mul3A_1342 : vector<16xi32>
      %shift_right_arithmetic3A_1344 = arith.shrsi %add3A_1340, %mul3A_1343 : vector<16xi32>
      %and3A_1345 = arith.andi %shift_right_arithmetic3A_1344, %broadcast_in_dim3A_44 : vector<16xi32>
      %sub3A_1346 = arith.subi %and3A_1345, %broadcast_in_dim3A_42 : vector<16xi32>
      %gather3A_1347 = tpu.vector_load_idx %arg10[%get3A_1296] : memref<16xi32, #tpu.memory_space<vmem>>[vector<16xi32>], vector<16xi32>,
      %add3A_1348 = arith.addi %gather3A_1347, %sub3A_1346 : vector<16xi32>
      %shift_right_arithmetic3A_1349 = arith.constant 7 : i32
      %shift_right_arithmetic3A_1350 = vector.broadcast %shift_right_arithmetic3A_1349 : i32 to vector<16xi32>
      %shift_right_arithmetic3A_1351 = arith.shrsi %add3A_1348, %shift_right_arithmetic3A_1350 : vector<16xi32>
      %and3A_1352 = arith.constant 127 : i32
      %and3A_1353 = vector.broadcast %and3A_1352 : i32 to vector<16xi32>
      %and3A_1354 = arith.andi %add3A_1348, %and3A_1353 : vector<16xi32>
      tpu.vector_store_idx %arg13[%shift_right_arithmetic3A_1351, %and3A_1354], %add3A_1303 : memref<600x128xi32, #tpu.memory_space<vmem>>[vector<16xi32>, vector<16xi32>], vector<16xi32>,
      %swap3A_1355 = arith.constant 64 : i32
      %swap3A_1356 = tpu.memref_slice %arg11[%swap3A_1355] : memref<80xi32, #tpu.memory_space<vmem>> -> memref<16xi32, #tpu.memory_space<vmem>>
      %swap3A_1357 = arith.constant 0 : index
      %swap3A_1358 = tpu.vector_load %swap3A_1356[%swap3A_1357] {strides = array<i32>} : memref<16xi32, #tpu.memory_space<vmem>>, vector<16xi32>,
      tpu.vector_store %swap3A_1356[%swap3A_1357], %add3A_1340 {strides = array<i32>} : memref<16xi32, #tpu.memory_space<vmem>>, vector<16xi32>,
      %gather3A_1359 = arith.constant 64 : i32
      %gather3A_1360 = tpu.memref_slice %arg11[%gather3A_1359] : memref<80xi32, #tpu.memory_space<vmem>> -> memref<16xi32, #tpu.memory_space<vmem>>
      %gather3A_1361 = tpu.vector_load_idx %gather3A_1360[%broadcast_in_dim3A_38] : memref<16xi32, #tpu.memory_space<vmem>>[vector<16xi32>], vector<16xi32>,
      %shift_right_arithmetic3A_1362 = arith.shrsi %gather3A_1361, %min3A : vector<16xi32>
      %and3A_1363 = arith.andi %shift_right_arithmetic3A_1362, %broadcast_in_dim3A_44 : vector<16xi32>
      %add3A_1364 = arith.addi %add3A_1292, %and3A_1363 : vector<16xi32>
      %swap3A_1365 = arith.constant 0 : index
      %swap3A_1366 = tpu.vector_load %arg10[%swap3A_1365] {strides = array<i32>} : memref<16xi32, #tpu.memory_space<vmem>>, vector<16xi32>,
      tpu.vector_store %arg10[%swap3A_1365], %add3A_1364 {strides = array<i32>} : memref<16xi32, #tpu.memory_space<vmem>>, vector<16xi32>,
      %get3A_1367 = arith.constant 240 : index
      %get3A_1368 = tpu.vector_load %arg14[%get3A_1367] {strides = array<i32>} : memref<256xi32, #tpu.memory_space<vmem>>, vector<16xi32>,
      %mul3A_1369 = arith.constant 256 : i32
      %mul3A_1370 = arith.muli %add3A_283, %mul3A_1369 : i32
      %add3A_1371 = arith.addi %mul3A_4, %mul3A_1370 : i32
      %add3A_1372 = arith.constant 240 : i32
      %add3A_1373 = arith.addi %add3A_1371, %add3A_1372 : i32
      %add3A_1374 = vector.broadcast %add3A_1373 : i32 to vector<16xi32>
      %add3A_1375 = arith.addi %add3A_1374, %iota3A : vector<16xi32>
      %gather3A_1376 = tpu.vector_load_idx %arg12[%get3A_1368] : memref<16xi32, #tpu.memory_space<vmem>>[vector<16xi32>], vector<16xi32>,
      %swap3A_1377 = arith.constant 0 : i32
      %swap3A_1378 = tpu.memref_slice %arg11[%swap3A_1377] : memref<80xi32, #tpu.memory_space<vmem>> -> memref<16xi32, #tpu.memory_space<vmem>>
      %swap3A_1379 = arith.constant 0 : index
      %swap3A_1380 = tpu.vector_load %swap3A_1378[%swap3A_1379] {strides = array<i32>} : memref<16xi32, #tpu.memory_space<vmem>>, vector<16xi32>,
      tpu.vector_store %swap3A_1378[%swap3A_1379], %gather3A_1376 {strides = array<i32>} : memref<16xi32, #tpu.memory_space<vmem>>, vector<16xi32>,
      %gather3A_1381 = arith.constant 0 : i32
      %gather3A_1382 = tpu.memref_slice %arg11[%gather3A_1381] : memref<80xi32, #tpu.memory_space<vmem>> -> memref<16xi32, #tpu.memory_space<vmem>>
      %gather3A_1383 = tpu.vector_load_idx %gather3A_1382[%max3A_8] : memref<16xi32, #tpu.memory_space<vmem>>[vector<16xi32>], vector<16xi32>,
      %select_n3A_1384 = arith.select %ge3A_28, %gather3A_1383, %broadcast_in_dim3A_40 : vector<16xi1>, vector<16xi32>
      %add3A_1385 = arith.addi %gather3A_1376, %select_n3A_1384 : vector<16xi32>
      %swap3A_1386 = arith.constant 16 : i32
      %swap3A_1387 = tpu.memref_slice %arg11[%swap3A_1386] : memref<80xi32, #tpu.memory_space<vmem>> -> memref<16xi32, #tpu.memory_space<vmem>>
      %swap3A_1388 = arith.constant 0 : index
      %swap3A_1389 = tpu.vector_load %swap3A_1387[%swap3A_1388] {strides = array<i32>} : memref<16xi32, #tpu.memory_space<vmem>>, vector<16xi32>,
      tpu.vector_store %swap3A_1387[%swap3A_1388], %add3A_1385 {strides = array<i32>} : memref<16xi32, #tpu.memory_space<vmem>>, vector<16xi32>,
      %gather3A_1390 = arith.constant 16 : i32
      %gather3A_1391 = tpu.memref_slice %arg11[%gather3A_1390] : memref<80xi32, #tpu.memory_space<vmem>> -> memref<16xi32, #tpu.memory_space<vmem>>
      %gather3A_1392 = tpu.vector_load_idx %gather3A_1391[%max3A_14] : memref<16xi32, #tpu.memory_space<vmem>>[vector<16xi32>], vector<16xi32>,
      %select_n3A_1393 = arith.select %ge3A_31, %gather3A_1392, %broadcast_in_dim3A_40 : vector<16xi1>, vector<16xi32>
      %add3A_1394 = arith.addi %add3A_1385, %select_n3A_1393 : vector<16xi32>
      %swap3A_1395 = arith.constant 32 : i32
      %swap3A_1396 = tpu.memref_slice %arg11[%swap3A_1395] : memref<80xi32, #tpu.memory_space<vmem>> -> memref<16xi32, #tpu.memory_space<vmem>>
      %swap3A_1397 = arith.constant 0 : index
      %swap3A_1398 = tpu.vector_load %swap3A_1396[%swap3A_1397] {strides = array<i32>} : memref<16xi32, #tpu.memory_space<vmem>>, vector<16xi32>,
      tpu.vector_store %swap3A_1396[%swap3A_1397], %add3A_1394 {strides = array<i32>} : memref<16xi32, #tpu.memory_space<vmem>>, vector<16xi32>,
      %gather3A_1399 = arith.constant 32 : i32
      %gather3A_1400 = tpu.memref_slice %arg11[%gather3A_1399] : memref<80xi32, #tpu.memory_space<vmem>> -> memref<16xi32, #tpu.memory_space<vmem>>
      %gather3A_1401 = tpu.vector_load_idx %gather3A_1400[%max3A_20] : memref<16xi32, #tpu.memory_space<vmem>>[vector<16xi32>], vector<16xi32>,
      %select_n3A_1402 = arith.select %ge3A_34, %gather3A_1401, %broadcast_in_dim3A_40 : vector<16xi1>, vector<16xi32>
      %add3A_1403 = arith.addi %add3A_1394, %select_n3A_1402 : vector<16xi32>
      %swap3A_1404 = arith.constant 48 : i32
      %swap3A_1405 = tpu.memref_slice %arg11[%swap3A_1404] : memref<80xi32, #tpu.memory_space<vmem>> -> memref<16xi32, #tpu.memory_space<vmem>>
      %swap3A_1406 = arith.constant 0 : index
      %swap3A_1407 = tpu.vector_load %swap3A_1405[%swap3A_1406] {strides = array<i32>} : memref<16xi32, #tpu.memory_space<vmem>>, vector<16xi32>,
      tpu.vector_store %swap3A_1405[%swap3A_1406], %add3A_1403 {strides = array<i32>} : memref<16xi32, #tpu.memory_space<vmem>>, vector<16xi32>,
      %gather3A_1408 = arith.constant 48 : i32
      %gather3A_1409 = tpu.memref_slice %arg11[%gather3A_1408] : memref<80xi32, #tpu.memory_space<vmem>> -> memref<16xi32, #tpu.memory_space<vmem>>
      %gather3A_1410 = tpu.vector_load_idx %gather3A_1409[%max3A_26] : memref<16xi32, #tpu.memory_space<vmem>>[vector<16xi32>], vector<16xi32>,
      %select_n3A_1411 = arith.select %ge3A_37, %gather3A_1410, %broadcast_in_dim3A_40 : vector<16xi1>, vector<16xi32>
      %add3A_1412 = arith.addi %add3A_1403, %select_n3A_1411 : vector<16xi32>
      %mul3A_1413 = arith.constant 5 : i32
      %mul3A_1414 = vector.broadcast %mul3A_1413 : i32 to vector<16xi32>
      %mul3A_1415 = arith.muli %get3A_1368, %mul3A_1414 : vector<16xi32>
      %shift_right_arithmetic3A_1416 = arith.shrsi %add3A_1412, %mul3A_1415 : vector<16xi32>
      %and3A_1417 = arith.andi %shift_right_arithmetic3A_1416, %broadcast_in_dim3A_44 : vector<16xi32>
      %sub3A_1418 = arith.subi %and3A_1417, %broadcast_in_dim3A_42 : vector<16xi32>
      %gather3A_1419 = tpu.vector_load_idx %arg10[%get3A_1368] : memref<16xi32, #tpu.memory_space<vmem>>[vector<16xi32>], vector<16xi32>,
      %add3A_1420 = arith.addi %gather3A_1419, %sub3A_1418 : vector<16xi32>
      %shift_right_arithmetic3A_1421 = arith.constant 7 : i32
      %shift_right_arithmetic3A_1422 = vector.broadcast %shift_right_arithmetic3A_1421 : i32 to vector<16xi32>
      %shift_right_arithmetic3A_1423 = arith.shrsi %add3A_1420, %shift_right_arithmetic3A_1422 : vector<16xi32>
      %and3A_1424 = arith.constant 127 : i32
      %and3A_1425 = vector.broadcast %and3A_1424 : i32 to vector<16xi32>
      %and3A_1426 = arith.andi %add3A_1420, %and3A_1425 : vector<16xi32>
      tpu.vector_store_idx %arg13[%shift_right_arithmetic3A_1423, %and3A_1426], %add3A_1375 : memref<600x128xi32, #tpu.memory_space<vmem>>[vector<16xi32>, vector<16xi32>], vector<16xi32>,
      %swap3A_1427 = arith.constant 64 : i32
      %swap3A_1428 = tpu.memref_slice %arg11[%swap3A_1427] : memref<80xi32, #tpu.memory_space<vmem>> -> memref<16xi32, #tpu.memory_space<vmem>>
      %swap3A_1429 = arith.constant 0 : index
      %swap3A_1430 = tpu.vector_load %swap3A_1428[%swap3A_1429] {strides = array<i32>} : memref<16xi32, #tpu.memory_space<vmem>>, vector<16xi32>,
      tpu.vector_store %swap3A_1428[%swap3A_1429], %add3A_1412 {strides = array<i32>} : memref<16xi32, #tpu.memory_space<vmem>>, vector<16xi32>,
      %gather3A_1431 = arith.constant 64 : i32
      %gather3A_1432 = tpu.memref_slice %arg11[%gather3A_1431] : memref<80xi32, #tpu.memory_space<vmem>> -> memref<16xi32, #tpu.memory_space<vmem>>
      %gather3A_1433 = tpu.vector_load_idx %gather3A_1432[%broadcast_in_dim3A_38] : memref<16xi32, #tpu.memory_space<vmem>>[vector<16xi32>], vector<16xi32>,
      %shift_right_arithmetic3A_1434 = arith.shrsi %gather3A_1433, %min3A : vector<16xi32>
      %and3A_1435 = arith.andi %shift_right_arithmetic3A_1434, %broadcast_in_dim3A_44 : vector<16xi32>
      %add3A_1436 = arith.addi %add3A_1364, %and3A_1435 : vector<16xi32>
      %swap3A_1437 = arith.constant 0 : index
      %swap3A_1438 = tpu.vector_load %arg10[%swap3A_1437] {strides = array<i32>} : memref<16xi32, #tpu.memory_space<vmem>>, vector<16xi32>,
      tpu.vector_store %arg10[%swap3A_1437], %add3A_1436 {strides = array<i32>} : memref<16xi32, #tpu.memory_space<vmem>>, vector<16xi32>,
      %add3A_1439 = arith.constant 2 : i32
      %add3A_1440 = arith.addi %add3A_283, %add3A_1439 : i32
      %lt3A_1441 = arith.constant 100 : i32
      %lt3A_1442 = arith.cmpi slt, %add3A_1440, %lt3A_1441 : i32
      %convert_element_type3A_1443 = arith.extui %lt3A_1442 : i1 to i32
      %cond3A_1444 = arith.constant 0 : i32
      %cond3A_1445 = arith.cmpi ne, %convert_element_type3A_1443, %cond3A_1444 : i32
      scf.if %cond3A_1445 {
        %add3A_2715 = arith.constant 2 : i32
        %add3A_2716 = arith.addi %add3A_283, %add3A_2715 : i32
        %mul3A_2717 = arith.constant 256 : i32
        %mul3A_2718 = arith.muli %add3A_2716, %mul3A_2717 : i32
        %add3A_2719 = arith.addi %mul3A_4, %mul3A_2718 : i32
        %dma_start3A_2720 = tpu.memref_slice %arg3[%add3A_2719] : memref<819200xi32, #tpu.memory_space<hbm>> -> memref<256xi32, #tpu.memory_space<hbm>>
        %dma_start3A_2721 = tpu.memref_slice %arg3[%add3A_2719] : memref<819200xi32, #tpu.memory_space<hbm>> -> memref<256xi32, #tpu.memory_space<hbm>>
        tpu.enqueue_dma source(%dma_start3A_2721 : memref<256xi32, #tpu.memory_space<hbm>>) target(%arg14 : memref<256xi32, #tpu.memory_space<vmem>>) target_semaphore(%arg16 : memref<!tpu.dma_semaphore, #tpu.memory_space<semaphore_mem>>)
      } else {
      }
      %get3A_1446 = arith.constant 0 : index
      %get3A_1447 = tpu.vector_load %arg10[%get3A_1446] {strides = array<i32>} : memref<16xi32, #tpu.memory_space<vmem>>, vector<16xi32>,
      %slice3A_1448 = vector.extract_strided_slice %get3A_1447 {offsets = [0], sizes = [1], strides = [1]} : vector<16xi32> to vector<1xi32>
      %squeeze3A_1449 = vector.extract %slice3A_1448[0] : i32 from vector<1xi32>
      %sub3A_1450 = arith.constant 0 : i32
      %sub3A_1451 = arith.subi %squeeze3A_1449, %sub3A_1450 : i32
      %shift_right_arithmetic3A_1452 = arith.constant 7 : i32
      %shift_right_arithmetic3A_1453 = arith.shrsi %sub3A_1451, %shift_right_arithmetic3A_1452 : i32
      %while3A_1454 = arith.constant 0 : i32
      %while3A_1455 = arith.subi %shift_right_arithmetic3A_1453, %scan3A_277 : i32
      %while3A_1456 = arith.addi %scan3A_277, %while3A_1455 : i32
      %while3A_1457 = arith.constant 1 : i32
      %while3A_1458 = arith.divsi %while3A_1455, %while3A_1457 : i32
      %while3A_1459 = arith.muli %while3A_1458, %while3A_1457 : i32
      %while3A_1460 = arith.addi %scan3A_277, %while3A_1459 : i32
      %while3A_1461 = arith.constant 1 : i32
      scf.for %while3A_2715 = %scan3A_277 to %while3A_1460 step %while3A_1461  : i32 {
        %add3A_2716 = arith.constant 0 : i32
        %add3A_2717 = arith.addi %add3A_2716, %while3A_2715 : i32
        %dma_start3A_2718 = arith.constant 0 : i32
        %dma_start3A_2719 = tpu.memref_slice %arg13[%add3A_2717, %dma_start3A_2718] : memref<600x128xi32, #tpu.memory_space<vmem>> -> memref<1x128xi32, #tpu.memory_space<vmem>>
        %dma_start3A_2720 = tpu.memref_squeeze %dma_start3A_2719 : memref<1x128xi32, #tpu.memory_space<vmem>> -> memref<128xi32, #tpu.memory_space<vmem>>
        %dma_start3A_2721 = arith.constant 0 : i32
        %dma_start3A_2722 = arith.constant 0 : i32
        %dma_start3A_2723 = tpu.memref_slice %arg4[%dma_start3A_2721, %dma_start3A_2722] : memref<819200x128xf32, #tpu.memory_space<hbm>> -> memref<819200x128xf32, #tpu.memory_space<hbm>>
        tpu.enqueue_indirect_dma source(%arg6 : memref<128x128xf32, #tpu.memory_space<vmem>>) target(%dma_start3A_2723 : memref<819200x128xf32, #tpu.memory_space<hbm>>) offsets(%dma_start3A_2720 : memref<128xi32, #tpu.memory_space<vmem>>) semaphore(%arg18 : memref<!tpu.dma_semaphore, #tpu.memory_space<semaphore_mem>>)
      }
      %while3A_1462 = arith.constant 1 : i32
      scf.for %while3A_2715 = %while3A_1460 to %while3A_1456 step %while3A_1462  : i32 {
        %add3A_2716 = arith.constant 0 : i32
        %add3A_2717 = arith.addi %add3A_2716, %while3A_2715 : i32
        %dma_start3A_2718 = arith.constant 0 : i32
        %dma_start3A_2719 = tpu.memref_slice %arg13[%add3A_2717, %dma_start3A_2718] : memref<600x128xi32, #tpu.memory_space<vmem>> -> memref<1x128xi32, #tpu.memory_space<vmem>>
        %dma_start3A_2720 = tpu.memref_squeeze %dma_start3A_2719 : memref<1x128xi32, #tpu.memory_space<vmem>> -> memref<128xi32, #tpu.memory_space<vmem>>
        %dma_start3A_2721 = arith.constant 0 : i32
        %dma_start3A_2722 = arith.constant 0 : i32
        %dma_start3A_2723 = tpu.memref_slice %arg4[%dma_start3A_2721, %dma_start3A_2722] : memref<819200x128xf32, #tpu.memory_space<hbm>> -> memref<819200x128xf32, #tpu.memory_space<hbm>>
        tpu.enqueue_indirect_dma source(%arg6 : memref<128x128xf32, #tpu.memory_space<vmem>>) target(%dma_start3A_2723 : memref<819200x128xf32, #tpu.memory_space<hbm>>) offsets(%dma_start3A_2720 : memref<128xi32, #tpu.memory_space<vmem>>) semaphore(%arg18 : memref<!tpu.dma_semaphore, #tpu.memory_space<semaphore_mem>>)
      }
      %get3A_1463 = arith.constant 0 : index
      %get3A_1464 = tpu.vector_load %arg10[%get3A_1463] {strides = array<i32>} : memref<16xi32, #tpu.memory_space<vmem>>, vector<16xi32>,
      %slice3A_1465 = vector.extract_strided_slice %get3A_1464 {offsets = [1], sizes = [1], strides = [1]} : vector<16xi32> to vector<1xi32>
      %squeeze3A_1466 = vector.extract %slice3A_1465[0] : i32 from vector<1xi32>
      %sub3A_1467 = arith.constant 25600 : i32
      %sub3A_1468 = arith.subi %squeeze3A_1466, %sub3A_1467 : i32
      %shift_right_arithmetic3A_1469 = arith.constant 7 : i32
      %shift_right_arithmetic3A_1470 = arith.shrsi %sub3A_1468, %shift_right_arithmetic3A_1469 : i32
      %while3A_1471 = arith.constant 0 : i32
      %while3A_1472 = arith.subi %shift_right_arithmetic3A_1470, %scan3A_278 : i32
      %while3A_1473 = arith.addi %scan3A_278, %while3A_1472 : i32
      %while3A_1474 = arith.constant 1 : i32
      %while3A_1475 = arith.divsi %while3A_1472, %while3A_1474 : i32
      %while3A_1476 = arith.muli %while3A_1475, %while3A_1474 : i32
      %while3A_1477 = arith.addi %scan3A_278, %while3A_1476 : i32
      %while3A_1478 = arith.constant 1 : i32
      scf.for %while3A_2715 = %scan3A_278 to %while3A_1477 step %while3A_1478  : i32 {
        %add3A_2716 = arith.constant 200 : i32
        %add3A_2717 = arith.addi %add3A_2716, %while3A_2715 : i32
        %dma_start3A_2718 = arith.constant 0 : i32
        %dma_start3A_2719 = tpu.memref_slice %arg13[%add3A_2717, %dma_start3A_2718] : memref<600x128xi32, #tpu.memory_space<vmem>> -> memref<1x128xi32, #tpu.memory_space<vmem>>
        %dma_start3A_2720 = tpu.memref_squeeze %dma_start3A_2719 : memref<1x128xi32, #tpu.memory_space<vmem>> -> memref<128xi32, #tpu.memory_space<vmem>>
        %dma_start3A_2721 = arith.constant 0 : i32
        %dma_start3A_2722 = arith.constant 0 : i32
        %dma_start3A_2723 = tpu.memref_slice %arg4[%dma_start3A_2721, %dma_start3A_2722] : memref<819200x128xf32, #tpu.memory_space<hbm>> -> memref<819200x128xf32, #tpu.memory_space<hbm>>
        tpu.enqueue_indirect_dma source(%arg7 : memref<128x128xf32, #tpu.memory_space<vmem>>) target(%dma_start3A_2723 : memref<819200x128xf32, #tpu.memory_space<hbm>>) offsets(%dma_start3A_2720 : memref<128xi32, #tpu.memory_space<vmem>>) semaphore(%arg19 : memref<!tpu.dma_semaphore, #tpu.memory_space<semaphore_mem>>)
      }
      %while3A_1479 = arith.constant 1 : i32
      scf.for %while3A_2715 = %while3A_1477 to %while3A_1473 step %while3A_1479  : i32 {
        %add3A_2716 = arith.constant 200 : i32
        %add3A_2717 = arith.addi %add3A_2716, %while3A_2715 : i32
        %dma_start3A_2718 = arith.constant 0 : i32
        %dma_start3A_2719 = tpu.memref_slice %arg13[%add3A_2717, %dma_start3A_2718] : memref<600x128xi32, #tpu.memory_space<vmem>> -> memref<1x128xi32, #tpu.memory_space<vmem>>
        %dma_start3A_2720 = tpu.memref_squeeze %dma_start3A_2719 : memref<1x128xi32, #tpu.memory_space<vmem>> -> memref<128xi32, #tpu.memory_space<vmem>>
        %dma_start3A_2721 = arith.constant 0 : i32
        %dma_start3A_2722 = arith.constant 0 : i32
        %dma_start3A_2723 = tpu.memref_slice %arg4[%dma_start3A_2721, %dma_start3A_2722] : memref<819200x128xf32, #tpu.memory_space<hbm>> -> memref<819200x128xf32, #tpu.memory_space<hbm>>
        tpu.enqueue_indirect_dma source(%arg7 : memref<128x128xf32, #tpu.memory_space<vmem>>) target(%dma_start3A_2723 : memref<819200x128xf32, #tpu.memory_space<hbm>>) offsets(%dma_start3A_2720 : memref<128xi32, #tpu.memory_space<vmem>>) semaphore(%arg19 : memref<!tpu.dma_semaphore, #tpu.memory_space<semaphore_mem>>)
      }
      %get3A_1480 = arith.constant 0 : index
      %get3A_1481 = tpu.vector_load %arg10[%get3A_1480] {strides = array<i32>} : memref<16xi32, #tpu.memory_space<vmem>>, vector<16xi32>,
      %slice3A_1482 = vector.extract_strided_slice %get3A_1481 {offsets = [2], sizes = [1], strides = [1]} : vector<16xi32> to vector<1xi32>
      %squeeze3A_1483 = vector.extract %slice3A_1482[0] : i32 from vector<1xi32>
      %sub3A_1484 = arith.constant 51200 : i32
      %sub3A_1485 = arith.subi %squeeze3A_1483, %sub3A_1484 : i32
      %shift_right_arithmetic3A_1486 = arith.constant 7 : i32
      %shift_right_arithmetic3A_1487 = arith.shrsi %sub3A_1485, %shift_right_arithmetic3A_1486 : i32
      %while3A_1488 = arith.constant 0 : i32
      %while3A_1489 = arith.subi %shift_right_arithmetic3A_1487, %scan3A_279 : i32
      %while3A_1490 = arith.addi %scan3A_279, %while3A_1489 : i32
      %while3A_1491 = arith.constant 1 : i32
      %while3A_1492 = arith.divsi %while3A_1489, %while3A_1491 : i32
      %while3A_1493 = arith.muli %while3A_1492, %while3A_1491 : i32
      %while3A_1494 = arith.addi %scan3A_279, %while3A_1493 : i32
      %while3A_1495 = arith.constant 1 : i32
      scf.for %while3A_2715 = %scan3A_279 to %while3A_1494 step %while3A_1495  : i32 {
        %add3A_2716 = arith.constant 400 : i32
        %add3A_2717 = arith.addi %add3A_2716, %while3A_2715 : i32
        %dma_start3A_2718 = arith.constant 0 : i32
        %dma_start3A_2719 = tpu.memref_slice %arg13[%add3A_2717, %dma_start3A_2718] : memref<600x128xi32, #tpu.memory_space<vmem>> -> memref<1x128xi32, #tpu.memory_space<vmem>>
        %dma_start3A_2720 = tpu.memref_squeeze %dma_start3A_2719 : memref<1x128xi32, #tpu.memory_space<vmem>> -> memref<128xi32, #tpu.memory_space<vmem>>
        %dma_start3A_2721 = arith.constant 0 : i32
        %dma_start3A_2722 = arith.constant 0 : i32
        %dma_start3A_2723 = tpu.memref_slice %arg4[%dma_start3A_2721, %dma_start3A_2722] : memref<819200x128xf32, #tpu.memory_space<hbm>> -> memref<819200x128xf32, #tpu.memory_space<hbm>>
        tpu.enqueue_indirect_dma source(%arg8 : memref<128x128xf32, #tpu.memory_space<vmem>>) target(%dma_start3A_2723 : memref<819200x128xf32, #tpu.memory_space<hbm>>) offsets(%dma_start3A_2720 : memref<128xi32, #tpu.memory_space<vmem>>) semaphore(%arg20 : memref<!tpu.dma_semaphore, #tpu.memory_space<semaphore_mem>>)
      }
      %while3A_1496 = arith.constant 1 : i32
      scf.for %while3A_2715 = %while3A_1494 to %while3A_1490 step %while3A_1496  : i32 {
        %add3A_2716 = arith.constant 400 : i32
        %add3A_2717 = arith.addi %add3A_2716, %while3A_2715 : i32
        %dma_start3A_2718 = arith.constant 0 : i32
        %dma_start3A_2719 = tpu.memref_slice %arg13[%add3A_2717, %dma_start3A_2718] : memref<600x128xi32, #tpu.memory_space<vmem>> -> memref<1x128xi32, #tpu.memory_space<vmem>>
        %dma_start3A_2720 = tpu.memref_squeeze %dma_start3A_2719 : memref<1x128xi32, #tpu.memory_space<vmem>> -> memref<128xi32, #tpu.memory_space<vmem>>
        %dma_start3A_2721 = arith.constant 0 : i32
        %dma_start3A_2722 = arith.constant 0 : i32
        %dma_start3A_2723 = tpu.memref_slice %arg4[%dma_start3A_2721, %dma_start3A_2722] : memref<819200x128xf32, #tpu.memory_space<hbm>> -> memref<819200x128xf32, #tpu.memory_space<hbm>>
        tpu.enqueue_indirect_dma source(%arg8 : memref<128x128xf32, #tpu.memory_space<vmem>>) target(%dma_start3A_2723 : memref<819200x128xf32, #tpu.memory_space<hbm>>) offsets(%dma_start3A_2720 : memref<128xi32, #tpu.memory_space<vmem>>) semaphore(%arg20 : memref<!tpu.dma_semaphore, #tpu.memory_space<semaphore_mem>>)
      }
      %mul3A_1497 = arith.constant 2 : i32
      %mul3A_1498 = arith.muli %mul3A_1497, %scan3A_276 : i32
      %add3A_1499 = arith.constant 1 : i32
      %add3A_1500 = arith.addi %mul3A_1498, %add3A_1499 : i32
      %dma_wait3A_1501 = tpu.memref_slice %arg3[%mul3A_4] : memref<819200xi32, #tpu.memory_space<hbm>> -> memref<256xi32, #tpu.memory_space<hbm>>
      %dma_wait3A_1502 = tpu.memref_slice %arg3[%mul3A_4] : memref<819200xi32, #tpu.memory_space<hbm>> -> memref<256xi32, #tpu.memory_space<hbm>>
      tpu.wait_dma2 semaphore(%arg17 : memref<!tpu.dma_semaphore, #tpu.memory_space<semaphore_mem>>) src(%dma_wait3A_1502 : memref<256xi32, #tpu.memory_space<hbm>>) dst(%arg15 : memref<256xi32, #tpu.memory_space<vmem>>)
      %get3A_1503 = arith.constant 0 : index
      %get3A_1504 = tpu.vector_load %arg10[%get3A_1503] {strides = array<i32>} : memref<16xi32, #tpu.memory_space<vmem>>, vector<16xi32>,
      %get3A_1505 = arith.constant 0 : index
      %get3A_1506 = tpu.vector_load %arg15[%get3A_1505] {strides = array<i32>} : memref<256xi32, #tpu.memory_space<vmem>>, vector<16xi32>,
      %mul3A_1507 = arith.constant 256 : i32
      %mul3A_1508 = arith.muli %add3A_1500, %mul3A_1507 : i32
      %add3A_1509 = arith.addi %mul3A_4, %mul3A_1508 : i32
      %add3A_1510 = arith.constant 0 : i32
      %add3A_1511 = arith.addi %add3A_1509, %add3A_1510 : i32
      %add3A_1512 = vector.broadcast %add3A_1511 : i32 to vector<16xi32>
      %add3A_1513 = arith.addi %add3A_1512, %iota3A : vector<16xi32>
      %gather3A_1514 = tpu.vector_load_idx %arg12[%get3A_1506] : memref<16xi32, #tpu.memory_space<vmem>>[vector<16xi32>], vector<16xi32>,
      %swap3A_1515 = arith.constant 0 : i32
      %swap3A_1516 = tpu.memref_slice %arg11[%swap3A_1515] : memref<80xi32, #tpu.memory_space<vmem>> -> memref<16xi32, #tpu.memory_space<vmem>>
      %swap3A_1517 = arith.constant 0 : index
      %swap3A_1518 = tpu.vector_load %swap3A_1516[%swap3A_1517] {strides = array<i32>} : memref<16xi32, #tpu.memory_space<vmem>>, vector<16xi32>,
      tpu.vector_store %swap3A_1516[%swap3A_1517], %gather3A_1514 {strides = array<i32>} : memref<16xi32, #tpu.memory_space<vmem>>, vector<16xi32>,
      %gather3A_1519 = arith.constant 0 : i32
      %gather3A_1520 = tpu.memref_slice %arg11[%gather3A_1519] : memref<80xi32, #tpu.memory_space<vmem>> -> memref<16xi32, #tpu.memory_space<vmem>>
      %gather3A_1521 = tpu.vector_load_idx %gather3A_1520[%max3A_8] : memref<16xi32, #tpu.memory_space<vmem>>[vector<16xi32>], vector<16xi32>,
      %select_n3A_1522 = arith.select %ge3A_28, %gather3A_1521, %broadcast_in_dim3A_40 : vector<16xi1>, vector<16xi32>
      %add3A_1523 = arith.addi %gather3A_1514, %select_n3A_1522 : vector<16xi32>
      %swap3A_1524 = arith.constant 16 : i32
      %swap3A_1525 = tpu.memref_slice %arg11[%swap3A_1524] : memref<80xi32, #tpu.memory_space<vmem>> -> memref<16xi32, #tpu.memory_space<vmem>>
      %swap3A_1526 = arith.constant 0 : index
      %swap3A_1527 = tpu.vector_load %swap3A_1525[%swap3A_1526] {strides = array<i32>} : memref<16xi32, #tpu.memory_space<vmem>>, vector<16xi32>,
      tpu.vector_store %swap3A_1525[%swap3A_1526], %add3A_1523 {strides = array<i32>} : memref<16xi32, #tpu.memory_space<vmem>>, vector<16xi32>,
      %gather3A_1528 = arith.constant 16 : i32
      %gather3A_1529 = tpu.memref_slice %arg11[%gather3A_1528] : memref<80xi32, #tpu.memory_space<vmem>> -> memref<16xi32, #tpu.memory_space<vmem>>
      %gather3A_1530 = tpu.vector_load_idx %gather3A_1529[%max3A_14] : memref<16xi32, #tpu.memory_space<vmem>>[vector<16xi32>], vector<16xi32>,
      %select_n3A_1531 = arith.select %ge3A_31, %gather3A_1530, %broadcast_in_dim3A_40 : vector<16xi1>, vector<16xi32>
      %add3A_1532 = arith.addi %add3A_1523, %select_n3A_1531 : vector<16xi32>
      %swap3A_1533 = arith.constant 32 : i32
      %swap3A_1534 = tpu.memref_slice %arg11[%swap3A_1533] : memref<80xi32, #tpu.memory_space<vmem>> -> memref<16xi32, #tpu.memory_space<vmem>>
      %swap3A_1535 = arith.constant 0 : index
      %swap3A_1536 = tpu.vector_load %swap3A_1534[%swap3A_1535] {strides = array<i32>} : memref<16xi32, #tpu.memory_space<vmem>>, vector<16xi32>,
      tpu.vector_store %swap3A_1534[%swap3A_1535], %add3A_1532 {strides = array<i32>} : memref<16xi32, #tpu.memory_space<vmem>>, vector<16xi32>,
      %gather3A_1537 = arith.constant 32 : i32
      %gather3A_1538 = tpu.memref_slice %arg11[%gather3A_1537] : memref<80xi32, #tpu.memory_space<vmem>> -> memref<16xi32, #tpu.memory_space<vmem>>
      %gather3A_1539 = tpu.vector_load_idx %gather3A_1538[%max3A_20] : memref<16xi32, #tpu.memory_space<vmem>>[vector<16xi32>], vector<16xi32>,
      %select_n3A_1540 = arith.select %ge3A_34, %gather3A_1539, %broadcast_in_dim3A_40 : vector<16xi1>, vector<16xi32>
      %add3A_1541 = arith.addi %add3A_1532, %select_n3A_1540 : vector<16xi32>
      %swap3A_1542 = arith.constant 48 : i32
      %swap3A_1543 = tpu.memref_slice %arg11[%swap3A_1542] : memref<80xi32, #tpu.memory_space<vmem>> -> memref<16xi32, #tpu.memory_space<vmem>>
      %swap3A_1544 = arith.constant 0 : index
      %swap3A_1545 = tpu.vector_load %swap3A_1543[%swap3A_1544] {strides = array<i32>} : memref<16xi32, #tpu.memory_space<vmem>>, vector<16xi32>,
      tpu.vector_store %swap3A_1543[%swap3A_1544], %add3A_1541 {strides = array<i32>} : memref<16xi32, #tpu.memory_space<vmem>>, vector<16xi32>,
      %gather3A_1546 = arith.constant 48 : i32
      %gather3A_1547 = tpu.memref_slice %arg11[%gather3A_1546] : memref<80xi32, #tpu.memory_space<vmem>> -> memref<16xi32, #tpu.memory_space<vmem>>
      %gather3A_1548 = tpu.vector_load_idx %gather3A_1547[%max3A_26] : memref<16xi32, #tpu.memory_space<vmem>>[vector<16xi32>], vector<16xi32>,
      %select_n3A_1549 = arith.select %ge3A_37, %gather3A_1548, %broadcast_in_dim3A_40 : vector<16xi1>, vector<16xi32>
      %add3A_1550 = arith.addi %add3A_1541, %select_n3A_1549 : vector<16xi32>
      %mul3A_1551 = arith.constant 5 : i32
      %mul3A_1552 = vector.broadcast %mul3A_1551 : i32 to vector<16xi32>
      %mul3A_1553 = arith.muli %get3A_1506, %mul3A_1552 : vector<16xi32>
      %shift_right_arithmetic3A_1554 = arith.shrsi %add3A_1550, %mul3A_1553 : vector<16xi32>
      %and3A_1555 = arith.andi %shift_right_arithmetic3A_1554, %broadcast_in_dim3A_44 : vector<16xi32>
      %sub3A_1556 = arith.subi %and3A_1555, %broadcast_in_dim3A_42 : vector<16xi32>
      %gather3A_1557 = tpu.vector_load_idx %arg10[%get3A_1506] : memref<16xi32, #tpu.memory_space<vmem>>[vector<16xi32>], vector<16xi32>,
      %add3A_1558 = arith.addi %gather3A_1557, %sub3A_1556 : vector<16xi32>
      %shift_right_arithmetic3A_1559 = arith.constant 7 : i32
      %shift_right_arithmetic3A_1560 = vector.broadcast %shift_right_arithmetic3A_1559 : i32 to vector<16xi32>
      %shift_right_arithmetic3A_1561 = arith.shrsi %add3A_1558, %shift_right_arithmetic3A_1560 : vector<16xi32>
      %and3A_1562 = arith.constant 127 : i32
      %and3A_1563 = vector.broadcast %and3A_1562 : i32 to vector<16xi32>
      %and3A_1564 = arith.andi %add3A_1558, %and3A_1563 : vector<16xi32>
      tpu.vector_store_idx %arg13[%shift_right_arithmetic3A_1561, %and3A_1564], %add3A_1513 : memref<600x128xi32, #tpu.memory_space<vmem>>[vector<16xi32>, vector<16xi32>], vector<16xi32>,
      %swap3A_1565 = arith.constant 64 : i32
      %swap3A_1566 = tpu.memref_slice %arg11[%swap3A_1565] : memref<80xi32, #tpu.memory_space<vmem>> -> memref<16xi32, #tpu.memory_space<vmem>>
      %swap3A_1567 = arith.constant 0 : index
      %swap3A_1568 = tpu.vector_load %swap3A_1566[%swap3A_1567] {strides = array<i32>} : memref<16xi32, #tpu.memory_space<vmem>>, vector<16xi32>,
      tpu.vector_store %swap3A_1566[%swap3A_1567], %add3A_1550 {strides = array<i32>} : memref<16xi32, #tpu.memory_space<vmem>>, vector<16xi32>,
      %gather3A_1569 = arith.constant 64 : i32
      %gather3A_1570 = tpu.memref_slice %arg11[%gather3A_1569] : memref<80xi32, #tpu.memory_space<vmem>> -> memref<16xi32, #tpu.memory_space<vmem>>
      %gather3A_1571 = tpu.vector_load_idx %gather3A_1570[%broadcast_in_dim3A_38] : memref<16xi32, #tpu.memory_space<vmem>>[vector<16xi32>], vector<16xi32>,
      %shift_right_arithmetic3A_1572 = arith.shrsi %gather3A_1571, %min3A : vector<16xi32>
      %and3A_1573 = arith.andi %shift_right_arithmetic3A_1572, %broadcast_in_dim3A_44 : vector<16xi32>
      %add3A_1574 = arith.addi %get3A_1504, %and3A_1573 : vector<16xi32>
      %swap3A_1575 = arith.constant 0 : index
      %swap3A_1576 = tpu.vector_load %arg10[%swap3A_1575] {strides = array<i32>} : memref<16xi32, #tpu.memory_space<vmem>>, vector<16xi32>,
      tpu.vector_store %arg10[%swap3A_1575], %add3A_1574 {strides = array<i32>} : memref<16xi32, #tpu.memory_space<vmem>>, vector<16xi32>,
      %get3A_1577 = arith.constant 16 : index
      %get3A_1578 = tpu.vector_load %arg15[%get3A_1577] {strides = array<i32>} : memref<256xi32, #tpu.memory_space<vmem>>, vector<16xi32>,
      %mul3A_1579 = arith.constant 256 : i32
      %mul3A_1580 = arith.muli %add3A_1500, %mul3A_1579 : i32
      %add3A_1581 = arith.addi %mul3A_4, %mul3A_1580 : i32
      %add3A_1582 = arith.constant 16 : i32
      %add3A_1583 = arith.addi %add3A_1581, %add3A_1582 : i32
      %add3A_1584 = vector.broadcast %add3A_1583 : i32 to vector<16xi32>
      %add3A_1585 = arith.addi %add3A_1584, %iota3A : vector<16xi32>
      %gather3A_1586 = tpu.vector_load_idx %arg12[%get3A_1578] : memref<16xi32, #tpu.memory_space<vmem>>[vector<16xi32>], vector<16xi32>,
      %swap3A_1587 = arith.constant 0 : i32
      %swap3A_1588 = tpu.memref_slice %arg11[%swap3A_1587] : memref<80xi32, #tpu.memory_space<vmem>> -> memref<16xi32, #tpu.memory_space<vmem>>
      %swap3A_1589 = arith.constant 0 : index
      %swap3A_1590 = tpu.vector_load %swap3A_1588[%swap3A_1589] {strides = array<i32>} : memref<16xi32, #tpu.memory_space<vmem>>, vector<16xi32>,
      tpu.vector_store %swap3A_1588[%swap3A_1589], %gather3A_1586 {strides = array<i32>} : memref<16xi32, #tpu.memory_space<vmem>>, vector<16xi32>,
      %gather3A_1591 = arith.constant 0 : i32
      %gather3A_1592 = tpu.memref_slice %arg11[%gather3A_1591] : memref<80xi32, #tpu.memory_space<vmem>> -> memref<16xi32, #tpu.memory_space<vmem>>
      %gather3A_1593 = tpu.vector_load_idx %gather3A_1592[%max3A_8] : memref<16xi32, #tpu.memory_space<vmem>>[vector<16xi32>], vector<16xi32>,
      %select_n3A_1594 = arith.select %ge3A_28, %gather3A_1593, %broadcast_in_dim3A_40 : vector<16xi1>, vector<16xi32>
      %add3A_1595 = arith.addi %gather3A_1586, %select_n3A_1594 : vector<16xi32>
      %swap3A_1596 = arith.constant 16 : i32
      %swap3A_1597 = tpu.memref_slice %arg11[%swap3A_1596] : memref<80xi32, #tpu.memory_space<vmem>> -> memref<16xi32, #tpu.memory_space<vmem>>
      %swap3A_1598 = arith.constant 0 : index
      %swap3A_1599 = tpu.vector_load %swap3A_1597[%swap3A_1598] {strides = array<i32>} : memref<16xi32, #tpu.memory_space<vmem>>, vector<16xi32>,
      tpu.vector_store %swap3A_1597[%swap3A_1598], %add3A_1595 {strides = array<i32>} : memref<16xi32, #tpu.memory_space<vmem>>, vector<16xi32>,
      %gather3A_1600 = arith.constant 16 : i32
      %gather3A_1601 = tpu.memref_slice %arg11[%gather3A_1600] : memref<80xi32, #tpu.memory_space<vmem>> -> memref<16xi32, #tpu.memory_space<vmem>>
      %gather3A_1602 = tpu.vector_load_idx %gather3A_1601[%max3A_14] : memref<16xi32, #tpu.memory_space<vmem>>[vector<16xi32>], vector<16xi32>,
      %select_n3A_1603 = arith.select %ge3A_31, %gather3A_1602, %broadcast_in_dim3A_40 : vector<16xi1>, vector<16xi32>
      %add3A_1604 = arith.addi %add3A_1595, %select_n3A_1603 : vector<16xi32>
      %swap3A_1605 = arith.constant 32 : i32
      %swap3A_1606 = tpu.memref_slice %arg11[%swap3A_1605] : memref<80xi32, #tpu.memory_space<vmem>> -> memref<16xi32, #tpu.memory_space<vmem>>
      %swap3A_1607 = arith.constant 0 : index
      %swap3A_1608 = tpu.vector_load %swap3A_1606[%swap3A_1607] {strides = array<i32>} : memref<16xi32, #tpu.memory_space<vmem>>, vector<16xi32>,
      tpu.vector_store %swap3A_1606[%swap3A_1607], %add3A_1604 {strides = array<i32>} : memref<16xi32, #tpu.memory_space<vmem>>, vector<16xi32>,
      %gather3A_1609 = arith.constant 32 : i32
      %gather3A_1610 = tpu.memref_slice %arg11[%gather3A_1609] : memref<80xi32, #tpu.memory_space<vmem>> -> memref<16xi32, #tpu.memory_space<vmem>>
      %gather3A_1611 = tpu.vector_load_idx %gather3A_1610[%max3A_20] : memref<16xi32, #tpu.memory_space<vmem>>[vector<16xi32>], vector<16xi32>,
      %select_n3A_1612 = arith.select %ge3A_34, %gather3A_1611, %broadcast_in_dim3A_40 : vector<16xi1>, vector<16xi32>
      %add3A_1613 = arith.addi %add3A_1604, %select_n3A_1612 : vector<16xi32>
      %swap3A_1614 = arith.constant 48 : i32
      %swap3A_1615 = tpu.memref_slice %arg11[%swap3A_1614] : memref<80xi32, #tpu.memory_space<vmem>> -> memref<16xi32, #tpu.memory_space<vmem>>
      %swap3A_1616 = arith.constant 0 : index
      %swap3A_1617 = tpu.vector_load %swap3A_1615[%swap3A_1616] {strides = array<i32>} : memref<16xi32, #tpu.memory_space<vmem>>, vector<16xi32>,
      tpu.vector_store %swap3A_1615[%swap3A_1616], %add3A_1613 {strides = array<i32>} : memref<16xi32, #tpu.memory_space<vmem>>, vector<16xi32>,
      %gather3A_1618 = arith.constant 48 : i32
      %gather3A_1619 = tpu.memref_slice %arg11[%gather3A_1618] : memref<80xi32, #tpu.memory_space<vmem>> -> memref<16xi32, #tpu.memory_space<vmem>>
      %gather3A_1620 = tpu.vector_load_idx %gather3A_1619[%max3A_26] : memref<16xi32, #tpu.memory_space<vmem>>[vector<16xi32>], vector<16xi32>,
      %select_n3A_1621 = arith.select %ge3A_37, %gather3A_1620, %broadcast_in_dim3A_40 : vector<16xi1>, vector<16xi32>
      %add3A_1622 = arith.addi %add3A_1613, %select_n3A_1621 : vector<16xi32>
      %mul3A_1623 = arith.constant 5 : i32
      %mul3A_1624 = vector.broadcast %mul3A_1623 : i32 to vector<16xi32>
      %mul3A_1625 = arith.muli %get3A_1578, %mul3A_1624 : vector<16xi32>
      %shift_right_arithmetic3A_1626 = arith.shrsi %add3A_1622, %mul3A_1625 : vector<16xi32>
      %and3A_1627 = arith.andi %shift_right_arithmetic3A_1626, %broadcast_in_dim3A_44 : vector<16xi32>
      %sub3A_1628 = arith.subi %and3A_1627, %broadcast_in_dim3A_42 : vector<16xi32>
      %gather3A_1629 = tpu.vector_load_idx %arg10[%get3A_1578] : memref<16xi32, #tpu.memory_space<vmem>>[vector<16xi32>], vector<16xi32>,
      %add3A_1630 = arith.addi %gather3A_1629, %sub3A_1628 : vector<16xi32>
      %shift_right_arithmetic3A_1631 = arith.constant 7 : i32
      %shift_right_arithmetic3A_1632 = vector.broadcast %shift_right_arithmetic3A_1631 : i32 to vector<16xi32>
      %shift_right_arithmetic3A_1633 = arith.shrsi %add3A_1630, %shift_right_arithmetic3A_1632 : vector<16xi32>
      %and3A_1634 = arith.constant 127 : i32
      %and3A_1635 = vector.broadcast %and3A_1634 : i32 to vector<16xi32>
      %and3A_1636 = arith.andi %add3A_1630, %and3A_1635 : vector<16xi32>
      tpu.vector_store_idx %arg13[%shift_right_arithmetic3A_1633, %and3A_1636], %add3A_1585 : memref<600x128xi32, #tpu.memory_space<vmem>>[vector<16xi32>, vector<16xi32>], vector<16xi32>,
      %swap3A_1637 = arith.constant 64 : i32
      %swap3A_1638 = tpu.memref_slice %arg11[%swap3A_1637] : memref<80xi32, #tpu.memory_space<vmem>> -> memref<16xi32, #tpu.memory_space<vmem>>
      %swap3A_1639 = arith.constant 0 : index
      %swap3A_1640 = tpu.vector_load %swap3A_1638[%swap3A_1639] {strides = array<i32>} : memref<16xi32, #tpu.memory_space<vmem>>, vector<16xi32>,
      tpu.vector_store %swap3A_1638[%swap3A_1639], %add3A_1622 {strides = array<i32>} : memref<16xi32, #tpu.memory_space<vmem>>, vector<16xi32>,
      %gather3A_1641 = arith.constant 64 : i32
      %gather3A_1642 = tpu.memref_slice %arg11[%gather3A_1641] : memref<80xi32, #tpu.memory_space<vmem>> -> memref<16xi32, #tpu.memory_space<vmem>>
      %gather3A_1643 = tpu.vector_load_idx %gather3A_1642[%broadcast_in_dim3A_38] : memref<16xi32, #tpu.memory_space<vmem>>[vector<16xi32>], vector<16xi32>,
      %shift_right_arithmetic3A_1644 = arith.shrsi %gather3A_1643, %min3A : vector<16xi32>
      %and3A_1645 = arith.andi %shift_right_arithmetic3A_1644, %broadcast_in_dim3A_44 : vector<16xi32>
      %add3A_1646 = arith.addi %add3A_1574, %and3A_1645 : vector<16xi32>
      %swap3A_1647 = arith.constant 0 : index
      %swap3A_1648 = tpu.vector_load %arg10[%swap3A_1647] {strides = array<i32>} : memref<16xi32, #tpu.memory_space<vmem>>, vector<16xi32>,
      tpu.vector_store %arg10[%swap3A_1647], %add3A_1646 {strides = array<i32>} : memref<16xi32, #tpu.memory_space<vmem>>, vector<16xi32>,
      %get3A_1649 = arith.constant 32 : index
      %get3A_1650 = tpu.vector_load %arg15[%get3A_1649] {strides = array<i32>} : memref<256xi32, #tpu.memory_space<vmem>>, vector<16xi32>,
      %mul3A_1651 = arith.constant 256 : i32
      %mul3A_1652 = arith.muli %add3A_1500, %mul3A_1651 : i32
      %add3A_1653 = arith.addi %mul3A_4, %mul3A_1652 : i32
      %add3A_1654 = arith.constant 32 : i32
      %add3A_1655 = arith.addi %add3A_1653, %add3A_1654 : i32
      %add3A_1656 = vector.broadcast %add3A_1655 : i32 to vector<16xi32>
      %add3A_1657 = arith.addi %add3A_1656, %iota3A : vector<16xi32>
      %gather3A_1658 = tpu.vector_load_idx %arg12[%get3A_1650] : memref<16xi32, #tpu.memory_space<vmem>>[vector<16xi32>], vector<16xi32>,
      %swap3A_1659 = arith.constant 0 : i32
      %swap3A_1660 = tpu.memref_slice %arg11[%swap3A_1659] : memref<80xi32, #tpu.memory_space<vmem>> -> memref<16xi32, #tpu.memory_space<vmem>>
      %swap3A_1661 = arith.constant 0 : index
      %swap3A_1662 = tpu.vector_load %swap3A_1660[%swap3A_1661] {strides = array<i32>} : memref<16xi32, #tpu.memory_space<vmem>>, vector<16xi32>,
      tpu.vector_store %swap3A_1660[%swap3A_1661], %gather3A_1658 {strides = array<i32>} : memref<16xi32, #tpu.memory_space<vmem>>, vector<16xi32>,
      %gather3A_1663 = arith.constant 0 : i32
      %gather3A_1664 = tpu.memref_slice %arg11[%gather3A_1663] : memref<80xi32, #tpu.memory_space<vmem>> -> memref<16xi32, #tpu.memory_space<vmem>>
      %gather3A_1665 = tpu.vector_load_idx %gather3A_1664[%max3A_8] : memref<16xi32, #tpu.memory_space<vmem>>[vector<16xi32>], vector<16xi32>,
      %select_n3A_1666 = arith.select %ge3A_28, %gather3A_1665, %broadcast_in_dim3A_40 : vector<16xi1>, vector<16xi32>
      %add3A_1667 = arith.addi %gather3A_1658, %select_n3A_1666 : vector<16xi32>
      %swap3A_1668 = arith.constant 16 : i32
      %swap3A_1669 = tpu.memref_slice %arg11[%swap3A_1668] : memref<80xi32, #tpu.memory_space<vmem>> -> memref<16xi32, #tpu.memory_space<vmem>>
      %swap3A_1670 = arith.constant 0 : index
      %swap3A_1671 = tpu.vector_load %swap3A_1669[%swap3A_1670] {strides = array<i32>} : memref<16xi32, #tpu.memory_space<vmem>>, vector<16xi32>,
      tpu.vector_store %swap3A_1669[%swap3A_1670], %add3A_1667 {strides = array<i32>} : memref<16xi32, #tpu.memory_space<vmem>>, vector<16xi32>,
      %gather3A_1672 = arith.constant 16 : i32
      %gather3A_1673 = tpu.memref_slice %arg11[%gather3A_1672] : memref<80xi32, #tpu.memory_space<vmem>> -> memref<16xi32, #tpu.memory_space<vmem>>
      %gather3A_1674 = tpu.vector_load_idx %gather3A_1673[%max3A_14] : memref<16xi32, #tpu.memory_space<vmem>>[vector<16xi32>], vector<16xi32>,
      %select_n3A_1675 = arith.select %ge3A_31, %gather3A_1674, %broadcast_in_dim3A_40 : vector<16xi1>, vector<16xi32>
      %add3A_1676 = arith.addi %add3A_1667, %select_n3A_1675 : vector<16xi32>
      %swap3A_1677 = arith.constant 32 : i32
      %swap3A_1678 = tpu.memref_slice %arg11[%swap3A_1677] : memref<80xi32, #tpu.memory_space<vmem>> -> memref<16xi32, #tpu.memory_space<vmem>>
      %swap3A_1679 = arith.constant 0 : index
      %swap3A_1680 = tpu.vector_load %swap3A_1678[%swap3A_1679] {strides = array<i32>} : memref<16xi32, #tpu.memory_space<vmem>>, vector<16xi32>,
      tpu.vector_store %swap3A_1678[%swap3A_1679], %add3A_1676 {strides = array<i32>} : memref<16xi32, #tpu.memory_space<vmem>>, vector<16xi32>,
      %gather3A_1681 = arith.constant 32 : i32
      %gather3A_1682 = tpu.memref_slice %arg11[%gather3A_1681] : memref<80xi32, #tpu.memory_space<vmem>> -> memref<16xi32, #tpu.memory_space<vmem>>
      %gather3A_1683 = tpu.vector_load_idx %gather3A_1682[%max3A_20] : memref<16xi32, #tpu.memory_space<vmem>>[vector<16xi32>], vector<16xi32>,
      %select_n3A_1684 = arith.select %ge3A_34, %gather3A_1683, %broadcast_in_dim3A_40 : vector<16xi1>, vector<16xi32>
      %add3A_1685 = arith.addi %add3A_1676, %select_n3A_1684 : vector<16xi32>
      %swap3A_1686 = arith.constant 48 : i32
      %swap3A_1687 = tpu.memref_slice %arg11[%swap3A_1686] : memref<80xi32, #tpu.memory_space<vmem>> -> memref<16xi32, #tpu.memory_space<vmem>>
      %swap3A_1688 = arith.constant 0 : index
      %swap3A_1689 = tpu.vector_load %swap3A_1687[%swap3A_1688] {strides = array<i32>} : memref<16xi32, #tpu.memory_space<vmem>>, vector<16xi32>,
      tpu.vector_store %swap3A_1687[%swap3A_1688], %add3A_1685 {strides = array<i32>} : memref<16xi32, #tpu.memory_space<vmem>>, vector<16xi32>,
      %gather3A_1690 = arith.constant 48 : i32
      %gather3A_1691 = tpu.memref_slice %arg11[%gather3A_1690] : memref<80xi32, #tpu.memory_space<vmem>> -> memref<16xi32, #tpu.memory_space<vmem>>
      %gather3A_1692 = tpu.vector_load_idx %gather3A_1691[%max3A_26] : memref<16xi32, #tpu.memory_space<vmem>>[vector<16xi32>], vector<16xi32>,
      %select_n3A_1693 = arith.select %ge3A_37, %gather3A_1692, %broadcast_in_dim3A_40 : vector<16xi1>, vector<16xi32>
      %add3A_1694 = arith.addi %add3A_1685, %select_n3A_1693 : vector<16xi32>
      %mul3A_1695 = arith.constant 5 : i32
      %mul3A_1696 = vector.broadcast %mul3A_1695 : i32 to vector<16xi32>
      %mul3A_1697 = arith.muli %get3A_1650, %mul3A_1696 : vector<16xi32>
      %shift_right_arithmetic3A_1698 = arith.shrsi %add3A_1694, %mul3A_1697 : vector<16xi32>
      %and3A_1699 = arith.andi %shift_right_arithmetic3A_1698, %broadcast_in_dim3A_44 : vector<16xi32>
      %sub3A_1700 = arith.subi %and3A_1699, %broadcast_in_dim3A_42 : vector<16xi32>
      %gather3A_1701 = tpu.vector_load_idx %arg10[%get3A_1650] : memref<16xi32, #tpu.memory_space<vmem>>[vector<16xi32>], vector<16xi32>,
      %add3A_1702 = arith.addi %gather3A_1701, %sub3A_1700 : vector<16xi32>
      %shift_right_arithmetic3A_1703 = arith.constant 7 : i32
      %shift_right_arithmetic3A_1704 = vector.broadcast %shift_right_arithmetic3A_1703 : i32 to vector<16xi32>
      %shift_right_arithmetic3A_1705 = arith.shrsi %add3A_1702, %shift_right_arithmetic3A_1704 : vector<16xi32>
      %and3A_1706 = arith.constant 127 : i32
      %and3A_1707 = vector.broadcast %and3A_1706 : i32 to vector<16xi32>
      %and3A_1708 = arith.andi %add3A_1702, %and3A_1707 : vector<16xi32>
      tpu.vector_store_idx %arg13[%shift_right_arithmetic3A_1705, %and3A_1708], %add3A_1657 : memref<600x128xi32, #tpu.memory_space<vmem>>[vector<16xi32>, vector<16xi32>], vector<16xi32>,
      %swap3A_1709 = arith.constant 64 : i32
      %swap3A_1710 = tpu.memref_slice %arg11[%swap3A_1709] : memref<80xi32, #tpu.memory_space<vmem>> -> memref<16xi32, #tpu.memory_space<vmem>>
      %swap3A_1711 = arith.constant 0 : index
      %swap3A_1712 = tpu.vector_load %swap3A_1710[%swap3A_1711] {strides = array<i32>} : memref<16xi32, #tpu.memory_space<vmem>>, vector<16xi32>,
      tpu.vector_store %swap3A_1710[%swap3A_1711], %add3A_1694 {strides = array<i32>} : memref<16xi32, #tpu.memory_space<vmem>>, vector<16xi32>,
      %gather3A_1713 = arith.constant 64 : i32
      %gather3A_1714 = tpu.memref_slice %arg11[%gather3A_1713] : memref<80xi32, #tpu.memory_space<vmem>> -> memref<16xi32, #tpu.memory_space<vmem>>
      %gather3A_1715 = tpu.vector_load_idx %gather3A_1714[%broadcast_in_dim3A_38] : memref<16xi32, #tpu.memory_space<vmem>>[vector<16xi32>], vector<16xi32>,
      %shift_right_arithmetic3A_1716 = arith.shrsi %gather3A_1715, %min3A : vector<16xi32>
      %and3A_1717 = arith.andi %shift_right_arithmetic3A_1716, %broadcast_in_dim3A_44 : vector<16xi32>
      %add3A_1718 = arith.addi %add3A_1646, %and3A_1717 : vector<16xi32>
      %swap3A_1719 = arith.constant 0 : index
      %swap3A_1720 = tpu.vector_load %arg10[%swap3A_1719] {strides = array<i32>} : memref<16xi32, #tpu.memory_space<vmem>>, vector<16xi32>,
      tpu.vector_store %arg10[%swap3A_1719], %add3A_1718 {strides = array<i32>} : memref<16xi32, #tpu.memory_space<vmem>>, vector<16xi32>,
      %get3A_1721 = arith.constant 48 : index
      %get3A_1722 = tpu.vector_load %arg15[%get3A_1721] {strides = array<i32>} : memref<256xi32, #tpu.memory_space<vmem>>, vector<16xi32>,
      %mul3A_1723 = arith.constant 256 : i32
      %mul3A_1724 = arith.muli %add3A_1500, %mul3A_1723 : i32
      %add3A_1725 = arith.addi %mul3A_4, %mul3A_1724 : i32
      %add3A_1726 = arith.constant 48 : i32
      %add3A_1727 = arith.addi %add3A_1725, %add3A_1726 : i32
      %add3A_1728 = vector.broadcast %add3A_1727 : i32 to vector<16xi32>
      %add3A_1729 = arith.addi %add3A_1728, %iota3A : vector<16xi32>
      %gather3A_1730 = tpu.vector_load_idx %arg12[%get3A_1722] : memref<16xi32, #tpu.memory_space<vmem>>[vector<16xi32>], vector<16xi32>,
      %swap3A_1731 = arith.constant 0 : i32
      %swap3A_1732 = tpu.memref_slice %arg11[%swap3A_1731] : memref<80xi32, #tpu.memory_space<vmem>> -> memref<16xi32, #tpu.memory_space<vmem>>
      %swap3A_1733 = arith.constant 0 : index
      %swap3A_1734 = tpu.vector_load %swap3A_1732[%swap3A_1733] {strides = array<i32>} : memref<16xi32, #tpu.memory_space<vmem>>, vector<16xi32>,
      tpu.vector_store %swap3A_1732[%swap3A_1733], %gather3A_1730 {strides = array<i32>} : memref<16xi32, #tpu.memory_space<vmem>>, vector<16xi32>,
      %gather3A_1735 = arith.constant 0 : i32
      %gather3A_1736 = tpu.memref_slice %arg11[%gather3A_1735] : memref<80xi32, #tpu.memory_space<vmem>> -> memref<16xi32, #tpu.memory_space<vmem>>
      %gather3A_1737 = tpu.vector_load_idx %gather3A_1736[%max3A_8] : memref<16xi32, #tpu.memory_space<vmem>>[vector<16xi32>], vector<16xi32>,
      %select_n3A_1738 = arith.select %ge3A_28, %gather3A_1737, %broadcast_in_dim3A_40 : vector<16xi1>, vector<16xi32>
      %add3A_1739 = arith.addi %gather3A_1730, %select_n3A_1738 : vector<16xi32>
      %swap3A_1740 = arith.constant 16 : i32
      %swap3A_1741 = tpu.memref_slice %arg11[%swap3A_1740] : memref<80xi32, #tpu.memory_space<vmem>> -> memref<16xi32, #tpu.memory_space<vmem>>
      %swap3A_1742 = arith.constant 0 : index
      %swap3A_1743 = tpu.vector_load %swap3A_1741[%swap3A_1742] {strides = array<i32>} : memref<16xi32, #tpu.memory_space<vmem>>, vector<16xi32>,
      tpu.vector_store %swap3A_1741[%swap3A_1742], %add3A_1739 {strides = array<i32>} : memref<16xi32, #tpu.memory_space<vmem>>, vector<16xi32>,
      %gather3A_1744 = arith.constant 16 : i32
      %gather3A_1745 = tpu.memref_slice %arg11[%gather3A_1744] : memref<80xi32, #tpu.memory_space<vmem>> -> memref<16xi32, #tpu.memory_space<vmem>>
      %gather3A_1746 = tpu.vector_load_idx %gather3A_1745[%max3A_14] : memref<16xi32, #tpu.memory_space<vmem>>[vector<16xi32>], vector<16xi32>,
      %select_n3A_1747 = arith.select %ge3A_31, %gather3A_1746, %broadcast_in_dim3A_40 : vector<16xi1>, vector<16xi32>
      %add3A_1748 = arith.addi %add3A_1739, %select_n3A_1747 : vector<16xi32>
      %swap3A_1749 = arith.constant 32 : i32
      %swap3A_1750 = tpu.memref_slice %arg11[%swap3A_1749] : memref<80xi32, #tpu.memory_space<vmem>> -> memref<16xi32, #tpu.memory_space<vmem>>
      %swap3A_1751 = arith.constant 0 : index
      %swap3A_1752 = tpu.vector_load %swap3A_1750[%swap3A_1751] {strides = array<i32>} : memref<16xi32, #tpu.memory_space<vmem>>, vector<16xi32>,
      tpu.vector_store %swap3A_1750[%swap3A_1751], %add3A_1748 {strides = array<i32>} : memref<16xi32, #tpu.memory_space<vmem>>, vector<16xi32>,
      %gather3A_1753 = arith.constant 32 : i32
      %gather3A_1754 = tpu.memref_slice %arg11[%gather3A_1753] : memref<80xi32, #tpu.memory_space<vmem>> -> memref<16xi32, #tpu.memory_space<vmem>>
      %gather3A_1755 = tpu.vector_load_idx %gather3A_1754[%max3A_20] : memref<16xi32, #tpu.memory_space<vmem>>[vector<16xi32>], vector<16xi32>,
      %select_n3A_1756 = arith.select %ge3A_34, %gather3A_1755, %broadcast_in_dim3A_40 : vector<16xi1>, vector<16xi32>
      %add3A_1757 = arith.addi %add3A_1748, %select_n3A_1756 : vector<16xi32>
      %swap3A_1758 = arith.constant 48 : i32
      %swap3A_1759 = tpu.memref_slice %arg11[%swap3A_1758] : memref<80xi32, #tpu.memory_space<vmem>> -> memref<16xi32, #tpu.memory_space<vmem>>
      %swap3A_1760 = arith.constant 0 : index
      %swap3A_1761 = tpu.vector_load %swap3A_1759[%swap3A_1760] {strides = array<i32>} : memref<16xi32, #tpu.memory_space<vmem>>, vector<16xi32>,
      tpu.vector_store %swap3A_1759[%swap3A_1760], %add3A_1757 {strides = array<i32>} : memref<16xi32, #tpu.memory_space<vmem>>, vector<16xi32>,
      %gather3A_1762 = arith.constant 48 : i32
      %gather3A_1763 = tpu.memref_slice %arg11[%gather3A_1762] : memref<80xi32, #tpu.memory_space<vmem>> -> memref<16xi32, #tpu.memory_space<vmem>>
      %gather3A_1764 = tpu.vector_load_idx %gather3A_1763[%max3A_26] : memref<16xi32, #tpu.memory_space<vmem>>[vector<16xi32>], vector<16xi32>,
      %select_n3A_1765 = arith.select %ge3A_37, %gather3A_1764, %broadcast_in_dim3A_40 : vector<16xi1>, vector<16xi32>
      %add3A_1766 = arith.addi %add3A_1757, %select_n3A_1765 : vector<16xi32>
      %mul3A_1767 = arith.constant 5 : i32
      %mul3A_1768 = vector.broadcast %mul3A_1767 : i32 to vector<16xi32>
      %mul3A_1769 = arith.muli %get3A_1722, %mul3A_1768 : vector<16xi32>
      %shift_right_arithmetic3A_1770 = arith.shrsi %add3A_1766, %mul3A_1769 : vector<16xi32>
      %and3A_1771 = arith.andi %shift_right_arithmetic3A_1770, %broadcast_in_dim3A_44 : vector<16xi32>
      %sub3A_1772 = arith.subi %and3A_1771, %broadcast_in_dim3A_42 : vector<16xi32>
      %gather3A_1773 = tpu.vector_load_idx %arg10[%get3A_1722] : memref<16xi32, #tpu.memory_space<vmem>>[vector<16xi32>], vector<16xi32>,
      %add3A_1774 = arith.addi %gather3A_1773, %sub3A_1772 : vector<16xi32>
      %shift_right_arithmetic3A_1775 = arith.constant 7 : i32
      %shift_right_arithmetic3A_1776 = vector.broadcast %shift_right_arithmetic3A_1775 : i32 to vector<16xi32>
      %shift_right_arithmetic3A_1777 = arith.shrsi %add3A_1774, %shift_right_arithmetic3A_1776 : vector<16xi32>
      %and3A_1778 = arith.constant 127 : i32
      %and3A_1779 = vector.broadcast %and3A_1778 : i32 to vector<16xi32>
      %and3A_1780 = arith.andi %add3A_1774, %and3A_1779 : vector<16xi32>
      tpu.vector_store_idx %arg13[%shift_right_arithmetic3A_1777, %and3A_1780], %add3A_1729 : memref<600x128xi32, #tpu.memory_space<vmem>>[vector<16xi32>, vector<16xi32>], vector<16xi32>,
      %swap3A_1781 = arith.constant 64 : i32
      %swap3A_1782 = tpu.memref_slice %arg11[%swap3A_1781] : memref<80xi32, #tpu.memory_space<vmem>> -> memref<16xi32, #tpu.memory_space<vmem>>
      %swap3A_1783 = arith.constant 0 : index
      %swap3A_1784 = tpu.vector_load %swap3A_1782[%swap3A_1783] {strides = array<i32>} : memref<16xi32, #tpu.memory_space<vmem>>, vector<16xi32>,
      tpu.vector_store %swap3A_1782[%swap3A_1783], %add3A_1766 {strides = array<i32>} : memref<16xi32, #tpu.memory_space<vmem>>, vector<16xi32>,
      %gather3A_1785 = arith.constant 64 : i32
      %gather3A_1786 = tpu.memref_slice %arg11[%gather3A_1785] : memref<80xi32, #tpu.memory_space<vmem>> -> memref<16xi32, #tpu.memory_space<vmem>>
      %gather3A_1787 = tpu.vector_load_idx %gather3A_1786[%broadcast_in_dim3A_38] : memref<16xi32, #tpu.memory_space<vmem>>[vector<16xi32>], vector<16xi32>,
      %shift_right_arithmetic3A_1788 = arith.shrsi %gather3A_1787, %min3A : vector<16xi32>
      %and3A_1789 = arith.andi %shift_right_arithmetic3A_1788, %broadcast_in_dim3A_44 : vector<16xi32>
      %add3A_1790 = arith.addi %add3A_1718, %and3A_1789 : vector<16xi32>
      %swap3A_1791 = arith.constant 0 : index
      %swap3A_1792 = tpu.vector_load %arg10[%swap3A_1791] {strides = array<i32>} : memref<16xi32, #tpu.memory_space<vmem>>, vector<16xi32>,
      tpu.vector_store %arg10[%swap3A_1791], %add3A_1790 {strides = array<i32>} : memref<16xi32, #tpu.memory_space<vmem>>, vector<16xi32>,
      %get3A_1793 = arith.constant 64 : index
      %get3A_1794 = tpu.vector_load %arg15[%get3A_1793] {strides = array<i32>} : memref<256xi32, #tpu.memory_space<vmem>>, vector<16xi32>,
      %mul3A_1795 = arith.constant 256 : i32
      %mul3A_1796 = arith.muli %add3A_1500, %mul3A_1795 : i32
      %add3A_1797 = arith.addi %mul3A_4, %mul3A_1796 : i32
      %add3A_1798 = arith.constant 64 : i32
      %add3A_1799 = arith.addi %add3A_1797, %add3A_1798 : i32
      %add3A_1800 = vector.broadcast %add3A_1799 : i32 to vector<16xi32>
      %add3A_1801 = arith.addi %add3A_1800, %iota3A : vector<16xi32>
      %gather3A_1802 = tpu.vector_load_idx %arg12[%get3A_1794] : memref<16xi32, #tpu.memory_space<vmem>>[vector<16xi32>], vector<16xi32>,
      %swap3A_1803 = arith.constant 0 : i32
      %swap3A_1804 = tpu.memref_slice %arg11[%swap3A_1803] : memref<80xi32, #tpu.memory_space<vmem>> -> memref<16xi32, #tpu.memory_space<vmem>>
      %swap3A_1805 = arith.constant 0 : index
      %swap3A_1806 = tpu.vector_load %swap3A_1804[%swap3A_1805] {strides = array<i32>} : memref<16xi32, #tpu.memory_space<vmem>>, vector<16xi32>,
      tpu.vector_store %swap3A_1804[%swap3A_1805], %gather3A_1802 {strides = array<i32>} : memref<16xi32, #tpu.memory_space<vmem>>, vector<16xi32>,
      %gather3A_1807 = arith.constant 0 : i32
      %gather3A_1808 = tpu.memref_slice %arg11[%gather3A_1807] : memref<80xi32, #tpu.memory_space<vmem>> -> memref<16xi32, #tpu.memory_space<vmem>>
      %gather3A_1809 = tpu.vector_load_idx %gather3A_1808[%max3A_8] : memref<16xi32, #tpu.memory_space<vmem>>[vector<16xi32>], vector<16xi32>,
      %select_n3A_1810 = arith.select %ge3A_28, %gather3A_1809, %broadcast_in_dim3A_40 : vector<16xi1>, vector<16xi32>
      %add3A_1811 = arith.addi %gather3A_1802, %select_n3A_1810 : vector<16xi32>
      %swap3A_1812 = arith.constant 16 : i32
      %swap3A_1813 = tpu.memref_slice %arg11[%swap3A_1812] : memref<80xi32, #tpu.memory_space<vmem>> -> memref<16xi32, #tpu.memory_space<vmem>>
      %swap3A_1814 = arith.constant 0 : index
      %swap3A_1815 = tpu.vector_load %swap3A_1813[%swap3A_1814] {strides = array<i32>} : memref<16xi32, #tpu.memory_space<vmem>>, vector<16xi32>,
      tpu.vector_store %swap3A_1813[%swap3A_1814], %add3A_1811 {strides = array<i32>} : memref<16xi32, #tpu.memory_space<vmem>>, vector<16xi32>,
      %gather3A_1816 = arith.constant 16 : i32
      %gather3A_1817 = tpu.memref_slice %arg11[%gather3A_1816] : memref<80xi32, #tpu.memory_space<vmem>> -> memref<16xi32, #tpu.memory_space<vmem>>
      %gather3A_1818 = tpu.vector_load_idx %gather3A_1817[%max3A_14] : memref<16xi32, #tpu.memory_space<vmem>>[vector<16xi32>], vector<16xi32>,
      %select_n3A_1819 = arith.select %ge3A_31, %gather3A_1818, %broadcast_in_dim3A_40 : vector<16xi1>, vector<16xi32>
      %add3A_1820 = arith.addi %add3A_1811, %select_n3A_1819 : vector<16xi32>
      %swap3A_1821 = arith.constant 32 : i32
      %swap3A_1822 = tpu.memref_slice %arg11[%swap3A_1821] : memref<80xi32, #tpu.memory_space<vmem>> -> memref<16xi32, #tpu.memory_space<vmem>>
      %swap3A_1823 = arith.constant 0 : index
      %swap3A_1824 = tpu.vector_load %swap3A_1822[%swap3A_1823] {strides = array<i32>} : memref<16xi32, #tpu.memory_space<vmem>>, vector<16xi32>,
      tpu.vector_store %swap3A_1822[%swap3A_1823], %add3A_1820 {strides = array<i32>} : memref<16xi32, #tpu.memory_space<vmem>>, vector<16xi32>,
      %gather3A_1825 = arith.constant 32 : i32
      %gather3A_1826 = tpu.memref_slice %arg11[%gather3A_1825] : memref<80xi32, #tpu.memory_space<vmem>> -> memref<16xi32, #tpu.memory_space<vmem>>
      %gather3A_1827 = tpu.vector_load_idx %gather3A_1826[%max3A_20] : memref<16xi32, #tpu.memory_space<vmem>>[vector<16xi32>], vector<16xi32>,
      %select_n3A_1828 = arith.select %ge3A_34, %gather3A_1827, %broadcast_in_dim3A_40 : vector<16xi1>, vector<16xi32>
      %add3A_1829 = arith.addi %add3A_1820, %select_n3A_1828 : vector<16xi32>
      %swap3A_1830 = arith.constant 48 : i32
      %swap3A_1831 = tpu.memref_slice %arg11[%swap3A_1830] : memref<80xi32, #tpu.memory_space<vmem>> -> memref<16xi32, #tpu.memory_space<vmem>>
      %swap3A_1832 = arith.constant 0 : index
      %swap3A_1833 = tpu.vector_load %swap3A_1831[%swap3A_1832] {strides = array<i32>} : memref<16xi32, #tpu.memory_space<vmem>>, vector<16xi32>,
      tpu.vector_store %swap3A_1831[%swap3A_1832], %add3A_1829 {strides = array<i32>} : memref<16xi32, #tpu.memory_space<vmem>>, vector<16xi32>,
      %gather3A_1834 = arith.constant 48 : i32
      %gather3A_1835 = tpu.memref_slice %arg11[%gather3A_1834] : memref<80xi32, #tpu.memory_space<vmem>> -> memref<16xi32, #tpu.memory_space<vmem>>
      %gather3A_1836 = tpu.vector_load_idx %gather3A_1835[%max3A_26] : memref<16xi32, #tpu.memory_space<vmem>>[vector<16xi32>], vector<16xi32>,
      %select_n3A_1837 = arith.select %ge3A_37, %gather3A_1836, %broadcast_in_dim3A_40 : vector<16xi1>, vector<16xi32>
      %add3A_1838 = arith.addi %add3A_1829, %select_n3A_1837 : vector<16xi32>
      %mul3A_1839 = arith.constant 5 : i32
      %mul3A_1840 = vector.broadcast %mul3A_1839 : i32 to vector<16xi32>
      %mul3A_1841 = arith.muli %get3A_1794, %mul3A_1840 : vector<16xi32>
      %shift_right_arithmetic3A_1842 = arith.shrsi %add3A_1838, %mul3A_1841 : vector<16xi32>
      %and3A_1843 = arith.andi %shift_right_arithmetic3A_1842, %broadcast_in_dim3A_44 : vector<16xi32>
      %sub3A_1844 = arith.subi %and3A_1843, %broadcast_in_dim3A_42 : vector<16xi32>
      %gather3A_1845 = tpu.vector_load_idx %arg10[%get3A_1794] : memref<16xi32, #tpu.memory_space<vmem>>[vector<16xi32>], vector<16xi32>,
      %add3A_1846 = arith.addi %gather3A_1845, %sub3A_1844 : vector<16xi32>
      %shift_right_arithmetic3A_1847 = arith.constant 7 : i32
      %shift_right_arithmetic3A_1848 = vector.broadcast %shift_right_arithmetic3A_1847 : i32 to vector<16xi32>
      %shift_right_arithmetic3A_1849 = arith.shrsi %add3A_1846, %shift_right_arithmetic3A_1848 : vector<16xi32>
      %and3A_1850 = arith.constant 127 : i32
      %and3A_1851 = vector.broadcast %and3A_1850 : i32 to vector<16xi32>
      %and3A_1852 = arith.andi %add3A_1846, %and3A_1851 : vector<16xi32>
      tpu.vector_store_idx %arg13[%shift_right_arithmetic3A_1849, %and3A_1852], %add3A_1801 : memref<600x128xi32, #tpu.memory_space<vmem>>[vector<16xi32>, vector<16xi32>], vector<16xi32>,
      %swap3A_1853 = arith.constant 64 : i32
      %swap3A_1854 = tpu.memref_slice %arg11[%swap3A_1853] : memref<80xi32, #tpu.memory_space<vmem>> -> memref<16xi32, #tpu.memory_space<vmem>>
      %swap3A_1855 = arith.constant 0 : index
      %swap3A_1856 = tpu.vector_load %swap3A_1854[%swap3A_1855] {strides = array<i32>} : memref<16xi32, #tpu.memory_space<vmem>>, vector<16xi32>,
      tpu.vector_store %swap3A_1854[%swap3A_1855], %add3A_1838 {strides = array<i32>} : memref<16xi32, #tpu.memory_space<vmem>>, vector<16xi32>,
      %gather3A_1857 = arith.constant 64 : i32
      %gather3A_1858 = tpu.memref_slice %arg11[%gather3A_1857] : memref<80xi32, #tpu.memory_space<vmem>> -> memref<16xi32, #tpu.memory_space<vmem>>
      %gather3A_1859 = tpu.vector_load_idx %gather3A_1858[%broadcast_in_dim3A_38] : memref<16xi32, #tpu.memory_space<vmem>>[vector<16xi32>], vector<16xi32>,
      %shift_right_arithmetic3A_1860 = arith.shrsi %gather3A_1859, %min3A : vector<16xi32>
      %and3A_1861 = arith.andi %shift_right_arithmetic3A_1860, %broadcast_in_dim3A_44 : vector<16xi32>
      %add3A_1862 = arith.addi %add3A_1790, %and3A_1861 : vector<16xi32>
      %swap3A_1863 = arith.constant 0 : index
      %swap3A_1864 = tpu.vector_load %arg10[%swap3A_1863] {strides = array<i32>} : memref<16xi32, #tpu.memory_space<vmem>>, vector<16xi32>,
      tpu.vector_store %arg10[%swap3A_1863], %add3A_1862 {strides = array<i32>} : memref<16xi32, #tpu.memory_space<vmem>>, vector<16xi32>,
      %get3A_1865 = arith.constant 80 : index
      %get3A_1866 = tpu.vector_load %arg15[%get3A_1865] {strides = array<i32>} : memref<256xi32, #tpu.memory_space<vmem>>, vector<16xi32>,
      %mul3A_1867 = arith.constant 256 : i32
      %mul3A_1868 = arith.muli %add3A_1500, %mul3A_1867 : i32
      %add3A_1869 = arith.addi %mul3A_4, %mul3A_1868 : i32
      %add3A_1870 = arith.constant 80 : i32
      %add3A_1871 = arith.addi %add3A_1869, %add3A_1870 : i32
      %add3A_1872 = vector.broadcast %add3A_1871 : i32 to vector<16xi32>
      %add3A_1873 = arith.addi %add3A_1872, %iota3A : vector<16xi32>
      %gather3A_1874 = tpu.vector_load_idx %arg12[%get3A_1866] : memref<16xi32, #tpu.memory_space<vmem>>[vector<16xi32>], vector<16xi32>,
      %swap3A_1875 = arith.constant 0 : i32
      %swap3A_1876 = tpu.memref_slice %arg11[%swap3A_1875] : memref<80xi32, #tpu.memory_space<vmem>> -> memref<16xi32, #tpu.memory_space<vmem>>
      %swap3A_1877 = arith.constant 0 : index
      %swap3A_1878 = tpu.vector_load %swap3A_1876[%swap3A_1877] {strides = array<i32>} : memref<16xi32, #tpu.memory_space<vmem>>, vector<16xi32>,
      tpu.vector_store %swap3A_1876[%swap3A_1877], %gather3A_1874 {strides = array<i32>} : memref<16xi32, #tpu.memory_space<vmem>>, vector<16xi32>,
      %gather3A_1879 = arith.constant 0 : i32
      %gather3A_1880 = tpu.memref_slice %arg11[%gather3A_1879] : memref<80xi32, #tpu.memory_space<vmem>> -> memref<16xi32, #tpu.memory_space<vmem>>
      %gather3A_1881 = tpu.vector_load_idx %gather3A_1880[%max3A_8] : memref<16xi32, #tpu.memory_space<vmem>>[vector<16xi32>], vector<16xi32>,
      %select_n3A_1882 = arith.select %ge3A_28, %gather3A_1881, %broadcast_in_dim3A_40 : vector<16xi1>, vector<16xi32>
      %add3A_1883 = arith.addi %gather3A_1874, %select_n3A_1882 : vector<16xi32>
      %swap3A_1884 = arith.constant 16 : i32
      %swap3A_1885 = tpu.memref_slice %arg11[%swap3A_1884] : memref<80xi32, #tpu.memory_space<vmem>> -> memref<16xi32, #tpu.memory_space<vmem>>
      %swap3A_1886 = arith.constant 0 : index
      %swap3A_1887 = tpu.vector_load %swap3A_1885[%swap3A_1886] {strides = array<i32>} : memref<16xi32, #tpu.memory_space<vmem>>, vector<16xi32>,
      tpu.vector_store %swap3A_1885[%swap3A_1886], %add3A_1883 {strides = array<i32>} : memref<16xi32, #tpu.memory_space<vmem>>, vector<16xi32>,
      %gather3A_1888 = arith.constant 16 : i32
      %gather3A_1889 = tpu.memref_slice %arg11[%gather3A_1888] : memref<80xi32, #tpu.memory_space<vmem>> -> memref<16xi32, #tpu.memory_space<vmem>>
      %gather3A_1890 = tpu.vector_load_idx %gather3A_1889[%max3A_14] : memref<16xi32, #tpu.memory_space<vmem>>[vector<16xi32>], vector<16xi32>,
      %select_n3A_1891 = arith.select %ge3A_31, %gather3A_1890, %broadcast_in_dim3A_40 : vector<16xi1>, vector<16xi32>
      %add3A_1892 = arith.addi %add3A_1883, %select_n3A_1891 : vector<16xi32>
      %swap3A_1893 = arith.constant 32 : i32
      %swap3A_1894 = tpu.memref_slice %arg11[%swap3A_1893] : memref<80xi32, #tpu.memory_space<vmem>> -> memref<16xi32, #tpu.memory_space<vmem>>
      %swap3A_1895 = arith.constant 0 : index
      %swap3A_1896 = tpu.vector_load %swap3A_1894[%swap3A_1895] {strides = array<i32>} : memref<16xi32, #tpu.memory_space<vmem>>, vector<16xi32>,
      tpu.vector_store %swap3A_1894[%swap3A_1895], %add3A_1892 {strides = array<i32>} : memref<16xi32, #tpu.memory_space<vmem>>, vector<16xi32>,
      %gather3A_1897 = arith.constant 32 : i32
      %gather3A_1898 = tpu.memref_slice %arg11[%gather3A_1897] : memref<80xi32, #tpu.memory_space<vmem>> -> memref<16xi32, #tpu.memory_space<vmem>>
      %gather3A_1899 = tpu.vector_load_idx %gather3A_1898[%max3A_20] : memref<16xi32, #tpu.memory_space<vmem>>[vector<16xi32>], vector<16xi32>,
      %select_n3A_1900 = arith.select %ge3A_34, %gather3A_1899, %broadcast_in_dim3A_40 : vector<16xi1>, vector<16xi32>
      %add3A_1901 = arith.addi %add3A_1892, %select_n3A_1900 : vector<16xi32>
      %swap3A_1902 = arith.constant 48 : i32
      %swap3A_1903 = tpu.memref_slice %arg11[%swap3A_1902] : memref<80xi32, #tpu.memory_space<vmem>> -> memref<16xi32, #tpu.memory_space<vmem>>
      %swap3A_1904 = arith.constant 0 : index
      %swap3A_1905 = tpu.vector_load %swap3A_1903[%swap3A_1904] {strides = array<i32>} : memref<16xi32, #tpu.memory_space<vmem>>, vector<16xi32>,
      tpu.vector_store %swap3A_1903[%swap3A_1904], %add3A_1901 {strides = array<i32>} : memref<16xi32, #tpu.memory_space<vmem>>, vector<16xi32>,
      %gather3A_1906 = arith.constant 48 : i32
      %gather3A_1907 = tpu.memref_slice %arg11[%gather3A_1906] : memref<80xi32, #tpu.memory_space<vmem>> -> memref<16xi32, #tpu.memory_space<vmem>>
      %gather3A_1908 = tpu.vector_load_idx %gather3A_1907[%max3A_26] : memref<16xi32, #tpu.memory_space<vmem>>[vector<16xi32>], vector<16xi32>,
      %select_n3A_1909 = arith.select %ge3A_37, %gather3A_1908, %broadcast_in_dim3A_40 : vector<16xi1>, vector<16xi32>
      %add3A_1910 = arith.addi %add3A_1901, %select_n3A_1909 : vector<16xi32>
      %mul3A_1911 = arith.constant 5 : i32
      %mul3A_1912 = vector.broadcast %mul3A_1911 : i32 to vector<16xi32>
      %mul3A_1913 = arith.muli %get3A_1866, %mul3A_1912 : vector<16xi32>
      %shift_right_arithmetic3A_1914 = arith.shrsi %add3A_1910, %mul3A_1913 : vector<16xi32>
      %and3A_1915 = arith.andi %shift_right_arithmetic3A_1914, %broadcast_in_dim3A_44 : vector<16xi32>
      %sub3A_1916 = arith.subi %and3A_1915, %broadcast_in_dim3A_42 : vector<16xi32>
      %gather3A_1917 = tpu.vector_load_idx %arg10[%get3A_1866] : memref<16xi32, #tpu.memory_space<vmem>>[vector<16xi32>], vector<16xi32>,
      %add3A_1918 = arith.addi %gather3A_1917, %sub3A_1916 : vector<16xi32>
      %shift_right_arithmetic3A_1919 = arith.constant 7 : i32
      %shift_right_arithmetic3A_1920 = vector.broadcast %shift_right_arithmetic3A_1919 : i32 to vector<16xi32>
      %shift_right_arithmetic3A_1921 = arith.shrsi %add3A_1918, %shift_right_arithmetic3A_1920 : vector<16xi32>
      %and3A_1922 = arith.constant 127 : i32
      %and3A_1923 = vector.broadcast %and3A_1922 : i32 to vector<16xi32>
      %and3A_1924 = arith.andi %add3A_1918, %and3A_1923 : vector<16xi32>
      tpu.vector_store_idx %arg13[%shift_right_arithmetic3A_1921, %and3A_1924], %add3A_1873 : memref<600x128xi32, #tpu.memory_space<vmem>>[vector<16xi32>, vector<16xi32>], vector<16xi32>,
      %swap3A_1925 = arith.constant 64 : i32
      %swap3A_1926 = tpu.memref_slice %arg11[%swap3A_1925] : memref<80xi32, #tpu.memory_space<vmem>> -> memref<16xi32, #tpu.memory_space<vmem>>
      %swap3A_1927 = arith.constant 0 : index
      %swap3A_1928 = tpu.vector_load %swap3A_1926[%swap3A_1927] {strides = array<i32>} : memref<16xi32, #tpu.memory_space<vmem>>, vector<16xi32>,
      tpu.vector_store %swap3A_1926[%swap3A_1927], %add3A_1910 {strides = array<i32>} : memref<16xi32, #tpu.memory_space<vmem>>, vector<16xi32>,
      %gather3A_1929 = arith.constant 64 : i32
      %gather3A_1930 = tpu.memref_slice %arg11[%gather3A_1929] : memref<80xi32, #tpu.memory_space<vmem>> -> memref<16xi32, #tpu.memory_space<vmem>>
      %gather3A_1931 = tpu.vector_load_idx %gather3A_1930[%broadcast_in_dim3A_38] : memref<16xi32, #tpu.memory_space<vmem>>[vector<16xi32>], vector<16xi32>,
      %shift_right_arithmetic3A_1932 = arith.shrsi %gather3A_1931, %min3A : vector<16xi32>
      %and3A_1933 = arith.andi %shift_right_arithmetic3A_1932, %broadcast_in_dim3A_44 : vector<16xi32>
      %add3A_1934 = arith.addi %add3A_1862, %and3A_1933 : vector<16xi32>
      %swap3A_1935 = arith.constant 0 : index
      %swap3A_1936 = tpu.vector_load %arg10[%swap3A_1935] {strides = array<i32>} : memref<16xi32, #tpu.memory_space<vmem>>, vector<16xi32>,
      tpu.vector_store %arg10[%swap3A_1935], %add3A_1934 {strides = array<i32>} : memref<16xi32, #tpu.memory_space<vmem>>, vector<16xi32>,
      %get3A_1937 = arith.constant 96 : index
      %get3A_1938 = tpu.vector_load %arg15[%get3A_1937] {strides = array<i32>} : memref<256xi32, #tpu.memory_space<vmem>>, vector<16xi32>,
      %mul3A_1939 = arith.constant 256 : i32
      %mul3A_1940 = arith.muli %add3A_1500, %mul3A_1939 : i32
      %add3A_1941 = arith.addi %mul3A_4, %mul3A_1940 : i32
      %add3A_1942 = arith.constant 96 : i32
      %add3A_1943 = arith.addi %add3A_1941, %add3A_1942 : i32
      %add3A_1944 = vector.broadcast %add3A_1943 : i32 to vector<16xi32>
      %add3A_1945 = arith.addi %add3A_1944, %iota3A : vector<16xi32>
      %gather3A_1946 = tpu.vector_load_idx %arg12[%get3A_1938] : memref<16xi32, #tpu.memory_space<vmem>>[vector<16xi32>], vector<16xi32>,
      %swap3A_1947 = arith.constant 0 : i32
      %swap3A_1948 = tpu.memref_slice %arg11[%swap3A_1947] : memref<80xi32, #tpu.memory_space<vmem>> -> memref<16xi32, #tpu.memory_space<vmem>>
      %swap3A_1949 = arith.constant 0 : index
      %swap3A_1950 = tpu.vector_load %swap3A_1948[%swap3A_1949] {strides = array<i32>} : memref<16xi32, #tpu.memory_space<vmem>>, vector<16xi32>,
      tpu.vector_store %swap3A_1948[%swap3A_1949], %gather3A_1946 {strides = array<i32>} : memref<16xi32, #tpu.memory_space<vmem>>, vector<16xi32>,
      %gather3A_1951 = arith.constant 0 : i32
      %gather3A_1952 = tpu.memref_slice %arg11[%gather3A_1951] : memref<80xi32, #tpu.memory_space<vmem>> -> memref<16xi32, #tpu.memory_space<vmem>>
      %gather3A_1953 = tpu.vector_load_idx %gather3A_1952[%max3A_8] : memref<16xi32, #tpu.memory_space<vmem>>[vector<16xi32>], vector<16xi32>,
      %select_n3A_1954 = arith.select %ge3A_28, %gather3A_1953, %broadcast_in_dim3A_40 : vector<16xi1>, vector<16xi32>
      %add3A_1955 = arith.addi %gather3A_1946, %select_n3A_1954 : vector<16xi32>
      %swap3A_1956 = arith.constant 16 : i32
      %swap3A_1957 = tpu.memref_slice %arg11[%swap3A_1956] : memref<80xi32, #tpu.memory_space<vmem>> -> memref<16xi32, #tpu.memory_space<vmem>>
      %swap3A_1958 = arith.constant 0 : index
      %swap3A_1959 = tpu.vector_load %swap3A_1957[%swap3A_1958] {strides = array<i32>} : memref<16xi32, #tpu.memory_space<vmem>>, vector<16xi32>,
      tpu.vector_store %swap3A_1957[%swap3A_1958], %add3A_1955 {strides = array<i32>} : memref<16xi32, #tpu.memory_space<vmem>>, vector<16xi32>,
      %gather3A_1960 = arith.constant 16 : i32
      %gather3A_1961 = tpu.memref_slice %arg11[%gather3A_1960] : memref<80xi32, #tpu.memory_space<vmem>> -> memref<16xi32, #tpu.memory_space<vmem>>
      %gather3A_1962 = tpu.vector_load_idx %gather3A_1961[%max3A_14] : memref<16xi32, #tpu.memory_space<vmem>>[vector<16xi32>], vector<16xi32>,
      %select_n3A_1963 = arith.select %ge3A_31, %gather3A_1962, %broadcast_in_dim3A_40 : vector<16xi1>, vector<16xi32>
      %add3A_1964 = arith.addi %add3A_1955, %select_n3A_1963 : vector<16xi32>
      %swap3A_1965 = arith.constant 32 : i32
      %swap3A_1966 = tpu.memref_slice %arg11[%swap3A_1965] : memref<80xi32, #tpu.memory_space<vmem>> -> memref<16xi32, #tpu.memory_space<vmem>>
      %swap3A_1967 = arith.constant 0 : index
      %swap3A_1968 = tpu.vector_load %swap3A_1966[%swap3A_1967] {strides = array<i32>} : memref<16xi32, #tpu.memory_space<vmem>>, vector<16xi32>,
      tpu.vector_store %swap3A_1966[%swap3A_1967], %add3A_1964 {strides = array<i32>} : memref<16xi32, #tpu.memory_space<vmem>>, vector<16xi32>,
      %gather3A_1969 = arith.constant 32 : i32
      %gather3A_1970 = tpu.memref_slice %arg11[%gather3A_1969] : memref<80xi32, #tpu.memory_space<vmem>> -> memref<16xi32, #tpu.memory_space<vmem>>
      %gather3A_1971 = tpu.vector_load_idx %gather3A_1970[%max3A_20] : memref<16xi32, #tpu.memory_space<vmem>>[vector<16xi32>], vector<16xi32>,
      %select_n3A_1972 = arith.select %ge3A_34, %gather3A_1971, %broadcast_in_dim3A_40 : vector<16xi1>, vector<16xi32>
      %add3A_1973 = arith.addi %add3A_1964, %select_n3A_1972 : vector<16xi32>
      %swap3A_1974 = arith.constant 48 : i32
      %swap3A_1975 = tpu.memref_slice %arg11[%swap3A_1974] : memref<80xi32, #tpu.memory_space<vmem>> -> memref<16xi32, #tpu.memory_space<vmem>>
      %swap3A_1976 = arith.constant 0 : index
      %swap3A_1977 = tpu.vector_load %swap3A_1975[%swap3A_1976] {strides = array<i32>} : memref<16xi32, #tpu.memory_space<vmem>>, vector<16xi32>,
      tpu.vector_store %swap3A_1975[%swap3A_1976], %add3A_1973 {strides = array<i32>} : memref<16xi32, #tpu.memory_space<vmem>>, vector<16xi32>,
      %gather3A_1978 = arith.constant 48 : i32
      %gather3A_1979 = tpu.memref_slice %arg11[%gather3A_1978] : memref<80xi32, #tpu.memory_space<vmem>> -> memref<16xi32, #tpu.memory_space<vmem>>
      %gather3A_1980 = tpu.vector_load_idx %gather3A_1979[%max3A_26] : memref<16xi32, #tpu.memory_space<vmem>>[vector<16xi32>], vector<16xi32>,
      %select_n3A_1981 = arith.select %ge3A_37, %gather3A_1980, %broadcast_in_dim3A_40 : vector<16xi1>, vector<16xi32>
      %add3A_1982 = arith.addi %add3A_1973, %select_n3A_1981 : vector<16xi32>
      %mul3A_1983 = arith.constant 5 : i32
      %mul3A_1984 = vector.broadcast %mul3A_1983 : i32 to vector<16xi32>
      %mul3A_1985 = arith.muli %get3A_1938, %mul3A_1984 : vector<16xi32>
      %shift_right_arithmetic3A_1986 = arith.shrsi %add3A_1982, %mul3A_1985 : vector<16xi32>
      %and3A_1987 = arith.andi %shift_right_arithmetic3A_1986, %broadcast_in_dim3A_44 : vector<16xi32>
      %sub3A_1988 = arith.subi %and3A_1987, %broadcast_in_dim3A_42 : vector<16xi32>
      %gather3A_1989 = tpu.vector_load_idx %arg10[%get3A_1938] : memref<16xi32, #tpu.memory_space<vmem>>[vector<16xi32>], vector<16xi32>,
      %add3A_1990 = arith.addi %gather3A_1989, %sub3A_1988 : vector<16xi32>
      %shift_right_arithmetic3A_1991 = arith.constant 7 : i32
      %shift_right_arithmetic3A_1992 = vector.broadcast %shift_right_arithmetic3A_1991 : i32 to vector<16xi32>
      %shift_right_arithmetic3A_1993 = arith.shrsi %add3A_1990, %shift_right_arithmetic3A_1992 : vector<16xi32>
      %and3A_1994 = arith.constant 127 : i32
      %and3A_1995 = vector.broadcast %and3A_1994 : i32 to vector<16xi32>
      %and3A_1996 = arith.andi %add3A_1990, %and3A_1995 : vector<16xi32>
      tpu.vector_store_idx %arg13[%shift_right_arithmetic3A_1993, %and3A_1996], %add3A_1945 : memref<600x128xi32, #tpu.memory_space<vmem>>[vector<16xi32>, vector<16xi32>], vector<16xi32>,
      %swap3A_1997 = arith.constant 64 : i32
      %swap3A_1998 = tpu.memref_slice %arg11[%swap3A_1997] : memref<80xi32, #tpu.memory_space<vmem>> -> memref<16xi32, #tpu.memory_space<vmem>>
      %swap3A_1999 = arith.constant 0 : index
      %swap3A_2000 = tpu.vector_load %swap3A_1998[%swap3A_1999] {strides = array<i32>} : memref<16xi32, #tpu.memory_space<vmem>>, vector<16xi32>,
      tpu.vector_store %swap3A_1998[%swap3A_1999], %add3A_1982 {strides = array<i32>} : memref<16xi32, #tpu.memory_space<vmem>>, vector<16xi32>,
      %gather3A_2001 = arith.constant 64 : i32
      %gather3A_2002 = tpu.memref_slice %arg11[%gather3A_2001] : memref<80xi32, #tpu.memory_space<vmem>> -> memref<16xi32, #tpu.memory_space<vmem>>
      %gather3A_2003 = tpu.vector_load_idx %gather3A_2002[%broadcast_in_dim3A_38] : memref<16xi32, #tpu.memory_space<vmem>>[vector<16xi32>], vector<16xi32>,
      %shift_right_arithmetic3A_2004 = arith.shrsi %gather3A_2003, %min3A : vector<16xi32>
      %and3A_2005 = arith.andi %shift_right_arithmetic3A_2004, %broadcast_in_dim3A_44 : vector<16xi32>
      %add3A_2006 = arith.addi %add3A_1934, %and3A_2005 : vector<16xi32>
      %swap3A_2007 = arith.constant 0 : index
      %swap3A_2008 = tpu.vector_load %arg10[%swap3A_2007] {strides = array<i32>} : memref<16xi32, #tpu.memory_space<vmem>>, vector<16xi32>,
      tpu.vector_store %arg10[%swap3A_2007], %add3A_2006 {strides = array<i32>} : memref<16xi32, #tpu.memory_space<vmem>>, vector<16xi32>,
      %get3A_2009 = arith.constant 112 : index
      %get3A_2010 = tpu.vector_load %arg15[%get3A_2009] {strides = array<i32>} : memref<256xi32, #tpu.memory_space<vmem>>, vector<16xi32>,
      %mul3A_2011 = arith.constant 256 : i32
      %mul3A_2012 = arith.muli %add3A_1500, %mul3A_2011 : i32
      %add3A_2013 = arith.addi %mul3A_4, %mul3A_2012 : i32
      %add3A_2014 = arith.constant 112 : i32
      %add3A_2015 = arith.addi %add3A_2013, %add3A_2014 : i32
      %add3A_2016 = vector.broadcast %add3A_2015 : i32 to vector<16xi32>
      %add3A_2017 = arith.addi %add3A_2016, %iota3A : vector<16xi32>
      %gather3A_2018 = tpu.vector_load_idx %arg12[%get3A_2010] : memref<16xi32, #tpu.memory_space<vmem>>[vector<16xi32>], vector<16xi32>,
      %swap3A_2019 = arith.constant 0 : i32
      %swap3A_2020 = tpu.memref_slice %arg11[%swap3A_2019] : memref<80xi32, #tpu.memory_space<vmem>> -> memref<16xi32, #tpu.memory_space<vmem>>
      %swap3A_2021 = arith.constant 0 : index
      %swap3A_2022 = tpu.vector_load %swap3A_2020[%swap3A_2021] {strides = array<i32>} : memref<16xi32, #tpu.memory_space<vmem>>, vector<16xi32>,
      tpu.vector_store %swap3A_2020[%swap3A_2021], %gather3A_2018 {strides = array<i32>} : memref<16xi32, #tpu.memory_space<vmem>>, vector<16xi32>,
      %gather3A_2023 = arith.constant 0 : i32
      %gather3A_2024 = tpu.memref_slice %arg11[%gather3A_2023] : memref<80xi32, #tpu.memory_space<vmem>> -> memref<16xi32, #tpu.memory_space<vmem>>
      %gather3A_2025 = tpu.vector_load_idx %gather3A_2024[%max3A_8] : memref<16xi32, #tpu.memory_space<vmem>>[vector<16xi32>], vector<16xi32>,
      %select_n3A_2026 = arith.select %ge3A_28, %gather3A_2025, %broadcast_in_dim3A_40 : vector<16xi1>, vector<16xi32>
      %add3A_2027 = arith.addi %gather3A_2018, %select_n3A_2026 : vector<16xi32>
      %swap3A_2028 = arith.constant 16 : i32
      %swap3A_2029 = tpu.memref_slice %arg11[%swap3A_2028] : memref<80xi32, #tpu.memory_space<vmem>> -> memref<16xi32, #tpu.memory_space<vmem>>
      %swap3A_2030 = arith.constant 0 : index
      %swap3A_2031 = tpu.vector_load %swap3A_2029[%swap3A_2030] {strides = array<i32>} : memref<16xi32, #tpu.memory_space<vmem>>, vector<16xi32>,
      tpu.vector_store %swap3A_2029[%swap3A_2030], %add3A_2027 {strides = array<i32>} : memref<16xi32, #tpu.memory_space<vmem>>, vector<16xi32>,
      %gather3A_2032 = arith.constant 16 : i32
      %gather3A_2033 = tpu.memref_slice %arg11[%gather3A_2032] : memref<80xi32, #tpu.memory_space<vmem>> -> memref<16xi32, #tpu.memory_space<vmem>>
      %gather3A_2034 = tpu.vector_load_idx %gather3A_2033[%max3A_14] : memref<16xi32, #tpu.memory_space<vmem>>[vector<16xi32>], vector<16xi32>,
      %select_n3A_2035 = arith.select %ge3A_31, %gather3A_2034, %broadcast_in_dim3A_40 : vector<16xi1>, vector<16xi32>
      %add3A_2036 = arith.addi %add3A_2027, %select_n3A_2035 : vector<16xi32>
      %swap3A_2037 = arith.constant 32 : i32
      %swap3A_2038 = tpu.memref_slice %arg11[%swap3A_2037] : memref<80xi32, #tpu.memory_space<vmem>> -> memref<16xi32, #tpu.memory_space<vmem>>
      %swap3A_2039 = arith.constant 0 : index
      %swap3A_2040 = tpu.vector_load %swap3A_2038[%swap3A_2039] {strides = array<i32>} : memref<16xi32, #tpu.memory_space<vmem>>, vector<16xi32>,
      tpu.vector_store %swap3A_2038[%swap3A_2039], %add3A_2036 {strides = array<i32>} : memref<16xi32, #tpu.memory_space<vmem>>, vector<16xi32>,
      %gather3A_2041 = arith.constant 32 : i32
      %gather3A_2042 = tpu.memref_slice %arg11[%gather3A_2041] : memref<80xi32, #tpu.memory_space<vmem>> -> memref<16xi32, #tpu.memory_space<vmem>>
      %gather3A_2043 = tpu.vector_load_idx %gather3A_2042[%max3A_20] : memref<16xi32, #tpu.memory_space<vmem>>[vector<16xi32>], vector<16xi32>,
      %select_n3A_2044 = arith.select %ge3A_34, %gather3A_2043, %broadcast_in_dim3A_40 : vector<16xi1>, vector<16xi32>
      %add3A_2045 = arith.addi %add3A_2036, %select_n3A_2044 : vector<16xi32>
      %swap3A_2046 = arith.constant 48 : i32
      %swap3A_2047 = tpu.memref_slice %arg11[%swap3A_2046] : memref<80xi32, #tpu.memory_space<vmem>> -> memref<16xi32, #tpu.memory_space<vmem>>
      %swap3A_2048 = arith.constant 0 : index
      %swap3A_2049 = tpu.vector_load %swap3A_2047[%swap3A_2048] {strides = array<i32>} : memref<16xi32, #tpu.memory_space<vmem>>, vector<16xi32>,
      tpu.vector_store %swap3A_2047[%swap3A_2048], %add3A_2045 {strides = array<i32>} : memref<16xi32, #tpu.memory_space<vmem>>, vector<16xi32>,
      %gather3A_2050 = arith.constant 48 : i32
      %gather3A_2051 = tpu.memref_slice %arg11[%gather3A_2050] : memref<80xi32, #tpu.memory_space<vmem>> -> memref<16xi32, #tpu.memory_space<vmem>>
      %gather3A_2052 = tpu.vector_load_idx %gather3A_2051[%max3A_26] : memref<16xi32, #tpu.memory_space<vmem>>[vector<16xi32>], vector<16xi32>,
      %select_n3A_2053 = arith.select %ge3A_37, %gather3A_2052, %broadcast_in_dim3A_40 : vector<16xi1>, vector<16xi32>
      %add3A_2054 = arith.addi %add3A_2045, %select_n3A_2053 : vector<16xi32>
      %mul3A_2055 = arith.constant 5 : i32
      %mul3A_2056 = vector.broadcast %mul3A_2055 : i32 to vector<16xi32>
      %mul3A_2057 = arith.muli %get3A_2010, %mul3A_2056 : vector<16xi32>
      %shift_right_arithmetic3A_2058 = arith.shrsi %add3A_2054, %mul3A_2057 : vector<16xi32>
      %and3A_2059 = arith.andi %shift_right_arithmetic3A_2058, %broadcast_in_dim3A_44 : vector<16xi32>
      %sub3A_2060 = arith.subi %and3A_2059, %broadcast_in_dim3A_42 : vector<16xi32>
      %gather3A_2061 = tpu.vector_load_idx %arg10[%get3A_2010] : memref<16xi32, #tpu.memory_space<vmem>>[vector<16xi32>], vector<16xi32>,
      %add3A_2062 = arith.addi %gather3A_2061, %sub3A_2060 : vector<16xi32>
      %shift_right_arithmetic3A_2063 = arith.constant 7 : i32
      %shift_right_arithmetic3A_2064 = vector.broadcast %shift_right_arithmetic3A_2063 : i32 to vector<16xi32>
      %shift_right_arithmetic3A_2065 = arith.shrsi %add3A_2062, %shift_right_arithmetic3A_2064 : vector<16xi32>
      %and3A_2066 = arith.constant 127 : i32
      %and3A_2067 = vector.broadcast %and3A_2066 : i32 to vector<16xi32>
      %and3A_2068 = arith.andi %add3A_2062, %and3A_2067 : vector<16xi32>
      tpu.vector_store_idx %arg13[%shift_right_arithmetic3A_2065, %and3A_2068], %add3A_2017 : memref<600x128xi32, #tpu.memory_space<vmem>>[vector<16xi32>, vector<16xi32>], vector<16xi32>,
      %swap3A_2069 = arith.constant 64 : i32
      %swap3A_2070 = tpu.memref_slice %arg11[%swap3A_2069] : memref<80xi32, #tpu.memory_space<vmem>> -> memref<16xi32, #tpu.memory_space<vmem>>
      %swap3A_2071 = arith.constant 0 : index
      %swap3A_2072 = tpu.vector_load %swap3A_2070[%swap3A_2071] {strides = array<i32>} : memref<16xi32, #tpu.memory_space<vmem>>, vector<16xi32>,
      tpu.vector_store %swap3A_2070[%swap3A_2071], %add3A_2054 {strides = array<i32>} : memref<16xi32, #tpu.memory_space<vmem>>, vector<16xi32>,
      %gather3A_2073 = arith.constant 64 : i32
      %gather3A_2074 = tpu.memref_slice %arg11[%gather3A_2073] : memref<80xi32, #tpu.memory_space<vmem>> -> memref<16xi32, #tpu.memory_space<vmem>>
      %gather3A_2075 = tpu.vector_load_idx %gather3A_2074[%broadcast_in_dim3A_38] : memref<16xi32, #tpu.memory_space<vmem>>[vector<16xi32>], vector<16xi32>,
      %shift_right_arithmetic3A_2076 = arith.shrsi %gather3A_2075, %min3A : vector<16xi32>
      %and3A_2077 = arith.andi %shift_right_arithmetic3A_2076, %broadcast_in_dim3A_44 : vector<16xi32>
      %add3A_2078 = arith.addi %add3A_2006, %and3A_2077 : vector<16xi32>
      %swap3A_2079 = arith.constant 0 : index
      %swap3A_2080 = tpu.vector_load %arg10[%swap3A_2079] {strides = array<i32>} : memref<16xi32, #tpu.memory_space<vmem>>, vector<16xi32>,
      tpu.vector_store %arg10[%swap3A_2079], %add3A_2078 {strides = array<i32>} : memref<16xi32, #tpu.memory_space<vmem>>, vector<16xi32>,
      %get3A_2081 = arith.constant 128 : index
      %get3A_2082 = tpu.vector_load %arg15[%get3A_2081] {strides = array<i32>} : memref<256xi32, #tpu.memory_space<vmem>>, vector<16xi32>,
      %mul3A_2083 = arith.constant 256 : i32
      %mul3A_2084 = arith.muli %add3A_1500, %mul3A_2083 : i32
      %add3A_2085 = arith.addi %mul3A_4, %mul3A_2084 : i32
      %add3A_2086 = arith.constant 128 : i32
      %add3A_2087 = arith.addi %add3A_2085, %add3A_2086 : i32
      %add3A_2088 = vector.broadcast %add3A_2087 : i32 to vector<16xi32>
      %add3A_2089 = arith.addi %add3A_2088, %iota3A : vector<16xi32>
      %gather3A_2090 = tpu.vector_load_idx %arg12[%get3A_2082] : memref<16xi32, #tpu.memory_space<vmem>>[vector<16xi32>], vector<16xi32>,
      %swap3A_2091 = arith.constant 0 : i32
      %swap3A_2092 = tpu.memref_slice %arg11[%swap3A_2091] : memref<80xi32, #tpu.memory_space<vmem>> -> memref<16xi32, #tpu.memory_space<vmem>>
      %swap3A_2093 = arith.constant 0 : index
      %swap3A_2094 = tpu.vector_load %swap3A_2092[%swap3A_2093] {strides = array<i32>} : memref<16xi32, #tpu.memory_space<vmem>>, vector<16xi32>,
      tpu.vector_store %swap3A_2092[%swap3A_2093], %gather3A_2090 {strides = array<i32>} : memref<16xi32, #tpu.memory_space<vmem>>, vector<16xi32>,
      %gather3A_2095 = arith.constant 0 : i32
      %gather3A_2096 = tpu.memref_slice %arg11[%gather3A_2095] : memref<80xi32, #tpu.memory_space<vmem>> -> memref<16xi32, #tpu.memory_space<vmem>>
      %gather3A_2097 = tpu.vector_load_idx %gather3A_2096[%max3A_8] : memref<16xi32, #tpu.memory_space<vmem>>[vector<16xi32>], vector<16xi32>,
      %select_n3A_2098 = arith.select %ge3A_28, %gather3A_2097, %broadcast_in_dim3A_40 : vector<16xi1>, vector<16xi32>
      %add3A_2099 = arith.addi %gather3A_2090, %select_n3A_2098 : vector<16xi32>
      %swap3A_2100 = arith.constant 16 : i32
      %swap3A_2101 = tpu.memref_slice %arg11[%swap3A_2100] : memref<80xi32, #tpu.memory_space<vmem>> -> memref<16xi32, #tpu.memory_space<vmem>>
      %swap3A_2102 = arith.constant 0 : index
      %swap3A_2103 = tpu.vector_load %swap3A_2101[%swap3A_2102] {strides = array<i32>} : memref<16xi32, #tpu.memory_space<vmem>>, vector<16xi32>,
      tpu.vector_store %swap3A_2101[%swap3A_2102], %add3A_2099 {strides = array<i32>} : memref<16xi32, #tpu.memory_space<vmem>>, vector<16xi32>,
      %gather3A_2104 = arith.constant 16 : i32
      %gather3A_2105 = tpu.memref_slice %arg11[%gather3A_2104] : memref<80xi32, #tpu.memory_space<vmem>> -> memref<16xi32, #tpu.memory_space<vmem>>
      %gather3A_2106 = tpu.vector_load_idx %gather3A_2105[%max3A_14] : memref<16xi32, #tpu.memory_space<vmem>>[vector<16xi32>], vector<16xi32>,
      %select_n3A_2107 = arith.select %ge3A_31, %gather3A_2106, %broadcast_in_dim3A_40 : vector<16xi1>, vector<16xi32>
      %add3A_2108 = arith.addi %add3A_2099, %select_n3A_2107 : vector<16xi32>
      %swap3A_2109 = arith.constant 32 : i32
      %swap3A_2110 = tpu.memref_slice %arg11[%swap3A_2109] : memref<80xi32, #tpu.memory_space<vmem>> -> memref<16xi32, #tpu.memory_space<vmem>>
      %swap3A_2111 = arith.constant 0 : index
      %swap3A_2112 = tpu.vector_load %swap3A_2110[%swap3A_2111] {strides = array<i32>} : memref<16xi32, #tpu.memory_space<vmem>>, vector<16xi32>,
      tpu.vector_store %swap3A_2110[%swap3A_2111], %add3A_2108 {strides = array<i32>} : memref<16xi32, #tpu.memory_space<vmem>>, vector<16xi32>,
      %gather3A_2113 = arith.constant 32 : i32
      %gather3A_2114 = tpu.memref_slice %arg11[%gather3A_2113] : memref<80xi32, #tpu.memory_space<vmem>> -> memref<16xi32, #tpu.memory_space<vmem>>
      %gather3A_2115 = tpu.vector_load_idx %gather3A_2114[%max3A_20] : memref<16xi32, #tpu.memory_space<vmem>>[vector<16xi32>], vector<16xi32>,
      %select_n3A_2116 = arith.select %ge3A_34, %gather3A_2115, %broadcast_in_dim3A_40 : vector<16xi1>, vector<16xi32>
      %add3A_2117 = arith.addi %add3A_2108, %select_n3A_2116 : vector<16xi32>
      %swap3A_2118 = arith.constant 48 : i32
      %swap3A_2119 = tpu.memref_slice %arg11[%swap3A_2118] : memref<80xi32, #tpu.memory_space<vmem>> -> memref<16xi32, #tpu.memory_space<vmem>>
      %swap3A_2120 = arith.constant 0 : index
      %swap3A_2121 = tpu.vector_load %swap3A_2119[%swap3A_2120] {strides = array<i32>} : memref<16xi32, #tpu.memory_space<vmem>>, vector<16xi32>,
      tpu.vector_store %swap3A_2119[%swap3A_2120], %add3A_2117 {strides = array<i32>} : memref<16xi32, #tpu.memory_space<vmem>>, vector<16xi32>,
      %gather3A_2122 = arith.constant 48 : i32
      %gather3A_2123 = tpu.memref_slice %arg11[%gather3A_2122] : memref<80xi32, #tpu.memory_space<vmem>> -> memref<16xi32, #tpu.memory_space<vmem>>
      %gather3A_2124 = tpu.vector_load_idx %gather3A_2123[%max3A_26] : memref<16xi32, #tpu.memory_space<vmem>>[vector<16xi32>], vector<16xi32>,
      %select_n3A_2125 = arith.select %ge3A_37, %gather3A_2124, %broadcast_in_dim3A_40 : vector<16xi1>, vector<16xi32>
      %add3A_2126 = arith.addi %add3A_2117, %select_n3A_2125 : vector<16xi32>
      %mul3A_2127 = arith.constant 5 : i32
      %mul3A_2128 = vector.broadcast %mul3A_2127 : i32 to vector<16xi32>
      %mul3A_2129 = arith.muli %get3A_2082, %mul3A_2128 : vector<16xi32>
      %shift_right_arithmetic3A_2130 = arith.shrsi %add3A_2126, %mul3A_2129 : vector<16xi32>
      %and3A_2131 = arith.andi %shift_right_arithmetic3A_2130, %broadcast_in_dim3A_44 : vector<16xi32>
      %sub3A_2132 = arith.subi %and3A_2131, %broadcast_in_dim3A_42 : vector<16xi32>
      %gather3A_2133 = tpu.vector_load_idx %arg10[%get3A_2082] : memref<16xi32, #tpu.memory_space<vmem>>[vector<16xi32>], vector<16xi32>,
      %add3A_2134 = arith.addi %gather3A_2133, %sub3A_2132 : vector<16xi32>
      %shift_right_arithmetic3A_2135 = arith.constant 7 : i32
      %shift_right_arithmetic3A_2136 = vector.broadcast %shift_right_arithmetic3A_2135 : i32 to vector<16xi32>
      %shift_right_arithmetic3A_2137 = arith.shrsi %add3A_2134, %shift_right_arithmetic3A_2136 : vector<16xi32>
      %and3A_2138 = arith.constant 127 : i32
      %and3A_2139 = vector.broadcast %and3A_2138 : i32 to vector<16xi32>
      %and3A_2140 = arith.andi %add3A_2134, %and3A_2139 : vector<16xi32>
      tpu.vector_store_idx %arg13[%shift_right_arithmetic3A_2137, %and3A_2140], %add3A_2089 : memref<600x128xi32, #tpu.memory_space<vmem>>[vector<16xi32>, vector<16xi32>], vector<16xi32>,
      %swap3A_2141 = arith.constant 64 : i32
      %swap3A_2142 = tpu.memref_slice %arg11[%swap3A_2141] : memref<80xi32, #tpu.memory_space<vmem>> -> memref<16xi32, #tpu.memory_space<vmem>>
      %swap3A_2143 = arith.constant 0 : index
      %swap3A_2144 = tpu.vector_load %swap3A_2142[%swap3A_2143] {strides = array<i32>} : memref<16xi32, #tpu.memory_space<vmem>>, vector<16xi32>,
      tpu.vector_store %swap3A_2142[%swap3A_2143], %add3A_2126 {strides = array<i32>} : memref<16xi32, #tpu.memory_space<vmem>>, vector<16xi32>,
      %gather3A_2145 = arith.constant 64 : i32
      %gather3A_2146 = tpu.memref_slice %arg11[%gather3A_2145] : memref<80xi32, #tpu.memory_space<vmem>> -> memref<16xi32, #tpu.memory_space<vmem>>
      %gather3A_2147 = tpu.vector_load_idx %gather3A_2146[%broadcast_in_dim3A_38] : memref<16xi32, #tpu.memory_space<vmem>>[vector<16xi32>], vector<16xi32>,
      %shift_right_arithmetic3A_2148 = arith.shrsi %gather3A_2147, %min3A : vector<16xi32>
      %and3A_2149 = arith.andi %shift_right_arithmetic3A_2148, %broadcast_in_dim3A_44 : vector<16xi32>
      %add3A_2150 = arith.addi %add3A_2078, %and3A_2149 : vector<16xi32>
      %swap3A_2151 = arith.constant 0 : index
      %swap3A_2152 = tpu.vector_load %arg10[%swap3A_2151] {strides = array<i32>} : memref<16xi32, #tpu.memory_space<vmem>>, vector<16xi32>,
      tpu.vector_store %arg10[%swap3A_2151], %add3A_2150 {strides = array<i32>} : memref<16xi32, #tpu.memory_space<vmem>>, vector<16xi32>,
      %get3A_2153 = arith.constant 144 : index
      %get3A_2154 = tpu.vector_load %arg15[%get3A_2153] {strides = array<i32>} : memref<256xi32, #tpu.memory_space<vmem>>, vector<16xi32>,
      %mul3A_2155 = arith.constant 256 : i32
      %mul3A_2156 = arith.muli %add3A_1500, %mul3A_2155 : i32
      %add3A_2157 = arith.addi %mul3A_4, %mul3A_2156 : i32
      %add3A_2158 = arith.constant 144 : i32
      %add3A_2159 = arith.addi %add3A_2157, %add3A_2158 : i32
      %add3A_2160 = vector.broadcast %add3A_2159 : i32 to vector<16xi32>
      %add3A_2161 = arith.addi %add3A_2160, %iota3A : vector<16xi32>
      %gather3A_2162 = tpu.vector_load_idx %arg12[%get3A_2154] : memref<16xi32, #tpu.memory_space<vmem>>[vector<16xi32>], vector<16xi32>,
      %swap3A_2163 = arith.constant 0 : i32
      %swap3A_2164 = tpu.memref_slice %arg11[%swap3A_2163] : memref<80xi32, #tpu.memory_space<vmem>> -> memref<16xi32, #tpu.memory_space<vmem>>
      %swap3A_2165 = arith.constant 0 : index
      %swap3A_2166 = tpu.vector_load %swap3A_2164[%swap3A_2165] {strides = array<i32>} : memref<16xi32, #tpu.memory_space<vmem>>, vector<16xi32>,
      tpu.vector_store %swap3A_2164[%swap3A_2165], %gather3A_2162 {strides = array<i32>} : memref<16xi32, #tpu.memory_space<vmem>>, vector<16xi32>,
      %gather3A_2167 = arith.constant 0 : i32
      %gather3A_2168 = tpu.memref_slice %arg11[%gather3A_2167] : memref<80xi32, #tpu.memory_space<vmem>> -> memref<16xi32, #tpu.memory_space<vmem>>
      %gather3A_2169 = tpu.vector_load_idx %gather3A_2168[%max3A_8] : memref<16xi32, #tpu.memory_space<vmem>>[vector<16xi32>], vector<16xi32>,
      %select_n3A_2170 = arith.select %ge3A_28, %gather3A_2169, %broadcast_in_dim3A_40 : vector<16xi1>, vector<16xi32>
      %add3A_2171 = arith.addi %gather3A_2162, %select_n3A_2170 : vector<16xi32>
      %swap3A_2172 = arith.constant 16 : i32
      %swap3A_2173 = tpu.memref_slice %arg11[%swap3A_2172] : memref<80xi32, #tpu.memory_space<vmem>> -> memref<16xi32, #tpu.memory_space<vmem>>
      %swap3A_2174 = arith.constant 0 : index
      %swap3A_2175 = tpu.vector_load %swap3A_2173[%swap3A_2174] {strides = array<i32>} : memref<16xi32, #tpu.memory_space<vmem>>, vector<16xi32>,
      tpu.vector_store %swap3A_2173[%swap3A_2174], %add3A_2171 {strides = array<i32>} : memref<16xi32, #tpu.memory_space<vmem>>, vector<16xi32>,
      %gather3A_2176 = arith.constant 16 : i32
      %gather3A_2177 = tpu.memref_slice %arg11[%gather3A_2176] : memref<80xi32, #tpu.memory_space<vmem>> -> memref<16xi32, #tpu.memory_space<vmem>>
      %gather3A_2178 = tpu.vector_load_idx %gather3A_2177[%max3A_14] : memref<16xi32, #tpu.memory_space<vmem>>[vector<16xi32>], vector<16xi32>,
      %select_n3A_2179 = arith.select %ge3A_31, %gather3A_2178, %broadcast_in_dim3A_40 : vector<16xi1>, vector<16xi32>
      %add3A_2180 = arith.addi %add3A_2171, %select_n3A_2179 : vector<16xi32>
      %swap3A_2181 = arith.constant 32 : i32
      %swap3A_2182 = tpu.memref_slice %arg11[%swap3A_2181] : memref<80xi32, #tpu.memory_space<vmem>> -> memref<16xi32, #tpu.memory_space<vmem>>
      %swap3A_2183 = arith.constant 0 : index
      %swap3A_2184 = tpu.vector_load %swap3A_2182[%swap3A_2183] {strides = array<i32>} : memref<16xi32, #tpu.memory_space<vmem>>, vector<16xi32>,
      tpu.vector_store %swap3A_2182[%swap3A_2183], %add3A_2180 {strides = array<i32>} : memref<16xi32, #tpu.memory_space<vmem>>, vector<16xi32>,
      %gather3A_2185 = arith.constant 32 : i32
      %gather3A_2186 = tpu.memref_slice %arg11[%gather3A_2185] : memref<80xi32, #tpu.memory_space<vmem>> -> memref<16xi32, #tpu.memory_space<vmem>>
      %gather3A_2187 = tpu.vector_load_idx %gather3A_2186[%max3A_20] : memref<16xi32, #tpu.memory_space<vmem>>[vector<16xi32>], vector<16xi32>,
      %select_n3A_2188 = arith.select %ge3A_34, %gather3A_2187, %broadcast_in_dim3A_40 : vector<16xi1>, vector<16xi32>
      %add3A_2189 = arith.addi %add3A_2180, %select_n3A_2188 : vector<16xi32>
      %swap3A_2190 = arith.constant 48 : i32
      %swap3A_2191 = tpu.memref_slice %arg11[%swap3A_2190] : memref<80xi32, #tpu.memory_space<vmem>> -> memref<16xi32, #tpu.memory_space<vmem>>
      %swap3A_2192 = arith.constant 0 : index
      %swap3A_2193 = tpu.vector_load %swap3A_2191[%swap3A_2192] {strides = array<i32>} : memref<16xi32, #tpu.memory_space<vmem>>, vector<16xi32>,
      tpu.vector_store %swap3A_2191[%swap3A_2192], %add3A_2189 {strides = array<i32>} : memref<16xi32, #tpu.memory_space<vmem>>, vector<16xi32>,
      %gather3A_2194 = arith.constant 48 : i32
      %gather3A_2195 = tpu.memref_slice %arg11[%gather3A_2194] : memref<80xi32, #tpu.memory_space<vmem>> -> memref<16xi32, #tpu.memory_space<vmem>>
      %gather3A_2196 = tpu.vector_load_idx %gather3A_2195[%max3A_26] : memref<16xi32, #tpu.memory_space<vmem>>[vector<16xi32>], vector<16xi32>,
      %select_n3A_2197 = arith.select %ge3A_37, %gather3A_2196, %broadcast_in_dim3A_40 : vector<16xi1>, vector<16xi32>
      %add3A_2198 = arith.addi %add3A_2189, %select_n3A_2197 : vector<16xi32>
      %mul3A_2199 = arith.constant 5 : i32
      %mul3A_2200 = vector.broadcast %mul3A_2199 : i32 to vector<16xi32>
      %mul3A_2201 = arith.muli %get3A_2154, %mul3A_2200 : vector<16xi32>
      %shift_right_arithmetic3A_2202 = arith.shrsi %add3A_2198, %mul3A_2201 : vector<16xi32>
      %and3A_2203 = arith.andi %shift_right_arithmetic3A_2202, %broadcast_in_dim3A_44 : vector<16xi32>
      %sub3A_2204 = arith.subi %and3A_2203, %broadcast_in_dim3A_42 : vector<16xi32>
      %gather3A_2205 = tpu.vector_load_idx %arg10[%get3A_2154] : memref<16xi32, #tpu.memory_space<vmem>>[vector<16xi32>], vector<16xi32>,
      %add3A_2206 = arith.addi %gather3A_2205, %sub3A_2204 : vector<16xi32>
      %shift_right_arithmetic3A_2207 = arith.constant 7 : i32
      %shift_right_arithmetic3A_2208 = vector.broadcast %shift_right_arithmetic3A_2207 : i32 to vector<16xi32>
      %shift_right_arithmetic3A_2209 = arith.shrsi %add3A_2206, %shift_right_arithmetic3A_2208 : vector<16xi32>
      %and3A_2210 = arith.constant 127 : i32
      %and3A_2211 = vector.broadcast %and3A_2210 : i32 to vector<16xi32>
      %and3A_2212 = arith.andi %add3A_2206, %and3A_2211 : vector<16xi32>
      tpu.vector_store_idx %arg13[%shift_right_arithmetic3A_2209, %and3A_2212], %add3A_2161 : memref<600x128xi32, #tpu.memory_space<vmem>>[vector<16xi32>, vector<16xi32>], vector<16xi32>,
      %swap3A_2213 = arith.constant 64 : i32
      %swap3A_2214 = tpu.memref_slice %arg11[%swap3A_2213] : memref<80xi32, #tpu.memory_space<vmem>> -> memref<16xi32, #tpu.memory_space<vmem>>
      %swap3A_2215 = arith.constant 0 : index
      %swap3A_2216 = tpu.vector_load %swap3A_2214[%swap3A_2215] {strides = array<i32>} : memref<16xi32, #tpu.memory_space<vmem>>, vector<16xi32>,
      tpu.vector_store %swap3A_2214[%swap3A_2215], %add3A_2198 {strides = array<i32>} : memref<16xi32, #tpu.memory_space<vmem>>, vector<16xi32>,
      %gather3A_2217 = arith.constant 64 : i32
      %gather3A_2218 = tpu.memref_slice %arg11[%gather3A_2217] : memref<80xi32, #tpu.memory_space<vmem>> -> memref<16xi32, #tpu.memory_space<vmem>>
      %gather3A_2219 = tpu.vector_load_idx %gather3A_2218[%broadcast_in_dim3A_38] : memref<16xi32, #tpu.memory_space<vmem>>[vector<16xi32>], vector<16xi32>,
      %shift_right_arithmetic3A_2220 = arith.shrsi %gather3A_2219, %min3A : vector<16xi32>
      %and3A_2221 = arith.andi %shift_right_arithmetic3A_2220, %broadcast_in_dim3A_44 : vector<16xi32>
      %add3A_2222 = arith.addi %add3A_2150, %and3A_2221 : vector<16xi32>
      %swap3A_2223 = arith.constant 0 : index
      %swap3A_2224 = tpu.vector_load %arg10[%swap3A_2223] {strides = array<i32>} : memref<16xi32, #tpu.memory_space<vmem>>, vector<16xi32>,
      tpu.vector_store %arg10[%swap3A_2223], %add3A_2222 {strides = array<i32>} : memref<16xi32, #tpu.memory_space<vmem>>, vector<16xi32>,
      %get3A_2225 = arith.constant 160 : index
      %get3A_2226 = tpu.vector_load %arg15[%get3A_2225] {strides = array<i32>} : memref<256xi32, #tpu.memory_space<vmem>>, vector<16xi32>,
      %mul3A_2227 = arith.constant 256 : i32
      %mul3A_2228 = arith.muli %add3A_1500, %mul3A_2227 : i32
      %add3A_2229 = arith.addi %mul3A_4, %mul3A_2228 : i32
      %add3A_2230 = arith.constant 160 : i32
      %add3A_2231 = arith.addi %add3A_2229, %add3A_2230 : i32
      %add3A_2232 = vector.broadcast %add3A_2231 : i32 to vector<16xi32>
      %add3A_2233 = arith.addi %add3A_2232, %iota3A : vector<16xi32>
      %gather3A_2234 = tpu.vector_load_idx %arg12[%get3A_2226] : memref<16xi32, #tpu.memory_space<vmem>>[vector<16xi32>], vector<16xi32>,
      %swap3A_2235 = arith.constant 0 : i32
      %swap3A_2236 = tpu.memref_slice %arg11[%swap3A_2235] : memref<80xi32, #tpu.memory_space<vmem>> -> memref<16xi32, #tpu.memory_space<vmem>>
      %swap3A_2237 = arith.constant 0 : index
      %swap3A_2238 = tpu.vector_load %swap3A_2236[%swap3A_2237] {strides = array<i32>} : memref<16xi32, #tpu.memory_space<vmem>>, vector<16xi32>,
      tpu.vector_store %swap3A_2236[%swap3A_2237], %gather3A_2234 {strides = array<i32>} : memref<16xi32, #tpu.memory_space<vmem>>, vector<16xi32>,
      %gather3A_2239 = arith.constant 0 : i32
      %gather3A_2240 = tpu.memref_slice %arg11[%gather3A_2239] : memref<80xi32, #tpu.memory_space<vmem>> -> memref<16xi32, #tpu.memory_space<vmem>>
      %gather3A_2241 = tpu.vector_load_idx %gather3A_2240[%max3A_8] : memref<16xi32, #tpu.memory_space<vmem>>[vector<16xi32>], vector<16xi32>,
      %select_n3A_2242 = arith.select %ge3A_28, %gather3A_2241, %broadcast_in_dim3A_40 : vector<16xi1>, vector<16xi32>
      %add3A_2243 = arith.addi %gather3A_2234, %select_n3A_2242 : vector<16xi32>
      %swap3A_2244 = arith.constant 16 : i32
      %swap3A_2245 = tpu.memref_slice %arg11[%swap3A_2244] : memref<80xi32, #tpu.memory_space<vmem>> -> memref<16xi32, #tpu.memory_space<vmem>>
      %swap3A_2246 = arith.constant 0 : index
      %swap3A_2247 = tpu.vector_load %swap3A_2245[%swap3A_2246] {strides = array<i32>} : memref<16xi32, #tpu.memory_space<vmem>>, vector<16xi32>,
      tpu.vector_store %swap3A_2245[%swap3A_2246], %add3A_2243 {strides = array<i32>} : memref<16xi32, #tpu.memory_space<vmem>>, vector<16xi32>,
      %gather3A_2248 = arith.constant 16 : i32
      %gather3A_2249 = tpu.memref_slice %arg11[%gather3A_2248] : memref<80xi32, #tpu.memory_space<vmem>> -> memref<16xi32, #tpu.memory_space<vmem>>
      %gather3A_2250 = tpu.vector_load_idx %gather3A_2249[%max3A_14] : memref<16xi32, #tpu.memory_space<vmem>>[vector<16xi32>], vector<16xi32>,
      %select_n3A_2251 = arith.select %ge3A_31, %gather3A_2250, %broadcast_in_dim3A_40 : vector<16xi1>, vector<16xi32>
      %add3A_2252 = arith.addi %add3A_2243, %select_n3A_2251 : vector<16xi32>
      %swap3A_2253 = arith.constant 32 : i32
      %swap3A_2254 = tpu.memref_slice %arg11[%swap3A_2253] : memref<80xi32, #tpu.memory_space<vmem>> -> memref<16xi32, #tpu.memory_space<vmem>>
      %swap3A_2255 = arith.constant 0 : index
      %swap3A_2256 = tpu.vector_load %swap3A_2254[%swap3A_2255] {strides = array<i32>} : memref<16xi32, #tpu.memory_space<vmem>>, vector<16xi32>,
      tpu.vector_store %swap3A_2254[%swap3A_2255], %add3A_2252 {strides = array<i32>} : memref<16xi32, #tpu.memory_space<vmem>>, vector<16xi32>,
      %gather3A_2257 = arith.constant 32 : i32
      %gather3A_2258 = tpu.memref_slice %arg11[%gather3A_2257] : memref<80xi32, #tpu.memory_space<vmem>> -> memref<16xi32, #tpu.memory_space<vmem>>
      %gather3A_2259 = tpu.vector_load_idx %gather3A_2258[%max3A_20] : memref<16xi32, #tpu.memory_space<vmem>>[vector<16xi32>], vector<16xi32>,
      %select_n3A_2260 = arith.select %ge3A_34, %gather3A_2259, %broadcast_in_dim3A_40 : vector<16xi1>, vector<16xi32>
      %add3A_2261 = arith.addi %add3A_2252, %select_n3A_2260 : vector<16xi32>
      %swap3A_2262 = arith.constant 48 : i32
      %swap3A_2263 = tpu.memref_slice %arg11[%swap3A_2262] : memref<80xi32, #tpu.memory_space<vmem>> -> memref<16xi32, #tpu.memory_space<vmem>>
      %swap3A_2264 = arith.constant 0 : index
      %swap3A_2265 = tpu.vector_load %swap3A_2263[%swap3A_2264] {strides = array<i32>} : memref<16xi32, #tpu.memory_space<vmem>>, vector<16xi32>,
      tpu.vector_store %swap3A_2263[%swap3A_2264], %add3A_2261 {strides = array<i32>} : memref<16xi32, #tpu.memory_space<vmem>>, vector<16xi32>,
      %gather3A_2266 = arith.constant 48 : i32
      %gather3A_2267 = tpu.memref_slice %arg11[%gather3A_2266] : memref<80xi32, #tpu.memory_space<vmem>> -> memref<16xi32, #tpu.memory_space<vmem>>
      %gather3A_2268 = tpu.vector_load_idx %gather3A_2267[%max3A_26] : memref<16xi32, #tpu.memory_space<vmem>>[vector<16xi32>], vector<16xi32>,
      %select_n3A_2269 = arith.select %ge3A_37, %gather3A_2268, %broadcast_in_dim3A_40 : vector<16xi1>, vector<16xi32>
      %add3A_2270 = arith.addi %add3A_2261, %select_n3A_2269 : vector<16xi32>
      %mul3A_2271 = arith.constant 5 : i32
      %mul3A_2272 = vector.broadcast %mul3A_2271 : i32 to vector<16xi32>
      %mul3A_2273 = arith.muli %get3A_2226, %mul3A_2272 : vector<16xi32>
      %shift_right_arithmetic3A_2274 = arith.shrsi %add3A_2270, %mul3A_2273 : vector<16xi32>
      %and3A_2275 = arith.andi %shift_right_arithmetic3A_2274, %broadcast_in_dim3A_44 : vector<16xi32>
      %sub3A_2276 = arith.subi %and3A_2275, %broadcast_in_dim3A_42 : vector<16xi32>
      %gather3A_2277 = tpu.vector_load_idx %arg10[%get3A_2226] : memref<16xi32, #tpu.memory_space<vmem>>[vector<16xi32>], vector<16xi32>,
      %add3A_2278 = arith.addi %gather3A_2277, %sub3A_2276 : vector<16xi32>
      %shift_right_arithmetic3A_2279 = arith.constant 7 : i32
      %shift_right_arithmetic3A_2280 = vector.broadcast %shift_right_arithmetic3A_2279 : i32 to vector<16xi32>
      %shift_right_arithmetic3A_2281 = arith.shrsi %add3A_2278, %shift_right_arithmetic3A_2280 : vector<16xi32>
      %and3A_2282 = arith.constant 127 : i32
      %and3A_2283 = vector.broadcast %and3A_2282 : i32 to vector<16xi32>
      %and3A_2284 = arith.andi %add3A_2278, %and3A_2283 : vector<16xi32>
      tpu.vector_store_idx %arg13[%shift_right_arithmetic3A_2281, %and3A_2284], %add3A_2233 : memref<600x128xi32, #tpu.memory_space<vmem>>[vector<16xi32>, vector<16xi32>], vector<16xi32>,
      %swap3A_2285 = arith.constant 64 : i32
      %swap3A_2286 = tpu.memref_slice %arg11[%swap3A_2285] : memref<80xi32, #tpu.memory_space<vmem>> -> memref<16xi32, #tpu.memory_space<vmem>>
      %swap3A_2287 = arith.constant 0 : index
      %swap3A_2288 = tpu.vector_load %swap3A_2286[%swap3A_2287] {strides = array<i32>} : memref<16xi32, #tpu.memory_space<vmem>>, vector<16xi32>,
      tpu.vector_store %swap3A_2286[%swap3A_2287], %add3A_2270 {strides = array<i32>} : memref<16xi32, #tpu.memory_space<vmem>>, vector<16xi32>,
      %gather3A_2289 = arith.constant 64 : i32
      %gather3A_2290 = tpu.memref_slice %arg11[%gather3A_2289] : memref<80xi32, #tpu.memory_space<vmem>> -> memref<16xi32, #tpu.memory_space<vmem>>
      %gather3A_2291 = tpu.vector_load_idx %gather3A_2290[%broadcast_in_dim3A_38] : memref<16xi32, #tpu.memory_space<vmem>>[vector<16xi32>], vector<16xi32>,
      %shift_right_arithmetic3A_2292 = arith.shrsi %gather3A_2291, %min3A : vector<16xi32>
      %and3A_2293 = arith.andi %shift_right_arithmetic3A_2292, %broadcast_in_dim3A_44 : vector<16xi32>
      %add3A_2294 = arith.addi %add3A_2222, %and3A_2293 : vector<16xi32>
      %swap3A_2295 = arith.constant 0 : index
      %swap3A_2296 = tpu.vector_load %arg10[%swap3A_2295] {strides = array<i32>} : memref<16xi32, #tpu.memory_space<vmem>>, vector<16xi32>,
      tpu.vector_store %arg10[%swap3A_2295], %add3A_2294 {strides = array<i32>} : memref<16xi32, #tpu.memory_space<vmem>>, vector<16xi32>,
      %get3A_2297 = arith.constant 176 : index
      %get3A_2298 = tpu.vector_load %arg15[%get3A_2297] {strides = array<i32>} : memref<256xi32, #tpu.memory_space<vmem>>, vector<16xi32>,
      %mul3A_2299 = arith.constant 256 : i32
      %mul3A_2300 = arith.muli %add3A_1500, %mul3A_2299 : i32
      %add3A_2301 = arith.addi %mul3A_4, %mul3A_2300 : i32
      %add3A_2302 = arith.constant 176 : i32
      %add3A_2303 = arith.addi %add3A_2301, %add3A_2302 : i32
      %add3A_2304 = vector.broadcast %add3A_2303 : i32 to vector<16xi32>
      %add3A_2305 = arith.addi %add3A_2304, %iota3A : vector<16xi32>
      %gather3A_2306 = tpu.vector_load_idx %arg12[%get3A_2298] : memref<16xi32, #tpu.memory_space<vmem>>[vector<16xi32>], vector<16xi32>,
      %swap3A_2307 = arith.constant 0 : i32
      %swap3A_2308 = tpu.memref_slice %arg11[%swap3A_2307] : memref<80xi32, #tpu.memory_space<vmem>> -> memref<16xi32, #tpu.memory_space<vmem>>
      %swap3A_2309 = arith.constant 0 : index
      %swap3A_2310 = tpu.vector_load %swap3A_2308[%swap3A_2309] {strides = array<i32>} : memref<16xi32, #tpu.memory_space<vmem>>, vector<16xi32>,
      tpu.vector_store %swap3A_2308[%swap3A_2309], %gather3A_2306 {strides = array<i32>} : memref<16xi32, #tpu.memory_space<vmem>>, vector<16xi32>,
      %gather3A_2311 = arith.constant 0 : i32
      %gather3A_2312 = tpu.memref_slice %arg11[%gather3A_2311] : memref<80xi32, #tpu.memory_space<vmem>> -> memref<16xi32, #tpu.memory_space<vmem>>
      %gather3A_2313 = tpu.vector_load_idx %gather3A_2312[%max3A_8] : memref<16xi32, #tpu.memory_space<vmem>>[vector<16xi32>], vector<16xi32>,
      %select_n3A_2314 = arith.select %ge3A_28, %gather3A_2313, %broadcast_in_dim3A_40 : vector<16xi1>, vector<16xi32>
      %add3A_2315 = arith.addi %gather3A_2306, %select_n3A_2314 : vector<16xi32>
      %swap3A_2316 = arith.constant 16 : i32
      %swap3A_2317 = tpu.memref_slice %arg11[%swap3A_2316] : memref<80xi32, #tpu.memory_space<vmem>> -> memref<16xi32, #tpu.memory_space<vmem>>
      %swap3A_2318 = arith.constant 0 : index
      %swap3A_2319 = tpu.vector_load %swap3A_2317[%swap3A_2318] {strides = array<i32>} : memref<16xi32, #tpu.memory_space<vmem>>, vector<16xi32>,
      tpu.vector_store %swap3A_2317[%swap3A_2318], %add3A_2315 {strides = array<i32>} : memref<16xi32, #tpu.memory_space<vmem>>, vector<16xi32>,
      %gather3A_2320 = arith.constant 16 : i32
      %gather3A_2321 = tpu.memref_slice %arg11[%gather3A_2320] : memref<80xi32, #tpu.memory_space<vmem>> -> memref<16xi32, #tpu.memory_space<vmem>>
      %gather3A_2322 = tpu.vector_load_idx %gather3A_2321[%max3A_14] : memref<16xi32, #tpu.memory_space<vmem>>[vector<16xi32>], vector<16xi32>,
      %select_n3A_2323 = arith.select %ge3A_31, %gather3A_2322, %broadcast_in_dim3A_40 : vector<16xi1>, vector<16xi32>
      %add3A_2324 = arith.addi %add3A_2315, %select_n3A_2323 : vector<16xi32>
      %swap3A_2325 = arith.constant 32 : i32
      %swap3A_2326 = tpu.memref_slice %arg11[%swap3A_2325] : memref<80xi32, #tpu.memory_space<vmem>> -> memref<16xi32, #tpu.memory_space<vmem>>
      %swap3A_2327 = arith.constant 0 : index
      %swap3A_2328 = tpu.vector_load %swap3A_2326[%swap3A_2327] {strides = array<i32>} : memref<16xi32, #tpu.memory_space<vmem>>, vector<16xi32>,
      tpu.vector_store %swap3A_2326[%swap3A_2327], %add3A_2324 {strides = array<i32>} : memref<16xi32, #tpu.memory_space<vmem>>, vector<16xi32>,
      %gather3A_2329 = arith.constant 32 : i32
      %gather3A_2330 = tpu.memref_slice %arg11[%gather3A_2329] : memref<80xi32, #tpu.memory_space<vmem>> -> memref<16xi32, #tpu.memory_space<vmem>>
      %gather3A_2331 = tpu.vector_load_idx %gather3A_2330[%max3A_20] : memref<16xi32, #tpu.memory_space<vmem>>[vector<16xi32>], vector<16xi32>,
      %select_n3A_2332 = arith.select %ge3A_34, %gather3A_2331, %broadcast_in_dim3A_40 : vector<16xi1>, vector<16xi32>
      %add3A_2333 = arith.addi %add3A_2324, %select_n3A_2332 : vector<16xi32>
      %swap3A_2334 = arith.constant 48 : i32
      %swap3A_2335 = tpu.memref_slice %arg11[%swap3A_2334] : memref<80xi32, #tpu.memory_space<vmem>> -> memref<16xi32, #tpu.memory_space<vmem>>
      %swap3A_2336 = arith.constant 0 : index
      %swap3A_2337 = tpu.vector_load %swap3A_2335[%swap3A_2336] {strides = array<i32>} : memref<16xi32, #tpu.memory_space<vmem>>, vector<16xi32>,
      tpu.vector_store %swap3A_2335[%swap3A_2336], %add3A_2333 {strides = array<i32>} : memref<16xi32, #tpu.memory_space<vmem>>, vector<16xi32>,
      %gather3A_2338 = arith.constant 48 : i32
      %gather3A_2339 = tpu.memref_slice %arg11[%gather3A_2338] : memref<80xi32, #tpu.memory_space<vmem>> -> memref<16xi32, #tpu.memory_space<vmem>>
      %gather3A_2340 = tpu.vector_load_idx %gather3A_2339[%max3A_26] : memref<16xi32, #tpu.memory_space<vmem>>[vector<16xi32>], vector<16xi32>,
      %select_n3A_2341 = arith.select %ge3A_37, %gather3A_2340, %broadcast_in_dim3A_40 : vector<16xi1>, vector<16xi32>
      %add3A_2342 = arith.addi %add3A_2333, %select_n3A_2341 : vector<16xi32>
      %mul3A_2343 = arith.constant 5 : i32
      %mul3A_2344 = vector.broadcast %mul3A_2343 : i32 to vector<16xi32>
      %mul3A_2345 = arith.muli %get3A_2298, %mul3A_2344 : vector<16xi32>
      %shift_right_arithmetic3A_2346 = arith.shrsi %add3A_2342, %mul3A_2345 : vector<16xi32>
      %and3A_2347 = arith.andi %shift_right_arithmetic3A_2346, %broadcast_in_dim3A_44 : vector<16xi32>
      %sub3A_2348 = arith.subi %and3A_2347, %broadcast_in_dim3A_42 : vector<16xi32>
      %gather3A_2349 = tpu.vector_load_idx %arg10[%get3A_2298] : memref<16xi32, #tpu.memory_space<vmem>>[vector<16xi32>], vector<16xi32>,
      %add3A_2350 = arith.addi %gather3A_2349, %sub3A_2348 : vector<16xi32>
      %shift_right_arithmetic3A_2351 = arith.constant 7 : i32
      %shift_right_arithmetic3A_2352 = vector.broadcast %shift_right_arithmetic3A_2351 : i32 to vector<16xi32>
      %shift_right_arithmetic3A_2353 = arith.shrsi %add3A_2350, %shift_right_arithmetic3A_2352 : vector<16xi32>
      %and3A_2354 = arith.constant 127 : i32
      %and3A_2355 = vector.broadcast %and3A_2354 : i32 to vector<16xi32>
      %and3A_2356 = arith.andi %add3A_2350, %and3A_2355 : vector<16xi32>
      tpu.vector_store_idx %arg13[%shift_right_arithmetic3A_2353, %and3A_2356], %add3A_2305 : memref<600x128xi32, #tpu.memory_space<vmem>>[vector<16xi32>, vector<16xi32>], vector<16xi32>,
      %swap3A_2357 = arith.constant 64 : i32
      %swap3A_2358 = tpu.memref_slice %arg11[%swap3A_2357] : memref<80xi32, #tpu.memory_space<vmem>> -> memref<16xi32, #tpu.memory_space<vmem>>
      %swap3A_2359 = arith.constant 0 : index
      %swap3A_2360 = tpu.vector_load %swap3A_2358[%swap3A_2359] {strides = array<i32>} : memref<16xi32, #tpu.memory_space<vmem>>, vector<16xi32>,
      tpu.vector_store %swap3A_2358[%swap3A_2359], %add3A_2342 {strides = array<i32>} : memref<16xi32, #tpu.memory_space<vmem>>, vector<16xi32>,
      %gather3A_2361 = arith.constant 64 : i32
      %gather3A_2362 = tpu.memref_slice %arg11[%gather3A_2361] : memref<80xi32, #tpu.memory_space<vmem>> -> memref<16xi32, #tpu.memory_space<vmem>>
      %gather3A_2363 = tpu.vector_load_idx %gather3A_2362[%broadcast_in_dim3A_38] : memref<16xi32, #tpu.memory_space<vmem>>[vector<16xi32>], vector<16xi32>,
      %shift_right_arithmetic3A_2364 = arith.shrsi %gather3A_2363, %min3A : vector<16xi32>
      %and3A_2365 = arith.andi %shift_right_arithmetic3A_2364, %broadcast_in_dim3A_44 : vector<16xi32>
      %add3A_2366 = arith.addi %add3A_2294, %and3A_2365 : vector<16xi32>
      %swap3A_2367 = arith.constant 0 : index
      %swap3A_2368 = tpu.vector_load %arg10[%swap3A_2367] {strides = array<i32>} : memref<16xi32, #tpu.memory_space<vmem>>, vector<16xi32>,
      tpu.vector_store %arg10[%swap3A_2367], %add3A_2366 {strides = array<i32>} : memref<16xi32, #tpu.memory_space<vmem>>, vector<16xi32>,
      %get3A_2369 = arith.constant 192 : index
      %get3A_2370 = tpu.vector_load %arg15[%get3A_2369] {strides = array<i32>} : memref<256xi32, #tpu.memory_space<vmem>>, vector<16xi32>,
      %mul3A_2371 = arith.constant 256 : i32
      %mul3A_2372 = arith.muli %add3A_1500, %mul3A_2371 : i32
      %add3A_2373 = arith.addi %mul3A_4, %mul3A_2372 : i32
      %add3A_2374 = arith.constant 192 : i32
      %add3A_2375 = arith.addi %add3A_2373, %add3A_2374 : i32
      %add3A_2376 = vector.broadcast %add3A_2375 : i32 to vector<16xi32>
      %add3A_2377 = arith.addi %add3A_2376, %iota3A : vector<16xi32>
      %gather3A_2378 = tpu.vector_load_idx %arg12[%get3A_2370] : memref<16xi32, #tpu.memory_space<vmem>>[vector<16xi32>], vector<16xi32>,
      %swap3A_2379 = arith.constant 0 : i32
      %swap3A_2380 = tpu.memref_slice %arg11[%swap3A_2379] : memref<80xi32, #tpu.memory_space<vmem>> -> memref<16xi32, #tpu.memory_space<vmem>>
      %swap3A_2381 = arith.constant 0 : index
      %swap3A_2382 = tpu.vector_load %swap3A_2380[%swap3A_2381] {strides = array<i32>} : memref<16xi32, #tpu.memory_space<vmem>>, vector<16xi32>,
      tpu.vector_store %swap3A_2380[%swap3A_2381], %gather3A_2378 {strides = array<i32>} : memref<16xi32, #tpu.memory_space<vmem>>, vector<16xi32>,
      %gather3A_2383 = arith.constant 0 : i32
      %gather3A_2384 = tpu.memref_slice %arg11[%gather3A_2383] : memref<80xi32, #tpu.memory_space<vmem>> -> memref<16xi32, #tpu.memory_space<vmem>>
      %gather3A_2385 = tpu.vector_load_idx %gather3A_2384[%max3A_8] : memref<16xi32, #tpu.memory_space<vmem>>[vector<16xi32>], vector<16xi32>,
      %select_n3A_2386 = arith.select %ge3A_28, %gather3A_2385, %broadcast_in_dim3A_40 : vector<16xi1>, vector<16xi32>
      %add3A_2387 = arith.addi %gather3A_2378, %select_n3A_2386 : vector<16xi32>
      %swap3A_2388 = arith.constant 16 : i32
      %swap3A_2389 = tpu.memref_slice %arg11[%swap3A_2388] : memref<80xi32, #tpu.memory_space<vmem>> -> memref<16xi32, #tpu.memory_space<vmem>>
      %swap3A_2390 = arith.constant 0 : index
      %swap3A_2391 = tpu.vector_load %swap3A_2389[%swap3A_2390] {strides = array<i32>} : memref<16xi32, #tpu.memory_space<vmem>>, vector<16xi32>,
      tpu.vector_store %swap3A_2389[%swap3A_2390], %add3A_2387 {strides = array<i32>} : memref<16xi32, #tpu.memory_space<vmem>>, vector<16xi32>,
      %gather3A_2392 = arith.constant 16 : i32
      %gather3A_2393 = tpu.memref_slice %arg11[%gather3A_2392] : memref<80xi32, #tpu.memory_space<vmem>> -> memref<16xi32, #tpu.memory_space<vmem>>
      %gather3A_2394 = tpu.vector_load_idx %gather3A_2393[%max3A_14] : memref<16xi32, #tpu.memory_space<vmem>>[vector<16xi32>], vector<16xi32>,
      %select_n3A_2395 = arith.select %ge3A_31, %gather3A_2394, %broadcast_in_dim3A_40 : vector<16xi1>, vector<16xi32>
      %add3A_2396 = arith.addi %add3A_2387, %select_n3A_2395 : vector<16xi32>
      %swap3A_2397 = arith.constant 32 : i32
      %swap3A_2398 = tpu.memref_slice %arg11[%swap3A_2397] : memref<80xi32, #tpu.memory_space<vmem>> -> memref<16xi32, #tpu.memory_space<vmem>>
      %swap3A_2399 = arith.constant 0 : index
      %swap3A_2400 = tpu.vector_load %swap3A_2398[%swap3A_2399] {strides = array<i32>} : memref<16xi32, #tpu.memory_space<vmem>>, vector<16xi32>,
      tpu.vector_store %swap3A_2398[%swap3A_2399], %add3A_2396 {strides = array<i32>} : memref<16xi32, #tpu.memory_space<vmem>>, vector<16xi32>,
      %gather3A_2401 = arith.constant 32 : i32
      %gather3A_2402 = tpu.memref_slice %arg11[%gather3A_2401] : memref<80xi32, #tpu.memory_space<vmem>> -> memref<16xi32, #tpu.memory_space<vmem>>
      %gather3A_2403 = tpu.vector_load_idx %gather3A_2402[%max3A_20] : memref<16xi32, #tpu.memory_space<vmem>>[vector<16xi32>], vector<16xi32>,
      %select_n3A_2404 = arith.select %ge3A_34, %gather3A_2403, %broadcast_in_dim3A_40 : vector<16xi1>, vector<16xi32>
      %add3A_2405 = arith.addi %add3A_2396, %select_n3A_2404 : vector<16xi32>
      %swap3A_2406 = arith.constant 48 : i32
      %swap3A_2407 = tpu.memref_slice %arg11[%swap3A_2406] : memref<80xi32, #tpu.memory_space<vmem>> -> memref<16xi32, #tpu.memory_space<vmem>>
      %swap3A_2408 = arith.constant 0 : index
      %swap3A_2409 = tpu.vector_load %swap3A_2407[%swap3A_2408] {strides = array<i32>} : memref<16xi32, #tpu.memory_space<vmem>>, vector<16xi32>,
      tpu.vector_store %swap3A_2407[%swap3A_2408], %add3A_2405 {strides = array<i32>} : memref<16xi32, #tpu.memory_space<vmem>>, vector<16xi32>,
      %gather3A_2410 = arith.constant 48 : i32
      %gather3A_2411 = tpu.memref_slice %arg11[%gather3A_2410] : memref<80xi32, #tpu.memory_space<vmem>> -> memref<16xi32, #tpu.memory_space<vmem>>
      %gather3A_2412 = tpu.vector_load_idx %gather3A_2411[%max3A_26] : memref<16xi32, #tpu.memory_space<vmem>>[vector<16xi32>], vector<16xi32>,
      %select_n3A_2413 = arith.select %ge3A_37, %gather3A_2412, %broadcast_in_dim3A_40 : vector<16xi1>, vector<16xi32>
      %add3A_2414 = arith.addi %add3A_2405, %select_n3A_2413 : vector<16xi32>
      %mul3A_2415 = arith.constant 5 : i32
      %mul3A_2416 = vector.broadcast %mul3A_2415 : i32 to vector<16xi32>
      %mul3A_2417 = arith.muli %get3A_2370, %mul3A_2416 : vector<16xi32>
      %shift_right_arithmetic3A_2418 = arith.shrsi %add3A_2414, %mul3A_2417 : vector<16xi32>
      %and3A_2419 = arith.andi %shift_right_arithmetic3A_2418, %broadcast_in_dim3A_44 : vector<16xi32>
      %sub3A_2420 = arith.subi %and3A_2419, %broadcast_in_dim3A_42 : vector<16xi32>
      %gather3A_2421 = tpu.vector_load_idx %arg10[%get3A_2370] : memref<16xi32, #tpu.memory_space<vmem>>[vector<16xi32>], vector<16xi32>,
      %add3A_2422 = arith.addi %gather3A_2421, %sub3A_2420 : vector<16xi32>
      %shift_right_arithmetic3A_2423 = arith.constant 7 : i32
      %shift_right_arithmetic3A_2424 = vector.broadcast %shift_right_arithmetic3A_2423 : i32 to vector<16xi32>
      %shift_right_arithmetic3A_2425 = arith.shrsi %add3A_2422, %shift_right_arithmetic3A_2424 : vector<16xi32>
      %and3A_2426 = arith.constant 127 : i32
      %and3A_2427 = vector.broadcast %and3A_2426 : i32 to vector<16xi32>
      %and3A_2428 = arith.andi %add3A_2422, %and3A_2427 : vector<16xi32>
      tpu.vector_store_idx %arg13[%shift_right_arithmetic3A_2425, %and3A_2428], %add3A_2377 : memref<600x128xi32, #tpu.memory_space<vmem>>[vector<16xi32>, vector<16xi32>], vector<16xi32>,
      %swap3A_2429 = arith.constant 64 : i32
      %swap3A_2430 = tpu.memref_slice %arg11[%swap3A_2429] : memref<80xi32, #tpu.memory_space<vmem>> -> memref<16xi32, #tpu.memory_space<vmem>>
      %swap3A_2431 = arith.constant 0 : index
      %swap3A_2432 = tpu.vector_load %swap3A_2430[%swap3A_2431] {strides = array<i32>} : memref<16xi32, #tpu.memory_space<vmem>>, vector<16xi32>,
      tpu.vector_store %swap3A_2430[%swap3A_2431], %add3A_2414 {strides = array<i32>} : memref<16xi32, #tpu.memory_space<vmem>>, vector<16xi32>,
      %gather3A_2433 = arith.constant 64 : i32
      %gather3A_2434 = tpu.memref_slice %arg11[%gather3A_2433] : memref<80xi32, #tpu.memory_space<vmem>> -> memref<16xi32, #tpu.memory_space<vmem>>
      %gather3A_2435 = tpu.vector_load_idx %gather3A_2434[%broadcast_in_dim3A_38] : memref<16xi32, #tpu.memory_space<vmem>>[vector<16xi32>], vector<16xi32>,
      %shift_right_arithmetic3A_2436 = arith.shrsi %gather3A_2435, %min3A : vector<16xi32>
      %and3A_2437 = arith.andi %shift_right_arithmetic3A_2436, %broadcast_in_dim3A_44 : vector<16xi32>
      %add3A_2438 = arith.addi %add3A_2366, %and3A_2437 : vector<16xi32>
      %swap3A_2439 = arith.constant 0 : index
      %swap3A_2440 = tpu.vector_load %arg10[%swap3A_2439] {strides = array<i32>} : memref<16xi32, #tpu.memory_space<vmem>>, vector<16xi32>,
      tpu.vector_store %arg10[%swap3A_2439], %add3A_2438 {strides = array<i32>} : memref<16xi32, #tpu.memory_space<vmem>>, vector<16xi32>,
      %get3A_2441 = arith.constant 208 : index
      %get3A_2442 = tpu.vector_load %arg15[%get3A_2441] {strides = array<i32>} : memref<256xi32, #tpu.memory_space<vmem>>, vector<16xi32>,
      %mul3A_2443 = arith.constant 256 : i32
      %mul3A_2444 = arith.muli %add3A_1500, %mul3A_2443 : i32
      %add3A_2445 = arith.addi %mul3A_4, %mul3A_2444 : i32
      %add3A_2446 = arith.constant 208 : i32
      %add3A_2447 = arith.addi %add3A_2445, %add3A_2446 : i32
      %add3A_2448 = vector.broadcast %add3A_2447 : i32 to vector<16xi32>
      %add3A_2449 = arith.addi %add3A_2448, %iota3A : vector<16xi32>
      %gather3A_2450 = tpu.vector_load_idx %arg12[%get3A_2442] : memref<16xi32, #tpu.memory_space<vmem>>[vector<16xi32>], vector<16xi32>,
      %swap3A_2451 = arith.constant 0 : i32
      %swap3A_2452 = tpu.memref_slice %arg11[%swap3A_2451] : memref<80xi32, #tpu.memory_space<vmem>> -> memref<16xi32, #tpu.memory_space<vmem>>
      %swap3A_2453 = arith.constant 0 : index
      %swap3A_2454 = tpu.vector_load %swap3A_2452[%swap3A_2453] {strides = array<i32>} : memref<16xi32, #tpu.memory_space<vmem>>, vector<16xi32>,
      tpu.vector_store %swap3A_2452[%swap3A_2453], %gather3A_2450 {strides = array<i32>} : memref<16xi32, #tpu.memory_space<vmem>>, vector<16xi32>,
      %gather3A_2455 = arith.constant 0 : i32
      %gather3A_2456 = tpu.memref_slice %arg11[%gather3A_2455] : memref<80xi32, #tpu.memory_space<vmem>> -> memref<16xi32, #tpu.memory_space<vmem>>
      %gather3A_2457 = tpu.vector_load_idx %gather3A_2456[%max3A_8] : memref<16xi32, #tpu.memory_space<vmem>>[vector<16xi32>], vector<16xi32>,
      %select_n3A_2458 = arith.select %ge3A_28, %gather3A_2457, %broadcast_in_dim3A_40 : vector<16xi1>, vector<16xi32>
      %add3A_2459 = arith.addi %gather3A_2450, %select_n3A_2458 : vector<16xi32>
      %swap3A_2460 = arith.constant 16 : i32
      %swap3A_2461 = tpu.memref_slice %arg11[%swap3A_2460] : memref<80xi32, #tpu.memory_space<vmem>> -> memref<16xi32, #tpu.memory_space<vmem>>
      %swap3A_2462 = arith.constant 0 : index
      %swap3A_2463 = tpu.vector_load %swap3A_2461[%swap3A_2462] {strides = array<i32>} : memref<16xi32, #tpu.memory_space<vmem>>, vector<16xi32>,
      tpu.vector_store %swap3A_2461[%swap3A_2462], %add3A_2459 {strides = array<i32>} : memref<16xi32, #tpu.memory_space<vmem>>, vector<16xi32>,
      %gather3A_2464 = arith.constant 16 : i32
      %gather3A_2465 = tpu.memref_slice %arg11[%gather3A_2464] : memref<80xi32, #tpu.memory_space<vmem>> -> memref<16xi32, #tpu.memory_space<vmem>>
      %gather3A_2466 = tpu.vector_load_idx %gather3A_2465[%max3A_14] : memref<16xi32, #tpu.memory_space<vmem>>[vector<16xi32>], vector<16xi32>,
      %select_n3A_2467 = arith.select %ge3A_31, %gather3A_2466, %broadcast_in_dim3A_40 : vector<16xi1>, vector<16xi32>
      %add3A_2468 = arith.addi %add3A_2459, %select_n3A_2467 : vector<16xi32>
      %swap3A_2469 = arith.constant 32 : i32
      %swap3A_2470 = tpu.memref_slice %arg11[%swap3A_2469] : memref<80xi32, #tpu.memory_space<vmem>> -> memref<16xi32, #tpu.memory_space<vmem>>
      %swap3A_2471 = arith.constant 0 : index
      %swap3A_2472 = tpu.vector_load %swap3A_2470[%swap3A_2471] {strides = array<i32>} : memref<16xi32, #tpu.memory_space<vmem>>, vector<16xi32>,
      tpu.vector_store %swap3A_2470[%swap3A_2471], %add3A_2468 {strides = array<i32>} : memref<16xi32, #tpu.memory_space<vmem>>, vector<16xi32>,
      %gather3A_2473 = arith.constant 32 : i32
      %gather3A_2474 = tpu.memref_slice %arg11[%gather3A_2473] : memref<80xi32, #tpu.memory_space<vmem>> -> memref<16xi32, #tpu.memory_space<vmem>>
      %gather3A_2475 = tpu.vector_load_idx %gather3A_2474[%max3A_20] : memref<16xi32, #tpu.memory_space<vmem>>[vector<16xi32>], vector<16xi32>,
      %select_n3A_2476 = arith.select %ge3A_34, %gather3A_2475, %broadcast_in_dim3A_40 : vector<16xi1>, vector<16xi32>
      %add3A_2477 = arith.addi %add3A_2468, %select_n3A_2476 : vector<16xi32>
      %swap3A_2478 = arith.constant 48 : i32
      %swap3A_2479 = tpu.memref_slice %arg11[%swap3A_2478] : memref<80xi32, #tpu.memory_space<vmem>> -> memref<16xi32, #tpu.memory_space<vmem>>
      %swap3A_2480 = arith.constant 0 : index
      %swap3A_2481 = tpu.vector_load %swap3A_2479[%swap3A_2480] {strides = array<i32>} : memref<16xi32, #tpu.memory_space<vmem>>, vector<16xi32>,
      tpu.vector_store %swap3A_2479[%swap3A_2480], %add3A_2477 {strides = array<i32>} : memref<16xi32, #tpu.memory_space<vmem>>, vector<16xi32>,
      %gather3A_2482 = arith.constant 48 : i32
      %gather3A_2483 = tpu.memref_slice %arg11[%gather3A_2482] : memref<80xi32, #tpu.memory_space<vmem>> -> memref<16xi32, #tpu.memory_space<vmem>>
      %gather3A_2484 = tpu.vector_load_idx %gather3A_2483[%max3A_26] : memref<16xi32, #tpu.memory_space<vmem>>[vector<16xi32>], vector<16xi32>,
      %select_n3A_2485 = arith.select %ge3A_37, %gather3A_2484, %broadcast_in_dim3A_40 : vector<16xi1>, vector<16xi32>
      %add3A_2486 = arith.addi %add3A_2477, %select_n3A_2485 : vector<16xi32>
      %mul3A_2487 = arith.constant 5 : i32
      %mul3A_2488 = vector.broadcast %mul3A_2487 : i32 to vector<16xi32>
      %mul3A_2489 = arith.muli %get3A_2442, %mul3A_2488 : vector<16xi32>
      %shift_right_arithmetic3A_2490 = arith.shrsi %add3A_2486, %mul3A_2489 : vector<16xi32>
      %and3A_2491 = arith.andi %shift_right_arithmetic3A_2490, %broadcast_in_dim3A_44 : vector<16xi32>
      %sub3A_2492 = arith.subi %and3A_2491, %broadcast_in_dim3A_42 : vector<16xi32>
      %gather3A_2493 = tpu.vector_load_idx %arg10[%get3A_2442] : memref<16xi32, #tpu.memory_space<vmem>>[vector<16xi32>], vector<16xi32>,
      %add3A_2494 = arith.addi %gather3A_2493, %sub3A_2492 : vector<16xi32>
      %shift_right_arithmetic3A_2495 = arith.constant 7 : i32
      %shift_right_arithmetic3A_2496 = vector.broadcast %shift_right_arithmetic3A_2495 : i32 to vector<16xi32>
      %shift_right_arithmetic3A_2497 = arith.shrsi %add3A_2494, %shift_right_arithmetic3A_2496 : vector<16xi32>
      %and3A_2498 = arith.constant 127 : i32
      %and3A_2499 = vector.broadcast %and3A_2498 : i32 to vector<16xi32>
      %and3A_2500 = arith.andi %add3A_2494, %and3A_2499 : vector<16xi32>
      tpu.vector_store_idx %arg13[%shift_right_arithmetic3A_2497, %and3A_2500], %add3A_2449 : memref<600x128xi32, #tpu.memory_space<vmem>>[vector<16xi32>, vector<16xi32>], vector<16xi32>,
      %swap3A_2501 = arith.constant 64 : i32
      %swap3A_2502 = tpu.memref_slice %arg11[%swap3A_2501] : memref<80xi32, #tpu.memory_space<vmem>> -> memref<16xi32, #tpu.memory_space<vmem>>
      %swap3A_2503 = arith.constant 0 : index
      %swap3A_2504 = tpu.vector_load %swap3A_2502[%swap3A_2503] {strides = array<i32>} : memref<16xi32, #tpu.memory_space<vmem>>, vector<16xi32>,
      tpu.vector_store %swap3A_2502[%swap3A_2503], %add3A_2486 {strides = array<i32>} : memref<16xi32, #tpu.memory_space<vmem>>, vector<16xi32>,
      %gather3A_2505 = arith.constant 64 : i32
      %gather3A_2506 = tpu.memref_slice %arg11[%gather3A_2505] : memref<80xi32, #tpu.memory_space<vmem>> -> memref<16xi32, #tpu.memory_space<vmem>>
      %gather3A_2507 = tpu.vector_load_idx %gather3A_2506[%broadcast_in_dim3A_38] : memref<16xi32, #tpu.memory_space<vmem>>[vector<16xi32>], vector<16xi32>,
      %shift_right_arithmetic3A_2508 = arith.shrsi %gather3A_2507, %min3A : vector<16xi32>
      %and3A_2509 = arith.andi %shift_right_arithmetic3A_2508, %broadcast_in_dim3A_44 : vector<16xi32>
      %add3A_2510 = arith.addi %add3A_2438, %and3A_2509 : vector<16xi32>
      %swap3A_2511 = arith.constant 0 : index
      %swap3A_2512 = tpu.vector_load %arg10[%swap3A_2511] {strides = array<i32>} : memref<16xi32, #tpu.memory_space<vmem>>, vector<16xi32>,
      tpu.vector_store %arg10[%swap3A_2511], %add3A_2510 {strides = array<i32>} : memref<16xi32, #tpu.memory_space<vmem>>, vector<16xi32>,
      %get3A_2513 = arith.constant 224 : index
      %get3A_2514 = tpu.vector_load %arg15[%get3A_2513] {strides = array<i32>} : memref<256xi32, #tpu.memory_space<vmem>>, vector<16xi32>,
      %mul3A_2515 = arith.constant 256 : i32
      %mul3A_2516 = arith.muli %add3A_1500, %mul3A_2515 : i32
      %add3A_2517 = arith.addi %mul3A_4, %mul3A_2516 : i32
      %add3A_2518 = arith.constant 224 : i32
      %add3A_2519 = arith.addi %add3A_2517, %add3A_2518 : i32
      %add3A_2520 = vector.broadcast %add3A_2519 : i32 to vector<16xi32>
      %add3A_2521 = arith.addi %add3A_2520, %iota3A : vector<16xi32>
      %gather3A_2522 = tpu.vector_load_idx %arg12[%get3A_2514] : memref<16xi32, #tpu.memory_space<vmem>>[vector<16xi32>], vector<16xi32>,
      %swap3A_2523 = arith.constant 0 : i32
      %swap3A_2524 = tpu.memref_slice %arg11[%swap3A_2523] : memref<80xi32, #tpu.memory_space<vmem>> -> memref<16xi32, #tpu.memory_space<vmem>>
      %swap3A_2525 = arith.constant 0 : index
      %swap3A_2526 = tpu.vector_load %swap3A_2524[%swap3A_2525] {strides = array<i32>} : memref<16xi32, #tpu.memory_space<vmem>>, vector<16xi32>,
      tpu.vector_store %swap3A_2524[%swap3A_2525], %gather3A_2522 {strides = array<i32>} : memref<16xi32, #tpu.memory_space<vmem>>, vector<16xi32>,
      %gather3A_2527 = arith.constant 0 : i32
      %gather3A_2528 = tpu.memref_slice %arg11[%gather3A_2527] : memref<80xi32, #tpu.memory_space<vmem>> -> memref<16xi32, #tpu.memory_space<vmem>>
      %gather3A_2529 = tpu.vector_load_idx %gather3A_2528[%max3A_8] : memref<16xi32, #tpu.memory_space<vmem>>[vector<16xi32>], vector<16xi32>,
      %select_n3A_2530 = arith.select %ge3A_28, %gather3A_2529, %broadcast_in_dim3A_40 : vector<16xi1>, vector<16xi32>
      %add3A_2531 = arith.addi %gather3A_2522, %select_n3A_2530 : vector<16xi32>
      %swap3A_2532 = arith.constant 16 : i32
      %swap3A_2533 = tpu.memref_slice %arg11[%swap3A_2532] : memref<80xi32, #tpu.memory_space<vmem>> -> memref<16xi32, #tpu.memory_space<vmem>>
      %swap3A_2534 = arith.constant 0 : index
      %swap3A_2535 = tpu.vector_load %swap3A_2533[%swap3A_2534] {strides = array<i32>} : memref<16xi32, #tpu.memory_space<vmem>>, vector<16xi32>,
      tpu.vector_store %swap3A_2533[%swap3A_2534], %add3A_2531 {strides = array<i32>} : memref<16xi32, #tpu.memory_space<vmem>>, vector<16xi32>,
      %gather3A_2536 = arith.constant 16 : i32
      %gather3A_2537 = tpu.memref_slice %arg11[%gather3A_2536] : memref<80xi32, #tpu.memory_space<vmem>> -> memref<16xi32, #tpu.memory_space<vmem>>
      %gather3A_2538 = tpu.vector_load_idx %gather3A_2537[%max3A_14] : memref<16xi32, #tpu.memory_space<vmem>>[vector<16xi32>], vector<16xi32>,
      %select_n3A_2539 = arith.select %ge3A_31, %gather3A_2538, %broadcast_in_dim3A_40 : vector<16xi1>, vector<16xi32>
      %add3A_2540 = arith.addi %add3A_2531, %select_n3A_2539 : vector<16xi32>
      %swap3A_2541 = arith.constant 32 : i32
      %swap3A_2542 = tpu.memref_slice %arg11[%swap3A_2541] : memref<80xi32, #tpu.memory_space<vmem>> -> memref<16xi32, #tpu.memory_space<vmem>>
      %swap3A_2543 = arith.constant 0 : index
      %swap3A_2544 = tpu.vector_load %swap3A_2542[%swap3A_2543] {strides = array<i32>} : memref<16xi32, #tpu.memory_space<vmem>>, vector<16xi32>,
      tpu.vector_store %swap3A_2542[%swap3A_2543], %add3A_2540 {strides = array<i32>} : memref<16xi32, #tpu.memory_space<vmem>>, vector<16xi32>,
      %gather3A_2545 = arith.constant 32 : i32
      %gather3A_2546 = tpu.memref_slice %arg11[%gather3A_2545] : memref<80xi32, #tpu.memory_space<vmem>> -> memref<16xi32, #tpu.memory_space<vmem>>
      %gather3A_2547 = tpu.vector_load_idx %gather3A_2546[%max3A_20] : memref<16xi32, #tpu.memory_space<vmem>>[vector<16xi32>], vector<16xi32>,
      %select_n3A_2548 = arith.select %ge3A_34, %gather3A_2547, %broadcast_in_dim3A_40 : vector<16xi1>, vector<16xi32>
      %add3A_2549 = arith.addi %add3A_2540, %select_n3A_2548 : vector<16xi32>
      %swap3A_2550 = arith.constant 48 : i32
      %swap3A_2551 = tpu.memref_slice %arg11[%swap3A_2550] : memref<80xi32, #tpu.memory_space<vmem>> -> memref<16xi32, #tpu.memory_space<vmem>>
      %swap3A_2552 = arith.constant 0 : index
      %swap3A_2553 = tpu.vector_load %swap3A_2551[%swap3A_2552] {strides = array<i32>} : memref<16xi32, #tpu.memory_space<vmem>>, vector<16xi32>,
      tpu.vector_store %swap3A_2551[%swap3A_2552], %add3A_2549 {strides = array<i32>} : memref<16xi32, #tpu.memory_space<vmem>>, vector<16xi32>,
      %gather3A_2554 = arith.constant 48 : i32
      %gather3A_2555 = tpu.memref_slice %arg11[%gather3A_2554] : memref<80xi32, #tpu.memory_space<vmem>> -> memref<16xi32, #tpu.memory_space<vmem>>
      %gather3A_2556 = tpu.vector_load_idx %gather3A_2555[%max3A_26] : memref<16xi32, #tpu.memory_space<vmem>>[vector<16xi32>], vector<16xi32>,
      %select_n3A_2557 = arith.select %ge3A_37, %gather3A_2556, %broadcast_in_dim3A_40 : vector<16xi1>, vector<16xi32>
      %add3A_2558 = arith.addi %add3A_2549, %select_n3A_2557 : vector<16xi32>
      %mul3A_2559 = arith.constant 5 : i32
      %mul3A_2560 = vector.broadcast %mul3A_2559 : i32 to vector<16xi32>
      %mul3A_2561 = arith.muli %get3A_2514, %mul3A_2560 : vector<16xi32>
      %shift_right_arithmetic3A_2562 = arith.shrsi %add3A_2558, %mul3A_2561 : vector<16xi32>
      %and3A_2563 = arith.andi %shift_right_arithmetic3A_2562, %broadcast_in_dim3A_44 : vector<16xi32>
      %sub3A_2564 = arith.subi %and3A_2563, %broadcast_in_dim3A_42 : vector<16xi32>
      %gather3A_2565 = tpu.vector_load_idx %arg10[%get3A_2514] : memref<16xi32, #tpu.memory_space<vmem>>[vector<16xi32>], vector<16xi32>,
      %add3A_2566 = arith.addi %gather3A_2565, %sub3A_2564 : vector<16xi32>
      %shift_right_arithmetic3A_2567 = arith.constant 7 : i32
      %shift_right_arithmetic3A_2568 = vector.broadcast %shift_right_arithmetic3A_2567 : i32 to vector<16xi32>
      %shift_right_arithmetic3A_2569 = arith.shrsi %add3A_2566, %shift_right_arithmetic3A_2568 : vector<16xi32>
      %and3A_2570 = arith.constant 127 : i32
      %and3A_2571 = vector.broadcast %and3A_2570 : i32 to vector<16xi32>
      %and3A_2572 = arith.andi %add3A_2566, %and3A_2571 : vector<16xi32>
      tpu.vector_store_idx %arg13[%shift_right_arithmetic3A_2569, %and3A_2572], %add3A_2521 : memref<600x128xi32, #tpu.memory_space<vmem>>[vector<16xi32>, vector<16xi32>], vector<16xi32>,
      %swap3A_2573 = arith.constant 64 : i32
      %swap3A_2574 = tpu.memref_slice %arg11[%swap3A_2573] : memref<80xi32, #tpu.memory_space<vmem>> -> memref<16xi32, #tpu.memory_space<vmem>>
      %swap3A_2575 = arith.constant 0 : index
      %swap3A_2576 = tpu.vector_load %swap3A_2574[%swap3A_2575] {strides = array<i32>} : memref<16xi32, #tpu.memory_space<vmem>>, vector<16xi32>,
      tpu.vector_store %swap3A_2574[%swap3A_2575], %add3A_2558 {strides = array<i32>} : memref<16xi32, #tpu.memory_space<vmem>>, vector<16xi32>,
      %gather3A_2577 = arith.constant 64 : i32
      %gather3A_2578 = tpu.memref_slice %arg11[%gather3A_2577] : memref<80xi32, #tpu.memory_space<vmem>> -> memref<16xi32, #tpu.memory_space<vmem>>
      %gather3A_2579 = tpu.vector_load_idx %gather3A_2578[%broadcast_in_dim3A_38] : memref<16xi32, #tpu.memory_space<vmem>>[vector<16xi32>], vector<16xi32>,
      %shift_right_arithmetic3A_2580 = arith.shrsi %gather3A_2579, %min3A : vector<16xi32>
      %and3A_2581 = arith.andi %shift_right_arithmetic3A_2580, %broadcast_in_dim3A_44 : vector<16xi32>
      %add3A_2582 = arith.addi %add3A_2510, %and3A_2581 : vector<16xi32>
      %swap3A_2583 = arith.constant 0 : index
      %swap3A_2584 = tpu.vector_load %arg10[%swap3A_2583] {strides = array<i32>} : memref<16xi32, #tpu.memory_space<vmem>>, vector<16xi32>,
      tpu.vector_store %arg10[%swap3A_2583], %add3A_2582 {strides = array<i32>} : memref<16xi32, #tpu.memory_space<vmem>>, vector<16xi32>,
      %get3A_2585 = arith.constant 240 : index
      %get3A_2586 = tpu.vector_load %arg15[%get3A_2585] {strides = array<i32>} : memref<256xi32, #tpu.memory_space<vmem>>, vector<16xi32>,
      %mul3A_2587 = arith.constant 256 : i32
      %mul3A_2588 = arith.muli %add3A_1500, %mul3A_2587 : i32
      %add3A_2589 = arith.addi %mul3A_4, %mul3A_2588 : i32
      %add3A_2590 = arith.constant 240 : i32
      %add3A_2591 = arith.addi %add3A_2589, %add3A_2590 : i32
      %add3A_2592 = vector.broadcast %add3A_2591 : i32 to vector<16xi32>
      %add3A_2593 = arith.addi %add3A_2592, %iota3A : vector<16xi32>
      %gather3A_2594 = tpu.vector_load_idx %arg12[%get3A_2586] : memref<16xi32, #tpu.memory_space<vmem>>[vector<16xi32>], vector<16xi32>,
      %swap3A_2595 = arith.constant 0 : i32
      %swap3A_2596 = tpu.memref_slice %arg11[%swap3A_2595] : memref<80xi32, #tpu.memory_space<vmem>> -> memref<16xi32, #tpu.memory_space<vmem>>
      %swap3A_2597 = arith.constant 0 : index
      %swap3A_2598 = tpu.vector_load %swap3A_2596[%swap3A_2597] {strides = array<i32>} : memref<16xi32, #tpu.memory_space<vmem>>, vector<16xi32>,
      tpu.vector_store %swap3A_2596[%swap3A_2597], %gather3A_2594 {strides = array<i32>} : memref<16xi32, #tpu.memory_space<vmem>>, vector<16xi32>,
      %gather3A_2599 = arith.constant 0 : i32
      %gather3A_2600 = tpu.memref_slice %arg11[%gather3A_2599] : memref<80xi32, #tpu.memory_space<vmem>> -> memref<16xi32, #tpu.memory_space<vmem>>
      %gather3A_2601 = tpu.vector_load_idx %gather3A_2600[%max3A_8] : memref<16xi32, #tpu.memory_space<vmem>>[vector<16xi32>], vector<16xi32>,
      %select_n3A_2602 = arith.select %ge3A_28, %gather3A_2601, %broadcast_in_dim3A_40 : vector<16xi1>, vector<16xi32>
      %add3A_2603 = arith.addi %gather3A_2594, %select_n3A_2602 : vector<16xi32>
      %swap3A_2604 = arith.constant 16 : i32
      %swap3A_2605 = tpu.memref_slice %arg11[%swap3A_2604] : memref<80xi32, #tpu.memory_space<vmem>> -> memref<16xi32, #tpu.memory_space<vmem>>
      %swap3A_2606 = arith.constant 0 : index
      %swap3A_2607 = tpu.vector_load %swap3A_2605[%swap3A_2606] {strides = array<i32>} : memref<16xi32, #tpu.memory_space<vmem>>, vector<16xi32>,
      tpu.vector_store %swap3A_2605[%swap3A_2606], %add3A_2603 {strides = array<i32>} : memref<16xi32, #tpu.memory_space<vmem>>, vector<16xi32>,
      %gather3A_2608 = arith.constant 16 : i32
      %gather3A_2609 = tpu.memref_slice %arg11[%gather3A_2608] : memref<80xi32, #tpu.memory_space<vmem>> -> memref<16xi32, #tpu.memory_space<vmem>>
      %gather3A_2610 = tpu.vector_load_idx %gather3A_2609[%max3A_14] : memref<16xi32, #tpu.memory_space<vmem>>[vector<16xi32>], vector<16xi32>,
      %select_n3A_2611 = arith.select %ge3A_31, %gather3A_2610, %broadcast_in_dim3A_40 : vector<16xi1>, vector<16xi32>
      %add3A_2612 = arith.addi %add3A_2603, %select_n3A_2611 : vector<16xi32>
      %swap3A_2613 = arith.constant 32 : i32
      %swap3A_2614 = tpu.memref_slice %arg11[%swap3A_2613] : memref<80xi32, #tpu.memory_space<vmem>> -> memref<16xi32, #tpu.memory_space<vmem>>
      %swap3A_2615 = arith.constant 0 : index
      %swap3A_2616 = tpu.vector_load %swap3A_2614[%swap3A_2615] {strides = array<i32>} : memref<16xi32, #tpu.memory_space<vmem>>, vector<16xi32>,
      tpu.vector_store %swap3A_2614[%swap3A_2615], %add3A_2612 {strides = array<i32>} : memref<16xi32, #tpu.memory_space<vmem>>, vector<16xi32>,
      %gather3A_2617 = arith.constant 32 : i32
      %gather3A_2618 = tpu.memref_slice %arg11[%gather3A_2617] : memref<80xi32, #tpu.memory_space<vmem>> -> memref<16xi32, #tpu.memory_space<vmem>>
      %gather3A_2619 = tpu.vector_load_idx %gather3A_2618[%max3A_20] : memref<16xi32, #tpu.memory_space<vmem>>[vector<16xi32>], vector<16xi32>,
      %select_n3A_2620 = arith.select %ge3A_34, %gather3A_2619, %broadcast_in_dim3A_40 : vector<16xi1>, vector<16xi32>
      %add3A_2621 = arith.addi %add3A_2612, %select_n3A_2620 : vector<16xi32>
      %swap3A_2622 = arith.constant 48 : i32
      %swap3A_2623 = tpu.memref_slice %arg11[%swap3A_2622] : memref<80xi32, #tpu.memory_space<vmem>> -> memref<16xi32, #tpu.memory_space<vmem>>
      %swap3A_2624 = arith.constant 0 : index
      %swap3A_2625 = tpu.vector_load %swap3A_2623[%swap3A_2624] {strides = array<i32>} : memref<16xi32, #tpu.memory_space<vmem>>, vector<16xi32>,
      tpu.vector_store %swap3A_2623[%swap3A_2624], %add3A_2621 {strides = array<i32>} : memref<16xi32, #tpu.memory_space<vmem>>, vector<16xi32>,
      %gather3A_2626 = arith.constant 48 : i32
      %gather3A_2627 = tpu.memref_slice %arg11[%gather3A_2626] : memref<80xi32, #tpu.memory_space<vmem>> -> memref<16xi32, #tpu.memory_space<vmem>>
      %gather3A_2628 = tpu.vector_load_idx %gather3A_2627[%max3A_26] : memref<16xi32, #tpu.memory_space<vmem>>[vector<16xi32>], vector<16xi32>,
      %select_n3A_2629 = arith.select %ge3A_37, %gather3A_2628, %broadcast_in_dim3A_40 : vector<16xi1>, vector<16xi32>
      %add3A_2630 = arith.addi %add3A_2621, %select_n3A_2629 : vector<16xi32>
      %mul3A_2631 = arith.constant 5 : i32
      %mul3A_2632 = vector.broadcast %mul3A_2631 : i32 to vector<16xi32>
      %mul3A_2633 = arith.muli %get3A_2586, %mul3A_2632 : vector<16xi32>
      %shift_right_arithmetic3A_2634 = arith.shrsi %add3A_2630, %mul3A_2633 : vector<16xi32>
      %and3A_2635 = arith.andi %shift_right_arithmetic3A_2634, %broadcast_in_dim3A_44 : vector<16xi32>
      %sub3A_2636 = arith.subi %and3A_2635, %broadcast_in_dim3A_42 : vector<16xi32>
      %gather3A_2637 = tpu.vector_load_idx %arg10[%get3A_2586] : memref<16xi32, #tpu.memory_space<vmem>>[vector<16xi32>], vector<16xi32>,
      %add3A_2638 = arith.addi %gather3A_2637, %sub3A_2636 : vector<16xi32>
      %shift_right_arithmetic3A_2639 = arith.constant 7 : i32
      %shift_right_arithmetic3A_2640 = vector.broadcast %shift_right_arithmetic3A_2639 : i32 to vector<16xi32>
      %shift_right_arithmetic3A_2641 = arith.shrsi %add3A_2638, %shift_right_arithmetic3A_2640 : vector<16xi32>
      %and3A_2642 = arith.constant 127 : i32
      %and3A_2643 = vector.broadcast %and3A_2642 : i32 to vector<16xi32>
      %and3A_2644 = arith.andi %add3A_2638, %and3A_2643 : vector<16xi32>
      tpu.vector_store_idx %arg13[%shift_right_arithmetic3A_2641, %and3A_2644], %add3A_2593 : memref<600x128xi32, #tpu.memory_space<vmem>>[vector<16xi32>, vector<16xi32>], vector<16xi32>,
      %swap3A_2645 = arith.constant 64 : i32
      %swap3A_2646 = tpu.memref_slice %arg11[%swap3A_2645] : memref<80xi32, #tpu.memory_space<vmem>> -> memref<16xi32, #tpu.memory_space<vmem>>
      %swap3A_2647 = arith.constant 0 : index
      %swap3A_2648 = tpu.vector_load %swap3A_2646[%swap3A_2647] {strides = array<i32>} : memref<16xi32, #tpu.memory_space<vmem>>, vector<16xi32>,
      tpu.vector_store %swap3A_2646[%swap3A_2647], %add3A_2630 {strides = array<i32>} : memref<16xi32, #tpu.memory_space<vmem>>, vector<16xi32>,
      %gather3A_2649 = arith.constant 64 : i32
      %gather3A_2650 = tpu.memref_slice %arg11[%gather3A_2649] : memref<80xi32, #tpu.memory_space<vmem>> -> memref<16xi32, #tpu.memory_space<vmem>>
      %gather3A_2651 = tpu.vector_load_idx %gather3A_2650[%broadcast_in_dim3A_38] : memref<16xi32, #tpu.memory_space<vmem>>[vector<16xi32>], vector<16xi32>,
      %shift_right_arithmetic3A_2652 = arith.shrsi %gather3A_2651, %min3A : vector<16xi32>
      %and3A_2653 = arith.andi %shift_right_arithmetic3A_2652, %broadcast_in_dim3A_44 : vector<16xi32>
      %add3A_2654 = arith.addi %add3A_2582, %and3A_2653 : vector<16xi32>
      %swap3A_2655 = arith.constant 0 : index
      %swap3A_2656 = tpu.vector_load %arg10[%swap3A_2655] {strides = array<i32>} : memref<16xi32, #tpu.memory_space<vmem>>, vector<16xi32>,
      tpu.vector_store %arg10[%swap3A_2655], %add3A_2654 {strides = array<i32>} : memref<16xi32, #tpu.memory_space<vmem>>, vector<16xi32>,
      %add3A_2657 = arith.constant 2 : i32
      %add3A_2658 = arith.addi %add3A_1500, %add3A_2657 : i32
      %lt3A_2659 = arith.constant 100 : i32
      %lt3A_2660 = arith.cmpi slt, %add3A_2658, %lt3A_2659 : i32
      %convert_element_type3A_2661 = arith.extui %lt3A_2660 : i1 to i32
      %cond3A_2662 = arith.constant 0 : i32
      %cond3A_2663 = arith.cmpi ne, %convert_element_type3A_2661, %cond3A_2662 : i32
      scf.if %cond3A_2663 {
        %add3A_2715 = arith.constant 2 : i32
        %add3A_2716 = arith.addi %add3A_1500, %add3A_2715 : i32
        %mul3A_2717 = arith.constant 256 : i32
        %mul3A_2718 = arith.muli %add3A_2716, %mul3A_2717 : i32
        %add3A_2719 = arith.addi %mul3A_4, %mul3A_2718 : i32
        %dma_start3A_2720 = tpu.memref_slice %arg3[%add3A_2719] : memref<819200xi32, #tpu.memory_space<hbm>> -> memref<256xi32, #tpu.memory_space<hbm>>
        %dma_start3A_2721 = tpu.memref_slice %arg3[%add3A_2719] : memref<819200xi32, #tpu.memory_space<hbm>> -> memref<256xi32, #tpu.memory_space<hbm>>
        tpu.enqueue_dma source(%dma_start3A_2721 : memref<256xi32, #tpu.memory_space<hbm>>) target(%arg15 : memref<256xi32, #tpu.memory_space<vmem>>) target_semaphore(%arg17 : memref<!tpu.dma_semaphore, #tpu.memory_space<semaphore_mem>>)
      } else {
      }
      %get3A_2664 = arith.constant 0 : index
      %get3A_2665 = tpu.vector_load %arg10[%get3A_2664] {strides = array<i32>} : memref<16xi32, #tpu.memory_space<vmem>>, vector<16xi32>,
      %slice3A_2666 = vector.extract_strided_slice %get3A_2665 {offsets = [0], sizes = [1], strides = [1]} : vector<16xi32> to vector<1xi32>
      %squeeze3A_2667 = vector.extract %slice3A_2666[0] : i32 from vector<1xi32>
      %sub3A_2668 = arith.constant 0 : i32
      %sub3A_2669 = arith.subi %squeeze3A_2667, %sub3A_2668 : i32
      %shift_right_arithmetic3A_2670 = arith.constant 7 : i32
      %shift_right_arithmetic3A_2671 = arith.shrsi %sub3A_2669, %shift_right_arithmetic3A_2670 : i32
      %while3A_2672 = arith.constant 0 : i32
      %while3A_2673 = arith.subi %shift_right_arithmetic3A_2671, %shift_right_arithmetic3A_1453 : i32
      %while3A_2674 = arith.addi %shift_right_arithmetic3A_1453, %while3A_2673 : i32
      %while3A_2675 = arith.constant 1 : i32
      %while3A_2676 = arith.divsi %while3A_2673, %while3A_2675 : i32
      %while3A_2677 = arith.muli %while3A_2676, %while3A_2675 : i32
      %while3A_2678 = arith.addi %shift_right_arithmetic3A_1453, %while3A_2677 : i32
      %while3A_2679 = arith.constant 1 : i32
      scf.for %while3A_2715 = %shift_right_arithmetic3A_1453 to %while3A_2678 step %while3A_2679  : i32 {
        %add3A_2716 = arith.constant 0 : i32
        %add3A_2717 = arith.addi %add3A_2716, %while3A_2715 : i32
        %dma_start3A_2718 = arith.constant 0 : i32
        %dma_start3A_2719 = tpu.memref_slice %arg13[%add3A_2717, %dma_start3A_2718] : memref<600x128xi32, #tpu.memory_space<vmem>> -> memref<1x128xi32, #tpu.memory_space<vmem>>
        %dma_start3A_2720 = tpu.memref_squeeze %dma_start3A_2719 : memref<1x128xi32, #tpu.memory_space<vmem>> -> memref<128xi32, #tpu.memory_space<vmem>>
        %dma_start3A_2721 = arith.constant 0 : i32
        %dma_start3A_2722 = arith.constant 0 : i32
        %dma_start3A_2723 = tpu.memref_slice %arg4[%dma_start3A_2721, %dma_start3A_2722] : memref<819200x128xf32, #tpu.memory_space<hbm>> -> memref<819200x128xf32, #tpu.memory_space<hbm>>
        tpu.enqueue_indirect_dma source(%arg6 : memref<128x128xf32, #tpu.memory_space<vmem>>) target(%dma_start3A_2723 : memref<819200x128xf32, #tpu.memory_space<hbm>>) offsets(%dma_start3A_2720 : memref<128xi32, #tpu.memory_space<vmem>>) semaphore(%arg18 : memref<!tpu.dma_semaphore, #tpu.memory_space<semaphore_mem>>)
      }
      %while3A_2680 = arith.constant 1 : i32
      scf.for %while3A_2715 = %while3A_2678 to %while3A_2674 step %while3A_2680  : i32 {
        %add3A_2716 = arith.constant 0 : i32
        %add3A_2717 = arith.addi %add3A_2716, %while3A_2715 : i32
        %dma_start3A_2718 = arith.constant 0 : i32
        %dma_start3A_2719 = tpu.memref_slice %arg13[%add3A_2717, %dma_start3A_2718] : memref<600x128xi32, #tpu.memory_space<vmem>> -> memref<1x128xi32, #tpu.memory_space<vmem>>
        %dma_start3A_2720 = tpu.memref_squeeze %dma_start3A_2719 : memref<1x128xi32, #tpu.memory_space<vmem>> -> memref<128xi32, #tpu.memory_space<vmem>>
        %dma_start3A_2721 = arith.constant 0 : i32
        %dma_start3A_2722 = arith.constant 0 : i32
        %dma_start3A_2723 = tpu.memref_slice %arg4[%dma_start3A_2721, %dma_start3A_2722] : memref<819200x128xf32, #tpu.memory_space<hbm>> -> memref<819200x128xf32, #tpu.memory_space<hbm>>
        tpu.enqueue_indirect_dma source(%arg6 : memref<128x128xf32, #tpu.memory_space<vmem>>) target(%dma_start3A_2723 : memref<819200x128xf32, #tpu.memory_space<hbm>>) offsets(%dma_start3A_2720 : memref<128xi32, #tpu.memory_space<vmem>>) semaphore(%arg18 : memref<!tpu.dma_semaphore, #tpu.memory_space<semaphore_mem>>)
      }
      %get3A_2681 = arith.constant 0 : index
      %get3A_2682 = tpu.vector_load %arg10[%get3A_2681] {strides = array<i32>} : memref<16xi32, #tpu.memory_space<vmem>>, vector<16xi32>,
      %slice3A_2683 = vector.extract_strided_slice %get3A_2682 {offsets = [1], sizes = [1], strides = [1]} : vector<16xi32> to vector<1xi32>
      %squeeze3A_2684 = vector.extract %slice3A_2683[0] : i32 from vector<1xi32>
      %sub3A_2685 = arith.constant 25600 : i32
      %sub3A_2686 = arith.subi %squeeze3A_2684, %sub3A_2685 : i32
      %shift_right_arithmetic3A_2687 = arith.constant 7 : i32
      %shift_right_arithmetic3A_2688 = arith.shrsi %sub3A_2686, %shift_right_arithmetic3A_2687 : i32
      %while3A_2689 = arith.constant 0 : i32
      %while3A_2690 = arith.subi %shift_right_arithmetic3A_2688, %shift_right_arithmetic3A_1470 : i32
      %while3A_2691 = arith.addi %shift_right_arithmetic3A_1470, %while3A_2690 : i32
      %while3A_2692 = arith.constant 1 : i32
      %while3A_2693 = arith.divsi %while3A_2690, %while3A_2692 : i32
      %while3A_2694 = arith.muli %while3A_2693, %while3A_2692 : i32
      %while3A_2695 = arith.addi %shift_right_arithmetic3A_1470, %while3A_2694 : i32
      %while3A_2696 = arith.constant 1 : i32
      scf.for %while3A_2715 = %shift_right_arithmetic3A_1470 to %while3A_2695 step %while3A_2696  : i32 {
        %add3A_2716 = arith.constant 200 : i32
        %add3A_2717 = arith.addi %add3A_2716, %while3A_2715 : i32
        %dma_start3A_2718 = arith.constant 0 : i32
        %dma_start3A_2719 = tpu.memref_slice %arg13[%add3A_2717, %dma_start3A_2718] : memref<600x128xi32, #tpu.memory_space<vmem>> -> memref<1x128xi32, #tpu.memory_space<vmem>>
        %dma_start3A_2720 = tpu.memref_squeeze %dma_start3A_2719 : memref<1x128xi32, #tpu.memory_space<vmem>> -> memref<128xi32, #tpu.memory_space<vmem>>
        %dma_start3A_2721 = arith.constant 0 : i32
        %dma_start3A_2722 = arith.constant 0 : i32
        %dma_start3A_2723 = tpu.memref_slice %arg4[%dma_start3A_2721, %dma_start3A_2722] : memref<819200x128xf32, #tpu.memory_space<hbm>> -> memref<819200x128xf32, #tpu.memory_space<hbm>>
        tpu.enqueue_indirect_dma source(%arg7 : memref<128x128xf32, #tpu.memory_space<vmem>>) target(%dma_start3A_2723 : memref<819200x128xf32, #tpu.memory_space<hbm>>) offsets(%dma_start3A_2720 : memref<128xi32, #tpu.memory_space<vmem>>) semaphore(%arg19 : memref<!tpu.dma_semaphore, #tpu.memory_space<semaphore_mem>>)
      }
      %while3A_2697 = arith.constant 1 : i32
      scf.for %while3A_2715 = %while3A_2695 to %while3A_2691 step %while3A_2697  : i32 {
        %add3A_2716 = arith.constant 200 : i32
        %add3A_2717 = arith.addi %add3A_2716, %while3A_2715 : i32
        %dma_start3A_2718 = arith.constant 0 : i32
        %dma_start3A_2719 = tpu.memref_slice %arg13[%add3A_2717, %dma_start3A_2718] : memref<600x128xi32, #tpu.memory_space<vmem>> -> memref<1x128xi32, #tpu.memory_space<vmem>>
        %dma_start3A_2720 = tpu.memref_squeeze %dma_start3A_2719 : memref<1x128xi32, #tpu.memory_space<vmem>> -> memref<128xi32, #tpu.memory_space<vmem>>
        %dma_start3A_2721 = arith.constant 0 : i32
        %dma_start3A_2722 = arith.constant 0 : i32
        %dma_start3A_2723 = tpu.memref_slice %arg4[%dma_start3A_2721, %dma_start3A_2722] : memref<819200x128xf32, #tpu.memory_space<hbm>> -> memref<819200x128xf32, #tpu.memory_space<hbm>>
        tpu.enqueue_indirect_dma source(%arg7 : memref<128x128xf32, #tpu.memory_space<vmem>>) target(%dma_start3A_2723 : memref<819200x128xf32, #tpu.memory_space<hbm>>) offsets(%dma_start3A_2720 : memref<128xi32, #tpu.memory_space<vmem>>) semaphore(%arg19 : memref<!tpu.dma_semaphore, #tpu.memory_space<semaphore_mem>>)
      }
      %get3A_2698 = arith.constant 0 : index
      %get3A_2699 = tpu.vector_load %arg10[%get3A_2698] {strides = array<i32>} : memref<16xi32, #tpu.memory_space<vmem>>, vector<16xi32>,
      %slice3A_2700 = vector.extract_strided_slice %get3A_2699 {offsets = [2], sizes = [1], strides = [1]} : vector<16xi32> to vector<1xi32>
      %squeeze3A_2701 = vector.extract %slice3A_2700[0] : i32 from vector<1xi32>
      %sub3A_2702 = arith.constant 51200 : i32
      %sub3A_2703 = arith.subi %squeeze3A_2701, %sub3A_2702 : i32
      %shift_right_arithmetic3A_2704 = arith.constant 7 : i32
      %shift_right_arithmetic3A_2705 = arith.shrsi %sub3A_2703, %shift_right_arithmetic3A_2704 : i32
      %while3A_2706 = arith.constant 0 : i32
      %while3A_2707 = arith.subi %shift_right_arithmetic3A_2705, %shift_right_arithmetic3A_1487 : i32
      %while3A_2708 = arith.addi %shift_right_arithmetic3A_1487, %while3A_2707 : i32
      %while3A_2709 = arith.constant 1 : i32
      %while3A_2710 = arith.divsi %while3A_2707, %while3A_2709 : i32
      %while3A_2711 = arith.muli %while3A_2710, %while3A_2709 : i32
      %while3A_2712 = arith.addi %shift_right_arithmetic3A_1487, %while3A_2711 : i32
      %while3A_2713 = arith.constant 1 : i32
      scf.for %while3A_2715 = %shift_right_arithmetic3A_1487 to %while3A_2712 step %while3A_2713  : i32 {
        %add3A_2716 = arith.constant 400 : i32
        %add3A_2717 = arith.addi %add3A_2716, %while3A_2715 : i32
        %dma_start3A_2718 = arith.constant 0 : i32
        %dma_start3A_2719 = tpu.memref_slice %arg13[%add3A_2717, %dma_start3A_2718] : memref<600x128xi32, #tpu.memory_space<vmem>> -> memref<1x128xi32, #tpu.memory_space<vmem>>
        %dma_start3A_2720 = tpu.memref_squeeze %dma_start3A_2719 : memref<1x128xi32, #tpu.memory_space<vmem>> -> memref<128xi32, #tpu.memory_space<vmem>>
        %dma_start3A_2721 = arith.constant 0 : i32
        %dma_start3A_2722 = arith.constant 0 : i32
        %dma_start3A_2723 = tpu.memref_slice %arg4[%dma_start3A_2721, %dma_start3A_2722] : memref<819200x128xf32, #tpu.memory_space<hbm>> -> memref<819200x128xf32, #tpu.memory_space<hbm>>
        tpu.enqueue_indirect_dma source(%arg8 : memref<128x128xf32, #tpu.memory_space<vmem>>) target(%dma_start3A_2723 : memref<819200x128xf32, #tpu.memory_space<hbm>>) offsets(%dma_start3A_2720 : memref<128xi32, #tpu.memory_space<vmem>>) semaphore(%arg20 : memref<!tpu.dma_semaphore, #tpu.memory_space<semaphore_mem>>)
      }
      %while3A_2714 = arith.constant 1 : i32
      scf.for %while3A_2715 = %while3A_2712 to %while3A_2708 step %while3A_2714  : i32 {
        %add3A_2716 = arith.constant 400 : i32
        %add3A_2717 = arith.addi %add3A_2716, %while3A_2715 : i32
        %dma_start3A_2718 = arith.constant 0 : i32
        %dma_start3A_2719 = tpu.memref_slice %arg13[%add3A_2717, %dma_start3A_2718] : memref<600x128xi32, #tpu.memory_space<vmem>> -> memref<1x128xi32, #tpu.memory_space<vmem>>
        %dma_start3A_2720 = tpu.memref_squeeze %dma_start3A_2719 : memref<1x128xi32, #tpu.memory_space<vmem>> -> memref<128xi32, #tpu.memory_space<vmem>>
        %dma_start3A_2721 = arith.constant 0 : i32
        %dma_start3A_2722 = arith.constant 0 : i32
        %dma_start3A_2723 = tpu.memref_slice %arg4[%dma_start3A_2721, %dma_start3A_2722] : memref<819200x128xf32, #tpu.memory_space<hbm>> -> memref<819200x128xf32, #tpu.memory_space<hbm>>
        tpu.enqueue_indirect_dma source(%arg8 : memref<128x128xf32, #tpu.memory_space<vmem>>) target(%dma_start3A_2723 : memref<819200x128xf32, #tpu.memory_space<hbm>>) offsets(%dma_start3A_2720 : memref<128xi32, #tpu.memory_space<vmem>>) semaphore(%arg20 : memref<!tpu.dma_semaphore, #tpu.memory_space<semaphore_mem>>)
      }
      scf.yield %shift_right_arithmetic3A_2671, %shift_right_arithmetic3A_2688, %shift_right_arithmetic3A_2705 : i32, i32, i32
    }
    %scan3A_184 = arith.constant 50 : i32
    %get3A = arith.constant 0 : index
    %get3A_185 = tpu.vector_load %arg10[%get3A] {strides = array<i32>} : memref<16xi32, #tpu.memory_space<vmem>>, vector<16xi32>,
    %slice3A = vector.extract_strided_slice %get3A_185 {offsets = [0], sizes = [1], strides = [1]} : vector<16xi32> to vector<1xi32>
    %squeeze3A = vector.extract %slice3A[0] : i32 from vector<1xi32>
    %sub3A_186 = arith.constant 0 : i32
    %sub3A_187 = arith.subi %squeeze3A, %sub3A_186 : i32
    %and3A = arith.constant 127 : i32
    %and3A_188 = arith.andi %sub3A_187, %and3A : i32
    %shift_right_arithmetic3A = arith.constant 7 : i32
    %shift_right_arithmetic3A_189 = arith.shrsi %sub3A_187, %shift_right_arithmetic3A : i32
    %add3A_190 = arith.constant 0 : i32
    %add3A_191 = arith.addi %add3A_190, %shift_right_arithmetic3A_189 : i32
    %ne3A = arith.constant 0 : i32
    %ne3A_192 = arith.cmpi ne, %and3A_188, %ne3A : i32
    %convert_element_type3A_193 = arith.extui %ne3A_192 : i1 to i32
    %cond3A_194 = arith.constant 0 : i32
    %cond3A_195 = arith.cmpi ne, %convert_element_type3A_193, %cond3A_194 : i32
    scf.if %cond3A_195 {
      %broadcast_in_dim3A_276 = arith.constant 0 : i32
      %broadcast_in_dim3A_277 = vector.broadcast %broadcast_in_dim3A_276 : i32 to vector<16xi32>
      %gather3A = tpu.vector_load_idx %arg13[%broadcast_in_dim3A_277, %broadcast_in_dim3A_40] : memref<600x128xi32, #tpu.memory_space<vmem>>[vector<16xi32>, vector<16xi32>], vector<16xi32>,
      %get3A_278 = arith.index_cast %add3A_191 : i32 to index
      %get3A_279 = arith.constant 0 : index
      %get3A_280 = tpu.vector_load %arg13[%get3A_278, %get3A_279] {strides = array<i32>} : memref<600x128xi32, #tpu.memory_space<vmem>>, vector<16xi32>,
      %add3A_281 = arith.constant 0 : i32
      %add3A_282 = vector.broadcast %add3A_281 : i32 to vector<16xi32>
      %add3A_283 = arith.addi %iota3A, %add3A_282 : vector<16xi32>
      %lt3A_284 = vector.broadcast %and3A_188 : i32 to vector<16xi32>
      %lt3A_285 = arith.cmpi slt, %add3A_283, %lt3A_284 : vector<16xi32>
      %select_n3A_286 = arith.select %lt3A_285, %get3A_280, %gather3A : vector<16xi1>, vector<16xi32>
      %swap3A_287 = arith.index_cast %add3A_191 : i32 to index
      %swap3A_288 = arith.constant 0 : index
      %swap3A_289 = tpu.vector_load %arg13[%swap3A_287, %swap3A_288] {strides = array<i32>} : memref<600x128xi32, #tpu.memory_space<vmem>>, vector<16xi32>,
      tpu.vector_store %arg13[%swap3A_287, %swap3A_288], %select_n3A_286 {strides = array<i32>} : memref<600x128xi32, #tpu.memory_space<vmem>>, vector<16xi32>,
      %get3A_290 = arith.index_cast %add3A_191 : i32 to index
      %get3A_291 = arith.constant 16 : index
      %get3A_292 = tpu.vector_load %arg13[%get3A_290, %get3A_291] {strides = array<i32>} : memref<600x128xi32, #tpu.memory_space<vmem>>, vector<16xi32>,
      %add3A_293 = arith.constant 16 : i32
      %add3A_294 = vector.broadcast %add3A_293 : i32 to vector<16xi32>
      %add3A_295 = arith.addi %iota3A, %add3A_294 : vector<16xi32>
      %lt3A_296 = vector.broadcast %and3A_188 : i32 to vector<16xi32>
      %lt3A_297 = arith.cmpi slt, %add3A_295, %lt3A_296 : vector<16xi32>
      %select_n3A_298 = arith.select %lt3A_297, %get3A_292, %gather3A : vector<16xi1>, vector<16xi32>
      %swap3A_299 = arith.index_cast %add3A_191 : i32 to index
      %swap3A_300 = arith.constant 16 : index
      %swap3A_301 = tpu.vector_load %arg13[%swap3A_299, %swap3A_300] {strides = array<i32>} : memref<600x128xi32, #tpu.memory_space<vmem>>, vector<16xi32>,
      tpu.vector_store %arg13[%swap3A_299, %swap3A_300], %select_n3A_298 {strides = array<i32>} : memref<600x128xi32, #tpu.memory_space<vmem>>, vector<16xi32>,
      %get3A_302 = arith.index_cast %add3A_191 : i32 to index
      %get3A_303 = arith.constant 32 : index
      %get3A_304 = tpu.vector_load %arg13[%get3A_302, %get3A_303] {strides = array<i32>} : memref<600x128xi32, #tpu.memory_space<vmem>>, vector<16xi32>,
      %add3A_305 = arith.constant 32 : i32
      %add3A_306 = vector.broadcast %add3A_305 : i32 to vector<16xi32>
      %add3A_307 = arith.addi %iota3A, %add3A_306 : vector<16xi32>
      %lt3A_308 = vector.broadcast %and3A_188 : i32 to vector<16xi32>
      %lt3A_309 = arith.cmpi slt, %add3A_307, %lt3A_308 : vector<16xi32>
      %select_n3A_310 = arith.select %lt3A_309, %get3A_304, %gather3A : vector<16xi1>, vector<16xi32>
      %swap3A_311 = arith.index_cast %add3A_191 : i32 to index
      %swap3A_312 = arith.constant 32 : index
      %swap3A_313 = tpu.vector_load %arg13[%swap3A_311, %swap3A_312] {strides = array<i32>} : memref<600x128xi32, #tpu.memory_space<vmem>>, vector<16xi32>,
      tpu.vector_store %arg13[%swap3A_311, %swap3A_312], %select_n3A_310 {strides = array<i32>} : memref<600x128xi32, #tpu.memory_space<vmem>>, vector<16xi32>,
      %get3A_314 = arith.index_cast %add3A_191 : i32 to index
      %get3A_315 = arith.constant 48 : index
      %get3A_316 = tpu.vector_load %arg13[%get3A_314, %get3A_315] {strides = array<i32>} : memref<600x128xi32, #tpu.memory_space<vmem>>, vector<16xi32>,
      %add3A_317 = arith.constant 48 : i32
      %add3A_318 = vector.broadcast %add3A_317 : i32 to vector<16xi32>
      %add3A_319 = arith.addi %iota3A, %add3A_318 : vector<16xi32>
      %lt3A_320 = vector.broadcast %and3A_188 : i32 to vector<16xi32>
      %lt3A_321 = arith.cmpi slt, %add3A_319, %lt3A_320 : vector<16xi32>
      %select_n3A_322 = arith.select %lt3A_321, %get3A_316, %gather3A : vector<16xi1>, vector<16xi32>
      %swap3A_323 = arith.index_cast %add3A_191 : i32 to index
      %swap3A_324 = arith.constant 48 : index
      %swap3A_325 = tpu.vector_load %arg13[%swap3A_323, %swap3A_324] {strides = array<i32>} : memref<600x128xi32, #tpu.memory_space<vmem>>, vector<16xi32>,
      tpu.vector_store %arg13[%swap3A_323, %swap3A_324], %select_n3A_322 {strides = array<i32>} : memref<600x128xi32, #tpu.memory_space<vmem>>, vector<16xi32>,
      %get3A_326 = arith.index_cast %add3A_191 : i32 to index
      %get3A_327 = arith.constant 64 : index
      %get3A_328 = tpu.vector_load %arg13[%get3A_326, %get3A_327] {strides = array<i32>} : memref<600x128xi32, #tpu.memory_space<vmem>>, vector<16xi32>,
      %add3A_329 = arith.constant 64 : i32
      %add3A_330 = vector.broadcast %add3A_329 : i32 to vector<16xi32>
      %add3A_331 = arith.addi %iota3A, %add3A_330 : vector<16xi32>
      %lt3A_332 = vector.broadcast %and3A_188 : i32 to vector<16xi32>
      %lt3A_333 = arith.cmpi slt, %add3A_331, %lt3A_332 : vector<16xi32>
      %select_n3A_334 = arith.select %lt3A_333, %get3A_328, %gather3A : vector<16xi1>, vector<16xi32>
      %swap3A_335 = arith.index_cast %add3A_191 : i32 to index
      %swap3A_336 = arith.constant 64 : index
      %swap3A_337 = tpu.vector_load %arg13[%swap3A_335, %swap3A_336] {strides = array<i32>} : memref<600x128xi32, #tpu.memory_space<vmem>>, vector<16xi32>,
      tpu.vector_store %arg13[%swap3A_335, %swap3A_336], %select_n3A_334 {strides = array<i32>} : memref<600x128xi32, #tpu.memory_space<vmem>>, vector<16xi32>,
      %get3A_338 = arith.index_cast %add3A_191 : i32 to index
      %get3A_339 = arith.constant 80 : index
      %get3A_340 = tpu.vector_load %arg13[%get3A_338, %get3A_339] {strides = array<i32>} : memref<600x128xi32, #tpu.memory_space<vmem>>, vector<16xi32>,
      %add3A_341 = arith.constant 80 : i32
      %add3A_342 = vector.broadcast %add3A_341 : i32 to vector<16xi32>
      %add3A_343 = arith.addi %iota3A, %add3A_342 : vector<16xi32>
      %lt3A_344 = vector.broadcast %and3A_188 : i32 to vector<16xi32>
      %lt3A_345 = arith.cmpi slt, %add3A_343, %lt3A_344 : vector<16xi32>
      %select_n3A_346 = arith.select %lt3A_345, %get3A_340, %gather3A : vector<16xi1>, vector<16xi32>
      %swap3A_347 = arith.index_cast %add3A_191 : i32 to index
      %swap3A_348 = arith.constant 80 : index
      %swap3A_349 = tpu.vector_load %arg13[%swap3A_347, %swap3A_348] {strides = array<i32>} : memref<600x128xi32, #tpu.memory_space<vmem>>, vector<16xi32>,
      tpu.vector_store %arg13[%swap3A_347, %swap3A_348], %select_n3A_346 {strides = array<i32>} : memref<600x128xi32, #tpu.memory_space<vmem>>, vector<16xi32>,
      %get3A_350 = arith.index_cast %add3A_191 : i32 to index
      %get3A_351 = arith.constant 96 : index
      %get3A_352 = tpu.vector_load %arg13[%get3A_350, %get3A_351] {strides = array<i32>} : memref<600x128xi32, #tpu.memory_space<vmem>>, vector<16xi32>,
      %add3A_353 = arith.constant 96 : i32
      %add3A_354 = vector.broadcast %add3A_353 : i32 to vector<16xi32>
      %add3A_355 = arith.addi %iota3A, %add3A_354 : vector<16xi32>
      %lt3A_356 = vector.broadcast %and3A_188 : i32 to vector<16xi32>
      %lt3A_357 = arith.cmpi slt, %add3A_355, %lt3A_356 : vector<16xi32>
      %select_n3A_358 = arith.select %lt3A_357, %get3A_352, %gather3A : vector<16xi1>, vector<16xi32>
      %swap3A_359 = arith.index_cast %add3A_191 : i32 to index
      %swap3A_360 = arith.constant 96 : index
      %swap3A_361 = tpu.vector_load %arg13[%swap3A_359, %swap3A_360] {strides = array<i32>} : memref<600x128xi32, #tpu.memory_space<vmem>>, vector<16xi32>,
      tpu.vector_store %arg13[%swap3A_359, %swap3A_360], %select_n3A_358 {strides = array<i32>} : memref<600x128xi32, #tpu.memory_space<vmem>>, vector<16xi32>,
      %get3A_362 = arith.index_cast %add3A_191 : i32 to index
      %get3A_363 = arith.constant 112 : index
      %get3A_364 = tpu.vector_load %arg13[%get3A_362, %get3A_363] {strides = array<i32>} : memref<600x128xi32, #tpu.memory_space<vmem>>, vector<16xi32>,
      %add3A_365 = arith.constant 112 : i32
      %add3A_366 = vector.broadcast %add3A_365 : i32 to vector<16xi32>
      %add3A_367 = arith.addi %iota3A, %add3A_366 : vector<16xi32>
      %lt3A_368 = vector.broadcast %and3A_188 : i32 to vector<16xi32>
      %lt3A_369 = arith.cmpi slt, %add3A_367, %lt3A_368 : vector<16xi32>
      %select_n3A_370 = arith.select %lt3A_369, %get3A_364, %gather3A : vector<16xi1>, vector<16xi32>
      %swap3A_371 = arith.index_cast %add3A_191 : i32 to index
      %swap3A_372 = arith.constant 112 : index
      %swap3A_373 = tpu.vector_load %arg13[%swap3A_371, %swap3A_372] {strides = array<i32>} : memref<600x128xi32, #tpu.memory_space<vmem>>, vector<16xi32>,
      tpu.vector_store %arg13[%swap3A_371, %swap3A_372], %select_n3A_370 {strides = array<i32>} : memref<600x128xi32, #tpu.memory_space<vmem>>, vector<16xi32>,
      %add3A_374 = arith.constant 0 : i32
      %add3A_375 = arith.addi %add3A_374, %shift_right_arithmetic3A_189 : i32
      %dma_start3A_376 = arith.constant 0 : i32
      %dma_start3A_377 = tpu.memref_slice %arg13[%add3A_375, %dma_start3A_376] : memref<600x128xi32, #tpu.memory_space<vmem>> -> memref<1x128xi32, #tpu.memory_space<vmem>>
      %dma_start3A_378 = tpu.memref_squeeze %dma_start3A_377 : memref<1x128xi32, #tpu.memory_space<vmem>> -> memref<128xi32, #tpu.memory_space<vmem>>
      %dma_start3A_379 = arith.constant 0 : i32
      %dma_start3A_380 = arith.constant 0 : i32
      %dma_start3A_381 = tpu.memref_slice %arg4[%dma_start3A_379, %dma_start3A_380] : memref<819200x128xf32, #tpu.memory_space<hbm>> -> memref<819200x128xf32, #tpu.memory_space<hbm>>
      tpu.enqueue_indirect_dma source(%arg6 : memref<128x128xf32, #tpu.memory_space<vmem>>) target(%dma_start3A_381 : memref<819200x128xf32, #tpu.memory_space<hbm>>) offsets(%dma_start3A_378 : memref<128xi32, #tpu.memory_space<vmem>>) semaphore(%arg18 : memref<!tpu.dma_semaphore, #tpu.memory_space<semaphore_mem>>)
    } else {
    }
    %ne3A_196 = arith.constant 0 : i32
    %ne3A_197 = arith.cmpi ne, %and3A_188, %ne3A_196 : i32
    %jit3A = arith.constant 1 : i32
    %jit3A_198 = arith.constant 0 : i32
    %select_n3A_199 = arith.select %ne3A_197, %jit3A, %jit3A_198 : i32
    %add3A_200 = arith.addi %scan3A_183#0, %select_n3A_199 : i32
    %while3A = arith.constant 0 : i32
    %while3A_201 = arith.constant 0 : i32
    %while3A_202 = arith.subi %add3A_200, %while3A_201 : i32
    %while3A_203 = arith.addi %while3A_201, %while3A_202 : i32
    %while3A_204 = arith.constant 1 : i32
    %while3A_205 = arith.divsi %while3A_202, %while3A_204 : i32
    %while3A_206 = arith.muli %while3A_205, %while3A_204 : i32
    %while3A_207 = arith.addi %while3A_201, %while3A_206 : i32
    %while3A_208 = arith.constant 1 : i32
    scf.for %while3A_276 = %while3A_201 to %while3A_207 step %while3A_208  : i32 {
      %dma_wait3A_277 = arith.constant 0 : i32
      %dma_wait3A_278 = arith.constant 0 : i32
      %dma_wait3A_279 = tpu.memref_slice %arg13[%dma_wait3A_277, %dma_wait3A_278] : memref<600x128xi32, #tpu.memory_space<vmem>> -> memref<1x128xi32, #tpu.memory_space<vmem>>
      %dma_wait3A_280 = tpu.memref_squeeze %dma_wait3A_279 : memref<1x128xi32, #tpu.memory_space<vmem>> -> memref<128xi32, #tpu.memory_space<vmem>>
      %dma_wait3A_281 = arith.constant 0 : i32
      %dma_wait3A_282 = arith.constant 0 : i32
      %dma_wait3A_283 = tpu.memref_slice %arg4[%dma_wait3A_281, %dma_wait3A_282] : memref<819200x128xf32, #tpu.memory_space<hbm>> -> memref<819200x128xf32, #tpu.memory_space<hbm>>
      tpu.wait_indirect_dma semaphore(%arg18 : memref<!tpu.dma_semaphore, #tpu.memory_space<semaphore_mem>>) src(%arg6 : memref<128x128xf32, #tpu.memory_space<vmem>>) dst(%dma_wait3A_283 : memref<819200x128xf32, #tpu.memory_space<hbm>>)
    }
    %while3A_209 = arith.constant 1 : i32
    scf.for %while3A_276 = %while3A_207 to %while3A_203 step %while3A_209  : i32 {
      %dma_wait3A_277 = arith.constant 0 : i32
      %dma_wait3A_278 = arith.constant 0 : i32
      %dma_wait3A_279 = tpu.memref_slice %arg13[%dma_wait3A_277, %dma_wait3A_278] : memref<600x128xi32, #tpu.memory_space<vmem>> -> memref<1x128xi32, #tpu.memory_space<vmem>>
      %dma_wait3A_280 = tpu.memref_squeeze %dma_wait3A_279 : memref<1x128xi32, #tpu.memory_space<vmem>> -> memref<128xi32, #tpu.memory_space<vmem>>
      %dma_wait3A_281 = arith.constant 0 : i32
      %dma_wait3A_282 = arith.constant 0 : i32
      %dma_wait3A_283 = tpu.memref_slice %arg4[%dma_wait3A_281, %dma_wait3A_282] : memref<819200x128xf32, #tpu.memory_space<hbm>> -> memref<819200x128xf32, #tpu.memory_space<hbm>>
      tpu.wait_indirect_dma semaphore(%arg18 : memref<!tpu.dma_semaphore, #tpu.memory_space<semaphore_mem>>) src(%arg6 : memref<128x128xf32, #tpu.memory_space<vmem>>) dst(%dma_wait3A_283 : memref<819200x128xf32, #tpu.memory_space<hbm>>)
    }
    %get3A_210 = arith.constant 0 : index
    %get3A_211 = tpu.vector_load %arg10[%get3A_210] {strides = array<i32>} : memref<16xi32, #tpu.memory_space<vmem>>, vector<16xi32>,
    %slice3A_212 = vector.extract_strided_slice %get3A_211 {offsets = [1], sizes = [1], strides = [1]} : vector<16xi32> to vector<1xi32>
    %squeeze3A_213 = vector.extract %slice3A_212[0] : i32 from vector<1xi32>
    %sub3A_214 = arith.constant 25600 : i32
    %sub3A_215 = arith.subi %squeeze3A_213, %sub3A_214 : i32
    %and3A_216 = arith.constant 127 : i32
    %and3A_217 = arith.andi %sub3A_215, %and3A_216 : i32
    %shift_right_arithmetic3A_218 = arith.constant 7 : i32
    %shift_right_arithmetic3A_219 = arith.shrsi %sub3A_215, %shift_right_arithmetic3A_218 : i32
    %add3A_220 = arith.constant 200 : i32
    %add3A_221 = arith.addi %add3A_220, %shift_right_arithmetic3A_219 : i32
    %ne3A_222 = arith.constant 0 : i32
    %ne3A_223 = arith.cmpi ne, %and3A_217, %ne3A_222 : i32
    %convert_element_type3A_224 = arith.extui %ne3A_223 : i1 to i32
    %cond3A_225 = arith.constant 0 : i32
    %cond3A_226 = arith.cmpi ne, %convert_element_type3A_224, %cond3A_225 : i32
    scf.if %cond3A_226 {
      %broadcast_in_dim3A_276 = arith.constant 200 : i32
      %broadcast_in_dim3A_277 = vector.broadcast %broadcast_in_dim3A_276 : i32 to vector<16xi32>
      %gather3A = tpu.vector_load_idx %arg13[%broadcast_in_dim3A_277, %broadcast_in_dim3A_40] : memref<600x128xi32, #tpu.memory_space<vmem>>[vector<16xi32>, vector<16xi32>], vector<16xi32>,
      %get3A_278 = arith.index_cast %add3A_221 : i32 to index
      %get3A_279 = arith.constant 0 : index
      %get3A_280 = tpu.vector_load %arg13[%get3A_278, %get3A_279] {strides = array<i32>} : memref<600x128xi32, #tpu.memory_space<vmem>>, vector<16xi32>,
      %add3A_281 = arith.constant 0 : i32
      %add3A_282 = vector.broadcast %add3A_281 : i32 to vector<16xi32>
      %add3A_283 = arith.addi %iota3A, %add3A_282 : vector<16xi32>
      %lt3A_284 = vector.broadcast %and3A_217 : i32 to vector<16xi32>
      %lt3A_285 = arith.cmpi slt, %add3A_283, %lt3A_284 : vector<16xi32>
      %select_n3A_286 = arith.select %lt3A_285, %get3A_280, %gather3A : vector<16xi1>, vector<16xi32>
      %swap3A_287 = arith.index_cast %add3A_221 : i32 to index
      %swap3A_288 = arith.constant 0 : index
      %swap3A_289 = tpu.vector_load %arg13[%swap3A_287, %swap3A_288] {strides = array<i32>} : memref<600x128xi32, #tpu.memory_space<vmem>>, vector<16xi32>,
      tpu.vector_store %arg13[%swap3A_287, %swap3A_288], %select_n3A_286 {strides = array<i32>} : memref<600x128xi32, #tpu.memory_space<vmem>>, vector<16xi32>,
      %get3A_290 = arith.index_cast %add3A_221 : i32 to index
      %get3A_291 = arith.constant 16 : index
      %get3A_292 = tpu.vector_load %arg13[%get3A_290, %get3A_291] {strides = array<i32>} : memref<600x128xi32, #tpu.memory_space<vmem>>, vector<16xi32>,
      %add3A_293 = arith.constant 16 : i32
      %add3A_294 = vector.broadcast %add3A_293 : i32 to vector<16xi32>
      %add3A_295 = arith.addi %iota3A, %add3A_294 : vector<16xi32>
      %lt3A_296 = vector.broadcast %and3A_217 : i32 to vector<16xi32>
      %lt3A_297 = arith.cmpi slt, %add3A_295, %lt3A_296 : vector<16xi32>
      %select_n3A_298 = arith.select %lt3A_297, %get3A_292, %gather3A : vector<16xi1>, vector<16xi32>
      %swap3A_299 = arith.index_cast %add3A_221 : i32 to index
      %swap3A_300 = arith.constant 16 : index
      %swap3A_301 = tpu.vector_load %arg13[%swap3A_299, %swap3A_300] {strides = array<i32>} : memref<600x128xi32, #tpu.memory_space<vmem>>, vector<16xi32>,
      tpu.vector_store %arg13[%swap3A_299, %swap3A_300], %select_n3A_298 {strides = array<i32>} : memref<600x128xi32, #tpu.memory_space<vmem>>, vector<16xi32>,
      %get3A_302 = arith.index_cast %add3A_221 : i32 to index
      %get3A_303 = arith.constant 32 : index
      %get3A_304 = tpu.vector_load %arg13[%get3A_302, %get3A_303] {strides = array<i32>} : memref<600x128xi32, #tpu.memory_space<vmem>>, vector<16xi32>,
      %add3A_305 = arith.constant 32 : i32
      %add3A_306 = vector.broadcast %add3A_305 : i32 to vector<16xi32>
      %add3A_307 = arith.addi %iota3A, %add3A_306 : vector<16xi32>
      %lt3A_308 = vector.broadcast %and3A_217 : i32 to vector<16xi32>
      %lt3A_309 = arith.cmpi slt, %add3A_307, %lt3A_308 : vector<16xi32>
      %select_n3A_310 = arith.select %lt3A_309, %get3A_304, %gather3A : vector<16xi1>, vector<16xi32>
      %swap3A_311 = arith.index_cast %add3A_221 : i32 to index
      %swap3A_312 = arith.constant 32 : index
      %swap3A_313 = tpu.vector_load %arg13[%swap3A_311, %swap3A_312] {strides = array<i32>} : memref<600x128xi32, #tpu.memory_space<vmem>>, vector<16xi32>,
      tpu.vector_store %arg13[%swap3A_311, %swap3A_312], %select_n3A_310 {strides = array<i32>} : memref<600x128xi32, #tpu.memory_space<vmem>>, vector<16xi32>,
      %get3A_314 = arith.index_cast %add3A_221 : i32 to index
      %get3A_315 = arith.constant 48 : index
      %get3A_316 = tpu.vector_load %arg13[%get3A_314, %get3A_315] {strides = array<i32>} : memref<600x128xi32, #tpu.memory_space<vmem>>, vector<16xi32>,
      %add3A_317 = arith.constant 48 : i32
      %add3A_318 = vector.broadcast %add3A_317 : i32 to vector<16xi32>
      %add3A_319 = arith.addi %iota3A, %add3A_318 : vector<16xi32>
      %lt3A_320 = vector.broadcast %and3A_217 : i32 to vector<16xi32>
      %lt3A_321 = arith.cmpi slt, %add3A_319, %lt3A_320 : vector<16xi32>
      %select_n3A_322 = arith.select %lt3A_321, %get3A_316, %gather3A : vector<16xi1>, vector<16xi32>
      %swap3A_323 = arith.index_cast %add3A_221 : i32 to index
      %swap3A_324 = arith.constant 48 : index
      %swap3A_325 = tpu.vector_load %arg13[%swap3A_323, %swap3A_324] {strides = array<i32>} : memref<600x128xi32, #tpu.memory_space<vmem>>, vector<16xi32>,
      tpu.vector_store %arg13[%swap3A_323, %swap3A_324], %select_n3A_322 {strides = array<i32>} : memref<600x128xi32, #tpu.memory_space<vmem>>, vector<16xi32>,
      %get3A_326 = arith.index_cast %add3A_221 : i32 to index
      %get3A_327 = arith.constant 64 : index
      %get3A_328 = tpu.vector_load %arg13[%get3A_326, %get3A_327] {strides = array<i32>} : memref<600x128xi32, #tpu.memory_space<vmem>>, vector<16xi32>,
      %add3A_329 = arith.constant 64 : i32
      %add3A_330 = vector.broadcast %add3A_329 : i32 to vector<16xi32>
      %add3A_331 = arith.addi %iota3A, %add3A_330 : vector<16xi32>
      %lt3A_332 = vector.broadcast %and3A_217 : i32 to vector<16xi32>
      %lt3A_333 = arith.cmpi slt, %add3A_331, %lt3A_332 : vector<16xi32>
      %select_n3A_334 = arith.select %lt3A_333, %get3A_328, %gather3A : vector<16xi1>, vector<16xi32>
      %swap3A_335 = arith.index_cast %add3A_221 : i32 to index
      %swap3A_336 = arith.constant 64 : index
      %swap3A_337 = tpu.vector_load %arg13[%swap3A_335, %swap3A_336] {strides = array<i32>} : memref<600x128xi32, #tpu.memory_space<vmem>>, vector<16xi32>,
      tpu.vector_store %arg13[%swap3A_335, %swap3A_336], %select_n3A_334 {strides = array<i32>} : memref<600x128xi32, #tpu.memory_space<vmem>>, vector<16xi32>,
      %get3A_338 = arith.index_cast %add3A_221 : i32 to index
      %get3A_339 = arith.constant 80 : index
      %get3A_340 = tpu.vector_load %arg13[%get3A_338, %get3A_339] {strides = array<i32>} : memref<600x128xi32, #tpu.memory_space<vmem>>, vector<16xi32>,
      %add3A_341 = arith.constant 80 : i32
      %add3A_342 = vector.broadcast %add3A_341 : i32 to vector<16xi32>
      %add3A_343 = arith.addi %iota3A, %add3A_342 : vector<16xi32>
      %lt3A_344 = vector.broadcast %and3A_217 : i32 to vector<16xi32>
      %lt3A_345 = arith.cmpi slt, %add3A_343, %lt3A_344 : vector<16xi32>
      %select_n3A_346 = arith.select %lt3A_345, %get3A_340, %gather3A : vector<16xi1>, vector<16xi32>
      %swap3A_347 = arith.index_cast %add3A_221 : i32 to index
      %swap3A_348 = arith.constant 80 : index
      %swap3A_349 = tpu.vector_load %arg13[%swap3A_347, %swap3A_348] {strides = array<i32>} : memref<600x128xi32, #tpu.memory_space<vmem>>, vector<16xi32>,
      tpu.vector_store %arg13[%swap3A_347, %swap3A_348], %select_n3A_346 {strides = array<i32>} : memref<600x128xi32, #tpu.memory_space<vmem>>, vector<16xi32>,
      %get3A_350 = arith.index_cast %add3A_221 : i32 to index
      %get3A_351 = arith.constant 96 : index
      %get3A_352 = tpu.vector_load %arg13[%get3A_350, %get3A_351] {strides = array<i32>} : memref<600x128xi32, #tpu.memory_space<vmem>>, vector<16xi32>,
      %add3A_353 = arith.constant 96 : i32
      %add3A_354 = vector.broadcast %add3A_353 : i32 to vector<16xi32>
      %add3A_355 = arith.addi %iota3A, %add3A_354 : vector<16xi32>
      %lt3A_356 = vector.broadcast %and3A_217 : i32 to vector<16xi32>
      %lt3A_357 = arith.cmpi slt, %add3A_355, %lt3A_356 : vector<16xi32>
      %select_n3A_358 = arith.select %lt3A_357, %get3A_352, %gather3A : vector<16xi1>, vector<16xi32>
      %swap3A_359 = arith.index_cast %add3A_221 : i32 to index
      %swap3A_360 = arith.constant 96 : index
      %swap3A_361 = tpu.vector_load %arg13[%swap3A_359, %swap3A_360] {strides = array<i32>} : memref<600x128xi32, #tpu.memory_space<vmem>>, vector<16xi32>,
      tpu.vector_store %arg13[%swap3A_359, %swap3A_360], %select_n3A_358 {strides = array<i32>} : memref<600x128xi32, #tpu.memory_space<vmem>>, vector<16xi32>,
      %get3A_362 = arith.index_cast %add3A_221 : i32 to index
      %get3A_363 = arith.constant 112 : index
      %get3A_364 = tpu.vector_load %arg13[%get3A_362, %get3A_363] {strides = array<i32>} : memref<600x128xi32, #tpu.memory_space<vmem>>, vector<16xi32>,
      %add3A_365 = arith.constant 112 : i32
      %add3A_366 = vector.broadcast %add3A_365 : i32 to vector<16xi32>
      %add3A_367 = arith.addi %iota3A, %add3A_366 : vector<16xi32>
      %lt3A_368 = vector.broadcast %and3A_217 : i32 to vector<16xi32>
      %lt3A_369 = arith.cmpi slt, %add3A_367, %lt3A_368 : vector<16xi32>
      %select_n3A_370 = arith.select %lt3A_369, %get3A_364, %gather3A : vector<16xi1>, vector<16xi32>
      %swap3A_371 = arith.index_cast %add3A_221 : i32 to index
      %swap3A_372 = arith.constant 112 : index
      %swap3A_373 = tpu.vector_load %arg13[%swap3A_371, %swap3A_372] {strides = array<i32>} : memref<600x128xi32, #tpu.memory_space<vmem>>, vector<16xi32>,
      tpu.vector_store %arg13[%swap3A_371, %swap3A_372], %select_n3A_370 {strides = array<i32>} : memref<600x128xi32, #tpu.memory_space<vmem>>, vector<16xi32>,
      %add3A_374 = arith.constant 200 : i32
      %add3A_375 = arith.addi %add3A_374, %shift_right_arithmetic3A_219 : i32
      %dma_start3A_376 = arith.constant 0 : i32
      %dma_start3A_377 = tpu.memref_slice %arg13[%add3A_375, %dma_start3A_376] : memref<600x128xi32, #tpu.memory_space<vmem>> -> memref<1x128xi32, #tpu.memory_space<vmem>>
      %dma_start3A_378 = tpu.memref_squeeze %dma_start3A_377 : memref<1x128xi32, #tpu.memory_space<vmem>> -> memref<128xi32, #tpu.memory_space<vmem>>
      %dma_start3A_379 = arith.constant 0 : i32
      %dma_start3A_380 = arith.constant 0 : i32
      %dma_start3A_381 = tpu.memref_slice %arg4[%dma_start3A_379, %dma_start3A_380] : memref<819200x128xf32, #tpu.memory_space<hbm>> -> memref<819200x128xf32, #tpu.memory_space<hbm>>
      tpu.enqueue_indirect_dma source(%arg7 : memref<128x128xf32, #tpu.memory_space<vmem>>) target(%dma_start3A_381 : memref<819200x128xf32, #tpu.memory_space<hbm>>) offsets(%dma_start3A_378 : memref<128xi32, #tpu.memory_space<vmem>>) semaphore(%arg19 : memref<!tpu.dma_semaphore, #tpu.memory_space<semaphore_mem>>)
    } else {
    }
    %ne3A_227 = arith.constant 0 : i32
    %ne3A_228 = arith.cmpi ne, %and3A_217, %ne3A_227 : i32
    %jit3A_229 = arith.constant 1 : i32
    %jit3A_230 = arith.constant 0 : i32
    %select_n3A_231 = arith.select %ne3A_228, %jit3A_229, %jit3A_230 : i32
    %add3A_232 = arith.addi %scan3A_183#1, %select_n3A_231 : i32
    %while3A_233 = arith.constant 0 : i32
    %while3A_234 = arith.constant 0 : i32
    %while3A_235 = arith.subi %add3A_232, %while3A_234 : i32
    %while3A_236 = arith.addi %while3A_234, %while3A_235 : i32
    %while3A_237 = arith.constant 1 : i32
    %while3A_238 = arith.divsi %while3A_235, %while3A_237 : i32
    %while3A_239 = arith.muli %while3A_238, %while3A_237 : i32
    %while3A_240 = arith.addi %while3A_234, %while3A_239 : i32
    %while3A_241 = arith.constant 1 : i32
    scf.for %while3A_276 = %while3A_234 to %while3A_240 step %while3A_241  : i32 {
      %dma_wait3A_277 = arith.constant 0 : i32
      %dma_wait3A_278 = arith.constant 0 : i32
      %dma_wait3A_279 = tpu.memref_slice %arg13[%dma_wait3A_277, %dma_wait3A_278] : memref<600x128xi32, #tpu.memory_space<vmem>> -> memref<1x128xi32, #tpu.memory_space<vmem>>
      %dma_wait3A_280 = tpu.memref_squeeze %dma_wait3A_279 : memref<1x128xi32, #tpu.memory_space<vmem>> -> memref<128xi32, #tpu.memory_space<vmem>>
      %dma_wait3A_281 = arith.constant 0 : i32
      %dma_wait3A_282 = arith.constant 0 : i32
      %dma_wait3A_283 = tpu.memref_slice %arg4[%dma_wait3A_281, %dma_wait3A_282] : memref<819200x128xf32, #tpu.memory_space<hbm>> -> memref<819200x128xf32, #tpu.memory_space<hbm>>
      tpu.wait_indirect_dma semaphore(%arg19 : memref<!tpu.dma_semaphore, #tpu.memory_space<semaphore_mem>>) src(%arg7 : memref<128x128xf32, #tpu.memory_space<vmem>>) dst(%dma_wait3A_283 : memref<819200x128xf32, #tpu.memory_space<hbm>>)
    }
    %while3A_242 = arith.constant 1 : i32
    scf.for %while3A_276 = %while3A_240 to %while3A_236 step %while3A_242  : i32 {
      %dma_wait3A_277 = arith.constant 0 : i32
      %dma_wait3A_278 = arith.constant 0 : i32
      %dma_wait3A_279 = tpu.memref_slice %arg13[%dma_wait3A_277, %dma_wait3A_278] : memref<600x128xi32, #tpu.memory_space<vmem>> -> memref<1x128xi32, #tpu.memory_space<vmem>>
      %dma_wait3A_280 = tpu.memref_squeeze %dma_wait3A_279 : memref<1x128xi32, #tpu.memory_space<vmem>> -> memref<128xi32, #tpu.memory_space<vmem>>
      %dma_wait3A_281 = arith.constant 0 : i32
      %dma_wait3A_282 = arith.constant 0 : i32
      %dma_wait3A_283 = tpu.memref_slice %arg4[%dma_wait3A_281, %dma_wait3A_282] : memref<819200x128xf32, #tpu.memory_space<hbm>> -> memref<819200x128xf32, #tpu.memory_space<hbm>>
      tpu.wait_indirect_dma semaphore(%arg19 : memref<!tpu.dma_semaphore, #tpu.memory_space<semaphore_mem>>) src(%arg7 : memref<128x128xf32, #tpu.memory_space<vmem>>) dst(%dma_wait3A_283 : memref<819200x128xf32, #tpu.memory_space<hbm>>)
    }
    %get3A_243 = arith.constant 0 : index
    %get3A_244 = tpu.vector_load %arg10[%get3A_243] {strides = array<i32>} : memref<16xi32, #tpu.memory_space<vmem>>, vector<16xi32>,
    %slice3A_245 = vector.extract_strided_slice %get3A_244 {offsets = [2], sizes = [1], strides = [1]} : vector<16xi32> to vector<1xi32>
    %squeeze3A_246 = vector.extract %slice3A_245[0] : i32 from vector<1xi32>
    %sub3A_247 = arith.constant 51200 : i32
    %sub3A_248 = arith.subi %squeeze3A_246, %sub3A_247 : i32
    %and3A_249 = arith.constant 127 : i32
    %and3A_250 = arith.andi %sub3A_248, %and3A_249 : i32
    %shift_right_arithmetic3A_251 = arith.constant 7 : i32
    %shift_right_arithmetic3A_252 = arith.shrsi %sub3A_248, %shift_right_arithmetic3A_251 : i32
    %add3A_253 = arith.constant 400 : i32
    %add3A_254 = arith.addi %add3A_253, %shift_right_arithmetic3A_252 : i32
    %ne3A_255 = arith.constant 0 : i32
    %ne3A_256 = arith.cmpi ne, %and3A_250, %ne3A_255 : i32
    %convert_element_type3A_257 = arith.extui %ne3A_256 : i1 to i32
    %cond3A_258 = arith.constant 0 : i32
    %cond3A_259 = arith.cmpi ne, %convert_element_type3A_257, %cond3A_258 : i32
    scf.if %cond3A_259 {
      %broadcast_in_dim3A_276 = arith.constant 400 : i32
      %broadcast_in_dim3A_277 = vector.broadcast %broadcast_in_dim3A_276 : i32 to vector<16xi32>
      %gather3A = tpu.vector_load_idx %arg13[%broadcast_in_dim3A_277, %broadcast_in_dim3A_40] : memref<600x128xi32, #tpu.memory_space<vmem>>[vector<16xi32>, vector<16xi32>], vector<16xi32>,
      %get3A_278 = arith.index_cast %add3A_254 : i32 to index
      %get3A_279 = arith.constant 0 : index
      %get3A_280 = tpu.vector_load %arg13[%get3A_278, %get3A_279] {strides = array<i32>} : memref<600x128xi32, #tpu.memory_space<vmem>>, vector<16xi32>,
      %add3A_281 = arith.constant 0 : i32
      %add3A_282 = vector.broadcast %add3A_281 : i32 to vector<16xi32>
      %add3A_283 = arith.addi %iota3A, %add3A_282 : vector<16xi32>
      %lt3A_284 = vector.broadcast %and3A_250 : i32 to vector<16xi32>
      %lt3A_285 = arith.cmpi slt, %add3A_283, %lt3A_284 : vector<16xi32>
      %select_n3A_286 = arith.select %lt3A_285, %get3A_280, %gather3A : vector<16xi1>, vector<16xi32>
      %swap3A_287 = arith.index_cast %add3A_254 : i32 to index
      %swap3A_288 = arith.constant 0 : index
      %swap3A_289 = tpu.vector_load %arg13[%swap3A_287, %swap3A_288] {strides = array<i32>} : memref<600x128xi32, #tpu.memory_space<vmem>>, vector<16xi32>,
      tpu.vector_store %arg13[%swap3A_287, %swap3A_288], %select_n3A_286 {strides = array<i32>} : memref<600x128xi32, #tpu.memory_space<vmem>>, vector<16xi32>,
      %get3A_290 = arith.index_cast %add3A_254 : i32 to index
      %get3A_291 = arith.constant 16 : index
      %get3A_292 = tpu.vector_load %arg13[%get3A_290, %get3A_291] {strides = array<i32>} : memref<600x128xi32, #tpu.memory_space<vmem>>, vector<16xi32>,
      %add3A_293 = arith.constant 16 : i32
      %add3A_294 = vector.broadcast %add3A_293 : i32 to vector<16xi32>
      %add3A_295 = arith.addi %iota3A, %add3A_294 : vector<16xi32>
      %lt3A_296 = vector.broadcast %and3A_250 : i32 to vector<16xi32>
      %lt3A_297 = arith.cmpi slt, %add3A_295, %lt3A_296 : vector<16xi32>
      %select_n3A_298 = arith.select %lt3A_297, %get3A_292, %gather3A : vector<16xi1>, vector<16xi32>
      %swap3A_299 = arith.index_cast %add3A_254 : i32 to index
      %swap3A_300 = arith.constant 16 : index
      %swap3A_301 = tpu.vector_load %arg13[%swap3A_299, %swap3A_300] {strides = array<i32>} : memref<600x128xi32, #tpu.memory_space<vmem>>, vector<16xi32>,
      tpu.vector_store %arg13[%swap3A_299, %swap3A_300], %select_n3A_298 {strides = array<i32>} : memref<600x128xi32, #tpu.memory_space<vmem>>, vector<16xi32>,
      %get3A_302 = arith.index_cast %add3A_254 : i32 to index
      %get3A_303 = arith.constant 32 : index
      %get3A_304 = tpu.vector_load %arg13[%get3A_302, %get3A_303] {strides = array<i32>} : memref<600x128xi32, #tpu.memory_space<vmem>>, vector<16xi32>,
      %add3A_305 = arith.constant 32 : i32
      %add3A_306 = vector.broadcast %add3A_305 : i32 to vector<16xi32>
      %add3A_307 = arith.addi %iota3A, %add3A_306 : vector<16xi32>
      %lt3A_308 = vector.broadcast %and3A_250 : i32 to vector<16xi32>
      %lt3A_309 = arith.cmpi slt, %add3A_307, %lt3A_308 : vector<16xi32>
      %select_n3A_310 = arith.select %lt3A_309, %get3A_304, %gather3A : vector<16xi1>, vector<16xi32>
      %swap3A_311 = arith.index_cast %add3A_254 : i32 to index
      %swap3A_312 = arith.constant 32 : index
      %swap3A_313 = tpu.vector_load %arg13[%swap3A_311, %swap3A_312] {strides = array<i32>} : memref<600x128xi32, #tpu.memory_space<vmem>>, vector<16xi32>,
      tpu.vector_store %arg13[%swap3A_311, %swap3A_312], %select_n3A_310 {strides = array<i32>} : memref<600x128xi32, #tpu.memory_space<vmem>>, vector<16xi32>,
      %get3A_314 = arith.index_cast %add3A_254 : i32 to index
      %get3A_315 = arith.constant 48 : index
      %get3A_316 = tpu.vector_load %arg13[%get3A_314, %get3A_315] {strides = array<i32>} : memref<600x128xi32, #tpu.memory_space<vmem>>, vector<16xi32>,
      %add3A_317 = arith.constant 48 : i32
      %add3A_318 = vector.broadcast %add3A_317 : i32 to vector<16xi32>
      %add3A_319 = arith.addi %iota3A, %add3A_318 : vector<16xi32>
      %lt3A_320 = vector.broadcast %and3A_250 : i32 to vector<16xi32>
      %lt3A_321 = arith.cmpi slt, %add3A_319, %lt3A_320 : vector<16xi32>
      %select_n3A_322 = arith.select %lt3A_321, %get3A_316, %gather3A : vector<16xi1>, vector<16xi32>
      %swap3A_323 = arith.index_cast %add3A_254 : i32 to index
      %swap3A_324 = arith.constant 48 : index
      %swap3A_325 = tpu.vector_load %arg13[%swap3A_323, %swap3A_324] {strides = array<i32>} : memref<600x128xi32, #tpu.memory_space<vmem>>, vector<16xi32>,
      tpu.vector_store %arg13[%swap3A_323, %swap3A_324], %select_n3A_322 {strides = array<i32>} : memref<600x128xi32, #tpu.memory_space<vmem>>, vector<16xi32>,
      %get3A_326 = arith.index_cast %add3A_254 : i32 to index
      %get3A_327 = arith.constant 64 : index
      %get3A_328 = tpu.vector_load %arg13[%get3A_326, %get3A_327] {strides = array<i32>} : memref<600x128xi32, #tpu.memory_space<vmem>>, vector<16xi32>,
      %add3A_329 = arith.constant 64 : i32
      %add3A_330 = vector.broadcast %add3A_329 : i32 to vector<16xi32>
      %add3A_331 = arith.addi %iota3A, %add3A_330 : vector<16xi32>
      %lt3A_332 = vector.broadcast %and3A_250 : i32 to vector<16xi32>
      %lt3A_333 = arith.cmpi slt, %add3A_331, %lt3A_332 : vector<16xi32>
      %select_n3A_334 = arith.select %lt3A_333, %get3A_328, %gather3A : vector<16xi1>, vector<16xi32>
      %swap3A_335 = arith.index_cast %add3A_254 : i32 to index
      %swap3A_336 = arith.constant 64 : index
      %swap3A_337 = tpu.vector_load %arg13[%swap3A_335, %swap3A_336] {strides = array<i32>} : memref<600x128xi32, #tpu.memory_space<vmem>>, vector<16xi32>,
      tpu.vector_store %arg13[%swap3A_335, %swap3A_336], %select_n3A_334 {strides = array<i32>} : memref<600x128xi32, #tpu.memory_space<vmem>>, vector<16xi32>,
      %get3A_338 = arith.index_cast %add3A_254 : i32 to index
      %get3A_339 = arith.constant 80 : index
      %get3A_340 = tpu.vector_load %arg13[%get3A_338, %get3A_339] {strides = array<i32>} : memref<600x128xi32, #tpu.memory_space<vmem>>, vector<16xi32>,
      %add3A_341 = arith.constant 80 : i32
      %add3A_342 = vector.broadcast %add3A_341 : i32 to vector<16xi32>
      %add3A_343 = arith.addi %iota3A, %add3A_342 : vector<16xi32>
      %lt3A_344 = vector.broadcast %and3A_250 : i32 to vector<16xi32>
      %lt3A_345 = arith.cmpi slt, %add3A_343, %lt3A_344 : vector<16xi32>
      %select_n3A_346 = arith.select %lt3A_345, %get3A_340, %gather3A : vector<16xi1>, vector<16xi32>
      %swap3A_347 = arith.index_cast %add3A_254 : i32 to index
      %swap3A_348 = arith.constant 80 : index
      %swap3A_349 = tpu.vector_load %arg13[%swap3A_347, %swap3A_348] {strides = array<i32>} : memref<600x128xi32, #tpu.memory_space<vmem>>, vector<16xi32>,
      tpu.vector_store %arg13[%swap3A_347, %swap3A_348], %select_n3A_346 {strides = array<i32>} : memref<600x128xi32, #tpu.memory_space<vmem>>, vector<16xi32>,
      %get3A_350 = arith.index_cast %add3A_254 : i32 to index
      %get3A_351 = arith.constant 96 : index
      %get3A_352 = tpu.vector_load %arg13[%get3A_350, %get3A_351] {strides = array<i32>} : memref<600x128xi32, #tpu.memory_space<vmem>>, vector<16xi32>,
      %add3A_353 = arith.constant 96 : i32
      %add3A_354 = vector.broadcast %add3A_353 : i32 to vector<16xi32>
      %add3A_355 = arith.addi %iota3A, %add3A_354 : vector<16xi32>
      %lt3A_356 = vector.broadcast %and3A_250 : i32 to vector<16xi32>
      %lt3A_357 = arith.cmpi slt, %add3A_355, %lt3A_356 : vector<16xi32>
      %select_n3A_358 = arith.select %lt3A_357, %get3A_352, %gather3A : vector<16xi1>, vector<16xi32>
      %swap3A_359 = arith.index_cast %add3A_254 : i32 to index
      %swap3A_360 = arith.constant 96 : index
      %swap3A_361 = tpu.vector_load %arg13[%swap3A_359, %swap3A_360] {strides = array<i32>} : memref<600x128xi32, #tpu.memory_space<vmem>>, vector<16xi32>,
      tpu.vector_store %arg13[%swap3A_359, %swap3A_360], %select_n3A_358 {strides = array<i32>} : memref<600x128xi32, #tpu.memory_space<vmem>>, vector<16xi32>,
      %get3A_362 = arith.index_cast %add3A_254 : i32 to index
      %get3A_363 = arith.constant 112 : index
      %get3A_364 = tpu.vector_load %arg13[%get3A_362, %get3A_363] {strides = array<i32>} : memref<600x128xi32, #tpu.memory_space<vmem>>, vector<16xi32>,
      %add3A_365 = arith.constant 112 : i32
      %add3A_366 = vector.broadcast %add3A_365 : i32 to vector<16xi32>
      %add3A_367 = arith.addi %iota3A, %add3A_366 : vector<16xi32>
      %lt3A_368 = vector.broadcast %and3A_250 : i32 to vector<16xi32>
      %lt3A_369 = arith.cmpi slt, %add3A_367, %lt3A_368 : vector<16xi32>
      %select_n3A_370 = arith.select %lt3A_369, %get3A_364, %gather3A : vector<16xi1>, vector<16xi32>
      %swap3A_371 = arith.index_cast %add3A_254 : i32 to index
      %swap3A_372 = arith.constant 112 : index
      %swap3A_373 = tpu.vector_load %arg13[%swap3A_371, %swap3A_372] {strides = array<i32>} : memref<600x128xi32, #tpu.memory_space<vmem>>, vector<16xi32>,
      tpu.vector_store %arg13[%swap3A_371, %swap3A_372], %select_n3A_370 {strides = array<i32>} : memref<600x128xi32, #tpu.memory_space<vmem>>, vector<16xi32>,
      %add3A_374 = arith.constant 400 : i32
      %add3A_375 = arith.addi %add3A_374, %shift_right_arithmetic3A_252 : i32
      %dma_start3A_376 = arith.constant 0 : i32
      %dma_start3A_377 = tpu.memref_slice %arg13[%add3A_375, %dma_start3A_376] : memref<600x128xi32, #tpu.memory_space<vmem>> -> memref<1x128xi32, #tpu.memory_space<vmem>>
      %dma_start3A_378 = tpu.memref_squeeze %dma_start3A_377 : memref<1x128xi32, #tpu.memory_space<vmem>> -> memref<128xi32, #tpu.memory_space<vmem>>
      %dma_start3A_379 = arith.constant 0 : i32
      %dma_start3A_380 = arith.constant 0 : i32
      %dma_start3A_381 = tpu.memref_slice %arg4[%dma_start3A_379, %dma_start3A_380] : memref<819200x128xf32, #tpu.memory_space<hbm>> -> memref<819200x128xf32, #tpu.memory_space<hbm>>
      tpu.enqueue_indirect_dma source(%arg8 : memref<128x128xf32, #tpu.memory_space<vmem>>) target(%dma_start3A_381 : memref<819200x128xf32, #tpu.memory_space<hbm>>) offsets(%dma_start3A_378 : memref<128xi32, #tpu.memory_space<vmem>>) semaphore(%arg20 : memref<!tpu.dma_semaphore, #tpu.memory_space<semaphore_mem>>)
    } else {
    }
    %ne3A_260 = arith.constant 0 : i32
    %ne3A_261 = arith.cmpi ne, %and3A_250, %ne3A_260 : i32
    %jit3A_262 = arith.constant 1 : i32
    %jit3A_263 = arith.constant 0 : i32
    %select_n3A_264 = arith.select %ne3A_261, %jit3A_262, %jit3A_263 : i32
    %add3A_265 = arith.addi %scan3A_183#2, %select_n3A_264 : i32
    %while3A_266 = arith.constant 0 : i32
    %while3A_267 = arith.constant 0 : i32
    %while3A_268 = arith.subi %add3A_265, %while3A_267 : i32
    %while3A_269 = arith.addi %while3A_267, %while3A_268 : i32
    %while3A_270 = arith.constant 1 : i32
    %while3A_271 = arith.divsi %while3A_268, %while3A_270 : i32
    %while3A_272 = arith.muli %while3A_271, %while3A_270 : i32
    %while3A_273 = arith.addi %while3A_267, %while3A_272 : i32
    %while3A_274 = arith.constant 1 : i32
    scf.for %while3A_276 = %while3A_267 to %while3A_273 step %while3A_274  : i32 {
      %dma_wait3A_277 = arith.constant 0 : i32
      %dma_wait3A_278 = arith.constant 0 : i32
      %dma_wait3A_279 = tpu.memref_slice %arg13[%dma_wait3A_277, %dma_wait3A_278] : memref<600x128xi32, #tpu.memory_space<vmem>> -> memref<1x128xi32, #tpu.memory_space<vmem>>
      %dma_wait3A_280 = tpu.memref_squeeze %dma_wait3A_279 : memref<1x128xi32, #tpu.memory_space<vmem>> -> memref<128xi32, #tpu.memory_space<vmem>>
      %dma_wait3A_281 = arith.constant 0 : i32
      %dma_wait3A_282 = arith.constant 0 : i32
      %dma_wait3A_283 = tpu.memref_slice %arg4[%dma_wait3A_281, %dma_wait3A_282] : memref<819200x128xf32, #tpu.memory_space<hbm>> -> memref<819200x128xf32, #tpu.memory_space<hbm>>
      tpu.wait_indirect_dma semaphore(%arg20 : memref<!tpu.dma_semaphore, #tpu.memory_space<semaphore_mem>>) src(%arg8 : memref<128x128xf32, #tpu.memory_space<vmem>>) dst(%dma_wait3A_283 : memref<819200x128xf32, #tpu.memory_space<hbm>>)
    }
    %while3A_275 = arith.constant 1 : i32
    scf.for %while3A_276 = %while3A_273 to %while3A_269 step %while3A_275  : i32 {
      %dma_wait3A_277 = arith.constant 0 : i32
      %dma_wait3A_278 = arith.constant 0 : i32
      %dma_wait3A_279 = tpu.memref_slice %arg13[%dma_wait3A_277, %dma_wait3A_278] : memref<600x128xi32, #tpu.memory_space<vmem>> -> memref<1x128xi32, #tpu.memory_space<vmem>>
      %dma_wait3A_280 = tpu.memref_squeeze %dma_wait3A_279 : memref<1x128xi32, #tpu.memory_space<vmem>> -> memref<128xi32, #tpu.memory_space<vmem>>
      %dma_wait3A_281 = arith.constant 0 : i32
      %dma_wait3A_282 = arith.constant 0 : i32
      %dma_wait3A_283 = tpu.memref_slice %arg4[%dma_wait3A_281, %dma_wait3A_282] : memref<819200x128xf32, #tpu.memory_space<hbm>> -> memref<819200x128xf32, #tpu.memory_space<hbm>>
      tpu.wait_indirect_dma semaphore(%arg20 : memref<!tpu.dma_semaphore, #tpu.memory_space<semaphore_mem>>) src(%arg8 : memref<128x128xf32, #tpu.memory_space<vmem>>) dst(%dma_wait3A_283 : memref<819200x128xf32, #tpu.memory_space<hbm>>)
    }
    return
  }
}

</mosaic_0001>

<sc_bundles>
// kernel: kernel.3.cloned.1.call-start
scs
__scs_entry_jumppad:
0x0: {  	(pc) =	sbr.rel $0x88, $3  }
0x1: {  	(tag) =	ssettag $0x0;
	lr =	simm.s32 $0x1  }
0x2: {  	[smem:$0x3F9E] =	sst lr;
	_ =	strace $0xD0000000  }
0x3: {  	_ = 	snop  }
0x4: {  	_ = 	snop  }
0x5: {  	_ = 	snop  }
0x6: {  	_ = 	snop  }
0x7: {  	_ = 	snop  }
__scs_overlays_trampoline_lowered:
0x8: {  	[smem:$0x3FAD] =	sst s0  }
0x9: {  	[smem:$0x3FAE] =	sst s1  }
0xa: {  	[smem:$0x3FAF] =	sst s2  }
0xb: {  	[smem:$0x3FB0] =	sst s3  }
0xc: {  	[smem:$0x3FB1] =	sst s4  }
0xd: {  	[smem:$0x3FB2] =	sst s5  }
0xe: {  	[smem:$0x3FB3] =	sst s6  }
0xf: {  	[smem:$0x3FB4] =	sst s7  }
0x10: {  	[smem:$0x3FB5] =	sst s8  }
0x11: {  	[smem:$0x3FB6] =	sst s9;
	s0 =	simm.s32 @!p0 $0x0  }
0x12: {  	s1 =	sld [smem:$0x3F9C];
	s0 =	simm.s32 @p0 $0x1  }
0x13: {  	[smem:$0x3FB7] =	sst s0;
	s0 =	simm.s32 @!p1 $0x0  }
0x14: {  	s2 =	sld [smem:$0x3F9B];
	s0 =	simm.s32 @p1 $0x1  }
0x15: {  	[smem:$0x3FB8] =	sst s0;
	s0 =	simm.s32 @!p2 $0x0  }
0x16: {  	s3 =	sld [smem:$0x3FDB];
	s0 =	simm.s32 @p2 $0x1  }
0x17: {  	s4 =	simm.s32 $0x1BF5;
	[smem:$0x3FBA] =	sst s0  }
0x18: {  	s0 =	sld [smem:$0x3F9D];
	_ =	swait.ge [sflag:s4], $0x0  }
0x19: {  	s7 =	sld [smem:$0x3F9E]  }
0x1a: {  	s8 =	sadd.s32 $0xFFFFE003, lr  }
0x1b: {  	s9 =	sadd.s32 $0xFFFFFEF7, lr;
	s5 =	simm.s32 $0xFFFFFFFF;
	p2 =	slt.u32 s8, $0xFFFFF086  }
0x1c: {  	p1 =	slt.u32 s9, $0xF7A;
	s5 =	simm.s32 @!p2 $0x0  }
0x1d: {  	s5 =	simm.s32 @p1 $0x1;
	p0 =	seq.s32 s7, s2  }
0x1e: {  	s7 =	smul.u32 @!p0 $0xF7A, s2;
	p2 =	seq.s32 @!p0 s5, $0x0  }
0x1f: {  	s9 =	smul.u32 $0xF7A, s1;
	s8 =	simm.s32 @!p0 $0x1BF5;
	p2 =	por !p2, p0  }
0x20: {  	[sflag:s8] =	ssyncset.s32 @!p0 $0xFFFFF086;
	s6 =	sadd.s32 @!p0 s3, s7;
	s7 =	simm.s32 @!p0 $0x108  }
0x21: {  	s3 =	sadd.s32 s3, s9;
	s6 =	sadd.s32 @!p0 $0x88, s6;
	s7 =	simm.s32 @p2 $0x1082  }
0x22: {  	[simem:s7], [sflag:s8] =	dma.local @!p0 [hbm:s6], $0xF7A  }
0x23: {  	s9 =	sor.u32 $0xD0000000, s2;
	s6 =	simm.s32 $0x108;
	_ =	swait.ge @!p0 [sflag:s8], $0x0  }
0x24: {  	s3 =	sadd.s32 $0x88, s3;
	s6 =	simm.s32 @!p1 $0x1082;
	[sflag:s4] =	ssyncset.s32 $0xFFFFF086  }
0x25: {  	[simem:s6], [sflag:s4] =	dma.local [hbm:s3], $0xF7A  }
0x26: {  	[smem:$0x3F9E] =	sst s1;
	(tag) =	ssettag s2;
	_ =	strace s9  }
0x27: {  	s1 =	sld [smem:$0x3FAE]  }
0x28: {  	s2 =	sld [smem:$0x3FAF]  }
0x29: {  	s4 =	sld [smem:$0x3FB1]  }
0x2a: {  	p0 =	seq.s32 s5, $0x0;
	s5 =	sld [smem:$0x3FB2]  }
0x2b: {  	s6 =	sld [smem:$0x3FB3]  }
0x2c: {  	s7 =	sld [smem:$0x3FB4]  }
0x2d: {  	s3 =	simm.s32 $0x108;
	s8 =	sld [smem:$0x3FB5]  }
0x2e: {  	s3 =	simm.s32 @!p0 $0x1082;
	s9 =	sld [smem:$0x3FB6]  }
0x2f: {  	lr =	sadd.s32 s0, s3;
	s0 =	sld [smem:$0x3FAD]  }
0x30: {  	s3 =	sld [smem:$0x3FB0]  }
0x31: {  	[smem:$0x3FB9] =	sst s10  }
0x32: {  	s10 =	sld [smem:$0x3FB7];
	_ =	sdelay $0x3  }
0x33: {  	p0 =	seq.s32 s10, $0x1;
	s10 =	sld [smem:$0x3FB9];
	_ =	sdelay $0x3  }
0x34: {  	[smem:$0x3FB9] =	sst s10  }
0x35: {  	s10 =	sld [smem:$0x3FB8];
	_ =	sdelay $0x3  }
0x36: {  	p1 =	seq.s32 s10, $0x1;
	s10 =	sld [smem:$0x3FB9];
	_ =	sdelay $0x3  }
0x37: {  	[smem:$0x3FB9] =	sst s10  }
0x38: {  	s10 =	sld [smem:$0x3FBA]  }
0x39: {  	_ = 	snop;
	(pc) =	sbr.ind lr, $3  }
0x3a: {  	_ = 	snop  }
0x3b: {  	_ = 	snop  }
0x3c: {  	p2 =	seq.s32 s10, $0x1;
	s10 =	sld [smem:$0x3FB9]  }
0x3d: {  	_ =	shalt  }
0x3e: {  	_ =	shalt  }
0x3f: {  	_ =	shalt  }
0x40: {  	_ =	shalt  }
0x41: {  	_ =	shalt  }
0x42: {  	_ =	shalt  }
0x43: {  	_ =	shalt  }
0x44: {  	_ =	shalt  }
0x45: {  	_ =	shalt  }
0x46: {  	_ =	shalt  }
0x47: {  	_ =	shalt  }
0x48: {  	_ =	shalt  }
0x49: {  	_ =	shalt  }
0x4a: {  	_ =	shalt  }
0x4b: {  	_ =	shalt  }
0x4c: {  	_ =	shalt  }
0x4d: {  	_ =	shalt  }
0x4e: {  	_ =	shalt  }
0x4f: {  	_ =	shalt  }
0x50: {  	_ =	shalt  }
0x51: {  	_ =	shalt  }
0x52: {  	_ =	shalt  }
0x53: {  	_ =	shalt  }
0x54: {  	_ =	shalt  }
0x55: {  	_ =	shalt  }
0x56: {  	_ =	shalt  }
0x57: {  	_ =	shalt  }
0x58: {  	_ =	shalt  }
0x59: {  	_ =	shalt  }
0x5a: {  	_ =	shalt  }
0x5b: {  	_ =	shalt  }
0x5c: {  	_ =	shalt  }
0x5d: {  	_ =	shalt  }
0x5e: {  	_ =	shalt  }
0x5f: {  	_ =	shalt  }
0x60: {  	_ =	shalt  }
0x61: {  	_ =	shalt  }
0x62: {  	_ =	shalt  }
0x63: {  	_ =	shalt  }
0x64: {  	_ =	shalt  }
0x65: {  	_ =	shalt  }
0x66: {  	_ =	shalt  }
0x67: {  	_ =	shalt  }
0x68: {  	_ =	shalt  }
0x69: {  	_ =	shalt  }
0x6a: {  	_ =	shalt  }
0x6b: {  	_ =	shalt  }
0x6c: {  	_ =	shalt  }
0x6d: {  	_ =	shalt  }
0x6e: {  	_ =	shalt  }
0x6f: {  	_ =	shalt  }
0x70: {  	_ =	shalt  }
0x71: {  	_ =	shalt  }
0x72: {  	_ =	shalt  }
0x73: {  	_ =	shalt  }
0x74: {  	_ =	shalt  }
0x75: {  	_ =	shalt  }
0x76: {  	_ =	shalt  }
0x77: {  	_ =	shalt  }
0x78: {  	_ =	shalt  }
0x79: {  	_ =	shalt  }
0x7a: {  	_ =	shalt  }
0x7b: {  	_ =	shalt  }
0x7c: {  	_ =	shalt  }
0x7d: {  	_ =	shalt  }
0x7e: {  	_ =	shalt  }
0x7f: {  	_ =	shalt  }
0x80: {  	_ =	shalt  }
0x81: {  	_ =	shalt  }
0x82: {  	_ =	shalt  }
0x83: {  	_ =	shalt  }
0x84: {  	_ =	shalt  }
0x85: {  	_ =	shalt  }
0x86: {  	_ =	shalt  }
0x87: {  	_ =	shalt  }
.Lfunc_end0:
.L_simem_size_0:
called_computation_lowered:
.L_overlay_start_0:
0x88: {  	s2 =	sld [smem:$0x3FD9]  }
0x89: {  	s3 =	sld [smem:$0x3FFE];
	_ =	sdelay $0x1  }
0x8a: {  	s1 =	srdreg.scid  }
0x8b: {  	s0 =	sand.u32 $0x1, s1  }
0x8c: {  	s17 =	sshll.u32 s0, $0xA;
	s2 =	sadd.s32 s3, s2  }
0x8d: {  	s2 =	sadd.s32 s2, s17  }
0x8e: {  	[smem:$0x3FC5] =	sst s2  }
0x8f: {  	_ = 	snop  }
0x90: {  	s2 =	sld [smem:$0x3FD0];
	(tm) =	ssettm $0x1  }
0x91: {  	s18 =	sld [smem:$0x3FFB];
	_ =	sdelay $0x3  }
0x92: {  	_ =	strace s18  }
0x93: {  	s3 =	sld [smem:$0x3FFC];
	_ =	sdelay $0x3  }
0x94: {  	_ =	strace s3  }
0x95: {  	s3 =	sld [smem:$0x3FFD];
	_ =	sdelay $0x3  }
0x96: {  	_ =	strace s3  }
0x97: {  	_ =	strace $0x8FFFFFFF  }
0x98: {  	s19 =	sld [smem:$0x3FDB];
	_ =	sdelay $0x1  }
0x99: {  	s4 =	simm.s32 $_scs_section_size  }
0x9a: {  	s5 =	simm.s32 $_size__tile_overlayer_lowered;
	s6 =	simm.s32 $_tile_overlayer_lowered  }
0x9b: {  	s22 =	simm.s32 $0x1BFF;
	s21 =	sshll.u32 s6, $0x1;
	s3 =	sadd.s32 s4, s19  }
0x9c: {  	s7 =	simm.s32 $0x0;
	s20 =	sshll.u32 s5, $0x1;
	s5 =	sadd.s32 s21, s3  }
0x9d: {  	[timem:s7], [sflag:s22] =	dma.local [hbm:s5], s20  }
0x9e: {  	_ =	swait.ge [sflag:s22], s20  }
0x9f: {  	s4 =	ssub.s32 $0x0, s20;
	[sflag:s22] =	ssyncset.done $0x0  }
0xa0: {  	[sflag:s22] =	ssyncadd.s32 s4;
	_ =	sdelay $0x1  }
0xa1: {  	s23 =	simm.s32 $0x1B8B  }
0xa2: {  	_ =	swait.ge [sflag:s23], $0x1  }
0xa3: {  	[sflag:s23] =	ssyncset.done $0x0  }
0xa4: {  	s25 =	simm.s32 $0x1B8E;
	s24 =	sld [smem:$0x3FFE];
	[sflag:s23] =	ssyncadd.s32 $0xFFFFFFFF  }
0xa5: {  	s26 =	simm.s32 $execute0_lowered;
	[smem:$0x3FD2] =	sst s25  }
0xa6: {  	s5 =	sshll.u32 s26, $0x1;
	_ =	strace $0x80000046;
	[dreg:$0x1] =	wrdreg $0xFFFFFFFF  }
0xa7: {  	s28 =	simm.s32 $_size_execute0_lowered;
	s3 =	sadd.s32 s3, s5;
	[dreg:$0x0] =	wrdreg $0x0  }
0xa8: {  	s5 =	sshll.u32 s28, $0x1;
	[dreg:$0x2] =	wrdreg s3  }
0xa9: {  	[dreg:$0x3] =	wrdreg s5  }
0xaa: {  	[dreg:$0x4] =	wrdreg $0xC0  }
0xab: {  	_ =	task [dreg:s7], $0x5FFFF  }
0xac: {  	[dreg:$0x1] =	wrdreg $0xFFFFFFFF  }
0xad: {  	[dreg:$0x0] =	wrdreg $0x60  }
0xae: {  	[dreg:$0x2] =	wrdreg s24  }
0xaf: {  	[dreg:$0x3] =	wrdreg s2  }
0xb0: {  	[dreg:$0x4] =	wrdreg $0x0  }
0xb1: {  	[dreg:$0x5] =	wrdreg $0x9  }
0xb2: {  	_ =	task.clear_ibuf [dreg:s7], $0x6FFFF;
	_ =	strace $0x90000046  }
0xb3: {  	s29 =	simm.s32 $0x9;
	_ =	strace $0x80000048  }
0xb4: {  	_ =	swait.ge [sflag:s29], $0x1  }
0xb5: {  	[sflag:s29] =	ssyncadd.s32 $0xFFFFFFFF  }
0xb6: {  	_ =	strace $0x90000048  }
0xb7: {  	_ =	sfence  }
0xb8: {  	s30 =	sld [smem:$0x0];
	_ =	sdelay $0x2  }
0xb9: {  	s31 =	sshll.u32 s1, $0xD;
	s1 =	sshrl.u32 s1, $0x2  }
0xba: {  	s3 =	sand.u32 $0x4000, s31;
	s1 =	sadd.s32 s1, s30  }
0xbb: {  	s0 =	sor.u32 s3, s0;
	s1 =	sshll.u32 s1, $0x11  }
0xbc: {  	s0 =	sor.u32 s1, s0  }
0xbd: {  	s0 =	sadd.s32 $0x8F2B, s0  }
0xbe: {  	[sflag:s0] =	ssyncadd.remote.s32 $0x1  }
0xbf: {  	_ =	sfence.sel $0xFFFF  }
0xc0: {  	[dreg:$0x0] =	wrdreg $0xFFFFFFFF;
	(pc) =	sbr.abs _section_cstart, $3  }
0xc1: {  	[dreg:$0x1] =	wrdreg $0xFFFFFFFF  }
0xc2: {  	_ =	task.clear_ibuf [dreg:s7], $0x2FFFF;
	_ =	strace $0x9FFFFFFF  }
0xc3: {  	(tm) =	ssettm $0x7FFFFFFF  }
tec
execute0_lowered:
.L_overlay_start_1:
0x0: {  	(tag) =	ssettag $0x1  }
0x1: {  	v0 =	vimm.s32 $0x2001;
	vm0 =	vcmask $0x700  }
0x2: {  	v4 =	vimm.s32 $0x65432100;
	v9 =	vimm.s32 $0xDCBA9876;
	v0 =	vunpack.c.0.s8.s32 v0  }
0x3: {  	v10 =	vimm.s32 $0xBA987654;
	v11 =	vimm.s32 $0x32100000;
	v12 =	vimm.s32 $0xE40000  }
0x4: {  	s1 =	rddreg [dreg:$0x0];
	vm1 =	vmmov $0xf;
	v1 =	vnsel vm0, $0x40000000, v0;
	vm0 =	vcmask $0xB08  }
0x5: {  	s0 =	rddreg [dreg:$0x1];
	v63 =	vimm.s32 $0x1E1E1914;
	v2 =	vsel vm0, $0x400, v1;
	vm0 =	vcmask $0xF0C  }
0x6: {  	s2 =	srdreg.scid;
	s3 =	stileid.u32;
	vm2 =	vcmask $0x3F30;
	v3 =	vsel vm0, $0x8000, v2;
	v2 =	vimm.s32 $0xEDCBA987  }
0x7: {  	s8 =	rddreg [dreg:$0x2];
	s5 =	simm.s32 $0x0;
	s13 =	simm.s32 $0x80;
	vm3 =	vcmask $0xF00;
	v7 =	vunpack.c.l.s4.s8 v4;
	v5 =	vunpack.c.l.s4.s8 v2  }
0x8: {  	s15 =	simm.s32 $0x18;
	s16 =	simm.s32 $0x3;
	s17 =	simm.s32 $0x4018;
	v9 =	vunpack.c.l.s4.s8 v9;
	v10 =	vunpack.c.l.s4.s8 v10;
	vm0 =	vcmask $0x1310  }
0x9: {  	s18 =	simm.s32 $0x4;
	s19 =	simm.s32 $0x8018;
	s20 =	simm.s32 $0x5;
	v6 =	vsel vm0, $0x100000, v3;
	vm0 =	vcmask $0x1714;
	v8 =	vunpack.c.0.s8.s32 v5  }
0xa: {  	s23 =	simm.s32 $0x1;
	s24 =	simm.s32 $0xC198;
	s28 =	simm.s32 $0xC138;
	v11 =	vunpack.c.l.s4.s8 v11;
	v9 =	vunpack.c.0.s8.s32 v9;
	v4 =	vsel vm0, $0x2000000, v6  }
0xb: {  	s29 =	simm.s32 $0xC148;
	s30 =	simm.s32 $0xC098;
	s31 =	simm.s32 $0xC218;
	v6 =	vunpack.c.0.s8.s32 v7;
	v7 =	vand.u32 $0xF, v8;
	v8 =	vimm.s32 $0x54321000  }
0xc: {  	s21 =	simm.s32 $0x2;
	s22 =	simm.s32 $0x0;
	s2 =	sand.u32 $0x1, s2;
	v12 =	vunpack.c.l.s2.s4 v12;
	v0 =	vimm.s32 $0x0;
	v8 =	vunpack.c.l.s4.s8 v8  }
0xd: {  	s4 =	sshll.u32 s3, $0x1;
	[smem:$0x7FF] =	sst s5;
	s5 =	sadd.s32 $0x800, s1;
	v1 =	vimm.s32 $0x1;
	v9 =	vand.u32 $0xF, v9;
	v2 =	vimm.s32 $0x2  }
0xe: {  	s1 =	sadd.s32 $0x19800, s1;
	s4 =	sor.u32 s2, s4;
	s2 =	ssub.s32 $0x2, s2;
	v6 =	vcombine.low v6, v7;
	v7 =	vunpack.c.0.s8.s32 v8;
	v8 =	vunpack.c.0.s8.s32 v10  }
0xf: {  	p0 =	sne.s32 s3, $0x0;
	s4 =	smul.u32 $0x6400, s4;
	s6 =	sshrl.u32 s2, $0x1;
	v3 =	vlaneseq.u32;
	v10 =	vunpack.c.0.s8.s32 v11;
	v11 =	vunpack.c.l.s4.s8 v12  }
0x10: {  	_ =	strace $0x80000047;
	[dreg:$0x4] =	wrdreg s1;
	s25 =	ssub.s32 s2, s6;
	v7 =	vcombine.low v7, v9;
	v8 =	vand.u32 $0xF, v8;
	v9 =	vimm.s32 $0x7060504  }
.Ltmp0:
0x11: {  	s7 =	sshrl.u32 s4, $0x3;
	s1 =	smax.u32 s25, $0x1;
	v8 =	vcombine.low v10, v8;
	v10 =	vunpack.c.0.s8.s32 v11;
	v11 =	vimm.s32 $0xF0A0500;
	(pc) =	sbr.rel .LBB2_1-.Ltmp0, $4  }
0x12: {  	s9 =	sor.u32 $0x200, s4;
	s26 =	sadd.s32 s5, s7;
	[dreg:$0x7] =	wrdreg s1;
	vm0 =	vmmov $0x3;
	v9 =	vunpack.c.0.s8.s32 v9;
	v11 =	vunpack.c.0.s8.s32 v11  }
0x13: {  	s10 =	sor.u32 $0x300, s4;
	s1 =	sshrl.u32 @!p0 s8, $0x3;
	[dreg:$0x5] =	wrdreg s26;
	v5 =	vmul.u32 $0x6400, v3;
	v12 =	vunpack.c.0.s8.s32 v63;
	v10 =	vand.u32 $0x3, v10  }
0x14: {  	s25 =	simm.s32 $0xC118;
	s2 =	sadd.s32 $0x20, s26;
	[dreg:$0x8] =	wrdreg s1;
	v9 =	vsel vm2, v9, v10;
	v11 =	vnsel vm3, $0x1E, v11;
	vm3 =	vcmask $0x1F10  }
0x15: {  	s26 =	simm.s32 $0xC128;
	[dreg:$0x6] =	wrdreg s2;
	s2 =	simm.s32 $0xC158;
	vm2 =	vmmov $0xff;
	v10 =	vimm.s32 $0xF;
	v11 =	vsel vm3, v12, v11  }
.LBB2_32:
0x16: {  	[sflag:s20] =	ssyncadd.s32 $0xFFFFC000  }
.LBB2_33:
0x17: {  	s22 =	sadd.s32 $0x1, s22;
	s1 =	rddreg [dreg:$0x7]  }
0x18: {  	p1 =	sne.s32 s22, s1  }
.Ltmp1:
0x19: {  	_ = 	snop;
	(pc) =	sbr.rel @!p1 .LBB2_34-.Ltmp1, $1  }
0x1a: {  	_ =	sdelay $0x3  }
.LBB2_1:
0x1b: {  	s3 =	rddreg [dreg:$0x4]  }
0x1c: {  	s1 =	simm.s32 @!p0 $0x1C06;
	s6 =	rddreg [dreg:$0x8]  }
0x1d: {  	[spmem:s6], [sflag:s1] =	dma.local @!p0 [hbm:s3], $0x30  }
0x1e: {  	s1 =	simm.s32 @!p0 $0x6  }
0x1f: {  	_ =	swait.ge @!p0 [sflag:s1], $0x30  }
0x20: {  	[sflag:s1] =	ssyncset.done @!p0 $0x0  }
0x21: {  	[sflag:s1] =	ssyncadd.s32 @!p0 $0xFFFFFFD0  }
0x22: {  	[bflag:$0x0] =	sbarrier.arrive $0xFFFF  }
0x23: {  	[tilespmem:$0xC018] =	vst v0  }
0x24: {  	[tilespmem:$0xC028] =	vst v0  }
0x25: {  	[tilespmem:$0xC038] =	vst v0  }
0x26: {  	[tilespmem:$0xC048] =	vst v0  }
0x27: {  	[tilespmem:$0xC058] =	vst v0  }
0x28: {  	[tilespmem:$0xC068] =	vst v0  }
0x29: {  	[tilespmem:$0xC078] =	vst v0  }
0x2a: {  	s6 =	simm.s32 $0xC018;
	[tilespmem:$0xC088] =	vst v0;
	s3 =	rddreg [dreg:$0x2]  }
0x2b: {  	[tilespmem:s15], [sflag:$0x3] =	stream.indirect.gather [spmem:s3], $0x80, s6, s13, $0xb8;
	[tilespmem:$0x1F018] =	vst v63  }
0x2c: {  	_ =	swait.ge [sflag:s16], $0x4000  }
0x2d: {  	[sflag:s16] =	ssyncset.done $0x0  }
0x2e: {  	[sflag:s16] =	ssyncadd.s32 $0xFFFFC000  }
0x2f: {  	[tilespmem:$0xC018] =	vst v1  }
0x30: {  	[tilespmem:$0xC028] =	vst v1  }
0x31: {  	[tilespmem:$0xC038] =	vst v1  }
0x32: {  	[tilespmem:$0xC048] =	vst v1  }
0x33: {  	[tilespmem:$0xC058] =	vst v1  }
0x34: {  	[tilespmem:$0xC068] =	vst v1  }
0x35: {  	[tilespmem:$0xC078] =	vst v1  }
0x36: {  	[tilespmem:$0xC088] =	vst v1  }
0x37: {  	[tilespmem:s17], [sflag:$0x4] =	stream.indirect.gather [spmem:s3], $0x80, s6, s13, $0xb8;
	[tilespmem:$0x1F018] =	vst v63  }
0x38: {  	_ =	swait.ge [sflag:s18], $0x4000  }
0x39: {  	[sflag:s18] =	ssyncset.done $0x0  }
0x3a: {  	[sflag:s18] =	ssyncadd.s32 $0xFFFFC000  }
0x3b: {  	[tilespmem:$0xC018] =	vst v2  }
0x3c: {  	[tilespmem:$0xC028] =	vst v2  }
0x3d: {  	[tilespmem:$0xC038] =	vst v2  }
0x3e: {  	[tilespmem:$0xC048] =	vst v2  }
0x3f: {  	[tilespmem:$0xC058] =	vst v2  }
0x40: {  	[tilespmem:$0xC068] =	vst v2  }
0x41: {  	[tilespmem:$0xC078] =	vst v2  }
0x42: {  	[tilespmem:$0xC088] =	vst v2  }
0x43: {  	[tilespmem:s19], [sflag:$0x5] =	stream.indirect.gather [spmem:s3], $0x80, s6, s13, $0xb8;
	[tilespmem:$0x1F018] =	vst v63  }
0x44: {  	_ =	swait.ge [sflag:s20], $0x4000  }
0x45: {  	[sflag:s20] =	ssyncset.done $0x0  }
0x46: {  	[sflag:s20] =	ssyncadd.s32 $0xFFFFC000  }
0x47: {  	s7 =	simm.s32 $0x0;
	[tilespmem:$0xC198] =	vst v4  }
.Ltmp2:
0x48: {  	s11 =	simm.s32 $0x1EE18;
	s8 =	rddreg [dreg:$0x5];
	[tilespmem:$0xC098] =	vst v5;
	(pc) =	sbr.rel .LBB2_2-.Ltmp2, $4  }
0x49: {  	[tilespmem:s11], [sflag:$0x1] =	stream.linear.gather [hbm4b:s8+s7], $0x100, $0x38;
	[tilespmem:$0x1F018] =	vst v63  }
0x4a: {  	s14 =	simm.s32 $0x1EF18;
	s3 =	simm.s32 $0x0;
	s12 =	rddreg [dreg:$0x6]  }
0x4b: {  	[tilespmem:s14], [sflag:$0x2] =	stream.linear.gather [hbm4b:s12+s7], $0x100, $0x38;
	[tilespmem:$0x1F018] =	vst v63  }
0x4c: {  	s8 =	simm.s32 $0x0;
	s11 =	simm.s32 $0x0;
	s12 =	simm.s32 $0x0  }
.LBB2_20:
0x4d: {  	s3 =	sadd.s32 $0x1, s3  }
0x4e: {  	p1 =	sne.s32 s3, $0x32  }
.Ltmp3:
0x4f: {  	_ = 	snop;
	(pc) =	sbr.rel @!p1 .LBB2_21-.Ltmp3, $1  }
0x50: {  	_ =	sdelay $0x3  }
.LBB2_2:
0x51: {  	_ =	swait.ge [sflag:s23], $0x100  }
0x52: {  	[sflag:s23] =	ssyncset.done $0x0  }
0x53: {  	[sflag:s23] =	ssyncadd.s32 $0xFFFFFF00  }
0x54: {  	v12 =	vld [tilespmem:$0x1EE18];
	_ =	sdelay $0x7  }
0x55: {  	v13 =	vld.idx.msk [tilespmem:v12+s24+$0x0], $0xffff;
	_ =	sdelay $0x4  }
0x56: {  	[tilespmem:$0xC118] =	vst v13  }
0x57: {  	v14 =	vld.idx.msk [tilespmem:v6+s25+$0x0], $0xffff;
	_ =	sdelay $0x3  }
0x58: {  	vm3 =	veq.s32 v3, $0x0  }
0x59: {  	v14 =	vsel vm3, $0x0, v14  }
0x5a: {  	v13 =	vadd.s32 v13, v14  }
0x5b: {  	[tilespmem:$0xC128] =	vst v13  }
0x5c: {  	v58 =	vld.idx.msk [tilespmem:v7+s26+$0x0], $0xffff;
	_ =	sdelay $0x4  }
0x5d: {  	v14 =	vsel vm0, $0x0, v58  }
0x5e: {  	v13 =	vadd.s32 v13, v14  }
0x5f: {  	[tilespmem:$0xC138] =	vst v13  }
0x60: {  	v59 =	vld.idx.msk [tilespmem:v8+s28+$0x0], $0xffff;
	_ =	sdelay $0x4  }
0x61: {  	v14 =	vsel vm1, $0x0, v59  }
0x62: {  	v13 =	vadd.s32 v13, v14  }
0x63: {  	[tilespmem:$0xC148] =	vst v13  }
0x64: {  	v60 =	vld.idx.msk [tilespmem:v9+s29+$0x0], $0xffff;
	_ =	sdelay $0x3  }
0x65: {  	v15 =	vld.idx.msk [tilespmem:v12+s30+$0x0], $0xffff  }
0x66: {  	v12 =	vmul.u32 $0x5, v12;
	v14 =	vsel vm2, $0x0, v60  }
0x67: {  	v13 =	vadd.s32 v13, v14  }
0x68: {  	v12 =	vshra.s32 v13, v12  }
0x69: {  	v12 =	vand.u32 $0x1F, v12  }
0x6a: {  	v12 =	vadd.s32 v12, v15  }
0x6b: {  	v12 =	vadd.s32 $0xFFFFFFFF, v12;
	_ =	sdelay $0x1  }
0x6c: {  	s6 =	sshll.u32 s3, $0x9  }
0x6d: {  	s1 =	sadd.s32 s4, s6  }
0x6e: {  	v62 =	vor.u32 s1, v3  }
0x6f: {  	v61 =	vld [tilespmem:$0xC098];
	[tilespmem:v12+s31+$0x0] =	vst.idx.msk $0xffff, v62  }
0x70: {  	[tilespmem:$0xC158] =	vst v13  }
0x71: {  	v12 =	vld.idx.msk [tilespmem:v10+s2+$0x0], $0xffff  }
0x72: {  	v63 =	vld [tilespmem:$0x1EE28];
	_ =	sdelay $0x3  }
0x73: {  	v12 =	vshra.s32 v12, v11  }
0x74: {  	v12 =	vand.u32 $0x1F, v12  }
0x75: {  	v12 =	vadd.s32 v61, v12  }
0x76: {  	[tilespmem:$0xC098] =	vst v12  }
0x77: {  	v18 =	vld.idx.msk [tilespmem:v63+s24+$0x0], $0xffff;
	_ =	sdelay $0x4  }
0x78: {  	[tilespmem:$0xC118] =	vst v18  }
0x79: {  	v15 =	vld.idx.msk [tilespmem:v6+s25+$0x0], $0xffff;
	_ =	sdelay $0x4  }
0x7a: {  	v15 =	vsel vm3, $0x0, v15  }
0x7b: {  	v14 =	vadd.s32 v18, v15  }
0x7c: {  	[tilespmem:$0xC128] =	vst v14  }
0x7d: {  	v19 =	vld.idx.msk [tilespmem:v7+s26+$0x0], $0xffff;
	_ =	sdelay $0x4  }
0x7e: {  	v15 =	vsel vm0, $0x0, v19  }
0x7f: {  	v14 =	vadd.s32 v14, v15  }
0x80: {  	[tilespmem:$0xC138] =	vst v14  }
0x81: {  	v20 =	vld.idx.msk [tilespmem:v8+s28+$0x0], $0xffff;
	_ =	sdelay $0x4  }
0x82: {  	v15 =	vsel vm1, $0x0, v20  }
0x83: {  	v14 =	vadd.s32 v14, v15  }
0x84: {  	[tilespmem:$0xC148] =	vst v14  }
0x85: {  	v21 =	vld.idx.msk [tilespmem:v9+s29+$0x0], $0xffff;
	_ =	sdelay $0x3  }
0x86: {  	v16 =	vld.idx.msk [tilespmem:v63+s30+$0x0], $0xffff  }
0x87: {  	v13 =	vmul.u32 $0x5, v63;
	v15 =	vsel vm2, $0x0, v21  }
0x88: {  	v14 =	vadd.s32 v14, v15  }
0x89: {  	v13 =	vshra.s32 v14, v13  }
0x8a: {  	v13 =	vand.u32 $0x1F, v13  }
0x8b: {  	v13 =	vadd.s32 v13, v16  }
0x8c: {  	v13 =	vadd.s32 $0xFFFFFFFF, v13;
	_ =	sdelay $0x2  }
0x8d: {  	s7 =	sor.u32 $0x10, s1  }
0x8e: {  	v22 =	vor.u32 s7, v3  }
0x8f: {  	[tilespmem:v13+s31+$0x0] =	vst.idx.msk $0xffff, v22  }
0x90: {  	[tilespmem:$0xC158] =	vst v14  }
0x91: {  	v13 =	vld.idx.msk [tilespmem:v10+s2+$0x0], $0xffff  }
0x92: {  	v23 =	vld [tilespmem:$0x1EE38];
	_ =	sdelay $0x3  }
0x93: {  	v13 =	vshra.s32 v13, v11  }
0x94: {  	v13 =	vand.u32 $0x1F, v13  }
0x95: {  	v12 =	vadd.s32 v12, v13  }
0x96: {  	[tilespmem:$0xC098] =	vst v12  }
0x97: {  	v24 =	vld.idx.msk [tilespmem:v23+s24+$0x0], $0xffff;
	_ =	sdelay $0x4  }
0x98: {  	[tilespmem:$0xC118] =	vst v24  }
0x99: {  	v15 =	vld.idx.msk [tilespmem:v6+s25+$0x0], $0xffff;
	_ =	sdelay $0x4  }
0x9a: {  	v15 =	vsel vm3, $0x0, v15  }
0x9b: {  	v13 =	vadd.s32 v24, v15  }
0x9c: {  	[tilespmem:$0xC128] =	vst v13  }
0x9d: {  	v25 =	vld.idx.msk [tilespmem:v7+s26+$0x0], $0xffff;
	_ =	sdelay $0x4  }
0x9e: {  	v15 =	vsel vm0, $0x0, v25  }
0x9f: {  	v13 =	vadd.s32 v13, v15  }
0xa0: {  	[tilespmem:$0xC138] =	vst v13  }
0xa1: {  	v26 =	vld.idx.msk [tilespmem:v8+s28+$0x0], $0xffff;
	_ =	sdelay $0x4  }
0xa2: {  	v15 =	vsel vm1, $0x0, v26  }
0xa3: {  	v13 =	vadd.s32 v13, v15  }
0xa4: {  	[tilespmem:$0xC148] =	vst v13  }
0xa5: {  	v27 =	vld.idx.msk [tilespmem:v9+s29+$0x0], $0xffff;
	_ =	sdelay $0x3  }
0xa6: {  	v28 =	vld.idx.msk [tilespmem:v23+s30+$0x0], $0xffff  }
0xa7: {  	v14 =	vmul.u32 $0x5, v23;
	v15 =	vsel vm2, $0x0, v27  }
0xa8: {  	v13 =	vadd.s32 v13, v15  }
0xa9: {  	v14 =	vshra.s32 v13, v14  }
0xaa: {  	v14 =	vand.u32 $0x1F, v14  }
0xab: {  	v14 =	vadd.s32 v14, v28  }
0xac: {  	v14 =	vadd.s32 $0xFFFFFFFF, v14;
	_ =	sdelay $0x2  }
0xad: {  	s14 =	sor.u32 $0x20, s1  }
0xae: {  	v29 =	vor.u32 s14, v3  }
0xaf: {  	[tilespmem:v14+s31+$0x0] =	vst.idx.msk $0xffff, v29  }
0xb0: {  	[tilespmem:$0xC158] =	vst v13  }
0xb1: {  	v13 =	vld.idx.msk [tilespmem:v10+s2+$0x0], $0xffff  }
0xb2: {  	v14 =	vld [tilespmem:$0x1EE48];
	_ =	sdelay $0x3  }
0xb3: {  	v13 =	vshra.s32 v13, v11  }
0xb4: {  	v13 =	vand.u32 $0x1F, v13  }
0xb5: {  	v12 =	vadd.s32 v12, v13  }
0xb6: {  	[tilespmem:$0xC098] =	vst v12  }
0xb7: {  	v30 =	vld.idx.msk [tilespmem:v14+s24+$0x0], $0xffff;
	_ =	sdelay $0x4  }
0xb8: {  	[tilespmem:$0xC118] =	vst v30  }
0xb9: {  	v15 =	vld.idx.msk [tilespmem:v6+s25+$0x0], $0xffff;
	_ =	sdelay $0x4  }
0xba: {  	v15 =	vsel vm3, $0x0, v15  }
0xbb: {  	v13 =	vadd.s32 v30, v15  }
0xbc: {  	[tilespmem:$0xC128] =	vst v13  }
0xbd: {  	v31 =	vld.idx.msk [tilespmem:v7+s26+$0x0], $0xffff;
	_ =	sdelay $0x4  }
0xbe: {  	v15 =	vsel vm0, $0x0, v31  }
0xbf: {  	v13 =	vadd.s32 v13, v15  }
0xc0: {  	[tilespmem:$0xC138] =	vst v13  }
0xc1: {  	v32 =	vld.idx.msk [tilespmem:v8+s28+$0x0], $0xffff;
	_ =	sdelay $0x4  }
0xc2: {  	v15 =	vsel vm1, $0x0, v32  }
0xc3: {  	v13 =	vadd.s32 v13, v15  }
0xc4: {  	[tilespmem:$0xC148] =	vst v13  }
0xc5: {  	v33 =	vld.idx.msk [tilespmem:v9+s29+$0x0], $0xffff;
	_ =	sdelay $0x3  }
0xc6: {  	v34 =	vld.idx.msk [tilespmem:v14+s30+$0x0], $0xffff  }
0xc7: {  	v14 =	vmul.u32 $0x5, v14;
	v15 =	vsel vm2, $0x0, v33  }
0xc8: {  	v13 =	vadd.s32 v13, v15  }
0xc9: {  	v14 =	vshra.s32 v13, v14  }
0xca: {  	v14 =	vand.u32 $0x1F, v14  }
0xcb: {  	v14 =	vadd.s32 v14, v34  }
0xcc: {  	v14 =	vadd.s32 $0xFFFFFFFF, v14;
	_ =	sdelay $0x2  }
0xcd: {  	s14 =	sor.u32 $0x30, s1  }
0xce: {  	v35 =	vor.u32 s14, v3  }
0xcf: {  	[tilespmem:v14+s31+$0x0] =	vst.idx.msk $0xffff, v35  }
0xd0: {  	[tilespmem:$0xC158] =	vst v13  }
0xd1: {  	v13 =	vld.idx.msk [tilespmem:v10+s2+$0x0], $0xffff  }
0xd2: {  	v14 =	vld [tilespmem:$0x1EE58];
	_ =	sdelay $0x3  }
0xd3: {  	v13 =	vshra.s32 v13, v11  }
0xd4: {  	v13 =	vand.u32 $0x1F, v13  }
0xd5: {  	v12 =	vadd.s32 v12, v13  }
0xd6: {  	[tilespmem:$0xC098] =	vst v12  }
0xd7: {  	v36 =	vld.idx.msk [tilespmem:v14+s24+$0x0], $0xffff;
	_ =	sdelay $0x4  }
0xd8: {  	[tilespmem:$0xC118] =	vst v36  }
0xd9: {  	v15 =	vld.idx.msk [tilespmem:v6+s25+$0x0], $0xffff;
	_ =	sdelay $0x4  }
0xda: {  	v15 =	vsel vm3, $0x0, v15  }
0xdb: {  	v13 =	vadd.s32 v36, v15  }
0xdc: {  	[tilespmem:$0xC128] =	vst v13  }
0xdd: {  	v37 =	vld.idx.msk [tilespmem:v7+s26+$0x0], $0xffff;
	_ =	sdelay $0x4  }
0xde: {  	v15 =	vsel vm0, $0x0, v37  }
0xdf: {  	v13 =	vadd.s32 v13, v15  }
0xe0: {  	[tilespmem:$0xC138] =	vst v13  }
0xe1: {  	v38 =	vld.idx.msk [tilespmem:v8+s28+$0x0], $0xffff;
	_ =	sdelay $0x4  }
0xe2: {  	v15 =	vsel vm1, $0x0, v38  }
0xe3: {  	v13 =	vadd.s32 v13, v15  }
0xe4: {  	[tilespmem:$0xC148] =	vst v13  }
0xe5: {  	v39 =	vld.idx.msk [tilespmem:v9+s29+$0x0], $0xffff;
	_ =	sdelay $0x3  }
0xe6: {  	v40 =	vld.idx.msk [tilespmem:v14+s30+$0x0], $0xffff  }
0xe7: {  	v14 =	vmul.u32 $0x5, v14;
	v15 =	vsel vm2, $0x0, v39  }
0xe8: {  	v13 =	vadd.s32 v13, v15  }
0xe9: {  	v14 =	vshra.s32 v13, v14  }
0xea: {  	v14 =	vand.u32 $0x1F, v14  }
0xeb: {  	v14 =	vadd.s32 v14, v40  }
0xec: {  	v14 =	vadd.s32 $0xFFFFFFFF, v14;
	_ =	sdelay $0x2  }
0xed: {  	s14 =	sor.u32 $0x40, s1  }
0xee: {  	v41 =	vor.u32 s14, v3  }
0xef: {  	[tilespmem:v14+s31+$0x0] =	vst.idx.msk $0xffff, v41  }
0xf0: {  	[tilespmem:$0xC158] =	vst v13  }
0xf1: {  	v13 =	vld.idx.msk [tilespmem:v10+s2+$0x0], $0xffff  }
0xf2: {  	v14 =	vld [tilespmem:$0x1EE68];
	_ =	sdelay $0x3  }
0xf3: {  	v13 =	vshra.s32 v13, v11  }
0xf4: {  	v13 =	vand.u32 $0x1F, v13  }
0xf5: {  	v12 =	vadd.s32 v12, v13  }
0xf6: {  	[tilespmem:$0xC098] =	vst v12  }
0xf7: {  	v42 =	vld.idx.msk [tilespmem:v14+s24+$0x0], $0xffff;
	_ =	sdelay $0x4  }
0xf8: {  	[tilespmem:$0xC118] =	vst v42  }
0xf9: {  	v15 =	vld.idx.msk [tilespmem:v6+s25+$0x0], $0xffff;
	_ =	sdelay $0x4  }
0xfa: {  	v15 =	vsel vm3, $0x0, v15  }
0xfb: {  	v13 =	vadd.s32 v42, v15  }
0xfc: {  	[tilespmem:$0xC128] =	vst v13  }
0xfd: {  	v43 =	vld.idx.msk [tilespmem:v7+s26+$0x0], $0xffff;
	_ =	sdelay $0x4  }
0xfe: {  	v15 =	vsel vm0, $0x0, v43  }
0xff: {  	v13 =	vadd.s32 v13, v15  }
0x100: {  	[tilespmem:$0xC138] =	vst v13  }
0x101: {  	v44 =	vld.idx.msk [tilespmem:v8+s28+$0x0], $0xffff;
	_ =	sdelay $0x4  }
0x102: {  	v15 =	vsel vm1, $0x0, v44  }
0x103: {  	v13 =	vadd.s32 v13, v15  }
0x104: {  	[tilespmem:$0xC148] =	vst v13  }
0x105: {  	v45 =	vld.idx.msk [tilespmem:v9+s29+$0x0], $0xffff;
	_ =	sdelay $0x3  }
0x106: {  	v46 =	vld.idx.msk [tilespmem:v14+s30+$0x0], $0xffff  }
0x107: {  	v14 =	vmul.u32 $0x5, v14;
	v15 =	vsel vm2, $0x0, v45  }
0x108: {  	v13 =	vadd.s32 v13, v15  }
0x109: {  	v14 =	vshra.s32 v13, v14  }
0x10a: {  	v14 =	vand.u32 $0x1F, v14  }
0x10b: {  	v14 =	vadd.s32 v14, v46  }
0x10c: {  	v14 =	vadd.s32 $0xFFFFFFFF, v14;
	_ =	sdelay $0x2  }
0x10d: {  	s14 =	sor.u32 $0x50, s1  }
0x10e: {  	v47 =	vor.u32 s14, v3  }
0x10f: {  	[tilespmem:v14+s31+$0x0] =	vst.idx.msk $0xffff, v47  }
0x110: {  	[tilespmem:$0xC158] =	vst v13  }
0x111: {  	v13 =	vld.idx.msk [tilespmem:v10+s2+$0x0], $0xffff  }
0x112: {  	v14 =	vld [tilespmem:$0x1EE78];
	_ =	sdelay $0x3  }
0x113: {  	v13 =	vshra.s32 v13, v11  }
0x114: {  	v13 =	vand.u32 $0x1F, v13  }
0x115: {  	v12 =	vadd.s32 v12, v13  }
0x116: {  	[tilespmem:$0xC098] =	vst v12  }
0x117: {  	v48 =	vld.idx.msk [tilespmem:v14+s24+$0x0], $0xffff;
	_ =	sdelay $0x4  }
0x118: {  	[tilespmem:$0xC118] =	vst v48  }
0x119: {  	v15 =	vld.idx.msk [tilespmem:v6+s25+$0x0], $0xffff;
	_ =	sdelay $0x4  }
0x11a: {  	v15 =	vsel vm3, $0x0, v15  }
0x11b: {  	v13 =	vadd.s32 v48, v15  }
0x11c: {  	[tilespmem:$0xC128] =	vst v13  }
0x11d: {  	v49 =	vld.idx.msk [tilespmem:v7+s26+$0x0], $0xffff;
	_ =	sdelay $0x4  }
0x11e: {  	v15 =	vsel vm0, $0x0, v49  }
0x11f: {  	v13 =	vadd.s32 v13, v15  }
0x120: {  	[tilespmem:$0xC138] =	vst v13  }
0x121: {  	v50 =	vld.idx.msk [tilespmem:v8+s28+$0x0], $0xffff;
	_ =	sdelay $0x4  }
0x122: {  	v15 =	vsel vm1, $0x0, v50  }
0x123: {  	v13 =	vadd.s32 v13, v15  }
0x124: {  	[tilespmem:$0xC148] =	vst v13  }
0x125: {  	v51 =	vld.idx.msk [tilespmem:v9+s29+$0x0], $0xffff;
	_ =	sdelay $0x3  }
0x126: {  	v52 =	vld.idx.msk [tilespmem:v14+s30+$0x0], $0xffff  }
0x127: {  	v14 =	vmul.u32 $0x5, v14;
	v15 =	vsel vm2, $0x0, v51  }
0x128: {  	v13 =	vadd.s32 v13, v15  }
0x129: {  	v14 =	vshra.s32 v13, v14  }
0x12a: {  	v14 =	vand.u32 $0x1F, v14  }
0x12b: {  	v14 =	vadd.s32 v14, v52  }
0x12c: {  	v14 =	vadd.s32 $0xFFFFFFFF, v14;
	_ =	sdelay $0x2  }
0x12d: {  	s14 =	sor.u32 $0x60, s1  }
0x12e: {  	v53 =	vor.u32 s14, v3  }
0x12f: {  	[tilespmem:v14+s31+$0x0] =	vst.idx.msk $0xffff, v53  }
0x130: {  	[tilespmem:$0xC158] =	vst v13  }
0x131: {  	v13 =	vld.idx.msk [tilespmem:v10+s2+$0x0], $0xffff  }
0x132: {  	v14 =	vld [tilespmem:$0x1EE88];
	_ =	sdelay $0x3  }
0x133: {  	v13 =	vshra.s32 v13, v11  }
0x134: {  	v13 =	vand.u32 $0x1F, v13  }
0x135: {  	v12 =	vadd.s32 v12, v13  }
0x136: {  	[tilespmem:$0xC098] =	vst v12  }
0x137: {  	v54 =	vld.idx.msk [tilespmem:v14+s24+$0x0], $0xffff;
	_ =	sdelay $0x4  }
0x138: {  	[tilespmem:$0xC118] =	vst v54  }
0x139: {  	v15 =	vld.idx.msk [tilespmem:v6+s25+$0x0], $0xffff;
	_ =	sdelay $0x4  }
0x13a: {  	v15 =	vsel vm3, $0x0, v15  }
0x13b: {  	v13 =	vadd.s32 v54, v15  }
0x13c: {  	[tilespmem:$0xC128] =	vst v13  }
0x13d: {  	v55 =	vld.idx.msk [tilespmem:v7+s26+$0x0], $0xffff;
	_ =	sdelay $0x4  }
0x13e: {  	v15 =	vsel vm0, $0x0, v55  }
0x13f: {  	v13 =	vadd.s32 v13, v15  }
0x140: {  	[tilespmem:$0xC138] =	vst v13  }
0x141: {  	v56 =	vld.idx.msk [tilespmem:v8+s28+$0x0], $0xffff;
	_ =	sdelay $0x4  }
0x142: {  	v15 =	vsel vm1, $0x0, v56  }
0x143: {  	v13 =	vadd.s32 v13, v15  }
0x144: {  	[tilespmem:$0xC148] =	vst v13  }
0x145: {  	v57 =	vld.idx.msk [tilespmem:v9+s29+$0x0], $0xffff;
	_ =	sdelay $0x3  }
0x146: {  	v58 =	vld.idx.msk [tilespmem:v14+s30+$0x0], $0xffff  }
0x147: {  	v14 =	vmul.u32 $0x5, v14;
	v15 =	vsel vm2, $0x0, v57  }
0x148: {  	v13 =	vadd.s32 v13, v15  }
0x149: {  	v14 =	vshra.s32 v13, v14  }
0x14a: {  	v14 =	vand.u32 $0x1F, v14  }
0x14b: {  	v14 =	vadd.s32 v14, v58  }
0x14c: {  	v14 =	vadd.s32 $0xFFFFFFFF, v14;
	_ =	sdelay $0x2  }
0x14d: {  	s14 =	sor.u32 $0x70, s1  }
0x14e: {  	v59 =	vor.u32 s14, v3  }
0x14f: {  	[tilespmem:v14+s31+$0x0] =	vst.idx.msk $0xffff, v59  }
0x150: {  	[tilespmem:$0xC158] =	vst v13  }
0x151: {  	v13 =	vld.idx.msk [tilespmem:v10+s2+$0x0], $0xffff  }
0x152: {  	v14 =	vld [tilespmem:$0x1EE98];
	_ =	sdelay $0x3  }
0x153: {  	v13 =	vshra.s32 v13, v11  }
0x154: {  	v13 =	vand.u32 $0x1F, v13  }
0x155: {  	v12 =	vadd.s32 v12, v13  }
0x156: {  	[tilespmem:$0xC098] =	vst v12  }
0x157: {  	v60 =	vld.idx.msk [tilespmem:v14+s24+$0x0], $0xffff;
	_ =	sdelay $0x4  }
0x158: {  	[tilespmem:$0xC118] =	vst v60  }
0x159: {  	v15 =	vld.idx.msk [tilespmem:v6+s25+$0x0], $0xffff;
	_ =	sdelay $0x4  }
0x15a: {  	v15 =	vsel vm3, $0x0, v15  }
0x15b: {  	v13 =	vadd.s32 v60, v15  }
0x15c: {  	[tilespmem:$0xC128] =	vst v13  }
0x15d: {  	v61 =	vld.idx.msk [tilespmem:v7+s26+$0x0], $0xffff;
	_ =	sdelay $0x4  }
0x15e: {  	v15 =	vsel vm0, $0x0, v61  }
0x15f: {  	v13 =	vadd.s32 v13, v15  }
0x160: {  	[tilespmem:$0xC138] =	vst v13  }
0x161: {  	v62 =	vld.idx.msk [tilespmem:v8+s28+$0x0], $0xffff;
	_ =	sdelay $0x4  }
0x162: {  	v15 =	vsel vm1, $0x0, v62  }
0x163: {  	v13 =	vadd.s32 v13, v15  }
0x164: {  	[tilespmem:$0xC148] =	vst v13  }
0x165: {  	v63 =	vld.idx.msk [tilespmem:v9+s29+$0x0], $0xffff;
	_ =	sdelay $0x3  }
0x166: {  	v20 =	vld.idx.msk [tilespmem:v14+s30+$0x0], $0xffff  }
0x167: {  	v14 =	vmul.u32 $0x5, v14;
	v15 =	vsel vm2, $0x0, v63  }
0x168: {  	v13 =	vadd.s32 v13, v15  }
0x169: {  	v14 =	vshra.s32 v13, v14  }
0x16a: {  	v14 =	vand.u32 $0x1F, v14  }
0x16b: {  	v14 =	vadd.s32 v14, v20  }
0x16c: {  	v14 =	vadd.s32 $0xFFFFFFFF, v14;
	_ =	sdelay $0x2  }
0x16d: {  	s14 =	sor.u32 $0x80, s1  }
0x16e: {  	v21 =	vor.u32 s14, v3  }
0x16f: {  	[tilespmem:v14+s31+$0x0] =	vst.idx.msk $0xffff, v21  }
0x170: {  	[tilespmem:$0xC158] =	vst v13  }
0x171: {  	v13 =	vld.idx.msk [tilespmem:v10+s2+$0x0], $0xffff  }
0x172: {  	v14 =	vld [tilespmem:$0x1EEA8];
	_ =	sdelay $0x3  }
0x173: {  	v13 =	vshra.s32 v13, v11  }
0x174: {  	v13 =	vand.u32 $0x1F, v13  }
0x175: {  	v12 =	vadd.s32 v12, v13  }
0x176: {  	[tilespmem:$0xC098] =	vst v12  }
0x177: {  	v22 =	vld.idx.msk [tilespmem:v14+s24+$0x0], $0xffff;
	_ =	sdelay $0x4  }
0x178: {  	[tilespmem:$0xC118] =	vst v22  }
0x179: {  	v15 =	vld.idx.msk [tilespmem:v6+s25+$0x0], $0xffff;
	_ =	sdelay $0x4  }
0x17a: {  	v15 =	vsel vm3, $0x0, v15  }
0x17b: {  	v13 =	vadd.s32 v22, v15  }
0x17c: {  	[tilespmem:$0xC128] =	vst v13  }
0x17d: {  	v23 =	vld.idx.msk [tilespmem:v7+s26+$0x0], $0xffff;
	_ =	sdelay $0x4  }
0x17e: {  	v15 =	vsel vm0, $0x0, v23  }
0x17f: {  	v13 =	vadd.s32 v13, v15  }
0x180: {  	[tilespmem:$0xC138] =	vst v13  }
0x181: {  	v24 =	vld.idx.msk [tilespmem:v8+s28+$0x0], $0xffff;
	_ =	sdelay $0x4  }
0x182: {  	v15 =	vsel vm1, $0x0, v24  }
0x183: {  	v13 =	vadd.s32 v13, v15  }
0x184: {  	[tilespmem:$0xC148] =	vst v13  }
0x185: {  	v25 =	vld.idx.msk [tilespmem:v9+s29+$0x0], $0xffff;
	_ =	sdelay $0x3  }
0x186: {  	v26 =	vld.idx.msk [tilespmem:v14+s30+$0x0], $0xffff  }
0x187: {  	v14 =	vmul.u32 $0x5, v14;
	v15 =	vsel vm2, $0x0, v25  }
0x188: {  	v13 =	vadd.s32 v13, v15  }
0x189: {  	v14 =	vshra.s32 v13, v14  }
0x18a: {  	v14 =	vand.u32 $0x1F, v14  }
0x18b: {  	v14 =	vadd.s32 v14, v26  }
0x18c: {  	v14 =	vadd.s32 $0xFFFFFFFF, v14;
	_ =	sdelay $0x2  }
0x18d: {  	s14 =	sor.u32 $0x90, s1  }
0x18e: {  	v27 =	vor.u32 s14, v3  }
0x18f: {  	[tilespmem:v14+s31+$0x0] =	vst.idx.msk $0xffff, v27  }
0x190: {  	[tilespmem:$0xC158] =	vst v13  }
0x191: {  	v13 =	vld.idx.msk [tilespmem:v10+s2+$0x0], $0xffff  }
0x192: {  	v14 =	vld [tilespmem:$0x1EEB8];
	_ =	sdelay $0x3  }
0x193: {  	v13 =	vshra.s32 v13, v11  }
0x194: {  	v13 =	vand.u32 $0x1F, v13  }
0x195: {  	v12 =	vadd.s32 v12, v13  }
0x196: {  	[tilespmem:$0xC098] =	vst v12  }
0x197: {  	v28 =	vld.idx.msk [tilespmem:v14+s24+$0x0], $0xffff;
	_ =	sdelay $0x4  }
0x198: {  	[tilespmem:$0xC118] =	vst v28  }
0x199: {  	v15 =	vld.idx.msk [tilespmem:v6+s25+$0x0], $0xffff;
	_ =	sdelay $0x4  }
0x19a: {  	v15 =	vsel vm3, $0x0, v15  }
0x19b: {  	v13 =	vadd.s32 v28, v15  }
0x19c: {  	[tilespmem:$0xC128] =	vst v13  }
0x19d: {  	v29 =	vld.idx.msk [tilespmem:v7+s26+$0x0], $0xffff;
	_ =	sdelay $0x4  }
0x19e: {  	v15 =	vsel vm0, $0x0, v29  }
0x19f: {  	v13 =	vadd.s32 v13, v15  }
0x1a0: {  	[tilespmem:$0xC138] =	vst v13  }
0x1a1: {  	v30 =	vld.idx.msk [tilespmem:v8+s28+$0x0], $0xffff;
	_ =	sdelay $0x4  }
0x1a2: {  	v15 =	vsel vm1, $0x0, v30  }
0x1a3: {  	v13 =	vadd.s32 v13, v15  }
0x1a4: {  	[tilespmem:$0xC148] =	vst v13  }
0x1a5: {  	v31 =	vld.idx.msk [tilespmem:v9+s29+$0x0], $0xffff;
	_ =	sdelay $0x3  }
0x1a6: {  	v32 =	vld.idx.msk [tilespmem:v14+s30+$0x0], $0xffff  }
0x1a7: {  	v14 =	vmul.u32 $0x5, v14;
	v15 =	vsel vm2, $0x0, v31  }
0x1a8: {  	v13 =	vadd.s32 v13, v15  }
0x1a9: {  	v14 =	vshra.s32 v13, v14  }
0x1aa: {  	v14 =	vand.u32 $0x1F, v14  }
0x1ab: {  	v14 =	vadd.s32 v14, v32  }
0x1ac: {  	v14 =	vadd.s32 $0xFFFFFFFF, v14;
	_ =	sdelay $0x2  }
0x1ad: {  	s14 =	sor.u32 $0xA0, s1  }
0x1ae: {  	v33 =	vor.u32 s14, v3  }
0x1af: {  	[tilespmem:v14+s31+$0x0] =	vst.idx.msk $0xffff, v33  }
0x1b0: {  	[tilespmem:$0xC158] =	vst v13  }
0x1b1: {  	v13 =	vld.idx.msk [tilespmem:v10+s2+$0x0], $0xffff  }
0x1b2: {  	v14 =	vld [tilespmem:$0x1EEC8];
	_ =	sdelay $0x3  }
0x1b3: {  	v13 =	vshra.s32 v13, v11  }
0x1b4: {  	v13 =	vand.u32 $0x1F, v13  }
0x1b5: {  	v12 =	vadd.s32 v12, v13  }
0x1b6: {  	[tilespmem:$0xC098] =	vst v12  }
0x1b7: {  	v34 =	vld.idx.msk [tilespmem:v14+s24+$0x0], $0xffff;
	_ =	sdelay $0x4  }
0x1b8: {  	[tilespmem:$0xC118] =	vst v34  }
0x1b9: {  	v15 =	vld.idx.msk [tilespmem:v6+s25+$0x0], $0xffff;
	_ =	sdelay $0x4  }
0x1ba: {  	v15 =	vsel vm3, $0x0, v15  }
0x1bb: {  	v13 =	vadd.s32 v34, v15  }
0x1bc: {  	[tilespmem:$0xC128] =	vst v13  }
0x1bd: {  	v35 =	vld.idx.msk [tilespmem:v7+s26+$0x0], $0xffff;
	_ =	sdelay $0x4  }
0x1be: {  	v15 =	vsel vm0, $0x0, v35  }
0x1bf: {  	v13 =	vadd.s32 v13, v15  }
0x1c0: {  	[tilespmem:$0xC138] =	vst v13  }
0x1c1: {  	v36 =	vld.idx.msk [tilespmem:v8+s28+$0x0], $0xffff;
	_ =	sdelay $0x4  }
0x1c2: {  	v15 =	vsel vm1, $0x0, v36  }
0x1c3: {  	v13 =	vadd.s32 v13, v15  }
0x1c4: {  	[tilespmem:$0xC148] =	vst v13  }
0x1c5: {  	v37 =	vld.idx.msk [tilespmem:v9+s29+$0x0], $0xffff;
	_ =	sdelay $0x3  }
0x1c6: {  	v38 =	vld.idx.msk [tilespmem:v14+s30+$0x0], $0xffff  }
0x1c7: {  	v14 =	vmul.u32 $0x5, v14;
	v15 =	vsel vm2, $0x0, v37  }
0x1c8: {  	v13 =	vadd.s32 v13, v15  }
0x1c9: {  	v14 =	vshra.s32 v13, v14  }
0x1ca: {  	v14 =	vand.u32 $0x1F, v14  }
0x1cb: {  	v14 =	vadd.s32 v14, v38  }
0x1cc: {  	v14 =	vadd.s32 $0xFFFFFFFF, v14;
	_ =	sdelay $0x2  }
0x1cd: {  	s14 =	sor.u32 $0xB0, s1  }
0x1ce: {  	v39 =	vor.u32 s14, v3  }
0x1cf: {  	[tilespmem:v14+s31+$0x0] =	vst.idx.msk $0xffff, v39  }
0x1d0: {  	[tilespmem:$0xC158] =	vst v13  }
0x1d1: {  	v13 =	vld.idx.msk [tilespmem:v10+s2+$0x0], $0xffff  }
0x1d2: {  	v14 =	vld [tilespmem:$0x1EED8];
	_ =	sdelay $0x3  }
0x1d3: {  	v13 =	vshra.s32 v13, v11  }
0x1d4: {  	v13 =	vand.u32 $0x1F, v13  }
0x1d5: {  	v12 =	vadd.s32 v12, v13  }
0x1d6: {  	[tilespmem:$0xC098] =	vst v12  }
0x1d7: {  	v40 =	vld.idx.msk [tilespmem:v14+s24+$0x0], $0xffff;
	_ =	sdelay $0x4  }
0x1d8: {  	[tilespmem:$0xC118] =	vst v40  }
0x1d9: {  	v15 =	vld.idx.msk [tilespmem:v6+s25+$0x0], $0xffff;
	_ =	sdelay $0x4  }
0x1da: {  	v15 =	vsel vm3, $0x0, v15  }
0x1db: {  	v13 =	vadd.s32 v40, v15  }
0x1dc: {  	[tilespmem:$0xC128] =	vst v13  }
0x1dd: {  	v41 =	vld.idx.msk [tilespmem:v7+s26+$0x0], $0xffff;
	_ =	sdelay $0x4  }
0x1de: {  	v15 =	vsel vm0, $0x0, v41  }
0x1df: {  	v13 =	vadd.s32 v13, v15  }
0x1e0: {  	[tilespmem:$0xC138] =	vst v13  }
0x1e1: {  	v42 =	vld.idx.msk [tilespmem:v8+s28+$0x0], $0xffff;
	_ =	sdelay $0x4  }
0x1e2: {  	v15 =	vsel vm1, $0x0, v42  }
0x1e3: {  	v13 =	vadd.s32 v13, v15  }
0x1e4: {  	[tilespmem:$0xC148] =	vst v13  }
0x1e5: {  	v43 =	vld.idx.msk [tilespmem:v9+s29+$0x0], $0xffff;
	_ =	sdelay $0x3  }
0x1e6: {  	v44 =	vld.idx.msk [tilespmem:v14+s30+$0x0], $0xffff  }
0x1e7: {  	v14 =	vmul.u32 $0x5, v14;
	v15 =	vsel vm2, $0x0, v43  }
0x1e8: {  	v13 =	vadd.s32 v13, v15  }
0x1e9: {  	v14 =	vshra.s32 v13, v14  }
0x1ea: {  	v14 =	vand.u32 $0x1F, v14  }
0x1eb: {  	v14 =	vadd.s32 v14, v44  }
0x1ec: {  	v14 =	vadd.s32 $0xFFFFFFFF, v14;
	_ =	sdelay $0x2  }
0x1ed: {  	s14 =	sor.u32 $0xC0, s1  }
0x1ee: {  	v45 =	vor.u32 s14, v3  }
0x1ef: {  	[tilespmem:v14+s31+$0x0] =	vst.idx.msk $0xffff, v45  }
0x1f0: {  	[tilespmem:$0xC158] =	vst v13  }
0x1f1: {  	v13 =	vld.idx.msk [tilespmem:v10+s2+$0x0], $0xffff  }
0x1f2: {  	v14 =	vld [tilespmem:$0x1EEE8];
	_ =	sdelay $0x3  }
0x1f3: {  	v13 =	vshra.s32 v13, v11  }
0x1f4: {  	v13 =	vand.u32 $0x1F, v13  }
0x1f5: {  	v12 =	vadd.s32 v12, v13  }
0x1f6: {  	[tilespmem:$0xC098] =	vst v12  }
0x1f7: {  	v46 =	vld.idx.msk [tilespmem:v14+s24+$0x0], $0xffff;
	_ =	sdelay $0x4  }
0x1f8: {  	[tilespmem:$0xC118] =	vst v46  }
0x1f9: {  	v15 =	vld.idx.msk [tilespmem:v6+s25+$0x0], $0xffff;
	_ =	sdelay $0x4  }
0x1fa: {  	v15 =	vsel vm3, $0x0, v15  }
0x1fb: {  	v13 =	vadd.s32 v46, v15  }
0x1fc: {  	[tilespmem:$0xC128] =	vst v13  }
0x1fd: {  	v47 =	vld.idx.msk [tilespmem:v7+s26+$0x0], $0xffff;
	_ =	sdelay $0x4  }
0x1fe: {  	v15 =	vsel vm0, $0x0, v47  }
0x1ff: {  	v13 =	vadd.s32 v13, v15  }
0x200: {  	[tilespmem:$0xC138] =	vst v13  }
0x201: {  	v48 =	vld.idx.msk [tilespmem:v8+s28+$0x0], $0xffff;
	_ =	sdelay $0x4  }
0x202: {  	v15 =	vsel vm1, $0x0, v48  }
0x203: {  	v13 =	vadd.s32 v13, v15  }
0x204: {  	[tilespmem:$0xC148] =	vst v13  }
0x205: {  	v49 =	vld.idx.msk [tilespmem:v9+s29+$0x0], $0xffff;
	_ =	sdelay $0x3  }
0x206: {  	v50 =	vld.idx.msk [tilespmem:v14+s30+$0x0], $0xffff  }
0x207: {  	v14 =	vmul.u32 $0x5, v14;
	v15 =	vsel vm2, $0x0, v49  }
0x208: {  	v13 =	vadd.s32 v13, v15  }
0x209: {  	v14 =	vshra.s32 v13, v14  }
0x20a: {  	v14 =	vand.u32 $0x1F, v14  }
0x20b: {  	v14 =	vadd.s32 v14, v50  }
0x20c: {  	v14 =	vadd.s32 $0xFFFFFFFF, v14;
	_ =	sdelay $0x2  }
0x20d: {  	s14 =	sor.u32 $0xD0, s1  }
0x20e: {  	v51 =	vor.u32 s14, v3  }
0x20f: {  	[tilespmem:v14+s31+$0x0] =	vst.idx.msk $0xffff, v51  }
0x210: {  	[tilespmem:$0xC158] =	vst v13  }
0x211: {  	v13 =	vld.idx.msk [tilespmem:v10+s2+$0x0], $0xffff  }
0x212: {  	v14 =	vld [tilespmem:$0x1EEF8];
	_ =	sdelay $0x3  }
0x213: {  	v13 =	vshra.s32 v13, v11  }
0x214: {  	v13 =	vand.u32 $0x1F, v13  }
0x215: {  	v12 =	vadd.s32 v12, v13  }
0x216: {  	[tilespmem:$0xC098] =	vst v12  }
0x217: {  	v52 =	vld.idx.msk [tilespmem:v14+s24+$0x0], $0xffff;
	_ =	sdelay $0x4  }
0x218: {  	[tilespmem:$0xC118] =	vst v52  }
0x219: {  	v15 =	vld.idx.msk [tilespmem:v6+s25+$0x0], $0xffff;
	_ =	sdelay $0x4  }
0x21a: {  	v15 =	vsel vm3, $0x0, v15  }
0x21b: {  	v13 =	vadd.s32 v52, v15  }
0x21c: {  	[tilespmem:$0xC128] =	vst v13  }
0x21d: {  	v53 =	vld.idx.msk [tilespmem:v7+s26+$0x0], $0xffff;
	_ =	sdelay $0x4  }
0x21e: {  	v15 =	vsel vm0, $0x0, v53  }
0x21f: {  	v13 =	vadd.s32 v13, v15  }
0x220: {  	[tilespmem:$0xC138] =	vst v13  }
0x221: {  	v54 =	vld.idx.msk [tilespmem:v8+s28+$0x0], $0xffff;
	_ =	sdelay $0x4  }
0x222: {  	v15 =	vsel vm1, $0x0, v54  }
0x223: {  	v13 =	vadd.s32 v13, v15  }
0x224: {  	[tilespmem:$0xC148] =	vst v13  }
0x225: {  	v55 =	vld.idx.msk [tilespmem:v9+s29+$0x0], $0xffff;
	_ =	sdelay $0x3  }
0x226: {  	v56 =	vld.idx.msk [tilespmem:v14+s30+$0x0], $0xffff  }
0x227: {  	v14 =	vmul.u32 $0x5, v14;
	v15 =	vsel vm2, $0x0, v55  }
0x228: {  	v13 =	vadd.s32 v13, v15  }
0x229: {  	v14 =	vshra.s32 v13, v14  }
0x22a: {  	v14 =	vand.u32 $0x1F, v14  }
0x22b: {  	v14 =	vadd.s32 v14, v56  }
0x22c: {  	v14 =	vadd.s32 $0xFFFFFFFF, v14;
	_ =	sdelay $0x2  }
0x22d: {  	s14 =	sor.u32 $0xE0, s1  }
0x22e: {  	v57 =	vor.u32 s14, v3  }
0x22f: {  	[tilespmem:v14+s31+$0x0] =	vst.idx.msk $0xffff, v57  }
0x230: {  	[tilespmem:$0xC158] =	vst v13  }
0x231: {  	v13 =	vld.idx.msk [tilespmem:v10+s2+$0x0], $0xffff  }
0x232: {  	v14 =	vld [tilespmem:$0x1EF08];
	_ =	sdelay $0x3  }
0x233: {  	v13 =	vshra.s32 v13, v11  }
0x234: {  	v13 =	vand.u32 $0x1F, v13  }
0x235: {  	v12 =	vadd.s32 v12, v13  }
0x236: {  	[tilespmem:$0xC098] =	vst v12  }
0x237: {  	v58 =	vld.idx.msk [tilespmem:v14+s24+$0x0], $0xffff;
	_ =	sdelay $0x4  }
0x238: {  	[tilespmem:$0xC118] =	vst v58  }
0x239: {  	v15 =	vld.idx.msk [tilespmem:v6+s25+$0x0], $0xffff;
	_ =	sdelay $0x4  }
0x23a: {  	v15 =	vsel vm3, $0x0, v15  }
0x23b: {  	v13 =	vadd.s32 v58, v15  }
0x23c: {  	[tilespmem:$0xC128] =	vst v13  }
0x23d: {  	v59 =	vld.idx.msk [tilespmem:v7+s26+$0x0], $0xffff;
	_ =	sdelay $0x4  }
0x23e: {  	v15 =	vsel vm0, $0x0, v59  }
0x23f: {  	v13 =	vadd.s32 v13, v15  }
0x240: {  	[tilespmem:$0xC138] =	vst v13  }
0x241: {  	v60 =	vld.idx.msk [tilespmem:v8+s28+$0x0], $0xffff;
	_ =	sdelay $0x4  }
0x242: {  	v15 =	vsel vm1, $0x0, v60  }
0x243: {  	v13 =	vadd.s32 v13, v15  }
0x244: {  	[tilespmem:$0xC148] =	vst v13  }
0x245: {  	v61 =	vld.idx.msk [tilespmem:v9+s29+$0x0], $0xffff;
	_ =	sdelay $0x3  }
0x246: {  	v62 =	vld.idx.msk [tilespmem:v14+s30+$0x0], $0xffff  }
0x247: {  	v14 =	vmul.u32 $0x5, v14;
	v15 =	vsel vm2, $0x0, v61  }
0x248: {  	v13 =	vadd.s32 v13, v15  }
0x249: {  	v14 =	vshra.s32 v13, v14  }
0x24a: {  	v14 =	vand.u32 $0x1F, v14  }
0x24b: {  	v14 =	vadd.s32 v14, v62  }
0x24c: {  	v14 =	vadd.s32 $0xFFFFFFFF, v14;
	_ =	sdelay $0x2  }
0x24d: {  	s1 =	sor.u32 $0xF0, s1  }
0x24e: {  	v63 =	vor.u32 s1, v3  }
0x24f: {  	[tilespmem:v14+s31+$0x0] =	vst.idx.msk $0xffff, v63  }
0x250: {  	[tilespmem:$0xC158] =	vst v13  }
0x251: {  	v13 =	vld.idx.msk [tilespmem:v10+s2+$0x0], $0xffff;
	_ =	sdelay $0x4  }
0x252: {  	p1 =	seq.s32 s3, $0x31;
	v13 =	vshra.s32 v13, v11  }
0x253: {  	s1 =	sadd.s32 @!p1 s6, s9;
	v13 =	vand.u32 $0x1F, v13  }
0x254: {  	s1 =	sshrl.u32 @!p1 s1, $0x3;
	v12 =	vadd.s32 v12, v13  }
0x255: {  	s7 =	simm.s32 @!p1 $0x0;
	s14 =	simm.s32 @!p1 $0x1EE18;
	s1 =	sadd.s32 @!p1 s5, s1;
	[tilespmem:$0xC098] =	vst v12  }
0x256: {  	[tilespmem:s14], [sflag:$0x1] =	stream.linear.gather @!p1 [hbm4b:s1+s7], $0x100, $0x38;
	[tilespmem:$0x1F018] =	vst v63  }
0x257: {  	v12 =	vld [tilespmem:$0xC098];
	_ =	sdelay $0x4  }
0x258: {  	(v2sf) =	vpush v12, $0x0;
	_ =	sdelay $0xe  }
0x259: {  	s14 =	spop (v2sf)  }
0x25a: {  	s7 =	sshra.s32 s14, $0x7  }
0x25b: {  	p2 =	sle.s32 s7, s12  }
.Ltmp4:
0x25c: {  	_ = 	snop;
	(pc) =	sbr.rel @p2 .LBB2_5-.Ltmp4, $1  }
0x25d: {  	_ =	sdelay $0x3  }
0x25e: {  	s14 =	ssub.s32 s7, s12  }
0x25f: {  	p2 =	sne.s32 s14, $0x1  }
.Ltmp5:
0x260: {  	_ = 	snop;
	(pc) =	sbr.rel @!p2 .LBB2_5-.Ltmp5, $4  }
0x261: {  	s1 =	sshll.u32 s12, $0x9  }
0x262: {  	s1 =	sshra.s32 s1, $0x2  }
0x263: {  	s12 =	sadd.s32 $0xFFFFFFFF, s14;
	s1 =	sadd.s32 $0xC218, s1  }
0x264: {  	[hbm4b:s0+s13] =	stream.indirect.scatter [tilespmem:s15], [sflag:$0x3], $0x80, s1, s13, $0xb8;
	[tilespmem:$0x1F018] =	vst v63  }
.LBB2_4:
0x265: {  	p2 =	sne.s32 s12, $0x1  }
.Ltmp6:
0x266: {  	_ = 	snop;
	(pc) =	sbr.rel @p2 .LBB2_4-.Ltmp6, $3  }
0x267: {  	_ = 	snop  }
0x268: {  	s12 =	sadd.s32 $0xFFFFFFFF, s12;
	s1 =	sadd.s32 $0x80, s1;
	_ =	sdelay $0x1  }
0x269: {  	[hbm4b:s0+s13] =	stream.indirect.scatter [tilespmem:s15], [sflag:$0x3], $0x80, s1, s13, $0xb8;
	[tilespmem:$0x1F018] =	vst v63  }
.LBB2_5:
0x26a: {  	v12 =	vld [tilespmem:$0xC098];
	_ =	sdelay $0x4  }
0x26b: {  	(v2sf) =	vpush v12, $0x1;
	_ =	sdelay $0xe  }
0x26c: {  	s1 =	spop (v2sf)  }
0x26d: {  	s1 =	sadd.s32 $0xFFFF9C00, s1  }
0x26e: {  	s1 =	sshra.s32 s1, $0x7  }
0x26f: {  	p2 =	sle.s32 s1, s11  }
.Ltmp7:
0x270: {  	_ = 	snop;
	(pc) =	sbr.rel @p2 .LBB2_8-.Ltmp7, $1  }
0x271: {  	_ =	sdelay $0x3  }
0x272: {  	s14 =	ssub.s32 s1, s11  }
0x273: {  	p2 =	sne.s32 s14, $0x1  }
.Ltmp8:
0x274: {  	_ = 	snop;
	(pc) =	sbr.rel @!p2 .LBB2_8-.Ltmp8, $4  }
0x275: {  	s12 =	sshll.u32 s11, $0x9  }
0x276: {  	s12 =	sshra.s32 s12, $0x2  }
0x277: {  	s11 =	sadd.s32 $0x12618, s12;
	s12 =	sadd.s32 $0xFFFFFFFF, s14  }
0x278: {  	[hbm4b:s0+s13] =	stream.indirect.scatter [tilespmem:s17], [sflag:$0x4], $0x80, s11, s13, $0xb8;
	[tilespmem:$0x1F018] =	vst v63  }
.LBB2_7:
0x279: {  	p2 =	sne.s32 s12, $0x1  }
.Ltmp9:
0x27a: {  	_ = 	snop;
	(pc) =	sbr.rel @p2 .LBB2_7-.Ltmp9, $3  }
0x27b: {  	_ = 	snop  }
0x27c: {  	s12 =	sadd.s32 $0xFFFFFFFF, s12;
	s11 =	sadd.s32 $0x80, s11;
	_ =	sdelay $0x1  }
0x27d: {  	[hbm4b:s0+s13] =	stream.indirect.scatter [tilespmem:s17], [sflag:$0x4], $0x80, s11, s13, $0xb8;
	[tilespmem:$0x1F018] =	vst v63  }
.LBB2_8:
0x27e: {  	v12 =	vld [tilespmem:$0xC098];
	_ =	sdelay $0x4  }
0x27f: {  	(v2sf) =	vpush v12, $0x2;
	_ =	sdelay $0xe  }
0x280: {  	s11 =	spop (v2sf)  }
0x281: {  	s11 =	sadd.s32 $0xFFFF3800, s11  }
0x282: {  	s14 =	sshra.s32 s11, $0x7  }
0x283: {  	p2 =	sle.s32 s14, s8  }
.Ltmp10:
0x284: {  	_ = 	snop;
	(pc) =	sbr.rel @p2 .LBB2_11-.Ltmp10, $1  }
0x285: {  	_ =	sdelay $0x3  }
0x286: {  	s12 =	ssub.s32 s14, s8  }
0x287: {  	p2 =	sne.s32 s12, $0x1  }
.Ltmp11:
0x288: {  	_ = 	snop;
	(pc) =	sbr.rel @!p2 .LBB2_11-.Ltmp11, $4  }
0x289: {  	s11 =	sshll.u32 s8, $0x9  }
0x28a: {  	s11 =	sshra.s32 s11, $0x2  }
0x28b: {  	s8 =	sadd.s32 $0x18A18, s11;
	s11 =	sadd.s32 $0xFFFFFFFF, s12  }
0x28c: {  	[hbm4b:s0+s13] =	stream.indirect.scatter [tilespmem:s19], [sflag:$0x5], $0x80, s8, s13, $0xb8;
	[tilespmem:$0x1F018] =	vst v63  }
.LBB2_10:
0x28d: {  	p2 =	sne.s32 s11, $0x1  }
.Ltmp12:
0x28e: {  	_ = 	snop;
	(pc) =	sbr.rel @p2 .LBB2_10-.Ltmp12, $3  }
0x28f: {  	_ = 	snop  }
0x290: {  	s11 =	sadd.s32 $0xFFFFFFFF, s11;
	s8 =	sadd.s32 $0x80, s8;
	_ =	sdelay $0x1  }
0x291: {  	[hbm4b:s0+s13] =	stream.indirect.scatter [tilespmem:s19], [sflag:$0x5], $0x80, s8, s13, $0xb8;
	[tilespmem:$0x1F018] =	vst v63  }
.LBB2_11:
0x292: {  	_ =	swait.ge [sflag:s21], $0x100  }
0x293: {  	[sflag:s21] =	ssyncset.done $0x0  }
0x294: {  	[sflag:s21] =	ssyncadd.s32 $0xFFFFFF00  }
0x295: {  	v12 =	vld [tilespmem:$0x1EF18];
	_ =	sdelay $0x7  }
0x296: {  	v13 =	vld.idx.msk [tilespmem:v12+s24+$0x0], $0xffff;
	_ =	sdelay $0x4  }
0x297: {  	[tilespmem:$0xC118] =	vst v13  }
0x298: {  	v14 =	vld.idx.msk [tilespmem:v6+s25+$0x0], $0xffff;
	_ =	sdelay $0x3  }
0x299: {  	vm3 =	veq.s32 v3, $0x0  }
0x29a: {  	v14 =	vsel vm3, $0x0, v14  }
0x29b: {  	v13 =	vadd.s32 v13, v14  }
0x29c: {  	[tilespmem:$0xC128] =	vst v13  }
0x29d: {  	v58 =	vld.idx.msk [tilespmem:v7+s26+$0x0], $0xffff;
	_ =	sdelay $0x4  }
0x29e: {  	v14 =	vsel vm0, $0x0, v58  }
0x29f: {  	v13 =	vadd.s32 v13, v14  }
0x2a0: {  	[tilespmem:$0xC138] =	vst v13  }
0x2a1: {  	v59 =	vld.idx.msk [tilespmem:v8+s28+$0x0], $0xffff;
	_ =	sdelay $0x4  }
0x2a2: {  	v14 =	vsel vm1, $0x0, v59  }
0x2a3: {  	v13 =	vadd.s32 v13, v14  }
0x2a4: {  	[tilespmem:$0xC148] =	vst v13  }
0x2a5: {  	v60 =	vld.idx.msk [tilespmem:v9+s29+$0x0], $0xffff;
	_ =	sdelay $0x3  }
0x2a6: {  	v15 =	vld.idx.msk [tilespmem:v12+s30+$0x0], $0xffff  }
0x2a7: {  	v12 =	vmul.u32 $0x5, v12;
	v14 =	vsel vm2, $0x0, v60  }
0x2a8: {  	v13 =	vadd.s32 v13, v14  }
0x2a9: {  	v12 =	vshra.s32 v13, v12  }
0x2aa: {  	v12 =	vand.u32 $0x1F, v12  }
0x2ab: {  	v12 =	vadd.s32 v12, v15  }
0x2ac: {  	v12 =	vadd.s32 $0xFFFFFFFF, v12;
	_ =	sdelay $0x1  }
0x2ad: {  	s8 =	sadd.s32 s6, s4  }
0x2ae: {  	s11 =	sadd.s32 $0x100, s8  }
0x2af: {  	v62 =	vor.u32 s11, v3  }
0x2b0: {  	v61 =	vld [tilespmem:$0xC098];
	[tilespmem:v12+s31+$0x0] =	vst.idx.msk $0xffff, v62  }
0x2b1: {  	[tilespmem:$0xC158] =	vst v13  }
0x2b2: {  	v12 =	vld.idx.msk [tilespmem:v10+s2+$0x0], $0xffff  }
0x2b3: {  	v63 =	vld [tilespmem:$0x1EF28];
	_ =	sdelay $0x3  }
0x2b4: {  	v12 =	vshra.s32 v12, v11  }
0x2b5: {  	v12 =	vand.u32 $0x1F, v12  }
0x2b6: {  	v12 =	vadd.s32 v61, v12  }
0x2b7: {  	[tilespmem:$0xC098] =	vst v12  }
0x2b8: {  	v18 =	vld.idx.msk [tilespmem:v63+s24+$0x0], $0xffff;
	_ =	sdelay $0x4  }
0x2b9: {  	[tilespmem:$0xC118] =	vst v18  }
0x2ba: {  	v15 =	vld.idx.msk [tilespmem:v6+s25+$0x0], $0xffff;
	_ =	sdelay $0x4  }
0x2bb: {  	v15 =	vsel vm3, $0x0, v15  }
0x2bc: {  	v14 =	vadd.s32 v18, v15  }
0x2bd: {  	[tilespmem:$0xC128] =	vst v14  }
0x2be: {  	v19 =	vld.idx.msk [tilespmem:v7+s26+$0x0], $0xffff;
	_ =	sdelay $0x4  }
0x2bf: {  	v15 =	vsel vm0, $0x0, v19  }
0x2c0: {  	v14 =	vadd.s32 v14, v15  }
0x2c1: {  	[tilespmem:$0xC138] =	vst v14  }
0x2c2: {  	v20 =	vld.idx.msk [tilespmem:v8+s28+$0x0], $0xffff;
	_ =	sdelay $0x4  }
0x2c3: {  	v15 =	vsel vm1, $0x0, v20  }
0x2c4: {  	v14 =	vadd.s32 v14, v15  }
0x2c5: {  	[tilespmem:$0xC148] =	vst v14  }
0x2c6: {  	v21 =	vld.idx.msk [tilespmem:v9+s29+$0x0], $0xffff;
	_ =	sdelay $0x3  }
0x2c7: {  	v16 =	vld.idx.msk [tilespmem:v63+s30+$0x0], $0xffff  }
0x2c8: {  	v13 =	vmul.u32 $0x5, v63;
	v15 =	vsel vm2, $0x0, v21  }
0x2c9: {  	v14 =	vadd.s32 v14, v15  }
0x2ca: {  	v13 =	vshra.s32 v14, v13  }
0x2cb: {  	v13 =	vand.u32 $0x1F, v13  }
0x2cc: {  	v13 =	vadd.s32 v13, v16  }
0x2cd: {  	v13 =	vadd.s32 $0xFFFFFFFF, v13;
	_ =	sdelay $0x2  }
0x2ce: {  	s12 =	sadd.s32 $0x110, s8  }
0x2cf: {  	v22 =	vor.u32 s12, v3  }
0x2d0: {  	[tilespmem:v13+s31+$0x0] =	vst.idx.msk $0xffff, v22  }
0x2d1: {  	[tilespmem:$0xC158] =	vst v14  }
0x2d2: {  	v13 =	vld.idx.msk [tilespmem:v10+s2+$0x0], $0xffff  }
0x2d3: {  	v23 =	vld [tilespmem:$0x1EF38];
	_ =	sdelay $0x3  }
0x2d4: {  	v13 =	vshra.s32 v13, v11  }
0x2d5: {  	v13 =	vand.u32 $0x1F, v13  }
0x2d6: {  	v12 =	vadd.s32 v12, v13  }
0x2d7: {  	[tilespmem:$0xC098] =	vst v12  }
0x2d8: {  	v24 =	vld.idx.msk [tilespmem:v23+s24+$0x0], $0xffff;
	_ =	sdelay $0x4  }
0x2d9: {  	[tilespmem:$0xC118] =	vst v24  }
0x2da: {  	v15 =	vld.idx.msk [tilespmem:v6+s25+$0x0], $0xffff;
	_ =	sdelay $0x4  }
0x2db: {  	v15 =	vsel vm3, $0x0, v15  }
0x2dc: {  	v13 =	vadd.s32 v24, v15  }
0x2dd: {  	[tilespmem:$0xC128] =	vst v13  }
0x2de: {  	v25 =	vld.idx.msk [tilespmem:v7+s26+$0x0], $0xffff;
	_ =	sdelay $0x4  }
0x2df: {  	v15 =	vsel vm0, $0x0, v25  }
0x2e0: {  	v13 =	vadd.s32 v13, v15  }
0x2e1: {  	[tilespmem:$0xC138] =	vst v13  }
0x2e2: {  	v26 =	vld.idx.msk [tilespmem:v8+s28+$0x0], $0xffff;
	_ =	sdelay $0x4  }
0x2e3: {  	v15 =	vsel vm1, $0x0, v26  }
0x2e4: {  	v13 =	vadd.s32 v13, v15  }
0x2e5: {  	[tilespmem:$0xC148] =	vst v13  }
0x2e6: {  	v27 =	vld.idx.msk [tilespmem:v9+s29+$0x0], $0xffff;
	_ =	sdelay $0x3  }
0x2e7: {  	v28 =	vld.idx.msk [tilespmem:v23+s30+$0x0], $0xffff  }
0x2e8: {  	v14 =	vmul.u32 $0x5, v23;
	v15 =	vsel vm2, $0x0, v27  }
0x2e9: {  	v13 =	vadd.s32 v13, v15  }
0x2ea: {  	v14 =	vshra.s32 v13, v14  }
0x2eb: {  	v14 =	vand.u32 $0x1F, v14  }
0x2ec: {  	v14 =	vadd.s32 v14, v28  }
0x2ed: {  	v14 =	vadd.s32 $0xFFFFFFFF, v14;
	_ =	sdelay $0x2  }
0x2ee: {  	s12 =	sadd.s32 $0x120, s8  }
0x2ef: {  	v29 =	vor.u32 s12, v3  }
0x2f0: {  	[tilespmem:v14+s31+$0x0] =	vst.idx.msk $0xffff, v29  }
0x2f1: {  	[tilespmem:$0xC158] =	vst v13  }
0x2f2: {  	v13 =	vld.idx.msk [tilespmem:v10+s2+$0x0], $0xffff  }
0x2f3: {  	v14 =	vld [tilespmem:$0x1EF48];
	_ =	sdelay $0x3  }
0x2f4: {  	v13 =	vshra.s32 v13, v11  }
0x2f5: {  	v13 =	vand.u32 $0x1F, v13  }
0x2f6: {  	v12 =	vadd.s32 v12, v13  }
0x2f7: {  	[tilespmem:$0xC098] =	vst v12  }
0x2f8: {  	v30 =	vld.idx.msk [tilespmem:v14+s24+$0x0], $0xffff;
	_ =	sdelay $0x4  }
0x2f9: {  	[tilespmem:$0xC118] =	vst v30  }
0x2fa: {  	v15 =	vld.idx.msk [tilespmem:v6+s25+$0x0], $0xffff;
	_ =	sdelay $0x4  }
0x2fb: {  	v15 =	vsel vm3, $0x0, v15  }
0x2fc: {  	v13 =	vadd.s32 v30, v15  }
0x2fd: {  	[tilespmem:$0xC128] =	vst v13  }
0x2fe: {  	v31 =	vld.idx.msk [tilespmem:v7+s26+$0x0], $0xffff;
	_ =	sdelay $0x4  }
0x2ff: {  	v15 =	vsel vm0, $0x0, v31  }
0x300: {  	v13 =	vadd.s32 v13, v15  }
0x301: {  	[tilespmem:$0xC138] =	vst v13  }
0x302: {  	v32 =	vld.idx.msk [tilespmem:v8+s28+$0x0], $0xffff;
	_ =	sdelay $0x4  }
0x303: {  	v15 =	vsel vm1, $0x0, v32  }
0x304: {  	v13 =	vadd.s32 v13, v15  }
0x305: {  	[tilespmem:$0xC148] =	vst v13  }
0x306: {  	v33 =	vld.idx.msk [tilespmem:v9+s29+$0x0], $0xffff;
	_ =	sdelay $0x3  }
0x307: {  	v34 =	vld.idx.msk [tilespmem:v14+s30+$0x0], $0xffff  }
0x308: {  	v14 =	vmul.u32 $0x5, v14;
	v15 =	vsel vm2, $0x0, v33  }
0x309: {  	v13 =	vadd.s32 v13, v15  }
0x30a: {  	v14 =	vshra.s32 v13, v14  }
0x30b: {  	v14 =	vand.u32 $0x1F, v14  }
0x30c: {  	v14 =	vadd.s32 v14, v34  }
0x30d: {  	v14 =	vadd.s32 $0xFFFFFFFF, v14;
	_ =	sdelay $0x2  }
0x30e: {  	s12 =	sadd.s32 $0x130, s8  }
0x30f: {  	v35 =	vor.u32 s12, v3  }
0x310: {  	[tilespmem:v14+s31+$0x0] =	vst.idx.msk $0xffff, v35  }
0x311: {  	[tilespmem:$0xC158] =	vst v13  }
0x312: {  	v13 =	vld.idx.msk [tilespmem:v10+s2+$0x0], $0xffff  }
0x313: {  	v14 =	vld [tilespmem:$0x1EF58];
	_ =	sdelay $0x3  }
0x314: {  	v13 =	vshra.s32 v13, v11  }
0x315: {  	v13 =	vand.u32 $0x1F, v13  }
0x316: {  	v12 =	vadd.s32 v12, v13  }
0x317: {  	[tilespmem:$0xC098] =	vst v12  }
0x318: {  	v36 =	vld.idx.msk [tilespmem:v14+s24+$0x0], $0xffff;
	_ =	sdelay $0x4  }
0x319: {  	[tilespmem:$0xC118] =	vst v36  }
0x31a: {  	v15 =	vld.idx.msk [tilespmem:v6+s25+$0x0], $0xffff;
	_ =	sdelay $0x4  }
0x31b: {  	v15 =	vsel vm3, $0x0, v15  }
0x31c: {  	v13 =	vadd.s32 v36, v15  }
0x31d: {  	[tilespmem:$0xC128] =	vst v13  }
0x31e: {  	v37 =	vld.idx.msk [tilespmem:v7+s26+$0x0], $0xffff;
	_ =	sdelay $0x4  }
0x31f: {  	v15 =	vsel vm0, $0x0, v37  }
0x320: {  	v13 =	vadd.s32 v13, v15  }
0x321: {  	[tilespmem:$0xC138] =	vst v13  }
0x322: {  	v38 =	vld.idx.msk [tilespmem:v8+s28+$0x0], $0xffff;
	_ =	sdelay $0x4  }
0x323: {  	v15 =	vsel vm1, $0x0, v38  }
0x324: {  	v13 =	vadd.s32 v13, v15  }
0x325: {  	[tilespmem:$0xC148] =	vst v13  }
0x326: {  	v39 =	vld.idx.msk [tilespmem:v9+s29+$0x0], $0xffff;
	_ =	sdelay $0x3  }
0x327: {  	v40 =	vld.idx.msk [tilespmem:v14+s30+$0x0], $0xffff  }
0x328: {  	v14 =	vmul.u32 $0x5, v14;
	v15 =	vsel vm2, $0x0, v39  }
0x329: {  	v13 =	vadd.s32 v13, v15  }
0x32a: {  	v14 =	vshra.s32 v13, v14  }
0x32b: {  	v14 =	vand.u32 $0x1F, v14  }
0x32c: {  	v14 =	vadd.s32 v14, v40  }
0x32d: {  	v14 =	vadd.s32 $0xFFFFFFFF, v14;
	_ =	sdelay $0x2  }
0x32e: {  	s12 =	sadd.s32 $0x140, s8  }
0x32f: {  	v41 =	vor.u32 s12, v3  }
0x330: {  	[tilespmem:v14+s31+$0x0] =	vst.idx.msk $0xffff, v41  }
0x331: {  	[tilespmem:$0xC158] =	vst v13  }
0x332: {  	v13 =	vld.idx.msk [tilespmem:v10+s2+$0x0], $0xffff  }
0x333: {  	v14 =	vld [tilespmem:$0x1EF68];
	_ =	sdelay $0x3  }
0x334: {  	v13 =	vshra.s32 v13, v11  }
0x335: {  	v13 =	vand.u32 $0x1F, v13  }
0x336: {  	v12 =	vadd.s32 v12, v13  }
0x337: {  	[tilespmem:$0xC098] =	vst v12  }
0x338: {  	v42 =	vld.idx.msk [tilespmem:v14+s24+$0x0], $0xffff;
	_ =	sdelay $0x4  }
0x339: {  	[tilespmem:$0xC118] =	vst v42  }
0x33a: {  	v15 =	vld.idx.msk [tilespmem:v6+s25+$0x0], $0xffff;
	_ =	sdelay $0x4  }
0x33b: {  	v15 =	vsel vm3, $0x0, v15  }
0x33c: {  	v13 =	vadd.s32 v42, v15  }
0x33d: {  	[tilespmem:$0xC128] =	vst v13  }
0x33e: {  	v43 =	vld.idx.msk [tilespmem:v7+s26+$0x0], $0xffff;
	_ =	sdelay $0x4  }
0x33f: {  	v15 =	vsel vm0, $0x0, v43  }
0x340: {  	v13 =	vadd.s32 v13, v15  }
0x341: {  	[tilespmem:$0xC138] =	vst v13  }
0x342: {  	v44 =	vld.idx.msk [tilespmem:v8+s28+$0x0], $0xffff;
	_ =	sdelay $0x4  }
0x343: {  	v15 =	vsel vm1, $0x0, v44  }
0x344: {  	v13 =	vadd.s32 v13, v15  }
0x345: {  	[tilespmem:$0xC148] =	vst v13  }
0x346: {  	v45 =	vld.idx.msk [tilespmem:v9+s29+$0x0], $0xffff;
	_ =	sdelay $0x3  }
0x347: {  	v46 =	vld.idx.msk [tilespmem:v14+s30+$0x0], $0xffff  }
0x348: {  	v14 =	vmul.u32 $0x5, v14;
	v15 =	vsel vm2, $0x0, v45  }
0x349: {  	v13 =	vadd.s32 v13, v15  }
0x34a: {  	v14 =	vshra.s32 v13, v14  }
0x34b: {  	v14 =	vand.u32 $0x1F, v14  }
0x34c: {  	v14 =	vadd.s32 v14, v46  }
0x34d: {  	v14 =	vadd.s32 $0xFFFFFFFF, v14;
	_ =	sdelay $0x2  }
0x34e: {  	s12 =	sadd.s32 $0x150, s8  }
0x34f: {  	v47 =	vor.u32 s12, v3  }
0x350: {  	[tilespmem:v14+s31+$0x0] =	vst.idx.msk $0xffff, v47  }
0x351: {  	[tilespmem:$0xC158] =	vst v13  }
0x352: {  	v13 =	vld.idx.msk [tilespmem:v10+s2+$0x0], $0xffff  }
0x353: {  	v14 =	vld [tilespmem:$0x1EF78];
	_ =	sdelay $0x3  }
0x354: {  	v13 =	vshra.s32 v13, v11  }
0x355: {  	v13 =	vand.u32 $0x1F, v13  }
0x356: {  	v12 =	vadd.s32 v12, v13  }
0x357: {  	[tilespmem:$0xC098] =	vst v12  }
0x358: {  	v48 =	vld.idx.msk [tilespmem:v14+s24+$0x0], $0xffff;
	_ =	sdelay $0x4  }
0x359: {  	[tilespmem:$0xC118] =	vst v48  }
0x35a: {  	v15 =	vld.idx.msk [tilespmem:v6+s25+$0x0], $0xffff;
	_ =	sdelay $0x4  }
0x35b: {  	v15 =	vsel vm3, $0x0, v15  }
0x35c: {  	v13 =	vadd.s32 v48, v15  }
0x35d: {  	[tilespmem:$0xC128] =	vst v13  }
0x35e: {  	v49 =	vld.idx.msk [tilespmem:v7+s26+$0x0], $0xffff;
	_ =	sdelay $0x4  }
0x35f: {  	v15 =	vsel vm0, $0x0, v49  }
0x360: {  	v13 =	vadd.s32 v13, v15  }
0x361: {  	[tilespmem:$0xC138] =	vst v13  }
0x362: {  	v50 =	vld.idx.msk [tilespmem:v8+s28+$0x0], $0xffff;
	_ =	sdelay $0x4  }
0x363: {  	v15 =	vsel vm1, $0x0, v50  }
0x364: {  	v13 =	vadd.s32 v13, v15  }
0x365: {  	[tilespmem:$0xC148] =	vst v13  }
0x366: {  	v51 =	vld.idx.msk [tilespmem:v9+s29+$0x0], $0xffff;
	_ =	sdelay $0x3  }
0x367: {  	v52 =	vld.idx.msk [tilespmem:v14+s30+$0x0], $0xffff  }
0x368: {  	v14 =	vmul.u32 $0x5, v14;
	v15 =	vsel vm2, $0x0, v51  }
0x369: {  	v13 =	vadd.s32 v13, v15  }
0x36a: {  	v14 =	vshra.s32 v13, v14  }
0x36b: {  	v14 =	vand.u32 $0x1F, v14  }
0x36c: {  	v14 =	vadd.s32 v14, v52  }
0x36d: {  	v14 =	vadd.s32 $0xFFFFFFFF, v14;
	_ =	sdelay $0x2  }
0x36e: {  	s12 =	sadd.s32 $0x160, s8  }
0x36f: {  	v53 =	vor.u32 s12, v3  }
0x370: {  	[tilespmem:v14+s31+$0x0] =	vst.idx.msk $0xffff, v53  }
0x371: {  	[tilespmem:$0xC158] =	vst v13  }
0x372: {  	v13 =	vld.idx.msk [tilespmem:v10+s2+$0x0], $0xffff  }
0x373: {  	v14 =	vld [tilespmem:$0x1EF88];
	_ =	sdelay $0x3  }
0x374: {  	v13 =	vshra.s32 v13, v11  }
0x375: {  	v13 =	vand.u32 $0x1F, v13  }
0x376: {  	v12 =	vadd.s32 v12, v13  }
0x377: {  	[tilespmem:$0xC098] =	vst v12  }
0x378: {  	v54 =	vld.idx.msk [tilespmem:v14+s24+$0x0], $0xffff;
	_ =	sdelay $0x4  }
0x379: {  	[tilespmem:$0xC118] =	vst v54  }
0x37a: {  	v15 =	vld.idx.msk [tilespmem:v6+s25+$0x0], $0xffff;
	_ =	sdelay $0x4  }
0x37b: {  	v15 =	vsel vm3, $0x0, v15  }
0x37c: {  	v13 =	vadd.s32 v54, v15  }
0x37d: {  	[tilespmem:$0xC128] =	vst v13  }
0x37e: {  	v55 =	vld.idx.msk [tilespmem:v7+s26+$0x0], $0xffff;
	_ =	sdelay $0x4  }
0x37f: {  	v15 =	vsel vm0, $0x0, v55  }
0x380: {  	v13 =	vadd.s32 v13, v15  }
0x381: {  	[tilespmem:$0xC138] =	vst v13  }
0x382: {  	v56 =	vld.idx.msk [tilespmem:v8+s28+$0x0], $0xffff;
	_ =	sdelay $0x4  }
0x383: {  	v15 =	vsel vm1, $0x0, v56  }
0x384: {  	v13 =	vadd.s32 v13, v15  }
0x385: {  	[tilespmem:$0xC148] =	vst v13  }
0x386: {  	v57 =	vld.idx.msk [tilespmem:v9+s29+$0x0], $0xffff;
	_ =	sdelay $0x3  }
0x387: {  	v58 =	vld.idx.msk [tilespmem:v14+s30+$0x0], $0xffff  }
0x388: {  	v14 =	vmul.u32 $0x5, v14;
	v15 =	vsel vm2, $0x0, v57  }
0x389: {  	v13 =	vadd.s32 v13, v15  }
0x38a: {  	v14 =	vshra.s32 v13, v14  }
0x38b: {  	v14 =	vand.u32 $0x1F, v14  }
0x38c: {  	v14 =	vadd.s32 v14, v58  }
0x38d: {  	v14 =	vadd.s32 $0xFFFFFFFF, v14;
	_ =	sdelay $0x2  }
0x38e: {  	s12 =	sadd.s32 $0x170, s8  }
0x38f: {  	v59 =	vor.u32 s12, v3  }
0x390: {  	[tilespmem:v14+s31+$0x0] =	vst.idx.msk $0xffff, v59  }
0x391: {  	[tilespmem:$0xC158] =	vst v13  }
0x392: {  	v13 =	vld.idx.msk [tilespmem:v10+s2+$0x0], $0xffff  }
0x393: {  	v14 =	vld [tilespmem:$0x1EF98];
	_ =	sdelay $0x3  }
0x394: {  	v13 =	vshra.s32 v13, v11  }
0x395: {  	v13 =	vand.u32 $0x1F, v13  }
0x396: {  	v12 =	vadd.s32 v12, v13  }
0x397: {  	[tilespmem:$0xC098] =	vst v12  }
0x398: {  	v60 =	vld.idx.msk [tilespmem:v14+s24+$0x0], $0xffff;
	_ =	sdelay $0x4  }
0x399: {  	[tilespmem:$0xC118] =	vst v60  }
0x39a: {  	v15 =	vld.idx.msk [tilespmem:v6+s25+$0x0], $0xffff;
	_ =	sdelay $0x4  }
0x39b: {  	v15 =	vsel vm3, $0x0, v15  }
0x39c: {  	v13 =	vadd.s32 v60, v15  }
0x39d: {  	[tilespmem:$0xC128] =	vst v13  }
0x39e: {  	v61 =	vld.idx.msk [tilespmem:v7+s26+$0x0], $0xffff;
	_ =	sdelay $0x4  }
0x39f: {  	v15 =	vsel vm0, $0x0, v61  }
0x3a0: {  	v13 =	vadd.s32 v13, v15  }
0x3a1: {  	[tilespmem:$0xC138] =	vst v13  }
0x3a2: {  	v62 =	vld.idx.msk [tilespmem:v8+s28+$0x0], $0xffff;
	_ =	sdelay $0x4  }
0x3a3: {  	v15 =	vsel vm1, $0x0, v62  }
0x3a4: {  	v13 =	vadd.s32 v13, v15  }
0x3a5: {  	[tilespmem:$0xC148] =	vst v13  }
0x3a6: {  	v63 =	vld.idx.msk [tilespmem:v9+s29+$0x0], $0xffff;
	_ =	sdelay $0x3  }
0x3a7: {  	v20 =	vld.idx.msk [tilespmem:v14+s30+$0x0], $0xffff  }
0x3a8: {  	v14 =	vmul.u32 $0x5, v14;
	v15 =	vsel vm2, $0x0, v63  }
0x3a9: {  	v13 =	vadd.s32 v13, v15  }
0x3aa: {  	v14 =	vshra.s32 v13, v14  }
0x3ab: {  	v14 =	vand.u32 $0x1F, v14  }
0x3ac: {  	v14 =	vadd.s32 v14, v20  }
0x3ad: {  	v14 =	vadd.s32 $0xFFFFFFFF, v14;
	_ =	sdelay $0x2  }
0x3ae: {  	s12 =	sadd.s32 $0x180, s8  }
0x3af: {  	v21 =	vor.u32 s12, v3  }
0x3b0: {  	[tilespmem:v14+s31+$0x0] =	vst.idx.msk $0xffff, v21  }
0x3b1: {  	[tilespmem:$0xC158] =	vst v13  }
0x3b2: {  	v13 =	vld.idx.msk [tilespmem:v10+s2+$0x0], $0xffff  }
0x3b3: {  	v14 =	vld [tilespmem:$0x1EFA8];
	_ =	sdelay $0x3  }
0x3b4: {  	v13 =	vshra.s32 v13, v11  }
0x3b5: {  	v13 =	vand.u32 $0x1F, v13  }
0x3b6: {  	v12 =	vadd.s32 v12, v13  }
0x3b7: {  	[tilespmem:$0xC098] =	vst v12  }
0x3b8: {  	v22 =	vld.idx.msk [tilespmem:v14+s24+$0x0], $0xffff;
	_ =	sdelay $0x4  }
0x3b9: {  	[tilespmem:$0xC118] =	vst v22  }
0x3ba: {  	v15 =	vld.idx.msk [tilespmem:v6+s25+$0x0], $0xffff;
	_ =	sdelay $0x4  }
0x3bb: {  	v15 =	vsel vm3, $0x0, v15  }
0x3bc: {  	v13 =	vadd.s32 v22, v15  }
0x3bd: {  	[tilespmem:$0xC128] =	vst v13  }
0x3be: {  	v23 =	vld.idx.msk [tilespmem:v7+s26+$0x0], $0xffff;
	_ =	sdelay $0x4  }
0x3bf: {  	v15 =	vsel vm0, $0x0, v23  }
0x3c0: {  	v13 =	vadd.s32 v13, v15  }
0x3c1: {  	[tilespmem:$0xC138] =	vst v13  }
0x3c2: {  	v24 =	vld.idx.msk [tilespmem:v8+s28+$0x0], $0xffff;
	_ =	sdelay $0x4  }
0x3c3: {  	v15 =	vsel vm1, $0x0, v24  }
0x3c4: {  	v13 =	vadd.s32 v13, v15  }
0x3c5: {  	[tilespmem:$0xC148] =	vst v13  }
0x3c6: {  	v25 =	vld.idx.msk [tilespmem:v9+s29+$0x0], $0xffff;
	_ =	sdelay $0x3  }
0x3c7: {  	v26 =	vld.idx.msk [tilespmem:v14+s30+$0x0], $0xffff  }
0x3c8: {  	v14 =	vmul.u32 $0x5, v14;
	v15 =	vsel vm2, $0x0, v25  }
0x3c9: {  	v13 =	vadd.s32 v13, v15  }
0x3ca: {  	v14 =	vshra.s32 v13, v14  }
0x3cb: {  	v14 =	vand.u32 $0x1F, v14  }
0x3cc: {  	v14 =	vadd.s32 v14, v26  }
0x3cd: {  	v14 =	vadd.s32 $0xFFFFFFFF, v14;
	_ =	sdelay $0x2  }
0x3ce: {  	s12 =	sadd.s32 $0x190, s8  }
0x3cf: {  	v27 =	vor.u32 s12, v3  }
0x3d0: {  	[tilespmem:v14+s31+$0x0] =	vst.idx.msk $0xffff, v27  }
0x3d1: {  	[tilespmem:$0xC158] =	vst v13  }
0x3d2: {  	v13 =	vld.idx.msk [tilespmem:v10+s2+$0x0], $0xffff  }
0x3d3: {  	v14 =	vld [tilespmem:$0x1EFB8];
	_ =	sdelay $0x3  }
0x3d4: {  	v13 =	vshra.s32 v13, v11  }
0x3d5: {  	v13 =	vand.u32 $0x1F, v13  }
0x3d6: {  	v12 =	vadd.s32 v12, v13  }
0x3d7: {  	[tilespmem:$0xC098] =	vst v12  }
0x3d8: {  	v28 =	vld.idx.msk [tilespmem:v14+s24+$0x0], $0xffff;
	_ =	sdelay $0x4  }
0x3d9: {  	[tilespmem:$0xC118] =	vst v28  }
0x3da: {  	v15 =	vld.idx.msk [tilespmem:v6+s25+$0x0], $0xffff;
	_ =	sdelay $0x4  }
0x3db: {  	v15 =	vsel vm3, $0x0, v15  }
0x3dc: {  	v13 =	vadd.s32 v28, v15  }
0x3dd: {  	[tilespmem:$0xC128] =	vst v13  }
0x3de: {  	v29 =	vld.idx.msk [tilespmem:v7+s26+$0x0], $0xffff;
	_ =	sdelay $0x4  }
0x3df: {  	v15 =	vsel vm0, $0x0, v29  }
0x3e0: {  	v13 =	vadd.s32 v13, v15  }
0x3e1: {  	[tilespmem:$0xC138] =	vst v13  }
0x3e2: {  	v30 =	vld.idx.msk [tilespmem:v8+s28+$0x0], $0xffff;
	_ =	sdelay $0x4  }
0x3e3: {  	v15 =	vsel vm1, $0x0, v30  }
0x3e4: {  	v13 =	vadd.s32 v13, v15  }
0x3e5: {  	[tilespmem:$0xC148] =	vst v13  }
0x3e6: {  	v31 =	vld.idx.msk [tilespmem:v9+s29+$0x0], $0xffff;
	_ =	sdelay $0x3  }
0x3e7: {  	v32 =	vld.idx.msk [tilespmem:v14+s30+$0x0], $0xffff  }
0x3e8: {  	v14 =	vmul.u32 $0x5, v14;
	v15 =	vsel vm2, $0x0, v31  }
0x3e9: {  	v13 =	vadd.s32 v13, v15  }
0x3ea: {  	v14 =	vshra.s32 v13, v14  }
0x3eb: {  	v14 =	vand.u32 $0x1F, v14  }
0x3ec: {  	v14 =	vadd.s32 v14, v32  }
0x3ed: {  	v14 =	vadd.s32 $0xFFFFFFFF, v14;
	_ =	sdelay $0x2  }
0x3ee: {  	s12 =	sadd.s32 $0x1A0, s8  }
0x3ef: {  	v33 =	vor.u32 s12, v3  }
0x3f0: {  	[tilespmem:v14+s31+$0x0] =	vst.idx.msk $0xffff, v33  }
0x3f1: {  	[tilespmem:$0xC158] =	vst v13  }
0x3f2: {  	v13 =	vld.idx.msk [tilespmem:v10+s2+$0x0], $0xffff  }
0x3f3: {  	v14 =	vld [tilespmem:$0x1EFC8];
	_ =	sdelay $0x3  }
0x3f4: {  	v13 =	vshra.s32 v13, v11  }
0x3f5: {  	v13 =	vand.u32 $0x1F, v13  }
0x3f6: {  	v12 =	vadd.s32 v12, v13  }
0x3f7: {  	[tilespmem:$0xC098] =	vst v12  }
0x3f8: {  	v34 =	vld.idx.msk [tilespmem:v14+s24+$0x0], $0xffff;
	_ =	sdelay $0x4  }
0x3f9: {  	[tilespmem:$0xC118] =	vst v34  }
0x3fa: {  	v15 =	vld.idx.msk [tilespmem:v6+s25+$0x0], $0xffff;
	_ =	sdelay $0x4  }
0x3fb: {  	v15 =	vsel vm3, $0x0, v15  }
0x3fc: {  	v13 =	vadd.s32 v34, v15  }
0x3fd: {  	[tilespmem:$0xC128] =	vst v13  }
0x3fe: {  	v35 =	vld.idx.msk [tilespmem:v7+s26+$0x0], $0xffff;
	_ =	sdelay $0x4  }
0x3ff: {  	v15 =	vsel vm0, $0x0, v35  }
0x400: {  	v13 =	vadd.s32 v13, v15  }
0x401: {  	[tilespmem:$0xC138] =	vst v13  }
0x402: {  	v36 =	vld.idx.msk [tilespmem:v8+s28+$0x0], $0xffff;
	_ =	sdelay $0x4  }
0x403: {  	v15 =	vsel vm1, $0x0, v36  }
0x404: {  	v13 =	vadd.s32 v13, v15  }
0x405: {  	[tilespmem:$0xC148] =	vst v13  }
0x406: {  	v37 =	vld.idx.msk [tilespmem:v9+s29+$0x0], $0xffff;
	_ =	sdelay $0x3  }
0x407: {  	v38 =	vld.idx.msk [tilespmem:v14+s30+$0x0], $0xffff  }
0x408: {  	v14 =	vmul.u32 $0x5, v14;
	v15 =	vsel vm2, $0x0, v37  }
0x409: {  	v13 =	vadd.s32 v13, v15  }
0x40a: {  	v14 =	vshra.s32 v13, v14  }
0x40b: {  	v14 =	vand.u32 $0x1F, v14  }
0x40c: {  	v14 =	vadd.s32 v14, v38  }
0x40d: {  	v14 =	vadd.s32 $0xFFFFFFFF, v14;
	_ =	sdelay $0x2  }
0x40e: {  	s12 =	sadd.s32 $0x1B0, s8  }
0x40f: {  	v39 =	vor.u32 s12, v3  }
0x410: {  	[tilespmem:v14+s31+$0x0] =	vst.idx.msk $0xffff, v39  }
0x411: {  	[tilespmem:$0xC158] =	vst v13  }
0x412: {  	v13 =	vld.idx.msk [tilespmem:v10+s2+$0x0], $0xffff  }
0x413: {  	v14 =	vld [tilespmem:$0x1EFD8];
	_ =	sdelay $0x3  }
0x414: {  	v13 =	vshra.s32 v13, v11  }
0x415: {  	v13 =	vand.u32 $0x1F, v13  }
0x416: {  	v12 =	vadd.s32 v12, v13  }
0x417: {  	[tilespmem:$0xC098] =	vst v12  }
0x418: {  	v40 =	vld.idx.msk [tilespmem:v14+s24+$0x0], $0xffff;
	_ =	sdelay $0x4  }
0x419: {  	[tilespmem:$0xC118] =	vst v40  }
0x41a: {  	v15 =	vld.idx.msk [tilespmem:v6+s25+$0x0], $0xffff;
	_ =	sdelay $0x4  }
0x41b: {  	v15 =	vsel vm3, $0x0, v15  }
0x41c: {  	v13 =	vadd.s32 v40, v15  }
0x41d: {  	[tilespmem:$0xC128] =	vst v13  }
0x41e: {  	v41 =	vld.idx.msk [tilespmem:v7+s26+$0x0], $0xffff;
	_ =	sdelay $0x4  }
0x41f: {  	v15 =	vsel vm0, $0x0, v41  }
0x420: {  	v13 =	vadd.s32 v13, v15  }
0x421: {  	[tilespmem:$0xC138] =	vst v13  }
0x422: {  	v42 =	vld.idx.msk [tilespmem:v8+s28+$0x0], $0xffff;
	_ =	sdelay $0x4  }
0x423: {  	v15 =	vsel vm1, $0x0, v42  }
0x424: {  	v13 =	vadd.s32 v13, v15  }
0x425: {  	[tilespmem:$0xC148] =	vst v13  }
0x426: {  	v43 =	vld.idx.msk [tilespmem:v9+s29+$0x0], $0xffff;
	_ =	sdelay $0x3  }
0x427: {  	v44 =	vld.idx.msk [tilespmem:v14+s30+$0x0], $0xffff  }
0x428: {  	v14 =	vmul.u32 $0x5, v14;
	v15 =	vsel vm2, $0x0, v43  }
0x429: {  	v13 =	vadd.s32 v13, v15  }
0x42a: {  	v14 =	vshra.s32 v13, v14  }
0x42b: {  	v14 =	vand.u32 $0x1F, v14  }
0x42c: {  	v14 =	vadd.s32 v14, v44  }
0x42d: {  	v14 =	vadd.s32 $0xFFFFFFFF, v14;
	_ =	sdelay $0x2  }
0x42e: {  	s12 =	sadd.s32 $0x1C0, s8  }
0x42f: {  	v45 =	vor.u32 s12, v3  }
0x430: {  	[tilespmem:v14+s31+$0x0] =	vst.idx.msk $0xffff, v45  }
0x431: {  	[tilespmem:$0xC158] =	vst v13  }
0x432: {  	v13 =	vld.idx.msk [tilespmem:v10+s2+$0x0], $0xffff  }
0x433: {  	v14 =	vld [tilespmem:$0x1EFE8];
	_ =	sdelay $0x3  }
0x434: {  	v13 =	vshra.s32 v13, v11  }
0x435: {  	v13 =	vand.u32 $0x1F, v13  }
0x436: {  	v12 =	vadd.s32 v12, v13  }
0x437: {  	[tilespmem:$0xC098] =	vst v12  }
0x438: {  	v46 =	vld.idx.msk [tilespmem:v14+s24+$0x0], $0xffff;
	_ =	sdelay $0x4  }
0x439: {  	[tilespmem:$0xC118] =	vst v46  }
0x43a: {  	v15 =	vld.idx.msk [tilespmem:v6+s25+$0x0], $0xffff;
	_ =	sdelay $0x4  }
0x43b: {  	v15 =	vsel vm3, $0x0, v15  }
0x43c: {  	v13 =	vadd.s32 v46, v15  }
0x43d: {  	[tilespmem:$0xC128] =	vst v13  }
0x43e: {  	v47 =	vld.idx.msk [tilespmem:v7+s26+$0x0], $0xffff;
	_ =	sdelay $0x4  }
0x43f: {  	v15 =	vsel vm0, $0x0, v47  }
0x440: {  	v13 =	vadd.s32 v13, v15  }
0x441: {  	[tilespmem:$0xC138] =	vst v13  }
0x442: {  	v48 =	vld.idx.msk [tilespmem:v8+s28+$0x0], $0xffff;
	_ =	sdelay $0x4  }
0x443: {  	v15 =	vsel vm1, $0x0, v48  }
0x444: {  	v13 =	vadd.s32 v13, v15  }
0x445: {  	[tilespmem:$0xC148] =	vst v13  }
0x446: {  	v49 =	vld.idx.msk [tilespmem:v9+s29+$0x0], $0xffff;
	_ =	sdelay $0x3  }
0x447: {  	v50 =	vld.idx.msk [tilespmem:v14+s30+$0x0], $0xffff  }
0x448: {  	v14 =	vmul.u32 $0x5, v14;
	v15 =	vsel vm2, $0x0, v49  }
0x449: {  	v13 =	vadd.s32 v13, v15  }
0x44a: {  	v14 =	vshra.s32 v13, v14  }
0x44b: {  	v14 =	vand.u32 $0x1F, v14  }
0x44c: {  	v14 =	vadd.s32 v14, v50  }
0x44d: {  	v14 =	vadd.s32 $0xFFFFFFFF, v14;
	_ =	sdelay $0x2  }
0x44e: {  	s12 =	sadd.s32 $0x1D0, s8  }
0x44f: {  	v51 =	vor.u32 s12, v3  }
0x450: {  	[tilespmem:v14+s31+$0x0] =	vst.idx.msk $0xffff, v51  }
0x451: {  	[tilespmem:$0xC158] =	vst v13  }
0x452: {  	v13 =	vld.idx.msk [tilespmem:v10+s2+$0x0], $0xffff  }
0x453: {  	v14 =	vld [tilespmem:$0x1EFF8];
	_ =	sdelay $0x3  }
0x454: {  	v13 =	vshra.s32 v13, v11  }
0x455: {  	v13 =	vand.u32 $0x1F, v13  }
0x456: {  	v12 =	vadd.s32 v12, v13  }
0x457: {  	[tilespmem:$0xC098] =	vst v12  }
0x458: {  	v52 =	vld.idx.msk [tilespmem:v14+s24+$0x0], $0xffff;
	_ =	sdelay $0x4  }
0x459: {  	[tilespmem:$0xC118] =	vst v52  }
0x45a: {  	v15 =	vld.idx.msk [tilespmem:v6+s25+$0x0], $0xffff;
	_ =	sdelay $0x4  }
0x45b: {  	v15 =	vsel vm3, $0x0, v15  }
0x45c: {  	v13 =	vadd.s32 v52, v15  }
0x45d: {  	[tilespmem:$0xC128] =	vst v13  }
0x45e: {  	v53 =	vld.idx.msk [tilespmem:v7+s26+$0x0], $0xffff;
	_ =	sdelay $0x4  }
0x45f: {  	v15 =	vsel vm0, $0x0, v53  }
0x460: {  	v13 =	vadd.s32 v13, v15  }
0x461: {  	[tilespmem:$0xC138] =	vst v13  }
0x462: {  	v54 =	vld.idx.msk [tilespmem:v8+s28+$0x0], $0xffff;
	_ =	sdelay $0x4  }
0x463: {  	v15 =	vsel vm1, $0x0, v54  }
0x464: {  	v13 =	vadd.s32 v13, v15  }
0x465: {  	[tilespmem:$0xC148] =	vst v13  }
0x466: {  	v55 =	vld.idx.msk [tilespmem:v9+s29+$0x0], $0xffff;
	_ =	sdelay $0x3  }
0x467: {  	v56 =	vld.idx.msk [tilespmem:v14+s30+$0x0], $0xffff  }
0x468: {  	v14 =	vmul.u32 $0x5, v14;
	v15 =	vsel vm2, $0x0, v55  }
0x469: {  	v13 =	vadd.s32 v13, v15  }
0x46a: {  	v14 =	vshra.s32 v13, v14  }
0x46b: {  	v14 =	vand.u32 $0x1F, v14  }
0x46c: {  	v14 =	vadd.s32 v14, v56  }
0x46d: {  	v14 =	vadd.s32 $0xFFFFFFFF, v14;
	_ =	sdelay $0x2  }
0x46e: {  	s12 =	sadd.s32 $0x1E0, s8  }
0x46f: {  	v57 =	vor.u32 s12, v3  }
0x470: {  	[tilespmem:v14+s31+$0x0] =	vst.idx.msk $0xffff, v57  }
0x471: {  	[tilespmem:$0xC158] =	vst v13  }
0x472: {  	v13 =	vld.idx.msk [tilespmem:v10+s2+$0x0], $0xffff  }
0x473: {  	v14 =	vld [tilespmem:$0x1F008];
	_ =	sdelay $0x3  }
0x474: {  	v13 =	vshra.s32 v13, v11  }
0x475: {  	v13 =	vand.u32 $0x1F, v13  }
0x476: {  	v12 =	vadd.s32 v12, v13  }
0x477: {  	[tilespmem:$0xC098] =	vst v12  }
0x478: {  	v58 =	vld.idx.msk [tilespmem:v14+s24+$0x0], $0xffff;
	_ =	sdelay $0x4  }
0x479: {  	[tilespmem:$0xC118] =	vst v58  }
0x47a: {  	v15 =	vld.idx.msk [tilespmem:v6+s25+$0x0], $0xffff;
	_ =	sdelay $0x4  }
0x47b: {  	v15 =	vsel vm3, $0x0, v15  }
0x47c: {  	v13 =	vadd.s32 v58, v15  }
0x47d: {  	[tilespmem:$0xC128] =	vst v13  }
0x47e: {  	v59 =	vld.idx.msk [tilespmem:v7+s26+$0x0], $0xffff;
	_ =	sdelay $0x4  }
0x47f: {  	v15 =	vsel vm0, $0x0, v59  }
0x480: {  	v13 =	vadd.s32 v13, v15  }
0x481: {  	[tilespmem:$0xC138] =	vst v13  }
0x482: {  	v60 =	vld.idx.msk [tilespmem:v8+s28+$0x0], $0xffff;
	_ =	sdelay $0x4  }
0x483: {  	v15 =	vsel vm1, $0x0, v60  }
0x484: {  	v13 =	vadd.s32 v13, v15  }
0x485: {  	[tilespmem:$0xC148] =	vst v13  }
0x486: {  	v61 =	vld.idx.msk [tilespmem:v9+s29+$0x0], $0xffff;
	_ =	sdelay $0x3  }
0x487: {  	v62 =	vld.idx.msk [tilespmem:v14+s30+$0x0], $0xffff  }
0x488: {  	v14 =	vmul.u32 $0x5, v14;
	v15 =	vsel vm2, $0x0, v61  }
0x489: {  	v13 =	vadd.s32 v13, v15  }
0x48a: {  	v14 =	vshra.s32 v13, v14  }
0x48b: {  	v14 =	vand.u32 $0x1F, v14  }
0x48c: {  	v14 =	vadd.s32 v14, v62  }
0x48d: {  	v14 =	vadd.s32 $0xFFFFFFFF, v14;
	_ =	sdelay $0x2  }
0x48e: {  	s8 =	sadd.s32 $0x1F0, s8  }
0x48f: {  	v63 =	vor.u32 s8, v3  }
0x490: {  	[tilespmem:v14+s31+$0x0] =	vst.idx.msk $0xffff, v63  }
0x491: {  	[tilespmem:$0xC158] =	vst v13  }
0x492: {  	v13 =	vld.idx.msk [tilespmem:v10+s2+$0x0], $0xffff;
	_ =	sdelay $0x4  }
0x493: {  	v13 =	vshra.s32 v13, v11  }
0x494: {  	s6 =	sadd.s32 @!p1 s6, s10;
	v13 =	vand.u32 $0x1F, v13  }
0x495: {  	s6 =	sshrl.u32 @!p1 s6, $0x3;
	v12 =	vadd.s32 v12, v13  }
0x496: {  	s6 =	sadd.s32 @!p1 s5, s6;
	s11 =	simm.s32 @!p1 $0x1EF18;
	s8 =	simm.s32 @!p1 $0x0;
	[tilespmem:$0xC098] =	vst v12  }
0x497: {  	[tilespmem:s11], [sflag:$0x2] =	stream.linear.gather @!p1 [hbm4b:s6+s8], $0x100, $0x38;
	[tilespmem:$0x1F018] =	vst v63  }
0x498: {  	v12 =	vld [tilespmem:$0xC098];
	_ =	sdelay $0x4  }
0x499: {  	(v2sf) =	vpush v12, $0x0;
	_ =	sdelay $0xe  }
0x49a: {  	s12 =	spop (v2sf)  }
0x49b: {  	s12 =	sshra.s32 s12, $0x7  }
0x49c: {  	p1 =	sle.s32 s12, s7  }
.Ltmp13:
0x49d: {  	_ = 	snop;
	(pc) =	sbr.rel @p1 .LBB2_14-.Ltmp13, $1  }
0x49e: {  	_ =	sdelay $0x3  }
0x49f: {  	s11 =	ssub.s32 s12, s7  }
0x4a0: {  	p1 =	sne.s32 s11, $0x1  }
.Ltmp14:
0x4a1: {  	_ = 	snop;
	(pc) =	sbr.rel @!p1 .LBB2_14-.Ltmp14, $4  }
0x4a2: {  	s6 =	sshll.u32 s7, $0x9  }
0x4a3: {  	s6 =	sshra.s32 s6, $0x2  }
0x4a4: {  	s7 =	sadd.s32 $0xFFFFFFFF, s11;
	s6 =	sadd.s32 $0xC218, s6  }
0x4a5: {  	[hbm4b:s0+s13] =	stream.indirect.scatter [tilespmem:s15], [sflag:$0x3], $0x80, s6, s13, $0xb8;
	[tilespmem:$0x1F018] =	vst v63  }
.LBB2_13:
0x4a6: {  	p1 =	sne.s32 s7, $0x1  }
.Ltmp15:
0x4a7: {  	_ = 	snop;
	(pc) =	sbr.rel @p1 .LBB2_13-.Ltmp15, $3  }
0x4a8: {  	_ = 	snop  }
0x4a9: {  	s7 =	sadd.s32 $0xFFFFFFFF, s7;
	s6 =	sadd.s32 $0x80, s6;
	_ =	sdelay $0x1  }
0x4aa: {  	[hbm4b:s0+s13] =	stream.indirect.scatter [tilespmem:s15], [sflag:$0x3], $0x80, s6, s13, $0xb8;
	[tilespmem:$0x1F018] =	vst v63  }
.LBB2_14:
0x4ab: {  	v12 =	vld [tilespmem:$0xC098];
	_ =	sdelay $0x4  }
0x4ac: {  	(v2sf) =	vpush v12, $0x1;
	_ =	sdelay $0xe  }
0x4ad: {  	s6 =	spop (v2sf)  }
0x4ae: {  	s6 =	sadd.s32 $0xFFFF9C00, s6  }
0x4af: {  	s11 =	sshra.s32 s6, $0x7  }
0x4b0: {  	p1 =	sle.s32 s11, s1  }
.Ltmp16:
0x4b1: {  	_ = 	snop;
	(pc) =	sbr.rel @p1 .LBB2_17-.Ltmp16, $1  }
0x4b2: {  	_ =	sdelay $0x3  }
0x4b3: {  	s7 =	ssub.s32 s11, s1  }
0x4b4: {  	p1 =	sne.s32 s7, $0x1  }
.Ltmp17:
0x4b5: {  	_ = 	snop;
	(pc) =	sbr.rel @!p1 .LBB2_17-.Ltmp17, $4  }
0x4b6: {  	s6 =	sshll.u32 s1, $0x9  }
0x4b7: {  	s6 =	sshra.s32 s6, $0x2  }
0x4b8: {  	s1 =	sadd.s32 $0x12618, s6;
	s6 =	sadd.s32 $0xFFFFFFFF, s7  }
0x4b9: {  	[hbm4b:s0+s13] =	stream.indirect.scatter [tilespmem:s17], [sflag:$0x4], $0x80, s1, s13, $0xb8;
	[tilespmem:$0x1F018] =	vst v63  }
.LBB2_16:
0x4ba: {  	p1 =	sne.s32 s6, $0x1  }
.Ltmp18:
0x4bb: {  	_ = 	snop;
	(pc) =	sbr.rel @p1 .LBB2_16-.Ltmp18, $3  }
0x4bc: {  	_ = 	snop  }
0x4bd: {  	s6 =	sadd.s32 $0xFFFFFFFF, s6;
	s1 =	sadd.s32 $0x80, s1;
	_ =	sdelay $0x1  }
0x4be: {  	[hbm4b:s0+s13] =	stream.indirect.scatter [tilespmem:s17], [sflag:$0x4], $0x80, s1, s13, $0xb8;
	[tilespmem:$0x1F018] =	vst v63  }
.LBB2_17:
0x4bf: {  	v12 =	vld [tilespmem:$0xC098];
	_ =	sdelay $0x4  }
0x4c0: {  	(v2sf) =	vpush v12, $0x2;
	_ =	sdelay $0xe  }
0x4c1: {  	s1 =	spop (v2sf)  }
0x4c2: {  	s1 =	sadd.s32 $0xFFFF3800, s1  }
0x4c3: {  	s8 =	sshra.s32 s1, $0x7  }
0x4c4: {  	p1 =	sle.s32 s8, s14  }
.Ltmp19:
0x4c5: {  	_ = 	snop;
	(pc) =	sbr.rel @p1 .LBB2_20-.Ltmp19, $1  }
0x4c6: {  	_ =	sdelay $0x3  }
0x4c7: {  	s6 =	ssub.s32 s8, s14  }
0x4c8: {  	p1 =	sne.s32 s6, $0x1  }
.Ltmp20:
0x4c9: {  	_ = 	snop;
	(pc) =	sbr.rel @!p1 .LBB2_20-.Ltmp20, $4  }
0x4ca: {  	s1 =	sshll.u32 s14, $0x9  }
0x4cb: {  	s1 =	sshra.s32 s1, $0x2  }
0x4cc: {  	s6 =	sadd.s32 $0xFFFFFFFF, s6;
	s1 =	sadd.s32 $0x18A18, s1  }
0x4cd: {  	[hbm4b:s0+s13] =	stream.indirect.scatter [tilespmem:s19], [sflag:$0x5], $0x80, s1, s13, $0xb8;
	[tilespmem:$0x1F018] =	vst v63  }
.LBB2_19:
0x4ce: {  	p1 =	sne.s32 s6, $0x1  }
.Ltmp21:
0x4cf: {  	_ = 	snop;
	(pc) =	sbr.rel @p1 .LBB2_19-.Ltmp21, $3  }
0x4d0: {  	_ = 	snop  }
0x4d1: {  	s6 =	sadd.s32 $0xFFFFFFFF, s6;
	s1 =	sadd.s32 $0x80, s1;
	_ =	sdelay $0x1  }
0x4d2: {  	[hbm4b:s0+s13] =	stream.indirect.scatter [tilespmem:s19], [sflag:$0x5], $0x80, s1, s13, $0xb8;
	[tilespmem:$0x1F018] =	vst v63  }
.Ltmp22:
0x4d3: {  	_ = 	snop;
	(pc) =	sbr.rel .LBB2_20-.Ltmp22, $1  }
0x4d4: {  	_ =	sdelay $0x3  }
.LBB2_21:
0x4d5: {  	v12 =	vld [tilespmem:$0xC098];
	_ =	sdelay $0x4  }
0x4d6: {  	(v2sf) =	vpush v12, $0x0;
	_ =	sdelay $0xe  }
0x4d7: {  	s1 =	spop (v2sf)  }
0x4d8: {  	s3 =	sand.u32 $0x7F, s1  }
0x4d9: {  	p1 =	seq.s32 s3, $0x0  }
0x4da: {  	s6 =	simm.s32 @!p1 $0xC218  }
0x4db: {  	s1 =	sand.u32 @!p1 $0xFFFFFF80, s1;
	v12 =	vld.msk @!p1 [tilespmem:s6+$0x0], $0xffff  }
0x4dc: {  	v13 =	vld @!p1 [tilespmem:s1+$0xC218]  }
0x4dd: {  	v14 =	vld @!p1 [tilespmem:s1+$0xC228]  }
0x4de: {  	v15 =	vld @!p1 [tilespmem:s1+$0xC238]  }
0x4df: {  	v16 =	vmov @!p1 s3;
	v17 =	vlaneseq.u32 @!p1;
	v18 =	vld @!p1 [tilespmem:s1+$0xC248]  }
0x4e0: {  	vm3 =	vgt.u32 @!p1 v16, v17;
	v19 =	vor.u32 @!p1 $0x10, v17;
	v20 =	vld @!p1 [tilespmem:s1+$0xC258]  }
0x4e1: {  	v21 =	vld @!p1 [tilespmem:s1+$0xC268];
	v13 =	vsel @!p1 vm3, v13, v12;
	vm3 =	vgt.u32 @!p1 v16, v19;
	v19 =	vor.u32 @!p1 $0x20, v17  }
0x4e2: {  	[tilespmem:s1+$0xC218] =	vst @!p1 v13;
	v13 =	vsel @!p1 vm3, v14, v12;
	vm3 =	vgt.u32 @!p1 v16, v19;
	v14 =	vor.u32 @!p1 $0x30, v17;
	v19 =	vld @!p1 [tilespmem:s1+$0xC278]  }
0x4e3: {  	[tilespmem:s1+$0xC228] =	vst @!p1 v13;
	v13 =	vsel @!p1 vm3, v15, v12;
	vm3 =	vgt.u32 @!p1 v16, v14;
	v14 =	vor.u32 @!p1 $0x40, v17;
	v15 =	vld @!p1 [tilespmem:s1+$0xC288]  }
0x4e4: {  	[tilespmem:s1+$0xC238] =	vst @!p1 v13;
	v13 =	vsel @!p1 vm3, v18, v12;
	vm3 =	vgt.u32 @!p1 v16, v14;
	v14 =	vor.u32 @!p1 $0x50, v17  }
0x4e5: {  	[tilespmem:s1+$0xC248] =	vst @!p1 v13;
	v13 =	vsel @!p1 vm3, v20, v12;
	vm3 =	vgt.u32 @!p1 v16, v14;
	v14 =	vor.u32 @!p1 $0x60, v17  }
0x4e6: {  	[tilespmem:s1+$0xC258] =	vst @!p1 v13;
	v13 =	vsel @!p1 vm3, v21, v12;
	vm3 =	vgt.u32 @!p1 v16, v14;
	v14 =	vor.u32 @!p1 $0x70, v17  }
0x4e7: {  	[tilespmem:s1+$0xC268] =	vst @!p1 v13;
	v13 =	vsel @!p1 vm3, v19, v12;
	vm3 =	vgt.u32 @!p1 v16, v14  }
0x4e8: {  	[tilespmem:s1+$0xC278] =	vst @!p1 v13;
	v12 =	vsel @!p1 vm3, v15, v12  }
0x4e9: {  	s7 =	simm.s32 @!p1 $0x18;
	s6 =	sadd.s32 @!p1 $0xC218, s1;
	[tilespmem:s1+$0xC288] =	vst @!p1 v12;
	s1 =	simm.s32 @!p1 $0x80  }
0x4ea: {  	[hbm4b:s0+s1] =	stream.indirect.scatter @!p1 [tilespmem:s7], [sflag:$0x3], $0x80, s6, s1, $0xb8;
	[tilespmem:$0x1F018] =	vst v63  }
0x4eb: {  	p1 =	sne.s32 s3, $0x0;
	s1 =	simm.s32 $0x1  }
0x4ec: {  	s1 =	simm.s32 @!p1 $0x0  }
0x4ed: {  	s1 =	sadd.s32 s1, s12  }
0x4ee: {  	p1 =	slt.s32 s1, $0x1  }
.Ltmp23:
0x4ef: {  	_ = 	snop;
	(pc) =	sbr.rel @p1 .LBB2_25-.Ltmp23, $1  }
0x4f0: {  	_ =	sdelay $0x3  }
0x4f1: {  	p1 =	sne.s32 s1, $0x1  }
.Ltmp24:
0x4f2: {  	_ = 	snop;
	(pc) =	sbr.rel @!p1 .LBB2_24-.Ltmp24, $3  }
0x4f3: {  	_ =	sdelay $0x1  }
0x4f4: {  	_ =	swait.ge [sflag:s16], $0x4000  }
0x4f5: {  	s1 =	sadd.s32 $0xFFFFFFFF, s1;
	[sflag:s16] =	ssyncset.done $0x0  }
.LBB2_23:
0x4f6: {  	p1 =	sne.s32 s1, $0x1;
	s1 =	sadd.s32 $0xFFFFFFFF, s1;
	[sflag:s16] =	ssyncadd.s32 $0xFFFFC000  }
.Ltmp25:
0x4f7: {  	(pc) =	sbr.rel @p1 .LBB2_23-.Ltmp25, $3  }
0x4f8: {  	_ =	sdelay $0x1  }
0x4f9: {  	_ =	swait.ge [sflag:s16], $0x4000  }
0x4fa: {  	[sflag:s16] =	ssyncset.done $0x0  }
.LBB2_24:
0x4fb: {  	[sflag:s16] =	ssyncadd.s32 $0xFFFFC000  }
.LBB2_25:
0x4fc: {  	v12 =	vld [tilespmem:$0xC098];
	_ =	sdelay $0x4  }
0x4fd: {  	(v2sf) =	vpush v12, $0x1;
	_ =	sdelay $0xe  }
0x4fe: {  	s1 =	spop (v2sf)  }
0x4ff: {  	s3 =	sand.u32 $0x7F, s1  }
0x500: {  	p1 =	seq.s32 s3, $0x0  }
0x501: {  	v12 =	vimm.s32 @!p1 $0x6400;
	_ =	sdelay $0x2  }
0x502: {  	s1 =	sand.u32 @!p1 $0xFFFFFF80, s1  }
0x503: {  	s6 =	simm.s32 @!p1 $0xC218;
	v13 =	vld @!p1 [tilespmem:s1+$0xC218]  }
0x504: {  	v12 =	vld.idx.msk @!p1 [tilespmem:v12+s6+$0x0], $0xffff  }
0x505: {  	v14 =	vld @!p1 [tilespmem:s1+$0xC228]  }
0x506: {  	v15 =	vld @!p1 [tilespmem:s1+$0xC238]  }
0x507: {  	v16 =	vmov @!p1 s3;
	v17 =	vlaneseq.u32 @!p1;
	v18 =	vld @!p1 [tilespmem:s1+$0xC248]  }
0x508: {  	vm3 =	vgt.u32 @!p1 v16, v17;
	v19 =	vor.u32 @!p1 $0x10, v17;
	v20 =	vld @!p1 [tilespmem:s1+$0xC258]  }
0x509: {  	v21 =	vld @!p1 [tilespmem:s1+$0xC268];
	v13 =	vsel @!p1 vm3, v13, v12;
	vm3 =	vgt.u32 @!p1 v16, v19;
	v19 =	vor.u32 @!p1 $0x20, v17  }
0x50a: {  	[tilespmem:s1+$0xC218] =	vst @!p1 v13;
	v13 =	vsel @!p1 vm3, v14, v12;
	vm3 =	vgt.u32 @!p1 v16, v19;
	v14 =	vor.u32 @!p1 $0x30, v17;
	v19 =	vld @!p1 [tilespmem:s1+$0xC278]  }
0x50b: {  	[tilespmem:s1+$0xC228] =	vst @!p1 v13;
	v13 =	vsel @!p1 vm3, v15, v12;
	vm3 =	vgt.u32 @!p1 v16, v14;
	v14 =	vor.u32 @!p1 $0x40, v17;
	v15 =	vld @!p1 [tilespmem:s1+$0xC288]  }
0x50c: {  	[tilespmem:s1+$0xC238] =	vst @!p1 v13;
	v13 =	vsel @!p1 vm3, v18, v12;
	vm3 =	vgt.u32 @!p1 v16, v14;
	v14 =	vor.u32 @!p1 $0x50, v17  }
0x50d: {  	[tilespmem:s1+$0xC248] =	vst @!p1 v13;
	v13 =	vsel @!p1 vm3, v20, v12;
	vm3 =	vgt.u32 @!p1 v16, v14;
	v14 =	vor.u32 @!p1 $0x60, v17  }
0x50e: {  	[tilespmem:s1+$0xC258] =	vst @!p1 v13;
	v13 =	vsel @!p1 vm3, v21, v12;
	vm3 =	vgt.u32 @!p1 v16, v14;
	v14 =	vor.u32 @!p1 $0x70, v17  }
0x50f: {  	[tilespmem:s1+$0xC268] =	vst @!p1 v13;
	v13 =	vsel @!p1 vm3, v19, v12;
	vm3 =	vgt.u32 @!p1 v16, v14  }
0x510: {  	[tilespmem:s1+$0xC278] =	vst @!p1 v13;
	v12 =	vsel @!p1 vm3, v15, v12  }
0x511: {  	s7 =	simm.s32 @!p1 $0x4018;
	s6 =	sadd.s32 @!p1 $0xC218, s1;
	[tilespmem:s1+$0xC288] =	vst @!p1 v12;
	s1 =	simm.s32 @!p1 $0x80  }
0x512: {  	[hbm4b:s0+s1] =	stream.indirect.scatter @!p1 [tilespmem:s7], [sflag:$0x4], $0x80, s6, s1, $0xb8;
	[tilespmem:$0x1F018] =	vst v63  }
0x513: {  	p1 =	sne.s32 s3, $0x0;
	s1 =	simm.s32 $0x1  }
0x514: {  	s1 =	simm.s32 @!p1 $0x0  }
0x515: {  	s1 =	sadd.s32 s1, s11  }
0x516: {  	p1 =	slt.s32 s1, $0x1  }
.Ltmp26:
0x517: {  	_ = 	snop;
	(pc) =	sbr.rel @p1 .LBB2_29-.Ltmp26, $1  }
0x518: {  	_ =	sdelay $0x3  }
0x519: {  	p1 =	sne.s32 s1, $0x1  }
.Ltmp27:
0x51a: {  	_ = 	snop;
	(pc) =	sbr.rel @!p1 .LBB2_28-.Ltmp27, $3  }
0x51b: {  	_ =	sdelay $0x1  }
0x51c: {  	_ =	swait.ge [sflag:s18], $0x4000  }
0x51d: {  	s1 =	sadd.s32 $0xFFFFFFFF, s1;
	[sflag:s18] =	ssyncset.done $0x0  }
.LBB2_27:
0x51e: {  	p1 =	sne.s32 s1, $0x1;
	s1 =	sadd.s32 $0xFFFFFFFF, s1;
	[sflag:s18] =	ssyncadd.s32 $0xFFFFC000  }
.Ltmp28:
0x51f: {  	(pc) =	sbr.rel @p1 .LBB2_27-.Ltmp28, $3  }
0x520: {  	_ =	sdelay $0x1  }
0x521: {  	_ =	swait.ge [sflag:s18], $0x4000  }
0x522: {  	[sflag:s18] =	ssyncset.done $0x0  }
.LBB2_28:
0x523: {  	[sflag:s18] =	ssyncadd.s32 $0xFFFFC000  }
.LBB2_29:
0x524: {  	v12 =	vld [tilespmem:$0xC098];
	_ =	sdelay $0x4  }
0x525: {  	(v2sf) =	vpush v12, $0x2;
	_ =	sdelay $0xe  }
0x526: {  	s1 =	spop (v2sf)  }
0x527: {  	s3 =	sand.u32 $0x7F, s1  }
0x528: {  	p1 =	seq.s32 s3, $0x0  }
0x529: {  	v12 =	vimm.s32 @!p1 $0xC800;
	_ =	sdelay $0x2  }
0x52a: {  	s1 =	sand.u32 @!p1 $0xFFFFFF80, s1  }
0x52b: {  	s6 =	simm.s32 @!p1 $0xC218;
	v13 =	vld @!p1 [tilespmem:s1+$0xC218]  }
0x52c: {  	v12 =	vld.idx.msk @!p1 [tilespmem:v12+s6+$0x0], $0xffff  }
0x52d: {  	v14 =	vld @!p1 [tilespmem:s1+$0xC228]  }
0x52e: {  	v15 =	vld @!p1 [tilespmem:s1+$0xC238]  }
0x52f: {  	v16 =	vmov @!p1 s3;
	v17 =	vlaneseq.u32 @!p1;
	v18 =	vld @!p1 [tilespmem:s1+$0xC248]  }
0x530: {  	vm3 =	vgt.u32 @!p1 v16, v17;
	v19 =	vor.u32 @!p1 $0x10, v17;
	v20 =	vld @!p1 [tilespmem:s1+$0xC258]  }
0x531: {  	v21 =	vld @!p1 [tilespmem:s1+$0xC268];
	v13 =	vsel @!p1 vm3, v13, v12;
	vm3 =	vgt.u32 @!p1 v16, v19;
	v19 =	vor.u32 @!p1 $0x20, v17  }
0x532: {  	[tilespmem:s1+$0xC218] =	vst @!p1 v13;
	v13 =	vsel @!p1 vm3, v14, v12;
	vm3 =	vgt.u32 @!p1 v16, v19;
	v14 =	vor.u32 @!p1 $0x30, v17;
	v19 =	vld @!p1 [tilespmem:s1+$0xC278]  }
0x533: {  	[tilespmem:s1+$0xC228] =	vst @!p1 v13;
	v13 =	vsel @!p1 vm3, v15, v12;
	vm3 =	vgt.u32 @!p1 v16, v14;
	v14 =	vor.u32 @!p1 $0x40, v17;
	v15 =	vld @!p1 [tilespmem:s1+$0xC288]  }
0x534: {  	[tilespmem:s1+$0xC238] =	vst @!p1 v13;
	v13 =	vsel @!p1 vm3, v18, v12;
	vm3 =	vgt.u32 @!p1 v16, v14;
	v14 =	vor.u32 @!p1 $0x50, v17  }
0x535: {  	[tilespmem:s1+$0xC248] =	vst @!p1 v13;
	v13 =	vsel @!p1 vm3, v20, v12;
	vm3 =	vgt.u32 @!p1 v16, v14;
	v14 =	vor.u32 @!p1 $0x60, v17  }
0x536: {  	[tilespmem:s1+$0xC258] =	vst @!p1 v13;
	v13 =	vsel @!p1 vm3, v21, v12;
	vm3 =	vgt.u32 @!p1 v16, v14;
	v14 =	vor.u32 @!p1 $0x70, v17  }
0x537: {  	[tilespmem:s1+$0xC268] =	vst @!p1 v13;
	v13 =	vsel @!p1 vm3, v19, v12;
	vm3 =	vgt.u32 @!p1 v16, v14  }
0x538: {  	[tilespmem:s1+$0xC278] =	vst @!p1 v13;
	v12 =	vsel @!p1 vm3, v15, v12  }
0x539: {  	s7 =	simm.s32 @!p1 $0x8018;
	s6 =	sadd.s32 @!p1 $0xC218, s1;
	[tilespmem:s1+$0xC288] =	vst @!p1 v12;
	s1 =	simm.s32 @!p1 $0x80  }
0x53a: {  	[hbm4b:s0+s1] =	stream.indirect.scatter @!p1 [tilespmem:s7], [sflag:$0x5], $0x80, s6, s1, $0xb8;
	[tilespmem:$0x1F018] =	vst v63  }
0x53b: {  	p1 =	sne.s32 s3, $0x0;
	s1 =	simm.s32 $0x1  }
0x53c: {  	s1 =	simm.s32 @!p1 $0x0  }
0x53d: {  	s1 =	sadd.s32 s1, s8  }
0x53e: {  	p1 =	slt.s32 s1, $0x1  }
.Ltmp29:
0x53f: {  	_ = 	snop;
	(pc) =	sbr.rel @p1 .LBB2_33-.Ltmp29, $1  }
0x540: {  	_ =	sdelay $0x3  }
0x541: {  	p1 =	sne.s32 s1, $0x1  }
.Ltmp30:
0x542: {  	_ = 	snop;
	(pc) =	sbr.rel @!p1 .LBB2_32-.Ltmp30, $3  }
0x543: {  	_ =	sdelay $0x1  }
0x544: {  	_ =	swait.ge [sflag:s20], $0x4000  }
0x545: {  	s1 =	sadd.s32 $0xFFFFFFFF, s1;
	[sflag:s20] =	ssyncset.done $0x0  }
.LBB2_31:
0x546: {  	p1 =	sne.s32 s1, $0x1;
	s1 =	sadd.s32 $0xFFFFFFFF, s1;
	[sflag:s20] =	ssyncadd.s32 $0xFFFFC000  }
.Ltmp31:
0x547: {  	(pc) =	sbr.rel @p1 .LBB2_31-.Ltmp31, $3  }
0x548: {  	_ =	sdelay $0x1  }
0x549: {  	_ =	swait.ge [sflag:s20], $0x4000  }
0x54a: {  	[sflag:s20] =	ssyncset.done $0x0  }
.Ltmp32:
0x54b: {  	_ = 	snop;
	(pc) =	sbr.rel .LBB2_32-.Ltmp32, $1  }
0x54c: {  	_ =	sdelay $0x3  }
.LBB2_34:
0x54d: {  	_ =	sfence.sel $0x180000  }
0x54e: {  	[bflag:$0x0] =	sbarrier.arrive $0xFFFF  }
0x54f: {  	_ =	strace $0x90000047  }
0x550: {  	[bflag:$0x2] =	sbarrier.arrive $0xFFFF  }
0x551: {  	s0 =	rddreg [dreg:$0x3]  }
0x552: {  	s0 =	sadd.s32 @!p0 $0x100000, s0  }
0x553: {  	[sflag:s0] =	ssyncadd.tile.s32 @!p0 $0x1;
	_ =	shalt  }
.Lfunc_end2:
_tile_overlayer_lowered:
.L_overlay_start_2:
0x554: {  	(tag) =	ssettag $0x2  }
0x555: {  	s0 =	rddreg [dreg:$0x0];
	s2 =	stileid.u32  }
0x556: {  	s1 =	rddreg [dreg:$0x1];
	p0 =	sne.s32 s2, $0x0  }
0x557: {  	s3 =	rddreg [dreg:$0x2];
	[bflag:$0x3] =	sbarrier.arrive $0xFFFF;
	s2 =	simm.s32 @!p0 $0x1C06  }
0x558: {  	[timem:s3], [sflag:s2] =	dma.local @!p0 [hbm:s0], s1  }
0x559: {  	s0 =	simm.s32 @!p0 $0x6  }
0x55a: {  	_ =	swait.ge @!p0 [sflag:s0], s1  }
0x55b: {  	s1 =	ssub.s32 @!p0 $0x0, s1;
	[sflag:s0] =	ssyncset.done @!p0 $0x0  }
0x55c: {  	[sflag:s0] =	ssyncadd.s32 @!p0 s1  }
0x55d: {  	[bflag:$0x3] =	sbarrier.arrive $0xFFFF  }
0x55e: {  	_ =	shalt  }

</sc_bundles>
